<compile_context>
chip_gen: v7x
topology: tpu7x:2x2x1
jax: 0.10.2.dev20260603
libtpu: 0.0.44.dev20260713+nightly
codegen_flags: <defaults>
</compile_context>

<pallas_src>
import jax
import jax.numpy as jnp
from jax import lax
from jax.experimental import pallas as pl
from jax.experimental.pallas import tpu as pltpu
from jax.experimental.pallas import tpu_sc as plsc

B = 16384
L = 50
D = 64
NC = 2
NS = 16
NW = NC * NS
RPW = B // NW
CB = 2
CIDX = CB * L
NCHUNK = RPW // CB
NBUF = 2
NV = D // 16


def _body(idx_hbm, table_hbm, out_hbm, idx_v,
          buf0, buf1, out_v, sem0, sem1):
    wid = lax.axis_index("s") * NC + lax.axis_index("c")
    pltpu.sync_copy(idx_hbm.at[wid], idx_v)
    bufs = (buf0, buf1)
    sems = (sem0, sem1)

    for b in range(NBUF):
        pltpu.async_copy(table_hbm.at[idx_v.at[b]], bufs[b], sems[b])

    inv = jnp.float32(1.0 / L)

    def reduce_chunk(c, src):
        for r in range(CB):
            accs = [src[r * L, pl.ds(d * 16, 16)] for d in range(NV)]
            for j in range(1, L):
                for d in range(NV):
                    accs[d] = accs[d] + src[r * L + j, pl.ds(d * 16, 16)]
            row = c * CB + r
            for d in range(NV):
                out_v[row, pl.ds(d * 16, 16)] = accs[d] * inv

    @pl.loop(0, NCHUNK // NBUF)
    def _chunks(c0):
        for b in range(NBUF):
            c = c0 * NBUF + b
            pltpu.make_async_copy(
                table_hbm.at[idx_v.at[c]], bufs[b], sems[b]).wait()
            reduce_chunk(c, bufs[b])
            nxt = c + NBUF

            @pl.when(nxt < NCHUNK)
            def _():
                pltpu.async_copy(table_hbm.at[idx_v.at[nxt]], bufs[b], sems[b])

    pltpu.sync_copy(out_v, out_hbm.at[pl.ds(wid * RPW, RPW)])


def kernel(x, table):
    idx = x.astype(jnp.int32).reshape(NW, NCHUNK, CIDX)
    mesh = plsc.VectorSubcoreMesh(
        core_axis_name="c", subcore_axis_name="s",
        num_cores=NC, num_subcores=NS)
    k = pl.kernel(
        _body,
        out_type=jax.ShapeDtypeStruct((B, D), jnp.float32),
        mesh=mesh,
        scratch_types=[
            pltpu.VMEM((NCHUNK, CIDX), jnp.int32),
            pltpu.VMEM((CIDX, D), jnp.float32),
            pltpu.VMEM((CIDX, D), jnp.float32),
            pltpu.VMEM((RPW, D), jnp.float32),
            pltpu.SemaphoreType.DMA,
            pltpu.SemaphoreType.DMA,
        ],
        compiler_params=pltpu.CompilerParams(use_tc_tiling_on_sc=False),
    )
    return k(idx, table)

# --- scband reference (transcript-rebuilt; emitter-appended) ---
"""Pipeline reference for scband-party-match-feat-model-3891240370292 (READ-ONLY COPY).

The authoritative reference and input builder live on the scoring server;
editing this copy changes nothing except your own understanding.
"""

import jax, jax.numpy as jnp
import numpy as np

NUM_EMBEDDINGS = 1000000
OUTPUT_DIM = 64
BATCH = 16384
HIST_LEN = 50

def setup_inputs(seed: int = 0) -> dict:
    key = jax.random.key(seed)
    k1, k2 = jax.random.split(key)
    x = jax.random.randint(k1, (BATCH, HIST_LEN), 0, NUM_EMBEDDINGS, dtype=jnp.int64 if jax.config.jax_enable_x64 else jnp.int32)
    table = jax.random.normal(k2, (NUM_EMBEDDINGS, OUTPUT_DIM), dtype=jnp.float32)
    return {"x": x, "table": table}

def reference(x, table):
    # feat = embedding(x)  -> gather rows
    feat = jnp.take(table, x, axis=0)  # [B, L, D]
    # feat = mean over dim=1
    feat = jnp.mean(feat, axis=1)  # [B, D]
    return feat

if __name__ == "__main__":
    import jax
    _d = setup_inputs()
    print(jax.jit(kernel)(*tuple(_d.values())))

</pallas_src>

<mosaic_0001>
#map = affine_map<(d0, d1) -> (0, 0, 0)>
#map1 = affine_map<(d0, d1) -> (0, 0)>
module attributes {stable_mosaic.version = 14 : i64} {
  func.func @_body(%arg0: i32, %arg1: i32, %arg2: memref<32x256x100xi32, #tpu.memory_space<hbm>>, %arg3: memref<1000000x64xf32, #tpu.memory_space<hbm>>, %arg4: memref<16384x64xf32, #tpu.memory_space<hbm>>, %arg5: memref<256x100xi32, #tpu.memory_space<vmem>>, %arg6: memref<100x64xf32, #tpu.memory_space<vmem>>, %arg7: memref<100x64xf32, #tpu.memory_space<vmem>>, %arg8: memref<512x64xf32, #tpu.memory_space<vmem>>, %arg9: memref<!tpu.dma_semaphore, #tpu.memory_space<semaphore_mem>>, %arg10: memref<!tpu.dma_semaphore, #tpu.memory_space<semaphore_mem>>) attributes {dimension_semantics = [#tpu.dimension_semantics<core_parallel>, #tpu.dimension_semantics<subcore_parallel>], iteration_bounds = array<i64: 2, 16>, scalar_prefetch = 0 : i64, scratch_operands = 6 : i64, tpu.core_type = #tpu.core_type<sc_vector_subcore>, window_params = [{transform_indices = #map}, {transform_indices = #map1}, {transform_indices = #map1}]} {
    %mul3A = arith.constant 2 : i32
    %mul3A_0 = arith.muli %arg1, %mul3A : i32
    %add3A = arith.addi %mul3A_0, %arg0 : i32
    "tpu.region"() ({
      %run_scoped3A = tpu.sem_alloc : memref<!tpu.dma_semaphore, #tpu.memory_space<semaphore_mem>>
      %dma_start3A_21 = arith.constant 0 : i32
      %dma_start3A_22 = arith.constant 0 : i32
      %dma_start3A_23 = tpu.memref_slice %arg2[%add3A, %dma_start3A_21, %dma_start3A_22] : memref<32x256x100xi32, #tpu.memory_space<hbm>> -> memref<1x256x100xi32, #tpu.memory_space<hbm>>
      %dma_start3A_24 = tpu.memref_squeeze %dma_start3A_23 : memref<1x256x100xi32, #tpu.memory_space<hbm>> -> memref<256x100xi32, #tpu.memory_space<hbm>>
      %dma_start3A_25 = arith.constant 0 : i32
      %dma_start3A_26 = arith.constant 0 : i32
      %dma_start3A_27 = tpu.memref_slice %arg2[%add3A, %dma_start3A_25, %dma_start3A_26] : memref<32x256x100xi32, #tpu.memory_space<hbm>> -> memref<1x256x100xi32, #tpu.memory_space<hbm>>
      %dma_start3A_28 = tpu.memref_squeeze %dma_start3A_27 : memref<1x256x100xi32, #tpu.memory_space<hbm>> -> memref<256x100xi32, #tpu.memory_space<hbm>>
      tpu.enqueue_dma source(%dma_start3A_28 : memref<256x100xi32, #tpu.memory_space<hbm>>) target(%arg5 : memref<256x100xi32, #tpu.memory_space<vmem>>) target_semaphore(%run_scoped3A : memref<!tpu.dma_semaphore, #tpu.memory_space<semaphore_mem>>)
      %dma_wait3A = arith.constant 0 : i32
      %dma_wait3A_29 = arith.constant 0 : i32
      %dma_wait3A_30 = tpu.memref_slice %arg2[%add3A, %dma_wait3A, %dma_wait3A_29] : memref<32x256x100xi32, #tpu.memory_space<hbm>> -> memref<1x256x100xi32, #tpu.memory_space<hbm>>
      %dma_wait3A_31 = tpu.memref_squeeze %dma_wait3A_30 : memref<1x256x100xi32, #tpu.memory_space<hbm>> -> memref<256x100xi32, #tpu.memory_space<hbm>>
      %dma_wait3A_32 = arith.constant 0 : i32
      %dma_wait3A_33 = arith.constant 0 : i32
      %dma_wait3A_34 = tpu.memref_slice %arg2[%add3A, %dma_wait3A_32, %dma_wait3A_33] : memref<32x256x100xi32, #tpu.memory_space<hbm>> -> memref<1x256x100xi32, #tpu.memory_space<hbm>>
      %dma_wait3A_35 = tpu.memref_squeeze %dma_wait3A_34 : memref<1x256x100xi32, #tpu.memory_space<hbm>> -> memref<256x100xi32, #tpu.memory_space<hbm>>
      tpu.wait_dma2 semaphore(%run_scoped3A : memref<!tpu.dma_semaphore, #tpu.memory_space<semaphore_mem>>) src(%dma_wait3A_35 : memref<256x100xi32, #tpu.memory_space<hbm>>) dst(%arg5 : memref<256x100xi32, #tpu.memory_space<vmem>>)
      tpu.yield
    }) : () -> ()
    %dma_start3A = arith.constant 0 : i32
    %dma_start3A_1 = arith.constant 0 : i32
    %dma_start3A_2 = tpu.memref_slice %arg5[%dma_start3A, %dma_start3A_1] : memref<256x100xi32, #tpu.memory_space<vmem>> -> memref<1x100xi32, #tpu.memory_space<vmem>>
    %dma_start3A_3 = tpu.memref_squeeze %dma_start3A_2 : memref<1x100xi32, #tpu.memory_space<vmem>> -> memref<100xi32, #tpu.memory_space<vmem>>
    %dma_start3A_4 = arith.constant 0 : i32
    %dma_start3A_5 = arith.constant 0 : i32
    %dma_start3A_6 = tpu.memref_slice %arg3[%dma_start3A_4, %dma_start3A_5] : memref<1000000x64xf32, #tpu.memory_space<hbm>> -> memref<1000000x64xf32, #tpu.memory_space<hbm>>
    tpu.enqueue_indirect_dma source(%dma_start3A_6 : memref<1000000x64xf32, #tpu.memory_space<hbm>>) target(%arg6 : memref<100x64xf32, #tpu.memory_space<vmem>>) offsets(%dma_start3A_3 : memref<100xi32, #tpu.memory_space<vmem>>) semaphore(%arg9 : memref<!tpu.dma_semaphore, #tpu.memory_space<semaphore_mem>>)
    %dma_start3A_7 = arith.constant 1 : i32
    %dma_start3A_8 = arith.constant 0 : i32
    %dma_start3A_9 = tpu.memref_slice %arg5[%dma_start3A_7, %dma_start3A_8] : memref<256x100xi32, #tpu.memory_space<vmem>> -> memref<1x100xi32, #tpu.memory_space<vmem>>
    %dma_start3A_10 = tpu.memref_squeeze %dma_start3A_9 : memref<1x100xi32, #tpu.memory_space<vmem>> -> memref<100xi32, #tpu.memory_space<vmem>>
    %dma_start3A_11 = arith.constant 0 : i32
    %dma_start3A_12 = arith.constant 0 : i32
    %dma_start3A_13 = tpu.memref_slice %arg3[%dma_start3A_11, %dma_start3A_12] : memref<1000000x64xf32, #tpu.memory_space<hbm>> -> memref<1000000x64xf32, #tpu.memory_space<hbm>>
    tpu.enqueue_indirect_dma source(%dma_start3A_13 : memref<1000000x64xf32, #tpu.memory_space<hbm>>) target(%arg7 : memref<100x64xf32, #tpu.memory_space<vmem>>) offsets(%dma_start3A_10 : memref<100xi32, #tpu.memory_space<vmem>>) semaphore(%arg10 : memref<!tpu.dma_semaphore, #tpu.memory_space<semaphore_mem>>)
    %scan3A = arith.constant 2.000000e-02 : f32
    %scan3A_14 = arith.constant 0 : i32
    %scan3A_15 = arith.constant 128 : i32
    %scan3A_16 = arith.addi %scan3A_14, %scan3A_15 : i32
    %scan3A_17 = arith.constant 1 : i32
    scf.for %scan3A_21 = %scan3A_14 to %scan3A_16 step %scan3A_17  : i32 {
      %mul3A_22 = arith.constant 1 : i32
      %mul3A_23 = arith.muli %scan3A_21, %mul3A_22 : i32
      %add3A_24 = arith.constant 0 : i32
      %add3A_25 = arith.addi %add3A_24, %mul3A_23 : i32
      %mul3A_26 = arith.constant 2 : i32
      %mul3A_27 = arith.muli %add3A_25, %mul3A_26 : i32
      %add3A_28 = arith.constant 0 : i32
      %add3A_29 = arith.addi %mul3A_27, %add3A_28 : i32
      %dma_wait3A = arith.constant 0 : i32
      %dma_wait3A_30 = tpu.memref_slice %arg5[%add3A_29, %dma_wait3A] : memref<256x100xi32, #tpu.memory_space<vmem>> -> memref<1x100xi32, #tpu.memory_space<vmem>>
      %dma_wait3A_31 = tpu.memref_squeeze %dma_wait3A_30 : memref<1x100xi32, #tpu.memory_space<vmem>> -> memref<100xi32, #tpu.memory_space<vmem>>
      %dma_wait3A_32 = arith.constant 0 : i32
      %dma_wait3A_33 = arith.constant 0 : i32
      %dma_wait3A_34 = tpu.memref_slice %arg3[%dma_wait3A_32, %dma_wait3A_33] : memref<1000000x64xf32, #tpu.memory_space<hbm>> -> memref<1000000x64xf32, #tpu.memory_space<hbm>>
      tpu.wait_indirect_dma semaphore(%arg9 : memref<!tpu.dma_semaphore, #tpu.memory_space<semaphore_mem>>) src(%dma_wait3A_34 : memref<1000000x64xf32, #tpu.memory_space<hbm>>) dst(%arg6 : memref<100x64xf32, #tpu.memory_space<vmem>>)
      %get3A = arith.constant 0 : i32
      %get3A_35 = arith.index_cast %get3A : i32 to index
      %get3A_36 = arith.constant 0 : index
      %get3A_37 = tpu.vector_load %arg6[%get3A_35, %get3A_36] {strides = array<i32>} : memref<100x64xf32, #tpu.memory_space<vmem>>, vector<1x16xf32>,
      %get3A_38 = vector.shape_cast %get3A_37 : vector<1x16xf32> to vector<16xf32>
      %get3A_39 = arith.constant 0 : i32
      %get3A_40 = arith.index_cast %get3A_39 : i32 to index
      %get3A_41 = arith.constant 16 : index
      %get3A_42 = tpu.vector_load %arg6[%get3A_40, %get3A_41] {strides = array<i32>} : memref<100x64xf32, #tpu.memory_space<vmem>>, vector<1x16xf32>,
      %get3A_43 = vector.shape_cast %get3A_42 : vector<1x16xf32> to vector<16xf32>
      %get3A_44 = arith.constant 0 : i32
      %get3A_45 = arith.index_cast %get3A_44 : i32 to index
      %get3A_46 = arith.constant 32 : index
      %get3A_47 = tpu.vector_load %arg6[%get3A_45, %get3A_46] {strides = array<i32>} : memref<100x64xf32, #tpu.memory_space<vmem>>, vector<1x16xf32>,
      %get3A_48 = vector.shape_cast %get3A_47 : vector<1x16xf32> to vector<16xf32>
      %get3A_49 = arith.constant 0 : i32
      %get3A_50 = arith.index_cast %get3A_49 : i32 to index
      %get3A_51 = arith.constant 48 : index
      %get3A_52 = tpu.vector_load %arg6[%get3A_50, %get3A_51] {strides = array<i32>} : memref<100x64xf32, #tpu.memory_space<vmem>>, vector<1x16xf32>,
      %get3A_53 = vector.shape_cast %get3A_52 : vector<1x16xf32> to vector<16xf32>
      %get3A_54 = arith.constant 1 : i32
      %get3A_55 = arith.index_cast %get3A_54 : i32 to index
      %get3A_56 = arith.constant 0 : index
      %get3A_57 = tpu.vector_load %arg6[%get3A_55, %get3A_56] {strides = array<i32>} : memref<100x64xf32, #tpu.memory_space<vmem>>, vector<1x16xf32>,
      %get3A_58 = vector.shape_cast %get3A_57 : vector<1x16xf32> to vector<16xf32>
      %add3A_59 = arith.addf %get3A_38, %get3A_58 : vector<16xf32>
      %get3A_60 = arith.constant 1 : i32
      %get3A_61 = arith.index_cast %get3A_60 : i32 to index
      %get3A_62 = arith.constant 16 : index
      %get3A_63 = tpu.vector_load %arg6[%get3A_61, %get3A_62] {strides = array<i32>} : memref<100x64xf32, #tpu.memory_space<vmem>>, vector<1x16xf32>,
      %get3A_64 = vector.shape_cast %get3A_63 : vector<1x16xf32> to vector<16xf32>
      %add3A_65 = arith.addf %get3A_43, %get3A_64 : vector<16xf32>
      %get3A_66 = arith.constant 1 : i32
      %get3A_67 = arith.index_cast %get3A_66 : i32 to index
      %get3A_68 = arith.constant 32 : index
      %get3A_69 = tpu.vector_load %arg6[%get3A_67, %get3A_68] {strides = array<i32>} : memref<100x64xf32, #tpu.memory_space<vmem>>, vector<1x16xf32>,
      %get3A_70 = vector.shape_cast %get3A_69 : vector<1x16xf32> to vector<16xf32>
      %add3A_71 = arith.addf %get3A_48, %get3A_70 : vector<16xf32>
      %get3A_72 = arith.constant 1 : i32
      %get3A_73 = arith.index_cast %get3A_72 : i32 to index
      %get3A_74 = arith.constant 48 : index
      %get3A_75 = tpu.vector_load %arg6[%get3A_73, %get3A_74] {strides = array<i32>} : memref<100x64xf32, #tpu.memory_space<vmem>>, vector<1x16xf32>,
      %get3A_76 = vector.shape_cast %get3A_75 : vector<1x16xf32> to vector<16xf32>
      %add3A_77 = arith.addf %get3A_53, %get3A_76 : vector<16xf32>
      %get3A_78 = arith.constant 2 : i32
      %get3A_79 = arith.index_cast %get3A_78 : i32 to index
      %get3A_80 = arith.constant 0 : index
      %get3A_81 = tpu.vector_load %arg6[%get3A_79, %get3A_80] {strides = array<i32>} : memref<100x64xf32, #tpu.memory_space<vmem>>, vector<1x16xf32>,
      %get3A_82 = vector.shape_cast %get3A_81 : vector<1x16xf32> to vector<16xf32>
      %add3A_83 = arith.addf %add3A_59, %get3A_82 : vector<16xf32>
      %get3A_84 = arith.constant 2 : i32
      %get3A_85 = arith.index_cast %get3A_84 : i32 to index
      %get3A_86 = arith.constant 16 : index
      %get3A_87 = tpu.vector_load %arg6[%get3A_85, %get3A_86] {strides = array<i32>} : memref<100x64xf32, #tpu.memory_space<vmem>>, vector<1x16xf32>,
      %get3A_88 = vector.shape_cast %get3A_87 : vector<1x16xf32> to vector<16xf32>
      %add3A_89 = arith.addf %add3A_65, %get3A_88 : vector<16xf32>
      %get3A_90 = arith.constant 2 : i32
      %get3A_91 = arith.index_cast %get3A_90 : i32 to index
      %get3A_92 = arith.constant 32 : index
      %get3A_93 = tpu.vector_load %arg6[%get3A_91, %get3A_92] {strides = array<i32>} : memref<100x64xf32, #tpu.memory_space<vmem>>, vector<1x16xf32>,
      %get3A_94 = vector.shape_cast %get3A_93 : vector<1x16xf32> to vector<16xf32>
      %add3A_95 = arith.addf %add3A_71, %get3A_94 : vector<16xf32>
      %get3A_96 = arith.constant 2 : i32
      %get3A_97 = arith.index_cast %get3A_96 : i32 to index
      %get3A_98 = arith.constant 48 : index
      %get3A_99 = tpu.vector_load %arg6[%get3A_97, %get3A_98] {strides = array<i32>} : memref<100x64xf32, #tpu.memory_space<vmem>>, vector<1x16xf32>,
      %get3A_100 = vector.shape_cast %get3A_99 : vector<1x16xf32> to vector<16xf32>
      %add3A_101 = arith.addf %add3A_77, %get3A_100 : vector<16xf32>
      %get3A_102 = arith.constant 3 : i32
      %get3A_103 = arith.index_cast %get3A_102 : i32 to index
      %get3A_104 = arith.constant 0 : index
      %get3A_105 = tpu.vector_load %arg6[%get3A_103, %get3A_104] {strides = array<i32>} : memref<100x64xf32, #tpu.memory_space<vmem>>, vector<1x16xf32>,
      %get3A_106 = vector.shape_cast %get3A_105 : vector<1x16xf32> to vector<16xf32>
      %add3A_107 = arith.addf %add3A_83, %get3A_106 : vector<16xf32>
      %get3A_108 = arith.constant 3 : i32
      %get3A_109 = arith.index_cast %get3A_108 : i32 to index
      %get3A_110 = arith.constant 16 : index
      %get3A_111 = tpu.vector_load %arg6[%get3A_109, %get3A_110] {strides = array<i32>} : memref<100x64xf32, #tpu.memory_space<vmem>>, vector<1x16xf32>,
      %get3A_112 = vector.shape_cast %get3A_111 : vector<1x16xf32> to vector<16xf32>
      %add3A_113 = arith.addf %add3A_89, %get3A_112 : vector<16xf32>
      %get3A_114 = arith.constant 3 : i32
      %get3A_115 = arith.index_cast %get3A_114 : i32 to index
      %get3A_116 = arith.constant 32 : index
      %get3A_117 = tpu.vector_load %arg6[%get3A_115, %get3A_116] {strides = array<i32>} : memref<100x64xf32, #tpu.memory_space<vmem>>, vector<1x16xf32>,
      %get3A_118 = vector.shape_cast %get3A_117 : vector<1x16xf32> to vector<16xf32>
      %add3A_119 = arith.addf %add3A_95, %get3A_118 : vector<16xf32>
      %get3A_120 = arith.constant 3 : i32
      %get3A_121 = arith.index_cast %get3A_120 : i32 to index
      %get3A_122 = arith.constant 48 : index
      %get3A_123 = tpu.vector_load %arg6[%get3A_121, %get3A_122] {strides = array<i32>} : memref<100x64xf32, #tpu.memory_space<vmem>>, vector<1x16xf32>,
      %get3A_124 = vector.shape_cast %get3A_123 : vector<1x16xf32> to vector<16xf32>
      %add3A_125 = arith.addf %add3A_101, %get3A_124 : vector<16xf32>
      %get3A_126 = arith.constant 4 : i32
      %get3A_127 = arith.index_cast %get3A_126 : i32 to index
      %get3A_128 = arith.constant 0 : index
      %get3A_129 = tpu.vector_load %arg6[%get3A_127, %get3A_128] {strides = array<i32>} : memref<100x64xf32, #tpu.memory_space<vmem>>, vector<1x16xf32>,
      %get3A_130 = vector.shape_cast %get3A_129 : vector<1x16xf32> to vector<16xf32>
      %add3A_131 = arith.addf %add3A_107, %get3A_130 : vector<16xf32>
      %get3A_132 = arith.constant 4 : i32
      %get3A_133 = arith.index_cast %get3A_132 : i32 to index
      %get3A_134 = arith.constant 16 : index
      %get3A_135 = tpu.vector_load %arg6[%get3A_133, %get3A_134] {strides = array<i32>} : memref<100x64xf32, #tpu.memory_space<vmem>>, vector<1x16xf32>,
      %get3A_136 = vector.shape_cast %get3A_135 : vector<1x16xf32> to vector<16xf32>
      %add3A_137 = arith.addf %add3A_113, %get3A_136 : vector<16xf32>
      %get3A_138 = arith.constant 4 : i32
      %get3A_139 = arith.index_cast %get3A_138 : i32 to index
      %get3A_140 = arith.constant 32 : index
      %get3A_141 = tpu.vector_load %arg6[%get3A_139, %get3A_140] {strides = array<i32>} : memref<100x64xf32, #tpu.memory_space<vmem>>, vector<1x16xf32>,
      %get3A_142 = vector.shape_cast %get3A_141 : vector<1x16xf32> to vector<16xf32>
      %add3A_143 = arith.addf %add3A_119, %get3A_142 : vector<16xf32>
      %get3A_144 = arith.constant 4 : i32
      %get3A_145 = arith.index_cast %get3A_144 : i32 to index
      %get3A_146 = arith.constant 48 : index
      %get3A_147 = tpu.vector_load %arg6[%get3A_145, %get3A_146] {strides = array<i32>} : memref<100x64xf32, #tpu.memory_space<vmem>>, vector<1x16xf32>,
      %get3A_148 = vector.shape_cast %get3A_147 : vector<1x16xf32> to vector<16xf32>
      %add3A_149 = arith.addf %add3A_125, %get3A_148 : vector<16xf32>
      %get3A_150 = arith.constant 5 : i32
      %get3A_151 = arith.index_cast %get3A_150 : i32 to index
      %get3A_152 = arith.constant 0 : index
      %get3A_153 = tpu.vector_load %arg6[%get3A_151, %get3A_152] {strides = array<i32>} : memref<100x64xf32, #tpu.memory_space<vmem>>, vector<1x16xf32>,
      %get3A_154 = vector.shape_cast %get3A_153 : vector<1x16xf32> to vector<16xf32>
      %add3A_155 = arith.addf %add3A_131, %get3A_154 : vector<16xf32>
      %get3A_156 = arith.constant 5 : i32
      %get3A_157 = arith.index_cast %get3A_156 : i32 to index
      %get3A_158 = arith.constant 16 : index
      %get3A_159 = tpu.vector_load %arg6[%get3A_157, %get3A_158] {strides = array<i32>} : memref<100x64xf32, #tpu.memory_space<vmem>>, vector<1x16xf32>,
      %get3A_160 = vector.shape_cast %get3A_159 : vector<1x16xf32> to vector<16xf32>
      %add3A_161 = arith.addf %add3A_137, %get3A_160 : vector<16xf32>
      %get3A_162 = arith.constant 5 : i32
      %get3A_163 = arith.index_cast %get3A_162 : i32 to index
      %get3A_164 = arith.constant 32 : index
      %get3A_165 = tpu.vector_load %arg6[%get3A_163, %get3A_164] {strides = array<i32>} : memref<100x64xf32, #tpu.memory_space<vmem>>, vector<1x16xf32>,
      %get3A_166 = vector.shape_cast %get3A_165 : vector<1x16xf32> to vector<16xf32>
      %add3A_167 = arith.addf %add3A_143, %get3A_166 : vector<16xf32>
      %get3A_168 = arith.constant 5 : i32
      %get3A_169 = arith.index_cast %get3A_168 : i32 to index
      %get3A_170 = arith.constant 48 : index
      %get3A_171 = tpu.vector_load %arg6[%get3A_169, %get3A_170] {strides = array<i32>} : memref<100x64xf32, #tpu.memory_space<vmem>>, vector<1x16xf32>,
      %get3A_172 = vector.shape_cast %get3A_171 : vector<1x16xf32> to vector<16xf32>
      %add3A_173 = arith.addf %add3A_149, %get3A_172 : vector<16xf32>
      %get3A_174 = arith.constant 6 : i32
      %get3A_175 = arith.index_cast %get3A_174 : i32 to index
      %get3A_176 = arith.constant 0 : index
      %get3A_177 = tpu.vector_load %arg6[%get3A_175, %get3A_176] {strides = array<i32>} : memref<100x64xf32, #tpu.memory_space<vmem>>, vector<1x16xf32>,
      %get3A_178 = vector.shape_cast %get3A_177 : vector<1x16xf32> to vector<16xf32>
      %add3A_179 = arith.addf %add3A_155, %get3A_178 : vector<16xf32>
      %get3A_180 = arith.constant 6 : i32
      %get3A_181 = arith.index_cast %get3A_180 : i32 to index
      %get3A_182 = arith.constant 16 : index
      %get3A_183 = tpu.vector_load %arg6[%get3A_181, %get3A_182] {strides = array<i32>} : memref<100x64xf32, #tpu.memory_space<vmem>>, vector<1x16xf32>,
      %get3A_184 = vector.shape_cast %get3A_183 : vector<1x16xf32> to vector<16xf32>
      %add3A_185 = arith.addf %add3A_161, %get3A_184 : vector<16xf32>
      %get3A_186 = arith.constant 6 : i32
      %get3A_187 = arith.index_cast %get3A_186 : i32 to index
      %get3A_188 = arith.constant 32 : index
      %get3A_189 = tpu.vector_load %arg6[%get3A_187, %get3A_188] {strides = array<i32>} : memref<100x64xf32, #tpu.memory_space<vmem>>, vector<1x16xf32>,
      %get3A_190 = vector.shape_cast %get3A_189 : vector<1x16xf32> to vector<16xf32>
      %add3A_191 = arith.addf %add3A_167, %get3A_190 : vector<16xf32>
      %get3A_192 = arith.constant 6 : i32
      %get3A_193 = arith.index_cast %get3A_192 : i32 to index
      %get3A_194 = arith.constant 48 : index
      %get3A_195 = tpu.vector_load %arg6[%get3A_193, %get3A_194] {strides = array<i32>} : memref<100x64xf32, #tpu.memory_space<vmem>>, vector<1x16xf32>,
      %get3A_196 = vector.shape_cast %get3A_195 : vector<1x16xf32> to vector<16xf32>
      %add3A_197 = arith.addf %add3A_173, %get3A_196 : vector<16xf32>
      %get3A_198 = arith.constant 7 : i32
      %get3A_199 = arith.index_cast %get3A_198 : i32 to index
      %get3A_200 = arith.constant 0 : index
      %get3A_201 = tpu.vector_load %arg6[%get3A_199, %get3A_200] {strides = array<i32>} : memref<100x64xf32, #tpu.memory_space<vmem>>, vector<1x16xf32>,
      %get3A_202 = vector.shape_cast %get3A_201 : vector<1x16xf32> to vector<16xf32>
      %add3A_203 = arith.addf %add3A_179, %get3A_202 : vector<16xf32>
      %get3A_204 = arith.constant 7 : i32
      %get3A_205 = arith.index_cast %get3A_204 : i32 to index
      %get3A_206 = arith.constant 16 : index
      %get3A_207 = tpu.vector_load %arg6[%get3A_205, %get3A_206] {strides = array<i32>} : memref<100x64xf32, #tpu.memory_space<vmem>>, vector<1x16xf32>,
      %get3A_208 = vector.shape_cast %get3A_207 : vector<1x16xf32> to vector<16xf32>
      %add3A_209 = arith.addf %add3A_185, %get3A_208 : vector<16xf32>
      %get3A_210 = arith.constant 7 : i32
      %get3A_211 = arith.index_cast %get3A_210 : i32 to index
      %get3A_212 = arith.constant 32 : index
      %get3A_213 = tpu.vector_load %arg6[%get3A_211, %get3A_212] {strides = array<i32>} : memref<100x64xf32, #tpu.memory_space<vmem>>, vector<1x16xf32>,
      %get3A_214 = vector.shape_cast %get3A_213 : vector<1x16xf32> to vector<16xf32>
      %add3A_215 = arith.addf %add3A_191, %get3A_214 : vector<16xf32>
      %get3A_216 = arith.constant 7 : i32
      %get3A_217 = arith.index_cast %get3A_216 : i32 to index
      %get3A_218 = arith.constant 48 : index
      %get3A_219 = tpu.vector_load %arg6[%get3A_217, %get3A_218] {strides = array<i32>} : memref<100x64xf32, #tpu.memory_space<vmem>>, vector<1x16xf32>,
      %get3A_220 = vector.shape_cast %get3A_219 : vector<1x16xf32> to vector<16xf32>
      %add3A_221 = arith.addf %add3A_197, %get3A_220 : vector<16xf32>
      %get3A_222 = arith.constant 8 : i32
      %get3A_223 = arith.index_cast %get3A_222 : i32 to index
      %get3A_224 = arith.constant 0 : index
      %get3A_225 = tpu.vector_load %arg6[%get3A_223, %get3A_224] {strides = array<i32>} : memref<100x64xf32, #tpu.memory_space<vmem>>, vector<1x16xf32>,
      %get3A_226 = vector.shape_cast %get3A_225 : vector<1x16xf32> to vector<16xf32>
      %add3A_227 = arith.addf %add3A_203, %get3A_226 : vector<16xf32>
      %get3A_228 = arith.constant 8 : i32
      %get3A_229 = arith.index_cast %get3A_228 : i32 to index
      %get3A_230 = arith.constant 16 : index
      %get3A_231 = tpu.vector_load %arg6[%get3A_229, %get3A_230] {strides = array<i32>} : memref<100x64xf32, #tpu.memory_space<vmem>>, vector<1x16xf32>,
      %get3A_232 = vector.shape_cast %get3A_231 : vector<1x16xf32> to vector<16xf32>
      %add3A_233 = arith.addf %add3A_209, %get3A_232 : vector<16xf32>
      %get3A_234 = arith.constant 8 : i32
      %get3A_235 = arith.index_cast %get3A_234 : i32 to index
      %get3A_236 = arith.constant 32 : index
      %get3A_237 = tpu.vector_load %arg6[%get3A_235, %get3A_236] {strides = array<i32>} : memref<100x64xf32, #tpu.memory_space<vmem>>, vector<1x16xf32>,
      %get3A_238 = vector.shape_cast %get3A_237 : vector<1x16xf32> to vector<16xf32>
      %add3A_239 = arith.addf %add3A_215, %get3A_238 : vector<16xf32>
      %get3A_240 = arith.constant 8 : i32
      %get3A_241 = arith.index_cast %get3A_240 : i32 to index
      %get3A_242 = arith.constant 48 : index
      %get3A_243 = tpu.vector_load %arg6[%get3A_241, %get3A_242] {strides = array<i32>} : memref<100x64xf32, #tpu.memory_space<vmem>>, vector<1x16xf32>,
      %get3A_244 = vector.shape_cast %get3A_243 : vector<1x16xf32> to vector<16xf32>
      %add3A_245 = arith.addf %add3A_221, %get3A_244 : vector<16xf32>
      %get3A_246 = arith.constant 9 : i32
      %get3A_247 = arith.index_cast %get3A_246 : i32 to index
      %get3A_248 = arith.constant 0 : index
      %get3A_249 = tpu.vector_load %arg6[%get3A_247, %get3A_248] {strides = array<i32>} : memref<100x64xf32, #tpu.memory_space<vmem>>, vector<1x16xf32>,
      %get3A_250 = vector.shape_cast %get3A_249 : vector<1x16xf32> to vector<16xf32>
      %add3A_251 = arith.addf %add3A_227, %get3A_250 : vector<16xf32>
      %get3A_252 = arith.constant 9 : i32
      %get3A_253 = arith.index_cast %get3A_252 : i32 to index
      %get3A_254 = arith.constant 16 : index
      %get3A_255 = tpu.vector_load %arg6[%get3A_253, %get3A_254] {strides = array<i32>} : memref<100x64xf32, #tpu.memory_space<vmem>>, vector<1x16xf32>,
      %get3A_256 = vector.shape_cast %get3A_255 : vector<1x16xf32> to vector<16xf32>
      %add3A_257 = arith.addf %add3A_233, %get3A_256 : vector<16xf32>
      %get3A_258 = arith.constant 9 : i32
      %get3A_259 = arith.index_cast %get3A_258 : i32 to index
      %get3A_260 = arith.constant 32 : index
      %get3A_261 = tpu.vector_load %arg6[%get3A_259, %get3A_260] {strides = array<i32>} : memref<100x64xf32, #tpu.memory_space<vmem>>, vector<1x16xf32>,
      %get3A_262 = vector.shape_cast %get3A_261 : vector<1x16xf32> to vector<16xf32>
      %add3A_263 = arith.addf %add3A_239, %get3A_262 : vector<16xf32>
      %get3A_264 = arith.constant 9 : i32
      %get3A_265 = arith.index_cast %get3A_264 : i32 to index
      %get3A_266 = arith.constant 48 : index
      %get3A_267 = tpu.vector_load %arg6[%get3A_265, %get3A_266] {strides = array<i32>} : memref<100x64xf32, #tpu.memory_space<vmem>>, vector<1x16xf32>,
      %get3A_268 = vector.shape_cast %get3A_267 : vector<1x16xf32> to vector<16xf32>
      %add3A_269 = arith.addf %add3A_245, %get3A_268 : vector<16xf32>
      %get3A_270 = arith.constant 10 : i32
      %get3A_271 = arith.index_cast %get3A_270 : i32 to index
      %get3A_272 = arith.constant 0 : index
      %get3A_273 = tpu.vector_load %arg6[%get3A_271, %get3A_272] {strides = array<i32>} : memref<100x64xf32, #tpu.memory_space<vmem>>, vector<1x16xf32>,
      %get3A_274 = vector.shape_cast %get3A_273 : vector<1x16xf32> to vector<16xf32>
      %add3A_275 = arith.addf %add3A_251, %get3A_274 : vector<16xf32>
      %get3A_276 = arith.constant 10 : i32
      %get3A_277 = arith.index_cast %get3A_276 : i32 to index
      %get3A_278 = arith.constant 16 : index
      %get3A_279 = tpu.vector_load %arg6[%get3A_277, %get3A_278] {strides = array<i32>} : memref<100x64xf32, #tpu.memory_space<vmem>>, vector<1x16xf32>,
      %get3A_280 = vector.shape_cast %get3A_279 : vector<1x16xf32> to vector<16xf32>
      %add3A_281 = arith.addf %add3A_257, %get3A_280 : vector<16xf32>
      %get3A_282 = arith.constant 10 : i32
      %get3A_283 = arith.index_cast %get3A_282 : i32 to index
      %get3A_284 = arith.constant 32 : index
      %get3A_285 = tpu.vector_load %arg6[%get3A_283, %get3A_284] {strides = array<i32>} : memref<100x64xf32, #tpu.memory_space<vmem>>, vector<1x16xf32>,
      %get3A_286 = vector.shape_cast %get3A_285 : vector<1x16xf32> to vector<16xf32>
      %add3A_287 = arith.addf %add3A_263, %get3A_286 : vector<16xf32>
      %get3A_288 = arith.constant 10 : i32
      %get3A_289 = arith.index_cast %get3A_288 : i32 to index
      %get3A_290 = arith.constant 48 : index
      %get3A_291 = tpu.vector_load %arg6[%get3A_289, %get3A_290] {strides = array<i32>} : memref<100x64xf32, #tpu.memory_space<vmem>>, vector<1x16xf32>,
      %get3A_292 = vector.shape_cast %get3A_291 : vector<1x16xf32> to vector<16xf32>
      %add3A_293 = arith.addf %add3A_269, %get3A_292 : vector<16xf32>
      %get3A_294 = arith.constant 11 : i32
      %get3A_295 = arith.index_cast %get3A_294 : i32 to index
      %get3A_296 = arith.constant 0 : index
      %get3A_297 = tpu.vector_load %arg6[%get3A_295, %get3A_296] {strides = array<i32>} : memref<100x64xf32, #tpu.memory_space<vmem>>, vector<1x16xf32>,
      %get3A_298 = vector.shape_cast %get3A_297 : vector<1x16xf32> to vector<16xf32>
      %add3A_299 = arith.addf %add3A_275, %get3A_298 : vector<16xf32>
      %get3A_300 = arith.constant 11 : i32
      %get3A_301 = arith.index_cast %get3A_300 : i32 to index
      %get3A_302 = arith.constant 16 : index
      %get3A_303 = tpu.vector_load %arg6[%get3A_301, %get3A_302] {strides = array<i32>} : memref<100x64xf32, #tpu.memory_space<vmem>>, vector<1x16xf32>,
      %get3A_304 = vector.shape_cast %get3A_303 : vector<1x16xf32> to vector<16xf32>
      %add3A_305 = arith.addf %add3A_281, %get3A_304 : vector<16xf32>
      %get3A_306 = arith.constant 11 : i32
      %get3A_307 = arith.index_cast %get3A_306 : i32 to index
      %get3A_308 = arith.constant 32 : index
      %get3A_309 = tpu.vector_load %arg6[%get3A_307, %get3A_308] {strides = array<i32>} : memref<100x64xf32, #tpu.memory_space<vmem>>, vector<1x16xf32>,
      %get3A_310 = vector.shape_cast %get3A_309 : vector<1x16xf32> to vector<16xf32>
      %add3A_311 = arith.addf %add3A_287, %get3A_310 : vector<16xf32>
      %get3A_312 = arith.constant 11 : i32
      %get3A_313 = arith.index_cast %get3A_312 : i32 to index
      %get3A_314 = arith.constant 48 : index
      %get3A_315 = tpu.vector_load %arg6[%get3A_313, %get3A_314] {strides = array<i32>} : memref<100x64xf32, #tpu.memory_space<vmem>>, vector<1x16xf32>,
      %get3A_316 = vector.shape_cast %get3A_315 : vector<1x16xf32> to vector<16xf32>
      %add3A_317 = arith.addf %add3A_293, %get3A_316 : vector<16xf32>
      %get3A_318 = arith.constant 12 : i32
      %get3A_319 = arith.index_cast %get3A_318 : i32 to index
      %get3A_320 = arith.constant 0 : index
      %get3A_321 = tpu.vector_load %arg6[%get3A_319, %get3A_320] {strides = array<i32>} : memref<100x64xf32, #tpu.memory_space<vmem>>, vector<1x16xf32>,
      %get3A_322 = vector.shape_cast %get3A_321 : vector<1x16xf32> to vector<16xf32>
      %add3A_323 = arith.addf %add3A_299, %get3A_322 : vector<16xf32>
      %get3A_324 = arith.constant 12 : i32
      %get3A_325 = arith.index_cast %get3A_324 : i32 to index
      %get3A_326 = arith.constant 16 : index
      %get3A_327 = tpu.vector_load %arg6[%get3A_325, %get3A_326] {strides = array<i32>} : memref<100x64xf32, #tpu.memory_space<vmem>>, vector<1x16xf32>,
      %get3A_328 = vector.shape_cast %get3A_327 : vector<1x16xf32> to vector<16xf32>
      %add3A_329 = arith.addf %add3A_305, %get3A_328 : vector<16xf32>
      %get3A_330 = arith.constant 12 : i32
      %get3A_331 = arith.index_cast %get3A_330 : i32 to index
      %get3A_332 = arith.constant 32 : index
      %get3A_333 = tpu.vector_load %arg6[%get3A_331, %get3A_332] {strides = array<i32>} : memref<100x64xf32, #tpu.memory_space<vmem>>, vector<1x16xf32>,
      %get3A_334 = vector.shape_cast %get3A_333 : vector<1x16xf32> to vector<16xf32>
      %add3A_335 = arith.addf %add3A_311, %get3A_334 : vector<16xf32>
      %get3A_336 = arith.constant 12 : i32
      %get3A_337 = arith.index_cast %get3A_336 : i32 to index
      %get3A_338 = arith.constant 48 : index
      %get3A_339 = tpu.vector_load %arg6[%get3A_337, %get3A_338] {strides = array<i32>} : memref<100x64xf32, #tpu.memory_space<vmem>>, vector<1x16xf32>,
      %get3A_340 = vector.shape_cast %get3A_339 : vector<1x16xf32> to vector<16xf32>
      %add3A_341 = arith.addf %add3A_317, %get3A_340 : vector<16xf32>
      %get3A_342 = arith.constant 13 : i32
      %get3A_343 = arith.index_cast %get3A_342 : i32 to index
      %get3A_344 = arith.constant 0 : index
      %get3A_345 = tpu.vector_load %arg6[%get3A_343, %get3A_344] {strides = array<i32>} : memref<100x64xf32, #tpu.memory_space<vmem>>, vector<1x16xf32>,
      %get3A_346 = vector.shape_cast %get3A_345 : vector<1x16xf32> to vector<16xf32>
      %add3A_347 = arith.addf %add3A_323, %get3A_346 : vector<16xf32>
      %get3A_348 = arith.constant 13 : i32
      %get3A_349 = arith.index_cast %get3A_348 : i32 to index
      %get3A_350 = arith.constant 16 : index
      %get3A_351 = tpu.vector_load %arg6[%get3A_349, %get3A_350] {strides = array<i32>} : memref<100x64xf32, #tpu.memory_space<vmem>>, vector<1x16xf32>,
      %get3A_352 = vector.shape_cast %get3A_351 : vector<1x16xf32> to vector<16xf32>
      %add3A_353 = arith.addf %add3A_329, %get3A_352 : vector<16xf32>
      %get3A_354 = arith.constant 13 : i32
      %get3A_355 = arith.index_cast %get3A_354 : i32 to index
      %get3A_356 = arith.constant 32 : index
      %get3A_357 = tpu.vector_load %arg6[%get3A_355, %get3A_356] {strides = array<i32>} : memref<100x64xf32, #tpu.memory_space<vmem>>, vector<1x16xf32>,
      %get3A_358 = vector.shape_cast %get3A_357 : vector<1x16xf32> to vector<16xf32>
      %add3A_359 = arith.addf %add3A_335, %get3A_358 : vector<16xf32>
      %get3A_360 = arith.constant 13 : i32
      %get3A_361 = arith.index_cast %get3A_360 : i32 to index
      %get3A_362 = arith.constant 48 : index
      %get3A_363 = tpu.vector_load %arg6[%get3A_361, %get3A_362] {strides = array<i32>} : memref<100x64xf32, #tpu.memory_space<vmem>>, vector<1x16xf32>,
      %get3A_364 = vector.shape_cast %get3A_363 : vector<1x16xf32> to vector<16xf32>
      %add3A_365 = arith.addf %add3A_341, %get3A_364 : vector<16xf32>
      %get3A_366 = arith.constant 14 : i32
      %get3A_367 = arith.index_cast %get3A_366 : i32 to index
      %get3A_368 = arith.constant 0 : index
      %get3A_369 = tpu.vector_load %arg6[%get3A_367, %get3A_368] {strides = array<i32>} : memref<100x64xf32, #tpu.memory_space<vmem>>, vector<1x16xf32>,
      %get3A_370 = vector.shape_cast %get3A_369 : vector<1x16xf32> to vector<16xf32>
      %add3A_371 = arith.addf %add3A_347, %get3A_370 : vector<16xf32>
      %get3A_372 = arith.constant 14 : i32
      %get3A_373 = arith.index_cast %get3A_372 : i32 to index
      %get3A_374 = arith.constant 16 : index
      %get3A_375 = tpu.vector_load %arg6[%get3A_373, %get3A_374] {strides = array<i32>} : memref<100x64xf32, #tpu.memory_space<vmem>>, vector<1x16xf32>,
      %get3A_376 = vector.shape_cast %get3A_375 : vector<1x16xf32> to vector<16xf32>
      %add3A_377 = arith.addf %add3A_353, %get3A_376 : vector<16xf32>
      %get3A_378 = arith.constant 14 : i32
      %get3A_379 = arith.index_cast %get3A_378 : i32 to index
      %get3A_380 = arith.constant 32 : index
      %get3A_381 = tpu.vector_load %arg6[%get3A_379, %get3A_380] {strides = array<i32>} : memref<100x64xf32, #tpu.memory_space<vmem>>, vector<1x16xf32>,
      %get3A_382 = vector.shape_cast %get3A_381 : vector<1x16xf32> to vector<16xf32>
      %add3A_383 = arith.addf %add3A_359, %get3A_382 : vector<16xf32>
      %get3A_384 = arith.constant 14 : i32
      %get3A_385 = arith.index_cast %get3A_384 : i32 to index
      %get3A_386 = arith.constant 48 : index
      %get3A_387 = tpu.vector_load %arg6[%get3A_385, %get3A_386] {strides = array<i32>} : memref<100x64xf32, #tpu.memory_space<vmem>>, vector<1x16xf32>,
      %get3A_388 = vector.shape_cast %get3A_387 : vector<1x16xf32> to vector<16xf32>
      %add3A_389 = arith.addf %add3A_365, %get3A_388 : vector<16xf32>
      %get3A_390 = arith.constant 15 : i32
      %get3A_391 = arith.index_cast %get3A_390 : i32 to index
      %get3A_392 = arith.constant 0 : index
      %get3A_393 = tpu.vector_load %arg6[%get3A_391, %get3A_392] {strides = array<i32>} : memref<100x64xf32, #tpu.memory_space<vmem>>, vector<1x16xf32>,
      %get3A_394 = vector.shape_cast %get3A_393 : vector<1x16xf32> to vector<16xf32>
      %add3A_395 = arith.addf %add3A_371, %get3A_394 : vector<16xf32>
      %get3A_396 = arith.constant 15 : i32
      %get3A_397 = arith.index_cast %get3A_396 : i32 to index
      %get3A_398 = arith.constant 16 : index
      %get3A_399 = tpu.vector_load %arg6[%get3A_397, %get3A_398] {strides = array<i32>} : memref<100x64xf32, #tpu.memory_space<vmem>>, vector<1x16xf32>,
      %get3A_400 = vector.shape_cast %get3A_399 : vector<1x16xf32> to vector<16xf32>
      %add3A_401 = arith.addf %add3A_377, %get3A_400 : vector<16xf32>
      %get3A_402 = arith.constant 15 : i32
      %get3A_403 = arith.index_cast %get3A_402 : i32 to index
      %get3A_404 = arith.constant 32 : index
      %get3A_405 = tpu.vector_load %arg6[%get3A_403, %get3A_404] {strides = array<i32>} : memref<100x64xf32, #tpu.memory_space<vmem>>, vector<1x16xf32>,
      %get3A_406 = vector.shape_cast %get3A_405 : vector<1x16xf32> to vector<16xf32>
      %add3A_407 = arith.addf %add3A_383, %get3A_406 : vector<16xf32>
      %get3A_408 = arith.constant 15 : i32
      %get3A_409 = arith.index_cast %get3A_408 : i32 to index
      %get3A_410 = arith.constant 48 : index
      %get3A_411 = tpu.vector_load %arg6[%get3A_409, %get3A_410] {strides = array<i32>} : memref<100x64xf32, #tpu.memory_space<vmem>>, vector<1x16xf32>,
      %get3A_412 = vector.shape_cast %get3A_411 : vector<1x16xf32> to vector<16xf32>
      %add3A_413 = arith.addf %add3A_389, %get3A_412 : vector<16xf32>
      %get3A_414 = arith.constant 16 : i32
      %get3A_415 = arith.index_cast %get3A_414 : i32 to index
      %get3A_416 = arith.constant 0 : index
      %get3A_417 = tpu.vector_load %arg6[%get3A_415, %get3A_416] {strides = array<i32>} : memref<100x64xf32, #tpu.memory_space<vmem>>, vector<1x16xf32>,
      %get3A_418 = vector.shape_cast %get3A_417 : vector<1x16xf32> to vector<16xf32>
      %add3A_419 = arith.addf %add3A_395, %get3A_418 : vector<16xf32>
      %get3A_420 = arith.constant 16 : i32
      %get3A_421 = arith.index_cast %get3A_420 : i32 to index
      %get3A_422 = arith.constant 16 : index
      %get3A_423 = tpu.vector_load %arg6[%get3A_421, %get3A_422] {strides = array<i32>} : memref<100x64xf32, #tpu.memory_space<vmem>>, vector<1x16xf32>,
      %get3A_424 = vector.shape_cast %get3A_423 : vector<1x16xf32> to vector<16xf32>
      %add3A_425 = arith.addf %add3A_401, %get3A_424 : vector<16xf32>
      %get3A_426 = arith.constant 16 : i32
      %get3A_427 = arith.index_cast %get3A_426 : i32 to index
      %get3A_428 = arith.constant 32 : index
      %get3A_429 = tpu.vector_load %arg6[%get3A_427, %get3A_428] {strides = array<i32>} : memref<100x64xf32, #tpu.memory_space<vmem>>, vector<1x16xf32>,
      %get3A_430 = vector.shape_cast %get3A_429 : vector<1x16xf32> to vector<16xf32>
      %add3A_431 = arith.addf %add3A_407, %get3A_430 : vector<16xf32>
      %get3A_432 = arith.constant 16 : i32
      %get3A_433 = arith.index_cast %get3A_432 : i32 to index
      %get3A_434 = arith.constant 48 : index
      %get3A_435 = tpu.vector_load %arg6[%get3A_433, %get3A_434] {strides = array<i32>} : memref<100x64xf32, #tpu.memory_space<vmem>>, vector<1x16xf32>,
      %get3A_436 = vector.shape_cast %get3A_435 : vector<1x16xf32> to vector<16xf32>
      %add3A_437 = arith.addf %add3A_413, %get3A_436 : vector<16xf32>
      %get3A_438 = arith.constant 17 : i32
      %get3A_439 = arith.index_cast %get3A_438 : i32 to index
      %get3A_440 = arith.constant 0 : index
      %get3A_441 = tpu.vector_load %arg6[%get3A_439, %get3A_440] {strides = array<i32>} : memref<100x64xf32, #tpu.memory_space<vmem>>, vector<1x16xf32>,
      %get3A_442 = vector.shape_cast %get3A_441 : vector<1x16xf32> to vector<16xf32>
      %add3A_443 = arith.addf %add3A_419, %get3A_442 : vector<16xf32>
      %get3A_444 = arith.constant 17 : i32
      %get3A_445 = arith.index_cast %get3A_444 : i32 to index
      %get3A_446 = arith.constant 16 : index
      %get3A_447 = tpu.vector_load %arg6[%get3A_445, %get3A_446] {strides = array<i32>} : memref<100x64xf32, #tpu.memory_space<vmem>>, vector<1x16xf32>,
      %get3A_448 = vector.shape_cast %get3A_447 : vector<1x16xf32> to vector<16xf32>
      %add3A_449 = arith.addf %add3A_425, %get3A_448 : vector<16xf32>
      %get3A_450 = arith.constant 17 : i32
      %get3A_451 = arith.index_cast %get3A_450 : i32 to index
      %get3A_452 = arith.constant 32 : index
      %get3A_453 = tpu.vector_load %arg6[%get3A_451, %get3A_452] {strides = array<i32>} : memref<100x64xf32, #tpu.memory_space<vmem>>, vector<1x16xf32>,
      %get3A_454 = vector.shape_cast %get3A_453 : vector<1x16xf32> to vector<16xf32>
      %add3A_455 = arith.addf %add3A_431, %get3A_454 : vector<16xf32>
      %get3A_456 = arith.constant 17 : i32
      %get3A_457 = arith.index_cast %get3A_456 : i32 to index
      %get3A_458 = arith.constant 48 : index
      %get3A_459 = tpu.vector_load %arg6[%get3A_457, %get3A_458] {strides = array<i32>} : memref<100x64xf32, #tpu.memory_space<vmem>>, vector<1x16xf32>,
      %get3A_460 = vector.shape_cast %get3A_459 : vector<1x16xf32> to vector<16xf32>
      %add3A_461 = arith.addf %add3A_437, %get3A_460 : vector<16xf32>
      %get3A_462 = arith.constant 18 : i32
      %get3A_463 = arith.index_cast %get3A_462 : i32 to index
      %get3A_464 = arith.constant 0 : index
      %get3A_465 = tpu.vector_load %arg6[%get3A_463, %get3A_464] {strides = array<i32>} : memref<100x64xf32, #tpu.memory_space<vmem>>, vector<1x16xf32>,
      %get3A_466 = vector.shape_cast %get3A_465 : vector<1x16xf32> to vector<16xf32>
      %add3A_467 = arith.addf %add3A_443, %get3A_466 : vector<16xf32>
      %get3A_468 = arith.constant 18 : i32
      %get3A_469 = arith.index_cast %get3A_468 : i32 to index
      %get3A_470 = arith.constant 16 : index
      %get3A_471 = tpu.vector_load %arg6[%get3A_469, %get3A_470] {strides = array<i32>} : memref<100x64xf32, #tpu.memory_space<vmem>>, vector<1x16xf32>,
      %get3A_472 = vector.shape_cast %get3A_471 : vector<1x16xf32> to vector<16xf32>
      %add3A_473 = arith.addf %add3A_449, %get3A_472 : vector<16xf32>
      %get3A_474 = arith.constant 18 : i32
      %get3A_475 = arith.index_cast %get3A_474 : i32 to index
      %get3A_476 = arith.constant 32 : index
      %get3A_477 = tpu.vector_load %arg6[%get3A_475, %get3A_476] {strides = array<i32>} : memref<100x64xf32, #tpu.memory_space<vmem>>, vector<1x16xf32>,
      %get3A_478 = vector.shape_cast %get3A_477 : vector<1x16xf32> to vector<16xf32>
      %add3A_479 = arith.addf %add3A_455, %get3A_478 : vector<16xf32>
      %get3A_480 = arith.constant 18 : i32
      %get3A_481 = arith.index_cast %get3A_480 : i32 to index
      %get3A_482 = arith.constant 48 : index
      %get3A_483 = tpu.vector_load %arg6[%get3A_481, %get3A_482] {strides = array<i32>} : memref<100x64xf32, #tpu.memory_space<vmem>>, vector<1x16xf32>,
      %get3A_484 = vector.shape_cast %get3A_483 : vector<1x16xf32> to vector<16xf32>
      %add3A_485 = arith.addf %add3A_461, %get3A_484 : vector<16xf32>
      %get3A_486 = arith.constant 19 : i32
      %get3A_487 = arith.index_cast %get3A_486 : i32 to index
      %get3A_488 = arith.constant 0 : index
      %get3A_489 = tpu.vector_load %arg6[%get3A_487, %get3A_488] {strides = array<i32>} : memref<100x64xf32, #tpu.memory_space<vmem>>, vector<1x16xf32>,
      %get3A_490 = vector.shape_cast %get3A_489 : vector<1x16xf32> to vector<16xf32>
      %add3A_491 = arith.addf %add3A_467, %get3A_490 : vector<16xf32>
      %get3A_492 = arith.constant 19 : i32
      %get3A_493 = arith.index_cast %get3A_492 : i32 to index
      %get3A_494 = arith.constant 16 : index
      %get3A_495 = tpu.vector_load %arg6[%get3A_493, %get3A_494] {strides = array<i32>} : memref<100x64xf32, #tpu.memory_space<vmem>>, vector<1x16xf32>,
      %get3A_496 = vector.shape_cast %get3A_495 : vector<1x16xf32> to vector<16xf32>
      %add3A_497 = arith.addf %add3A_473, %get3A_496 : vector<16xf32>
      %get3A_498 = arith.constant 19 : i32
      %get3A_499 = arith.index_cast %get3A_498 : i32 to index
      %get3A_500 = arith.constant 32 : index
      %get3A_501 = tpu.vector_load %arg6[%get3A_499, %get3A_500] {strides = array<i32>} : memref<100x64xf32, #tpu.memory_space<vmem>>, vector<1x16xf32>,
      %get3A_502 = vector.shape_cast %get3A_501 : vector<1x16xf32> to vector<16xf32>
      %add3A_503 = arith.addf %add3A_479, %get3A_502 : vector<16xf32>
      %get3A_504 = arith.constant 19 : i32
      %get3A_505 = arith.index_cast %get3A_504 : i32 to index
      %get3A_506 = arith.constant 48 : index
      %get3A_507 = tpu.vector_load %arg6[%get3A_505, %get3A_506] {strides = array<i32>} : memref<100x64xf32, #tpu.memory_space<vmem>>, vector<1x16xf32>,
      %get3A_508 = vector.shape_cast %get3A_507 : vector<1x16xf32> to vector<16xf32>
      %add3A_509 = arith.addf %add3A_485, %get3A_508 : vector<16xf32>
      %get3A_510 = arith.constant 20 : i32
      %get3A_511 = arith.index_cast %get3A_510 : i32 to index
      %get3A_512 = arith.constant 0 : index
      %get3A_513 = tpu.vector_load %arg6[%get3A_511, %get3A_512] {strides = array<i32>} : memref<100x64xf32, #tpu.memory_space<vmem>>, vector<1x16xf32>,
      %get3A_514 = vector.shape_cast %get3A_513 : vector<1x16xf32> to vector<16xf32>
      %add3A_515 = arith.addf %add3A_491, %get3A_514 : vector<16xf32>
      %get3A_516 = arith.constant 20 : i32
      %get3A_517 = arith.index_cast %get3A_516 : i32 to index
      %get3A_518 = arith.constant 16 : index
      %get3A_519 = tpu.vector_load %arg6[%get3A_517, %get3A_518] {strides = array<i32>} : memref<100x64xf32, #tpu.memory_space<vmem>>, vector<1x16xf32>,
      %get3A_520 = vector.shape_cast %get3A_519 : vector<1x16xf32> to vector<16xf32>
      %add3A_521 = arith.addf %add3A_497, %get3A_520 : vector<16xf32>
      %get3A_522 = arith.constant 20 : i32
      %get3A_523 = arith.index_cast %get3A_522 : i32 to index
      %get3A_524 = arith.constant 32 : index
      %get3A_525 = tpu.vector_load %arg6[%get3A_523, %get3A_524] {strides = array<i32>} : memref<100x64xf32, #tpu.memory_space<vmem>>, vector<1x16xf32>,
      %get3A_526 = vector.shape_cast %get3A_525 : vector<1x16xf32> to vector<16xf32>
      %add3A_527 = arith.addf %add3A_503, %get3A_526 : vector<16xf32>
      %get3A_528 = arith.constant 20 : i32
      %get3A_529 = arith.index_cast %get3A_528 : i32 to index
      %get3A_530 = arith.constant 48 : index
      %get3A_531 = tpu.vector_load %arg6[%get3A_529, %get3A_530] {strides = array<i32>} : memref<100x64xf32, #tpu.memory_space<vmem>>, vector<1x16xf32>,
      %get3A_532 = vector.shape_cast %get3A_531 : vector<1x16xf32> to vector<16xf32>
      %add3A_533 = arith.addf %add3A_509, %get3A_532 : vector<16xf32>
      %get3A_534 = arith.constant 21 : i32
      %get3A_535 = arith.index_cast %get3A_534 : i32 to index
      %get3A_536 = arith.constant 0 : index
      %get3A_537 = tpu.vector_load %arg6[%get3A_535, %get3A_536] {strides = array<i32>} : memref<100x64xf32, #tpu.memory_space<vmem>>, vector<1x16xf32>,
      %get3A_538 = vector.shape_cast %get3A_537 : vector<1x16xf32> to vector<16xf32>
      %add3A_539 = arith.addf %add3A_515, %get3A_538 : vector<16xf32>
      %get3A_540 = arith.constant 21 : i32
      %get3A_541 = arith.index_cast %get3A_540 : i32 to index
      %get3A_542 = arith.constant 16 : index
      %get3A_543 = tpu.vector_load %arg6[%get3A_541, %get3A_542] {strides = array<i32>} : memref<100x64xf32, #tpu.memory_space<vmem>>, vector<1x16xf32>,
      %get3A_544 = vector.shape_cast %get3A_543 : vector<1x16xf32> to vector<16xf32>
      %add3A_545 = arith.addf %add3A_521, %get3A_544 : vector<16xf32>
      %get3A_546 = arith.constant 21 : i32
      %get3A_547 = arith.index_cast %get3A_546 : i32 to index
      %get3A_548 = arith.constant 32 : index
      %get3A_549 = tpu.vector_load %arg6[%get3A_547, %get3A_548] {strides = array<i32>} : memref<100x64xf32, #tpu.memory_space<vmem>>, vector<1x16xf32>,
      %get3A_550 = vector.shape_cast %get3A_549 : vector<1x16xf32> to vector<16xf32>
      %add3A_551 = arith.addf %add3A_527, %get3A_550 : vector<16xf32>
      %get3A_552 = arith.constant 21 : i32
      %get3A_553 = arith.index_cast %get3A_552 : i32 to index
      %get3A_554 = arith.constant 48 : index
      %get3A_555 = tpu.vector_load %arg6[%get3A_553, %get3A_554] {strides = array<i32>} : memref<100x64xf32, #tpu.memory_space<vmem>>, vector<1x16xf32>,
      %get3A_556 = vector.shape_cast %get3A_555 : vector<1x16xf32> to vector<16xf32>
      %add3A_557 = arith.addf %add3A_533, %get3A_556 : vector<16xf32>
      %get3A_558 = arith.constant 22 : i32
      %get3A_559 = arith.index_cast %get3A_558 : i32 to index
      %get3A_560 = arith.constant 0 : index
      %get3A_561 = tpu.vector_load %arg6[%get3A_559, %get3A_560] {strides = array<i32>} : memref<100x64xf32, #tpu.memory_space<vmem>>, vector<1x16xf32>,
      %get3A_562 = vector.shape_cast %get3A_561 : vector<1x16xf32> to vector<16xf32>
      %add3A_563 = arith.addf %add3A_539, %get3A_562 : vector<16xf32>
      %get3A_564 = arith.constant 22 : i32
      %get3A_565 = arith.index_cast %get3A_564 : i32 to index
      %get3A_566 = arith.constant 16 : index
      %get3A_567 = tpu.vector_load %arg6[%get3A_565, %get3A_566] {strides = array<i32>} : memref<100x64xf32, #tpu.memory_space<vmem>>, vector<1x16xf32>,
      %get3A_568 = vector.shape_cast %get3A_567 : vector<1x16xf32> to vector<16xf32>
      %add3A_569 = arith.addf %add3A_545, %get3A_568 : vector<16xf32>
      %get3A_570 = arith.constant 22 : i32
      %get3A_571 = arith.index_cast %get3A_570 : i32 to index
      %get3A_572 = arith.constant 32 : index
      %get3A_573 = tpu.vector_load %arg6[%get3A_571, %get3A_572] {strides = array<i32>} : memref<100x64xf32, #tpu.memory_space<vmem>>, vector<1x16xf32>,
      %get3A_574 = vector.shape_cast %get3A_573 : vector<1x16xf32> to vector<16xf32>
      %add3A_575 = arith.addf %add3A_551, %get3A_574 : vector<16xf32>
      %get3A_576 = arith.constant 22 : i32
      %get3A_577 = arith.index_cast %get3A_576 : i32 to index
      %get3A_578 = arith.constant 48 : index
      %get3A_579 = tpu.vector_load %arg6[%get3A_577, %get3A_578] {strides = array<i32>} : memref<100x64xf32, #tpu.memory_space<vmem>>, vector<1x16xf32>,
      %get3A_580 = vector.shape_cast %get3A_579 : vector<1x16xf32> to vector<16xf32>
      %add3A_581 = arith.addf %add3A_557, %get3A_580 : vector<16xf32>
      %get3A_582 = arith.constant 23 : i32
      %get3A_583 = arith.index_cast %get3A_582 : i32 to index
      %get3A_584 = arith.constant 0 : index
      %get3A_585 = tpu.vector_load %arg6[%get3A_583, %get3A_584] {strides = array<i32>} : memref<100x64xf32, #tpu.memory_space<vmem>>, vector<1x16xf32>,
      %get3A_586 = vector.shape_cast %get3A_585 : vector<1x16xf32> to vector<16xf32>
      %add3A_587 = arith.addf %add3A_563, %get3A_586 : vector<16xf32>
      %get3A_588 = arith.constant 23 : i32
      %get3A_589 = arith.index_cast %get3A_588 : i32 to index
      %get3A_590 = arith.constant 16 : index
      %get3A_591 = tpu.vector_load %arg6[%get3A_589, %get3A_590] {strides = array<i32>} : memref<100x64xf32, #tpu.memory_space<vmem>>, vector<1x16xf32>,
      %get3A_592 = vector.shape_cast %get3A_591 : vector<1x16xf32> to vector<16xf32>
      %add3A_593 = arith.addf %add3A_569, %get3A_592 : vector<16xf32>
      %get3A_594 = arith.constant 23 : i32
      %get3A_595 = arith.index_cast %get3A_594 : i32 to index
      %get3A_596 = arith.constant 32 : index
      %get3A_597 = tpu.vector_load %arg6[%get3A_595, %get3A_596] {strides = array<i32>} : memref<100x64xf32, #tpu.memory_space<vmem>>, vector<1x16xf32>,
      %get3A_598 = vector.shape_cast %get3A_597 : vector<1x16xf32> to vector<16xf32>
      %add3A_599 = arith.addf %add3A_575, %get3A_598 : vector<16xf32>
      %get3A_600 = arith.constant 23 : i32
      %get3A_601 = arith.index_cast %get3A_600 : i32 to index
      %get3A_602 = arith.constant 48 : index
      %get3A_603 = tpu.vector_load %arg6[%get3A_601, %get3A_602] {strides = array<i32>} : memref<100x64xf32, #tpu.memory_space<vmem>>, vector<1x16xf32>,
      %get3A_604 = vector.shape_cast %get3A_603 : vector<1x16xf32> to vector<16xf32>
      %add3A_605 = arith.addf %add3A_581, %get3A_604 : vector<16xf32>
      %get3A_606 = arith.constant 24 : i32
      %get3A_607 = arith.index_cast %get3A_606 : i32 to index
      %get3A_608 = arith.constant 0 : index
      %get3A_609 = tpu.vector_load %arg6[%get3A_607, %get3A_608] {strides = array<i32>} : memref<100x64xf32, #tpu.memory_space<vmem>>, vector<1x16xf32>,
      %get3A_610 = vector.shape_cast %get3A_609 : vector<1x16xf32> to vector<16xf32>
      %add3A_611 = arith.addf %add3A_587, %get3A_610 : vector<16xf32>
      %get3A_612 = arith.constant 24 : i32
      %get3A_613 = arith.index_cast %get3A_612 : i32 to index
      %get3A_614 = arith.constant 16 : index
      %get3A_615 = tpu.vector_load %arg6[%get3A_613, %get3A_614] {strides = array<i32>} : memref<100x64xf32, #tpu.memory_space<vmem>>, vector<1x16xf32>,
      %get3A_616 = vector.shape_cast %get3A_615 : vector<1x16xf32> to vector<16xf32>
      %add3A_617 = arith.addf %add3A_593, %get3A_616 : vector<16xf32>
      %get3A_618 = arith.constant 24 : i32
      %get3A_619 = arith.index_cast %get3A_618 : i32 to index
      %get3A_620 = arith.constant 32 : index
      %get3A_621 = tpu.vector_load %arg6[%get3A_619, %get3A_620] {strides = array<i32>} : memref<100x64xf32, #tpu.memory_space<vmem>>, vector<1x16xf32>,
      %get3A_622 = vector.shape_cast %get3A_621 : vector<1x16xf32> to vector<16xf32>
      %add3A_623 = arith.addf %add3A_599, %get3A_622 : vector<16xf32>
      %get3A_624 = arith.constant 24 : i32
      %get3A_625 = arith.index_cast %get3A_624 : i32 to index
      %get3A_626 = arith.constant 48 : index
      %get3A_627 = tpu.vector_load %arg6[%get3A_625, %get3A_626] {strides = array<i32>} : memref<100x64xf32, #tpu.memory_space<vmem>>, vector<1x16xf32>,
      %get3A_628 = vector.shape_cast %get3A_627 : vector<1x16xf32> to vector<16xf32>
      %add3A_629 = arith.addf %add3A_605, %get3A_628 : vector<16xf32>
      %get3A_630 = arith.constant 25 : i32
      %get3A_631 = arith.index_cast %get3A_630 : i32 to index
      %get3A_632 = arith.constant 0 : index
      %get3A_633 = tpu.vector_load %arg6[%get3A_631, %get3A_632] {strides = array<i32>} : memref<100x64xf32, #tpu.memory_space<vmem>>, vector<1x16xf32>,
      %get3A_634 = vector.shape_cast %get3A_633 : vector<1x16xf32> to vector<16xf32>
      %add3A_635 = arith.addf %add3A_611, %get3A_634 : vector<16xf32>
      %get3A_636 = arith.constant 25 : i32
      %get3A_637 = arith.index_cast %get3A_636 : i32 to index
      %get3A_638 = arith.constant 16 : index
      %get3A_639 = tpu.vector_load %arg6[%get3A_637, %get3A_638] {strides = array<i32>} : memref<100x64xf32, #tpu.memory_space<vmem>>, vector<1x16xf32>,
      %get3A_640 = vector.shape_cast %get3A_639 : vector<1x16xf32> to vector<16xf32>
      %add3A_641 = arith.addf %add3A_617, %get3A_640 : vector<16xf32>
      %get3A_642 = arith.constant 25 : i32
      %get3A_643 = arith.index_cast %get3A_642 : i32 to index
      %get3A_644 = arith.constant 32 : index
      %get3A_645 = tpu.vector_load %arg6[%get3A_643, %get3A_644] {strides = array<i32>} : memref<100x64xf32, #tpu.memory_space<vmem>>, vector<1x16xf32>,
      %get3A_646 = vector.shape_cast %get3A_645 : vector<1x16xf32> to vector<16xf32>
      %add3A_647 = arith.addf %add3A_623, %get3A_646 : vector<16xf32>
      %get3A_648 = arith.constant 25 : i32
      %get3A_649 = arith.index_cast %get3A_648 : i32 to index
      %get3A_650 = arith.constant 48 : index
      %get3A_651 = tpu.vector_load %arg6[%get3A_649, %get3A_650] {strides = array<i32>} : memref<100x64xf32, #tpu.memory_space<vmem>>, vector<1x16xf32>,
      %get3A_652 = vector.shape_cast %get3A_651 : vector<1x16xf32> to vector<16xf32>
      %add3A_653 = arith.addf %add3A_629, %get3A_652 : vector<16xf32>
      %get3A_654 = arith.constant 26 : i32
      %get3A_655 = arith.index_cast %get3A_654 : i32 to index
      %get3A_656 = arith.constant 0 : index
      %get3A_657 = tpu.vector_load %arg6[%get3A_655, %get3A_656] {strides = array<i32>} : memref<100x64xf32, #tpu.memory_space<vmem>>, vector<1x16xf32>,
      %get3A_658 = vector.shape_cast %get3A_657 : vector<1x16xf32> to vector<16xf32>
      %add3A_659 = arith.addf %add3A_635, %get3A_658 : vector<16xf32>
      %get3A_660 = arith.constant 26 : i32
      %get3A_661 = arith.index_cast %get3A_660 : i32 to index
      %get3A_662 = arith.constant 16 : index
      %get3A_663 = tpu.vector_load %arg6[%get3A_661, %get3A_662] {strides = array<i32>} : memref<100x64xf32, #tpu.memory_space<vmem>>, vector<1x16xf32>,
      %get3A_664 = vector.shape_cast %get3A_663 : vector<1x16xf32> to vector<16xf32>
      %add3A_665 = arith.addf %add3A_641, %get3A_664 : vector<16xf32>
      %get3A_666 = arith.constant 26 : i32
      %get3A_667 = arith.index_cast %get3A_666 : i32 to index
      %get3A_668 = arith.constant 32 : index
      %get3A_669 = tpu.vector_load %arg6[%get3A_667, %get3A_668] {strides = array<i32>} : memref<100x64xf32, #tpu.memory_space<vmem>>, vector<1x16xf32>,
      %get3A_670 = vector.shape_cast %get3A_669 : vector<1x16xf32> to vector<16xf32>
      %add3A_671 = arith.addf %add3A_647, %get3A_670 : vector<16xf32>
      %get3A_672 = arith.constant 26 : i32
      %get3A_673 = arith.index_cast %get3A_672 : i32 to index
      %get3A_674 = arith.constant 48 : index
      %get3A_675 = tpu.vector_load %arg6[%get3A_673, %get3A_674] {strides = array<i32>} : memref<100x64xf32, #tpu.memory_space<vmem>>, vector<1x16xf32>,
      %get3A_676 = vector.shape_cast %get3A_675 : vector<1x16xf32> to vector<16xf32>
      %add3A_677 = arith.addf %add3A_653, %get3A_676 : vector<16xf32>
      %get3A_678 = arith.constant 27 : i32
      %get3A_679 = arith.index_cast %get3A_678 : i32 to index
      %get3A_680 = arith.constant 0 : index
      %get3A_681 = tpu.vector_load %arg6[%get3A_679, %get3A_680] {strides = array<i32>} : memref<100x64xf32, #tpu.memory_space<vmem>>, vector<1x16xf32>,
      %get3A_682 = vector.shape_cast %get3A_681 : vector<1x16xf32> to vector<16xf32>
      %add3A_683 = arith.addf %add3A_659, %get3A_682 : vector<16xf32>
      %get3A_684 = arith.constant 27 : i32
      %get3A_685 = arith.index_cast %get3A_684 : i32 to index
      %get3A_686 = arith.constant 16 : index
      %get3A_687 = tpu.vector_load %arg6[%get3A_685, %get3A_686] {strides = array<i32>} : memref<100x64xf32, #tpu.memory_space<vmem>>, vector<1x16xf32>,
      %get3A_688 = vector.shape_cast %get3A_687 : vector<1x16xf32> to vector<16xf32>
      %add3A_689 = arith.addf %add3A_665, %get3A_688 : vector<16xf32>
      %get3A_690 = arith.constant 27 : i32
      %get3A_691 = arith.index_cast %get3A_690 : i32 to index
      %get3A_692 = arith.constant 32 : index
      %get3A_693 = tpu.vector_load %arg6[%get3A_691, %get3A_692] {strides = array<i32>} : memref<100x64xf32, #tpu.memory_space<vmem>>, vector<1x16xf32>,
      %get3A_694 = vector.shape_cast %get3A_693 : vector<1x16xf32> to vector<16xf32>
      %add3A_695 = arith.addf %add3A_671, %get3A_694 : vector<16xf32>
      %get3A_696 = arith.constant 27 : i32
      %get3A_697 = arith.index_cast %get3A_696 : i32 to index
      %get3A_698 = arith.constant 48 : index
      %get3A_699 = tpu.vector_load %arg6[%get3A_697, %get3A_698] {strides = array<i32>} : memref<100x64xf32, #tpu.memory_space<vmem>>, vector<1x16xf32>,
      %get3A_700 = vector.shape_cast %get3A_699 : vector<1x16xf32> to vector<16xf32>
      %add3A_701 = arith.addf %add3A_677, %get3A_700 : vector<16xf32>
      %get3A_702 = arith.constant 28 : i32
      %get3A_703 = arith.index_cast %get3A_702 : i32 to index
      %get3A_704 = arith.constant 0 : index
      %get3A_705 = tpu.vector_load %arg6[%get3A_703, %get3A_704] {strides = array<i32>} : memref<100x64xf32, #tpu.memory_space<vmem>>, vector<1x16xf32>,
      %get3A_706 = vector.shape_cast %get3A_705 : vector<1x16xf32> to vector<16xf32>
      %add3A_707 = arith.addf %add3A_683, %get3A_706 : vector<16xf32>
      %get3A_708 = arith.constant 28 : i32
      %get3A_709 = arith.index_cast %get3A_708 : i32 to index
      %get3A_710 = arith.constant 16 : index
      %get3A_711 = tpu.vector_load %arg6[%get3A_709, %get3A_710] {strides = array<i32>} : memref<100x64xf32, #tpu.memory_space<vmem>>, vector<1x16xf32>,
      %get3A_712 = vector.shape_cast %get3A_711 : vector<1x16xf32> to vector<16xf32>
      %add3A_713 = arith.addf %add3A_689, %get3A_712 : vector<16xf32>
      %get3A_714 = arith.constant 28 : i32
      %get3A_715 = arith.index_cast %get3A_714 : i32 to index
      %get3A_716 = arith.constant 32 : index
      %get3A_717 = tpu.vector_load %arg6[%get3A_715, %get3A_716] {strides = array<i32>} : memref<100x64xf32, #tpu.memory_space<vmem>>, vector<1x16xf32>,
      %get3A_718 = vector.shape_cast %get3A_717 : vector<1x16xf32> to vector<16xf32>
      %add3A_719 = arith.addf %add3A_695, %get3A_718 : vector<16xf32>
      %get3A_720 = arith.constant 28 : i32
      %get3A_721 = arith.index_cast %get3A_720 : i32 to index
      %get3A_722 = arith.constant 48 : index
      %get3A_723 = tpu.vector_load %arg6[%get3A_721, %get3A_722] {strides = array<i32>} : memref<100x64xf32, #tpu.memory_space<vmem>>, vector<1x16xf32>,
      %get3A_724 = vector.shape_cast %get3A_723 : vector<1x16xf32> to vector<16xf32>
      %add3A_725 = arith.addf %add3A_701, %get3A_724 : vector<16xf32>
      %get3A_726 = arith.constant 29 : i32
      %get3A_727 = arith.index_cast %get3A_726 : i32 to index
      %get3A_728 = arith.constant 0 : index
      %get3A_729 = tpu.vector_load %arg6[%get3A_727, %get3A_728] {strides = array<i32>} : memref<100x64xf32, #tpu.memory_space<vmem>>, vector<1x16xf32>,
      %get3A_730 = vector.shape_cast %get3A_729 : vector<1x16xf32> to vector<16xf32>
      %add3A_731 = arith.addf %add3A_707, %get3A_730 : vector<16xf32>
      %get3A_732 = arith.constant 29 : i32
      %get3A_733 = arith.index_cast %get3A_732 : i32 to index
      %get3A_734 = arith.constant 16 : index
      %get3A_735 = tpu.vector_load %arg6[%get3A_733, %get3A_734] {strides = array<i32>} : memref<100x64xf32, #tpu.memory_space<vmem>>, vector<1x16xf32>,
      %get3A_736 = vector.shape_cast %get3A_735 : vector<1x16xf32> to vector<16xf32>
      %add3A_737 = arith.addf %add3A_713, %get3A_736 : vector<16xf32>
      %get3A_738 = arith.constant 29 : i32
      %get3A_739 = arith.index_cast %get3A_738 : i32 to index
      %get3A_740 = arith.constant 32 : index
      %get3A_741 = tpu.vector_load %arg6[%get3A_739, %get3A_740] {strides = array<i32>} : memref<100x64xf32, #tpu.memory_space<vmem>>, vector<1x16xf32>,
      %get3A_742 = vector.shape_cast %get3A_741 : vector<1x16xf32> to vector<16xf32>
      %add3A_743 = arith.addf %add3A_719, %get3A_742 : vector<16xf32>
      %get3A_744 = arith.constant 29 : i32
      %get3A_745 = arith.index_cast %get3A_744 : i32 to index
      %get3A_746 = arith.constant 48 : index
      %get3A_747 = tpu.vector_load %arg6[%get3A_745, %get3A_746] {strides = array<i32>} : memref<100x64xf32, #tpu.memory_space<vmem>>, vector<1x16xf32>,
      %get3A_748 = vector.shape_cast %get3A_747 : vector<1x16xf32> to vector<16xf32>
      %add3A_749 = arith.addf %add3A_725, %get3A_748 : vector<16xf32>
      %get3A_750 = arith.constant 30 : i32
      %get3A_751 = arith.index_cast %get3A_750 : i32 to index
      %get3A_752 = arith.constant 0 : index
      %get3A_753 = tpu.vector_load %arg6[%get3A_751, %get3A_752] {strides = array<i32>} : memref<100x64xf32, #tpu.memory_space<vmem>>, vector<1x16xf32>,
      %get3A_754 = vector.shape_cast %get3A_753 : vector<1x16xf32> to vector<16xf32>
      %add3A_755 = arith.addf %add3A_731, %get3A_754 : vector<16xf32>
      %get3A_756 = arith.constant 30 : i32
      %get3A_757 = arith.index_cast %get3A_756 : i32 to index
      %get3A_758 = arith.constant 16 : index
      %get3A_759 = tpu.vector_load %arg6[%get3A_757, %get3A_758] {strides = array<i32>} : memref<100x64xf32, #tpu.memory_space<vmem>>, vector<1x16xf32>,
      %get3A_760 = vector.shape_cast %get3A_759 : vector<1x16xf32> to vector<16xf32>
      %add3A_761 = arith.addf %add3A_737, %get3A_760 : vector<16xf32>
      %get3A_762 = arith.constant 30 : i32
      %get3A_763 = arith.index_cast %get3A_762 : i32 to index
      %get3A_764 = arith.constant 32 : index
      %get3A_765 = tpu.vector_load %arg6[%get3A_763, %get3A_764] {strides = array<i32>} : memref<100x64xf32, #tpu.memory_space<vmem>>, vector<1x16xf32>,
      %get3A_766 = vector.shape_cast %get3A_765 : vector<1x16xf32> to vector<16xf32>
      %add3A_767 = arith.addf %add3A_743, %get3A_766 : vector<16xf32>
      %get3A_768 = arith.constant 30 : i32
      %get3A_769 = arith.index_cast %get3A_768 : i32 to index
      %get3A_770 = arith.constant 48 : index
      %get3A_771 = tpu.vector_load %arg6[%get3A_769, %get3A_770] {strides = array<i32>} : memref<100x64xf32, #tpu.memory_space<vmem>>, vector<1x16xf32>,
      %get3A_772 = vector.shape_cast %get3A_771 : vector<1x16xf32> to vector<16xf32>
      %add3A_773 = arith.addf %add3A_749, %get3A_772 : vector<16xf32>
      %get3A_774 = arith.constant 31 : i32
      %get3A_775 = arith.index_cast %get3A_774 : i32 to index
      %get3A_776 = arith.constant 0 : index
      %get3A_777 = tpu.vector_load %arg6[%get3A_775, %get3A_776] {strides = array<i32>} : memref<100x64xf32, #tpu.memory_space<vmem>>, vector<1x16xf32>,
      %get3A_778 = vector.shape_cast %get3A_777 : vector<1x16xf32> to vector<16xf32>
      %add3A_779 = arith.addf %add3A_755, %get3A_778 : vector<16xf32>
      %get3A_780 = arith.constant 31 : i32
      %get3A_781 = arith.index_cast %get3A_780 : i32 to index
      %get3A_782 = arith.constant 16 : index
      %get3A_783 = tpu.vector_load %arg6[%get3A_781, %get3A_782] {strides = array<i32>} : memref<100x64xf32, #tpu.memory_space<vmem>>, vector<1x16xf32>,
      %get3A_784 = vector.shape_cast %get3A_783 : vector<1x16xf32> to vector<16xf32>
      %add3A_785 = arith.addf %add3A_761, %get3A_784 : vector<16xf32>
      %get3A_786 = arith.constant 31 : i32
      %get3A_787 = arith.index_cast %get3A_786 : i32 to index
      %get3A_788 = arith.constant 32 : index
      %get3A_789 = tpu.vector_load %arg6[%get3A_787, %get3A_788] {strides = array<i32>} : memref<100x64xf32, #tpu.memory_space<vmem>>, vector<1x16xf32>,
      %get3A_790 = vector.shape_cast %get3A_789 : vector<1x16xf32> to vector<16xf32>
      %add3A_791 = arith.addf %add3A_767, %get3A_790 : vector<16xf32>
      %get3A_792 = arith.constant 31 : i32
      %get3A_793 = arith.index_cast %get3A_792 : i32 to index
      %get3A_794 = arith.constant 48 : index
      %get3A_795 = tpu.vector_load %arg6[%get3A_793, %get3A_794] {strides = array<i32>} : memref<100x64xf32, #tpu.memory_space<vmem>>, vector<1x16xf32>,
      %get3A_796 = vector.shape_cast %get3A_795 : vector<1x16xf32> to vector<16xf32>
      %add3A_797 = arith.addf %add3A_773, %get3A_796 : vector<16xf32>
      %get3A_798 = arith.constant 32 : i32
      %get3A_799 = arith.index_cast %get3A_798 : i32 to index
      %get3A_800 = arith.constant 0 : index
      %get3A_801 = tpu.vector_load %arg6[%get3A_799, %get3A_800] {strides = array<i32>} : memref<100x64xf32, #tpu.memory_space<vmem>>, vector<1x16xf32>,
      %get3A_802 = vector.shape_cast %get3A_801 : vector<1x16xf32> to vector<16xf32>
      %add3A_803 = arith.addf %add3A_779, %get3A_802 : vector<16xf32>
      %get3A_804 = arith.constant 32 : i32
      %get3A_805 = arith.index_cast %get3A_804 : i32 to index
      %get3A_806 = arith.constant 16 : index
      %get3A_807 = tpu.vector_load %arg6[%get3A_805, %get3A_806] {strides = array<i32>} : memref<100x64xf32, #tpu.memory_space<vmem>>, vector<1x16xf32>,
      %get3A_808 = vector.shape_cast %get3A_807 : vector<1x16xf32> to vector<16xf32>
      %add3A_809 = arith.addf %add3A_785, %get3A_808 : vector<16xf32>
      %get3A_810 = arith.constant 32 : i32
      %get3A_811 = arith.index_cast %get3A_810 : i32 to index
      %get3A_812 = arith.constant 32 : index
      %get3A_813 = tpu.vector_load %arg6[%get3A_811, %get3A_812] {strides = array<i32>} : memref<100x64xf32, #tpu.memory_space<vmem>>, vector<1x16xf32>,
      %get3A_814 = vector.shape_cast %get3A_813 : vector<1x16xf32> to vector<16xf32>
      %add3A_815 = arith.addf %add3A_791, %get3A_814 : vector<16xf32>
      %get3A_816 = arith.constant 32 : i32
      %get3A_817 = arith.index_cast %get3A_816 : i32 to index
      %get3A_818 = arith.constant 48 : index
      %get3A_819 = tpu.vector_load %arg6[%get3A_817, %get3A_818] {strides = array<i32>} : memref<100x64xf32, #tpu.memory_space<vmem>>, vector<1x16xf32>,
      %get3A_820 = vector.shape_cast %get3A_819 : vector<1x16xf32> to vector<16xf32>
      %add3A_821 = arith.addf %add3A_797, %get3A_820 : vector<16xf32>
      %get3A_822 = arith.constant 33 : i32
      %get3A_823 = arith.index_cast %get3A_822 : i32 to index
      %get3A_824 = arith.constant 0 : index
      %get3A_825 = tpu.vector_load %arg6[%get3A_823, %get3A_824] {strides = array<i32>} : memref<100x64xf32, #tpu.memory_space<vmem>>, vector<1x16xf32>,
      %get3A_826 = vector.shape_cast %get3A_825 : vector<1x16xf32> to vector<16xf32>
      %add3A_827 = arith.addf %add3A_803, %get3A_826 : vector<16xf32>
      %get3A_828 = arith.constant 33 : i32
      %get3A_829 = arith.index_cast %get3A_828 : i32 to index
      %get3A_830 = arith.constant 16 : index
      %get3A_831 = tpu.vector_load %arg6[%get3A_829, %get3A_830] {strides = array<i32>} : memref<100x64xf32, #tpu.memory_space<vmem>>, vector<1x16xf32>,
      %get3A_832 = vector.shape_cast %get3A_831 : vector<1x16xf32> to vector<16xf32>
      %add3A_833 = arith.addf %add3A_809, %get3A_832 : vector<16xf32>
      %get3A_834 = arith.constant 33 : i32
      %get3A_835 = arith.index_cast %get3A_834 : i32 to index
      %get3A_836 = arith.constant 32 : index
      %get3A_837 = tpu.vector_load %arg6[%get3A_835, %get3A_836] {strides = array<i32>} : memref<100x64xf32, #tpu.memory_space<vmem>>, vector<1x16xf32>,
      %get3A_838 = vector.shape_cast %get3A_837 : vector<1x16xf32> to vector<16xf32>
      %add3A_839 = arith.addf %add3A_815, %get3A_838 : vector<16xf32>
      %get3A_840 = arith.constant 33 : i32
      %get3A_841 = arith.index_cast %get3A_840 : i32 to index
      %get3A_842 = arith.constant 48 : index
      %get3A_843 = tpu.vector_load %arg6[%get3A_841, %get3A_842] {strides = array<i32>} : memref<100x64xf32, #tpu.memory_space<vmem>>, vector<1x16xf32>,
      %get3A_844 = vector.shape_cast %get3A_843 : vector<1x16xf32> to vector<16xf32>
      %add3A_845 = arith.addf %add3A_821, %get3A_844 : vector<16xf32>
      %get3A_846 = arith.constant 34 : i32
      %get3A_847 = arith.index_cast %get3A_846 : i32 to index
      %get3A_848 = arith.constant 0 : index
      %get3A_849 = tpu.vector_load %arg6[%get3A_847, %get3A_848] {strides = array<i32>} : memref<100x64xf32, #tpu.memory_space<vmem>>, vector<1x16xf32>,
      %get3A_850 = vector.shape_cast %get3A_849 : vector<1x16xf32> to vector<16xf32>
      %add3A_851 = arith.addf %add3A_827, %get3A_850 : vector<16xf32>
      %get3A_852 = arith.constant 34 : i32
      %get3A_853 = arith.index_cast %get3A_852 : i32 to index
      %get3A_854 = arith.constant 16 : index
      %get3A_855 = tpu.vector_load %arg6[%get3A_853, %get3A_854] {strides = array<i32>} : memref<100x64xf32, #tpu.memory_space<vmem>>, vector<1x16xf32>,
      %get3A_856 = vector.shape_cast %get3A_855 : vector<1x16xf32> to vector<16xf32>
      %add3A_857 = arith.addf %add3A_833, %get3A_856 : vector<16xf32>
      %get3A_858 = arith.constant 34 : i32
      %get3A_859 = arith.index_cast %get3A_858 : i32 to index
      %get3A_860 = arith.constant 32 : index
      %get3A_861 = tpu.vector_load %arg6[%get3A_859, %get3A_860] {strides = array<i32>} : memref<100x64xf32, #tpu.memory_space<vmem>>, vector<1x16xf32>,
      %get3A_862 = vector.shape_cast %get3A_861 : vector<1x16xf32> to vector<16xf32>
      %add3A_863 = arith.addf %add3A_839, %get3A_862 : vector<16xf32>
      %get3A_864 = arith.constant 34 : i32
      %get3A_865 = arith.index_cast %get3A_864 : i32 to index
      %get3A_866 = arith.constant 48 : index
      %get3A_867 = tpu.vector_load %arg6[%get3A_865, %get3A_866] {strides = array<i32>} : memref<100x64xf32, #tpu.memory_space<vmem>>, vector<1x16xf32>,
      %get3A_868 = vector.shape_cast %get3A_867 : vector<1x16xf32> to vector<16xf32>
      %add3A_869 = arith.addf %add3A_845, %get3A_868 : vector<16xf32>
      %get3A_870 = arith.constant 35 : i32
      %get3A_871 = arith.index_cast %get3A_870 : i32 to index
      %get3A_872 = arith.constant 0 : index
      %get3A_873 = tpu.vector_load %arg6[%get3A_871, %get3A_872] {strides = array<i32>} : memref<100x64xf32, #tpu.memory_space<vmem>>, vector<1x16xf32>,
      %get3A_874 = vector.shape_cast %get3A_873 : vector<1x16xf32> to vector<16xf32>
      %add3A_875 = arith.addf %add3A_851, %get3A_874 : vector<16xf32>
      %get3A_876 = arith.constant 35 : i32
      %get3A_877 = arith.index_cast %get3A_876 : i32 to index
      %get3A_878 = arith.constant 16 : index
      %get3A_879 = tpu.vector_load %arg6[%get3A_877, %get3A_878] {strides = array<i32>} : memref<100x64xf32, #tpu.memory_space<vmem>>, vector<1x16xf32>,
      %get3A_880 = vector.shape_cast %get3A_879 : vector<1x16xf32> to vector<16xf32>
      %add3A_881 = arith.addf %add3A_857, %get3A_880 : vector<16xf32>
      %get3A_882 = arith.constant 35 : i32
      %get3A_883 = arith.index_cast %get3A_882 : i32 to index
      %get3A_884 = arith.constant 32 : index
      %get3A_885 = tpu.vector_load %arg6[%get3A_883, %get3A_884] {strides = array<i32>} : memref<100x64xf32, #tpu.memory_space<vmem>>, vector<1x16xf32>,
      %get3A_886 = vector.shape_cast %get3A_885 : vector<1x16xf32> to vector<16xf32>
      %add3A_887 = arith.addf %add3A_863, %get3A_886 : vector<16xf32>
      %get3A_888 = arith.constant 35 : i32
      %get3A_889 = arith.index_cast %get3A_888 : i32 to index
      %get3A_890 = arith.constant 48 : index
      %get3A_891 = tpu.vector_load %arg6[%get3A_889, %get3A_890] {strides = array<i32>} : memref<100x64xf32, #tpu.memory_space<vmem>>, vector<1x16xf32>,
      %get3A_892 = vector.shape_cast %get3A_891 : vector<1x16xf32> to vector<16xf32>
      %add3A_893 = arith.addf %add3A_869, %get3A_892 : vector<16xf32>
      %get3A_894 = arith.constant 36 : i32
      %get3A_895 = arith.index_cast %get3A_894 : i32 to index
      %get3A_896 = arith.constant 0 : index
      %get3A_897 = tpu.vector_load %arg6[%get3A_895, %get3A_896] {strides = array<i32>} : memref<100x64xf32, #tpu.memory_space<vmem>>, vector<1x16xf32>,
      %get3A_898 = vector.shape_cast %get3A_897 : vector<1x16xf32> to vector<16xf32>
      %add3A_899 = arith.addf %add3A_875, %get3A_898 : vector<16xf32>
      %get3A_900 = arith.constant 36 : i32
      %get3A_901 = arith.index_cast %get3A_900 : i32 to index
      %get3A_902 = arith.constant 16 : index
      %get3A_903 = tpu.vector_load %arg6[%get3A_901, %get3A_902] {strides = array<i32>} : memref<100x64xf32, #tpu.memory_space<vmem>>, vector<1x16xf32>,
      %get3A_904 = vector.shape_cast %get3A_903 : vector<1x16xf32> to vector<16xf32>
      %add3A_905 = arith.addf %add3A_881, %get3A_904 : vector<16xf32>
      %get3A_906 = arith.constant 36 : i32
      %get3A_907 = arith.index_cast %get3A_906 : i32 to index
      %get3A_908 = arith.constant 32 : index
      %get3A_909 = tpu.vector_load %arg6[%get3A_907, %get3A_908] {strides = array<i32>} : memref<100x64xf32, #tpu.memory_space<vmem>>, vector<1x16xf32>,
      %get3A_910 = vector.shape_cast %get3A_909 : vector<1x16xf32> to vector<16xf32>
      %add3A_911 = arith.addf %add3A_887, %get3A_910 : vector<16xf32>
      %get3A_912 = arith.constant 36 : i32
      %get3A_913 = arith.index_cast %get3A_912 : i32 to index
      %get3A_914 = arith.constant 48 : index
      %get3A_915 = tpu.vector_load %arg6[%get3A_913, %get3A_914] {strides = array<i32>} : memref<100x64xf32, #tpu.memory_space<vmem>>, vector<1x16xf32>,
      %get3A_916 = vector.shape_cast %get3A_915 : vector<1x16xf32> to vector<16xf32>
      %add3A_917 = arith.addf %add3A_893, %get3A_916 : vector<16xf32>
      %get3A_918 = arith.constant 37 : i32
      %get3A_919 = arith.index_cast %get3A_918 : i32 to index
      %get3A_920 = arith.constant 0 : index
      %get3A_921 = tpu.vector_load %arg6[%get3A_919, %get3A_920] {strides = array<i32>} : memref<100x64xf32, #tpu.memory_space<vmem>>, vector<1x16xf32>,
      %get3A_922 = vector.shape_cast %get3A_921 : vector<1x16xf32> to vector<16xf32>
      %add3A_923 = arith.addf %add3A_899, %get3A_922 : vector<16xf32>
      %get3A_924 = arith.constant 37 : i32
      %get3A_925 = arith.index_cast %get3A_924 : i32 to index
      %get3A_926 = arith.constant 16 : index
      %get3A_927 = tpu.vector_load %arg6[%get3A_925, %get3A_926] {strides = array<i32>} : memref<100x64xf32, #tpu.memory_space<vmem>>, vector<1x16xf32>,
      %get3A_928 = vector.shape_cast %get3A_927 : vector<1x16xf32> to vector<16xf32>
      %add3A_929 = arith.addf %add3A_905, %get3A_928 : vector<16xf32>
      %get3A_930 = arith.constant 37 : i32
      %get3A_931 = arith.index_cast %get3A_930 : i32 to index
      %get3A_932 = arith.constant 32 : index
      %get3A_933 = tpu.vector_load %arg6[%get3A_931, %get3A_932] {strides = array<i32>} : memref<100x64xf32, #tpu.memory_space<vmem>>, vector<1x16xf32>,
      %get3A_934 = vector.shape_cast %get3A_933 : vector<1x16xf32> to vector<16xf32>
      %add3A_935 = arith.addf %add3A_911, %get3A_934 : vector<16xf32>
      %get3A_936 = arith.constant 37 : i32
      %get3A_937 = arith.index_cast %get3A_936 : i32 to index
      %get3A_938 = arith.constant 48 : index
      %get3A_939 = tpu.vector_load %arg6[%get3A_937, %get3A_938] {strides = array<i32>} : memref<100x64xf32, #tpu.memory_space<vmem>>, vector<1x16xf32>,
      %get3A_940 = vector.shape_cast %get3A_939 : vector<1x16xf32> to vector<16xf32>
      %add3A_941 = arith.addf %add3A_917, %get3A_940 : vector<16xf32>
      %get3A_942 = arith.constant 38 : i32
      %get3A_943 = arith.index_cast %get3A_942 : i32 to index
      %get3A_944 = arith.constant 0 : index
      %get3A_945 = tpu.vector_load %arg6[%get3A_943, %get3A_944] {strides = array<i32>} : memref<100x64xf32, #tpu.memory_space<vmem>>, vector<1x16xf32>,
      %get3A_946 = vector.shape_cast %get3A_945 : vector<1x16xf32> to vector<16xf32>
      %add3A_947 = arith.addf %add3A_923, %get3A_946 : vector<16xf32>
      %get3A_948 = arith.constant 38 : i32
      %get3A_949 = arith.index_cast %get3A_948 : i32 to index
      %get3A_950 = arith.constant 16 : index
      %get3A_951 = tpu.vector_load %arg6[%get3A_949, %get3A_950] {strides = array<i32>} : memref<100x64xf32, #tpu.memory_space<vmem>>, vector<1x16xf32>,
      %get3A_952 = vector.shape_cast %get3A_951 : vector<1x16xf32> to vector<16xf32>
      %add3A_953 = arith.addf %add3A_929, %get3A_952 : vector<16xf32>
      %get3A_954 = arith.constant 38 : i32
      %get3A_955 = arith.index_cast %get3A_954 : i32 to index
      %get3A_956 = arith.constant 32 : index
      %get3A_957 = tpu.vector_load %arg6[%get3A_955, %get3A_956] {strides = array<i32>} : memref<100x64xf32, #tpu.memory_space<vmem>>, vector<1x16xf32>,
      %get3A_958 = vector.shape_cast %get3A_957 : vector<1x16xf32> to vector<16xf32>
      %add3A_959 = arith.addf %add3A_935, %get3A_958 : vector<16xf32>
      %get3A_960 = arith.constant 38 : i32
      %get3A_961 = arith.index_cast %get3A_960 : i32 to index
      %get3A_962 = arith.constant 48 : index
      %get3A_963 = tpu.vector_load %arg6[%get3A_961, %get3A_962] {strides = array<i32>} : memref<100x64xf32, #tpu.memory_space<vmem>>, vector<1x16xf32>,
      %get3A_964 = vector.shape_cast %get3A_963 : vector<1x16xf32> to vector<16xf32>
      %add3A_965 = arith.addf %add3A_941, %get3A_964 : vector<16xf32>
      %get3A_966 = arith.constant 39 : i32
      %get3A_967 = arith.index_cast %get3A_966 : i32 to index
      %get3A_968 = arith.constant 0 : index
      %get3A_969 = tpu.vector_load %arg6[%get3A_967, %get3A_968] {strides = array<i32>} : memref<100x64xf32, #tpu.memory_space<vmem>>, vector<1x16xf32>,
      %get3A_970 = vector.shape_cast %get3A_969 : vector<1x16xf32> to vector<16xf32>
      %add3A_971 = arith.addf %add3A_947, %get3A_970 : vector<16xf32>
      %get3A_972 = arith.constant 39 : i32
      %get3A_973 = arith.index_cast %get3A_972 : i32 to index
      %get3A_974 = arith.constant 16 : index
      %get3A_975 = tpu.vector_load %arg6[%get3A_973, %get3A_974] {strides = array<i32>} : memref<100x64xf32, #tpu.memory_space<vmem>>, vector<1x16xf32>,
      %get3A_976 = vector.shape_cast %get3A_975 : vector<1x16xf32> to vector<16xf32>
      %add3A_977 = arith.addf %add3A_953, %get3A_976 : vector<16xf32>
      %get3A_978 = arith.constant 39 : i32
      %get3A_979 = arith.index_cast %get3A_978 : i32 to index
      %get3A_980 = arith.constant 32 : index
      %get3A_981 = tpu.vector_load %arg6[%get3A_979, %get3A_980] {strides = array<i32>} : memref<100x64xf32, #tpu.memory_space<vmem>>, vector<1x16xf32>,
      %get3A_982 = vector.shape_cast %get3A_981 : vector<1x16xf32> to vector<16xf32>
      %add3A_983 = arith.addf %add3A_959, %get3A_982 : vector<16xf32>
      %get3A_984 = arith.constant 39 : i32
      %get3A_985 = arith.index_cast %get3A_984 : i32 to index
      %get3A_986 = arith.constant 48 : index
      %get3A_987 = tpu.vector_load %arg6[%get3A_985, %get3A_986] {strides = array<i32>} : memref<100x64xf32, #tpu.memory_space<vmem>>, vector<1x16xf32>,
      %get3A_988 = vector.shape_cast %get3A_987 : vector<1x16xf32> to vector<16xf32>
      %add3A_989 = arith.addf %add3A_965, %get3A_988 : vector<16xf32>
      %get3A_990 = arith.constant 40 : i32
      %get3A_991 = arith.index_cast %get3A_990 : i32 to index
      %get3A_992 = arith.constant 0 : index
      %get3A_993 = tpu.vector_load %arg6[%get3A_991, %get3A_992] {strides = array<i32>} : memref<100x64xf32, #tpu.memory_space<vmem>>, vector<1x16xf32>,
      %get3A_994 = vector.shape_cast %get3A_993 : vector<1x16xf32> to vector<16xf32>
      %add3A_995 = arith.addf %add3A_971, %get3A_994 : vector<16xf32>
      %get3A_996 = arith.constant 40 : i32
      %get3A_997 = arith.index_cast %get3A_996 : i32 to index
      %get3A_998 = arith.constant 16 : index
      %get3A_999 = tpu.vector_load %arg6[%get3A_997, %get3A_998] {strides = array<i32>} : memref<100x64xf32, #tpu.memory_space<vmem>>, vector<1x16xf32>,
      %get3A_1000 = vector.shape_cast %get3A_999 : vector<1x16xf32> to vector<16xf32>
      %add3A_1001 = arith.addf %add3A_977, %get3A_1000 : vector<16xf32>
      %get3A_1002 = arith.constant 40 : i32
      %get3A_1003 = arith.index_cast %get3A_1002 : i32 to index
      %get3A_1004 = arith.constant 32 : index
      %get3A_1005 = tpu.vector_load %arg6[%get3A_1003, %get3A_1004] {strides = array<i32>} : memref<100x64xf32, #tpu.memory_space<vmem>>, vector<1x16xf32>,
      %get3A_1006 = vector.shape_cast %get3A_1005 : vector<1x16xf32> to vector<16xf32>
      %add3A_1007 = arith.addf %add3A_983, %get3A_1006 : vector<16xf32>
      %get3A_1008 = arith.constant 40 : i32
      %get3A_1009 = arith.index_cast %get3A_1008 : i32 to index
      %get3A_1010 = arith.constant 48 : index
      %get3A_1011 = tpu.vector_load %arg6[%get3A_1009, %get3A_1010] {strides = array<i32>} : memref<100x64xf32, #tpu.memory_space<vmem>>, vector<1x16xf32>,
      %get3A_1012 = vector.shape_cast %get3A_1011 : vector<1x16xf32> to vector<16xf32>
      %add3A_1013 = arith.addf %add3A_989, %get3A_1012 : vector<16xf32>
      %get3A_1014 = arith.constant 41 : i32
      %get3A_1015 = arith.index_cast %get3A_1014 : i32 to index
      %get3A_1016 = arith.constant 0 : index
      %get3A_1017 = tpu.vector_load %arg6[%get3A_1015, %get3A_1016] {strides = array<i32>} : memref<100x64xf32, #tpu.memory_space<vmem>>, vector<1x16xf32>,
      %get3A_1018 = vector.shape_cast %get3A_1017 : vector<1x16xf32> to vector<16xf32>
      %add3A_1019 = arith.addf %add3A_995, %get3A_1018 : vector<16xf32>
      %get3A_1020 = arith.constant 41 : i32
      %get3A_1021 = arith.index_cast %get3A_1020 : i32 to index
      %get3A_1022 = arith.constant 16 : index
      %get3A_1023 = tpu.vector_load %arg6[%get3A_1021, %get3A_1022] {strides = array<i32>} : memref<100x64xf32, #tpu.memory_space<vmem>>, vector<1x16xf32>,
      %get3A_1024 = vector.shape_cast %get3A_1023 : vector<1x16xf32> to vector<16xf32>
      %add3A_1025 = arith.addf %add3A_1001, %get3A_1024 : vector<16xf32>
      %get3A_1026 = arith.constant 41 : i32
      %get3A_1027 = arith.index_cast %get3A_1026 : i32 to index
      %get3A_1028 = arith.constant 32 : index
      %get3A_1029 = tpu.vector_load %arg6[%get3A_1027, %get3A_1028] {strides = array<i32>} : memref<100x64xf32, #tpu.memory_space<vmem>>, vector<1x16xf32>,
      %get3A_1030 = vector.shape_cast %get3A_1029 : vector<1x16xf32> to vector<16xf32>
      %add3A_1031 = arith.addf %add3A_1007, %get3A_1030 : vector<16xf32>
      %get3A_1032 = arith.constant 41 : i32
      %get3A_1033 = arith.index_cast %get3A_1032 : i32 to index
      %get3A_1034 = arith.constant 48 : index
      %get3A_1035 = tpu.vector_load %arg6[%get3A_1033, %get3A_1034] {strides = array<i32>} : memref<100x64xf32, #tpu.memory_space<vmem>>, vector<1x16xf32>,
      %get3A_1036 = vector.shape_cast %get3A_1035 : vector<1x16xf32> to vector<16xf32>
      %add3A_1037 = arith.addf %add3A_1013, %get3A_1036 : vector<16xf32>
      %get3A_1038 = arith.constant 42 : i32
      %get3A_1039 = arith.index_cast %get3A_1038 : i32 to index
      %get3A_1040 = arith.constant 0 : index
      %get3A_1041 = tpu.vector_load %arg6[%get3A_1039, %get3A_1040] {strides = array<i32>} : memref<100x64xf32, #tpu.memory_space<vmem>>, vector<1x16xf32>,
      %get3A_1042 = vector.shape_cast %get3A_1041 : vector<1x16xf32> to vector<16xf32>
      %add3A_1043 = arith.addf %add3A_1019, %get3A_1042 : vector<16xf32>
      %get3A_1044 = arith.constant 42 : i32
      %get3A_1045 = arith.index_cast %get3A_1044 : i32 to index
      %get3A_1046 = arith.constant 16 : index
      %get3A_1047 = tpu.vector_load %arg6[%get3A_1045, %get3A_1046] {strides = array<i32>} : memref<100x64xf32, #tpu.memory_space<vmem>>, vector<1x16xf32>,
      %get3A_1048 = vector.shape_cast %get3A_1047 : vector<1x16xf32> to vector<16xf32>
      %add3A_1049 = arith.addf %add3A_1025, %get3A_1048 : vector<16xf32>
      %get3A_1050 = arith.constant 42 : i32
      %get3A_1051 = arith.index_cast %get3A_1050 : i32 to index
      %get3A_1052 = arith.constant 32 : index
      %get3A_1053 = tpu.vector_load %arg6[%get3A_1051, %get3A_1052] {strides = array<i32>} : memref<100x64xf32, #tpu.memory_space<vmem>>, vector<1x16xf32>,
      %get3A_1054 = vector.shape_cast %get3A_1053 : vector<1x16xf32> to vector<16xf32>
      %add3A_1055 = arith.addf %add3A_1031, %get3A_1054 : vector<16xf32>
      %get3A_1056 = arith.constant 42 : i32
      %get3A_1057 = arith.index_cast %get3A_1056 : i32 to index
      %get3A_1058 = arith.constant 48 : index
      %get3A_1059 = tpu.vector_load %arg6[%get3A_1057, %get3A_1058] {strides = array<i32>} : memref<100x64xf32, #tpu.memory_space<vmem>>, vector<1x16xf32>,
      %get3A_1060 = vector.shape_cast %get3A_1059 : vector<1x16xf32> to vector<16xf32>
      %add3A_1061 = arith.addf %add3A_1037, %get3A_1060 : vector<16xf32>
      %get3A_1062 = arith.constant 43 : i32
      %get3A_1063 = arith.index_cast %get3A_1062 : i32 to index
      %get3A_1064 = arith.constant 0 : index
      %get3A_1065 = tpu.vector_load %arg6[%get3A_1063, %get3A_1064] {strides = array<i32>} : memref<100x64xf32, #tpu.memory_space<vmem>>, vector<1x16xf32>,
      %get3A_1066 = vector.shape_cast %get3A_1065 : vector<1x16xf32> to vector<16xf32>
      %add3A_1067 = arith.addf %add3A_1043, %get3A_1066 : vector<16xf32>
      %get3A_1068 = arith.constant 43 : i32
      %get3A_1069 = arith.index_cast %get3A_1068 : i32 to index
      %get3A_1070 = arith.constant 16 : index
      %get3A_1071 = tpu.vector_load %arg6[%get3A_1069, %get3A_1070] {strides = array<i32>} : memref<100x64xf32, #tpu.memory_space<vmem>>, vector<1x16xf32>,
      %get3A_1072 = vector.shape_cast %get3A_1071 : vector<1x16xf32> to vector<16xf32>
      %add3A_1073 = arith.addf %add3A_1049, %get3A_1072 : vector<16xf32>
      %get3A_1074 = arith.constant 43 : i32
      %get3A_1075 = arith.index_cast %get3A_1074 : i32 to index
      %get3A_1076 = arith.constant 32 : index
      %get3A_1077 = tpu.vector_load %arg6[%get3A_1075, %get3A_1076] {strides = array<i32>} : memref<100x64xf32, #tpu.memory_space<vmem>>, vector<1x16xf32>,
      %get3A_1078 = vector.shape_cast %get3A_1077 : vector<1x16xf32> to vector<16xf32>
      %add3A_1079 = arith.addf %add3A_1055, %get3A_1078 : vector<16xf32>
      %get3A_1080 = arith.constant 43 : i32
      %get3A_1081 = arith.index_cast %get3A_1080 : i32 to index
      %get3A_1082 = arith.constant 48 : index
      %get3A_1083 = tpu.vector_load %arg6[%get3A_1081, %get3A_1082] {strides = array<i32>} : memref<100x64xf32, #tpu.memory_space<vmem>>, vector<1x16xf32>,
      %get3A_1084 = vector.shape_cast %get3A_1083 : vector<1x16xf32> to vector<16xf32>
      %add3A_1085 = arith.addf %add3A_1061, %get3A_1084 : vector<16xf32>
      %get3A_1086 = arith.constant 44 : i32
      %get3A_1087 = arith.index_cast %get3A_1086 : i32 to index
      %get3A_1088 = arith.constant 0 : index
      %get3A_1089 = tpu.vector_load %arg6[%get3A_1087, %get3A_1088] {strides = array<i32>} : memref<100x64xf32, #tpu.memory_space<vmem>>, vector<1x16xf32>,
      %get3A_1090 = vector.shape_cast %get3A_1089 : vector<1x16xf32> to vector<16xf32>
      %add3A_1091 = arith.addf %add3A_1067, %get3A_1090 : vector<16xf32>
      %get3A_1092 = arith.constant 44 : i32
      %get3A_1093 = arith.index_cast %get3A_1092 : i32 to index
      %get3A_1094 = arith.constant 16 : index
      %get3A_1095 = tpu.vector_load %arg6[%get3A_1093, %get3A_1094] {strides = array<i32>} : memref<100x64xf32, #tpu.memory_space<vmem>>, vector<1x16xf32>,
      %get3A_1096 = vector.shape_cast %get3A_1095 : vector<1x16xf32> to vector<16xf32>
      %add3A_1097 = arith.addf %add3A_1073, %get3A_1096 : vector<16xf32>
      %get3A_1098 = arith.constant 44 : i32
      %get3A_1099 = arith.index_cast %get3A_1098 : i32 to index
      %get3A_1100 = arith.constant 32 : index
      %get3A_1101 = tpu.vector_load %arg6[%get3A_1099, %get3A_1100] {strides = array<i32>} : memref<100x64xf32, #tpu.memory_space<vmem>>, vector<1x16xf32>,
      %get3A_1102 = vector.shape_cast %get3A_1101 : vector<1x16xf32> to vector<16xf32>
      %add3A_1103 = arith.addf %add3A_1079, %get3A_1102 : vector<16xf32>
      %get3A_1104 = arith.constant 44 : i32
      %get3A_1105 = arith.index_cast %get3A_1104 : i32 to index
      %get3A_1106 = arith.constant 48 : index
      %get3A_1107 = tpu.vector_load %arg6[%get3A_1105, %get3A_1106] {strides = array<i32>} : memref<100x64xf32, #tpu.memory_space<vmem>>, vector<1x16xf32>,
      %get3A_1108 = vector.shape_cast %get3A_1107 : vector<1x16xf32> to vector<16xf32>
      %add3A_1109 = arith.addf %add3A_1085, %get3A_1108 : vector<16xf32>
      %get3A_1110 = arith.constant 45 : i32
      %get3A_1111 = arith.index_cast %get3A_1110 : i32 to index
      %get3A_1112 = arith.constant 0 : index
      %get3A_1113 = tpu.vector_load %arg6[%get3A_1111, %get3A_1112] {strides = array<i32>} : memref<100x64xf32, #tpu.memory_space<vmem>>, vector<1x16xf32>,
      %get3A_1114 = vector.shape_cast %get3A_1113 : vector<1x16xf32> to vector<16xf32>
      %add3A_1115 = arith.addf %add3A_1091, %get3A_1114 : vector<16xf32>
      %get3A_1116 = arith.constant 45 : i32
      %get3A_1117 = arith.index_cast %get3A_1116 : i32 to index
      %get3A_1118 = arith.constant 16 : index
      %get3A_1119 = tpu.vector_load %arg6[%get3A_1117, %get3A_1118] {strides = array<i32>} : memref<100x64xf32, #tpu.memory_space<vmem>>, vector<1x16xf32>,
      %get3A_1120 = vector.shape_cast %get3A_1119 : vector<1x16xf32> to vector<16xf32>
      %add3A_1121 = arith.addf %add3A_1097, %get3A_1120 : vector<16xf32>
      %get3A_1122 = arith.constant 45 : i32
      %get3A_1123 = arith.index_cast %get3A_1122 : i32 to index
      %get3A_1124 = arith.constant 32 : index
      %get3A_1125 = tpu.vector_load %arg6[%get3A_1123, %get3A_1124] {strides = array<i32>} : memref<100x64xf32, #tpu.memory_space<vmem>>, vector<1x16xf32>,
      %get3A_1126 = vector.shape_cast %get3A_1125 : vector<1x16xf32> to vector<16xf32>
      %add3A_1127 = arith.addf %add3A_1103, %get3A_1126 : vector<16xf32>
      %get3A_1128 = arith.constant 45 : i32
      %get3A_1129 = arith.index_cast %get3A_1128 : i32 to index
      %get3A_1130 = arith.constant 48 : index
      %get3A_1131 = tpu.vector_load %arg6[%get3A_1129, %get3A_1130] {strides = array<i32>} : memref<100x64xf32, #tpu.memory_space<vmem>>, vector<1x16xf32>,
      %get3A_1132 = vector.shape_cast %get3A_1131 : vector<1x16xf32> to vector<16xf32>
      %add3A_1133 = arith.addf %add3A_1109, %get3A_1132 : vector<16xf32>
      %get3A_1134 = arith.constant 46 : i32
      %get3A_1135 = arith.index_cast %get3A_1134 : i32 to index
      %get3A_1136 = arith.constant 0 : index
      %get3A_1137 = tpu.vector_load %arg6[%get3A_1135, %get3A_1136] {strides = array<i32>} : memref<100x64xf32, #tpu.memory_space<vmem>>, vector<1x16xf32>,
      %get3A_1138 = vector.shape_cast %get3A_1137 : vector<1x16xf32> to vector<16xf32>
      %add3A_1139 = arith.addf %add3A_1115, %get3A_1138 : vector<16xf32>
      %get3A_1140 = arith.constant 46 : i32
      %get3A_1141 = arith.index_cast %get3A_1140 : i32 to index
      %get3A_1142 = arith.constant 16 : index
      %get3A_1143 = tpu.vector_load %arg6[%get3A_1141, %get3A_1142] {strides = array<i32>} : memref<100x64xf32, #tpu.memory_space<vmem>>, vector<1x16xf32>,
      %get3A_1144 = vector.shape_cast %get3A_1143 : vector<1x16xf32> to vector<16xf32>
      %add3A_1145 = arith.addf %add3A_1121, %get3A_1144 : vector<16xf32>
      %get3A_1146 = arith.constant 46 : i32
      %get3A_1147 = arith.index_cast %get3A_1146 : i32 to index
      %get3A_1148 = arith.constant 32 : index
      %get3A_1149 = tpu.vector_load %arg6[%get3A_1147, %get3A_1148] {strides = array<i32>} : memref<100x64xf32, #tpu.memory_space<vmem>>, vector<1x16xf32>,
      %get3A_1150 = vector.shape_cast %get3A_1149 : vector<1x16xf32> to vector<16xf32>
      %add3A_1151 = arith.addf %add3A_1127, %get3A_1150 : vector<16xf32>
      %get3A_1152 = arith.constant 46 : i32
      %get3A_1153 = arith.index_cast %get3A_1152 : i32 to index
      %get3A_1154 = arith.constant 48 : index
      %get3A_1155 = tpu.vector_load %arg6[%get3A_1153, %get3A_1154] {strides = array<i32>} : memref<100x64xf32, #tpu.memory_space<vmem>>, vector<1x16xf32>,
      %get3A_1156 = vector.shape_cast %get3A_1155 : vector<1x16xf32> to vector<16xf32>
      %add3A_1157 = arith.addf %add3A_1133, %get3A_1156 : vector<16xf32>
      %get3A_1158 = arith.constant 47 : i32
      %get3A_1159 = arith.index_cast %get3A_1158 : i32 to index
      %get3A_1160 = arith.constant 0 : index
      %get3A_1161 = tpu.vector_load %arg6[%get3A_1159, %get3A_1160] {strides = array<i32>} : memref<100x64xf32, #tpu.memory_space<vmem>>, vector<1x16xf32>,
      %get3A_1162 = vector.shape_cast %get3A_1161 : vector<1x16xf32> to vector<16xf32>
      %add3A_1163 = arith.addf %add3A_1139, %get3A_1162 : vector<16xf32>
      %get3A_1164 = arith.constant 47 : i32
      %get3A_1165 = arith.index_cast %get3A_1164 : i32 to index
      %get3A_1166 = arith.constant 16 : index
      %get3A_1167 = tpu.vector_load %arg6[%get3A_1165, %get3A_1166] {strides = array<i32>} : memref<100x64xf32, #tpu.memory_space<vmem>>, vector<1x16xf32>,
      %get3A_1168 = vector.shape_cast %get3A_1167 : vector<1x16xf32> to vector<16xf32>
      %add3A_1169 = arith.addf %add3A_1145, %get3A_1168 : vector<16xf32>
      %get3A_1170 = arith.constant 47 : i32
      %get3A_1171 = arith.index_cast %get3A_1170 : i32 to index
      %get3A_1172 = arith.constant 32 : index
      %get3A_1173 = tpu.vector_load %arg6[%get3A_1171, %get3A_1172] {strides = array<i32>} : memref<100x64xf32, #tpu.memory_space<vmem>>, vector<1x16xf32>,
      %get3A_1174 = vector.shape_cast %get3A_1173 : vector<1x16xf32> to vector<16xf32>
      %add3A_1175 = arith.addf %add3A_1151, %get3A_1174 : vector<16xf32>
      %get3A_1176 = arith.constant 47 : i32
      %get3A_1177 = arith.index_cast %get3A_1176 : i32 to index
      %get3A_1178 = arith.constant 48 : index
      %get3A_1179 = tpu.vector_load %arg6[%get3A_1177, %get3A_1178] {strides = array<i32>} : memref<100x64xf32, #tpu.memory_space<vmem>>, vector<1x16xf32>,
      %get3A_1180 = vector.shape_cast %get3A_1179 : vector<1x16xf32> to vector<16xf32>
      %add3A_1181 = arith.addf %add3A_1157, %get3A_1180 : vector<16xf32>
      %get3A_1182 = arith.constant 48 : i32
      %get3A_1183 = arith.index_cast %get3A_1182 : i32 to index
      %get3A_1184 = arith.constant 0 : index
      %get3A_1185 = tpu.vector_load %arg6[%get3A_1183, %get3A_1184] {strides = array<i32>} : memref<100x64xf32, #tpu.memory_space<vmem>>, vector<1x16xf32>,
      %get3A_1186 = vector.shape_cast %get3A_1185 : vector<1x16xf32> to vector<16xf32>
      %add3A_1187 = arith.addf %add3A_1163, %get3A_1186 : vector<16xf32>
      %get3A_1188 = arith.constant 48 : i32
      %get3A_1189 = arith.index_cast %get3A_1188 : i32 to index
      %get3A_1190 = arith.constant 16 : index
      %get3A_1191 = tpu.vector_load %arg6[%get3A_1189, %get3A_1190] {strides = array<i32>} : memref<100x64xf32, #tpu.memory_space<vmem>>, vector<1x16xf32>,
      %get3A_1192 = vector.shape_cast %get3A_1191 : vector<1x16xf32> to vector<16xf32>
      %add3A_1193 = arith.addf %add3A_1169, %get3A_1192 : vector<16xf32>
      %get3A_1194 = arith.constant 48 : i32
      %get3A_1195 = arith.index_cast %get3A_1194 : i32 to index
      %get3A_1196 = arith.constant 32 : index
      %get3A_1197 = tpu.vector_load %arg6[%get3A_1195, %get3A_1196] {strides = array<i32>} : memref<100x64xf32, #tpu.memory_space<vmem>>, vector<1x16xf32>,
      %get3A_1198 = vector.shape_cast %get3A_1197 : vector<1x16xf32> to vector<16xf32>
      %add3A_1199 = arith.addf %add3A_1175, %get3A_1198 : vector<16xf32>
      %get3A_1200 = arith.constant 48 : i32
      %get3A_1201 = arith.index_cast %get3A_1200 : i32 to index
      %get3A_1202 = arith.constant 48 : index
      %get3A_1203 = tpu.vector_load %arg6[%get3A_1201, %get3A_1202] {strides = array<i32>} : memref<100x64xf32, #tpu.memory_space<vmem>>, vector<1x16xf32>,
      %get3A_1204 = vector.shape_cast %get3A_1203 : vector<1x16xf32> to vector<16xf32>
      %add3A_1205 = arith.addf %add3A_1181, %get3A_1204 : vector<16xf32>
      %get3A_1206 = arith.constant 49 : i32
      %get3A_1207 = arith.index_cast %get3A_1206 : i32 to index
      %get3A_1208 = arith.constant 0 : index
      %get3A_1209 = tpu.vector_load %arg6[%get3A_1207, %get3A_1208] {strides = array<i32>} : memref<100x64xf32, #tpu.memory_space<vmem>>, vector<1x16xf32>,
      %get3A_1210 = vector.shape_cast %get3A_1209 : vector<1x16xf32> to vector<16xf32>
      %add3A_1211 = arith.addf %add3A_1187, %get3A_1210 : vector<16xf32>
      %get3A_1212 = arith.constant 49 : i32
      %get3A_1213 = arith.index_cast %get3A_1212 : i32 to index
      %get3A_1214 = arith.constant 16 : index
      %get3A_1215 = tpu.vector_load %arg6[%get3A_1213, %get3A_1214] {strides = array<i32>} : memref<100x64xf32, #tpu.memory_space<vmem>>, vector<1x16xf32>,
      %get3A_1216 = vector.shape_cast %get3A_1215 : vector<1x16xf32> to vector<16xf32>
      %add3A_1217 = arith.addf %add3A_1193, %get3A_1216 : vector<16xf32>
      %get3A_1218 = arith.constant 49 : i32
      %get3A_1219 = arith.index_cast %get3A_1218 : i32 to index
      %get3A_1220 = arith.constant 32 : index
      %get3A_1221 = tpu.vector_load %arg6[%get3A_1219, %get3A_1220] {strides = array<i32>} : memref<100x64xf32, #tpu.memory_space<vmem>>, vector<1x16xf32>,
      %get3A_1222 = vector.shape_cast %get3A_1221 : vector<1x16xf32> to vector<16xf32>
      %add3A_1223 = arith.addf %add3A_1199, %get3A_1222 : vector<16xf32>
      %get3A_1224 = arith.constant 49 : i32
      %get3A_1225 = arith.index_cast %get3A_1224 : i32 to index
      %get3A_1226 = arith.constant 48 : index
      %get3A_1227 = tpu.vector_load %arg6[%get3A_1225, %get3A_1226] {strides = array<i32>} : memref<100x64xf32, #tpu.memory_space<vmem>>, vector<1x16xf32>,
      %get3A_1228 = vector.shape_cast %get3A_1227 : vector<1x16xf32> to vector<16xf32>
      %add3A_1229 = arith.addf %add3A_1205, %get3A_1228 : vector<16xf32>
      %mul3A_1230 = arith.constant 2 : i32
      %mul3A_1231 = arith.muli %add3A_29, %mul3A_1230 : i32
      %add3A_1232 = arith.constant 0 : i32
      %add3A_1233 = arith.addi %mul3A_1231, %add3A_1232 : i32
      %mul3A_1234 = vector.broadcast %scan3A : f32 to vector<16xf32>
      %mul3A_1235 = arith.mulf %add3A_1211, %mul3A_1234 : vector<16xf32>
      %swap3A = arith.index_cast %add3A_1233 : i32 to index
      %swap3A_1236 = arith.constant 0 : index
      %swap3A_1237 = tpu.vector_load %arg8[%swap3A, %swap3A_1236] {strides = array<i32>} : memref<512x64xf32, #tpu.memory_space<vmem>>, vector<1x16xf32>,
      %swap3A_1238 = vector.shape_cast %swap3A_1237 : vector<1x16xf32> to vector<16xf32>
      %swap3A_1239 = vector.shape_cast %mul3A_1235 : vector<16xf32> to vector<1x16xf32>
      tpu.vector_store %arg8[%swap3A, %swap3A_1236], %swap3A_1239 {strides = array<i32>} : memref<512x64xf32, #tpu.memory_space<vmem>>, vector<1x16xf32>,
      %mul3A_1240 = vector.broadcast %scan3A : f32 to vector<16xf32>
      %mul3A_1241 = arith.mulf %add3A_1217, %mul3A_1240 : vector<16xf32>
      %swap3A_1242 = arith.index_cast %add3A_1233 : i32 to index
      %swap3A_1243 = arith.constant 16 : index
      %swap3A_1244 = tpu.vector_load %arg8[%swap3A_1242, %swap3A_1243] {strides = array<i32>} : memref<512x64xf32, #tpu.memory_space<vmem>>, vector<1x16xf32>,
      %swap3A_1245 = vector.shape_cast %swap3A_1244 : vector<1x16xf32> to vector<16xf32>
      %swap3A_1246 = vector.shape_cast %mul3A_1241 : vector<16xf32> to vector<1x16xf32>
      tpu.vector_store %arg8[%swap3A_1242, %swap3A_1243], %swap3A_1246 {strides = array<i32>} : memref<512x64xf32, #tpu.memory_space<vmem>>, vector<1x16xf32>,
      %mul3A_1247 = vector.broadcast %scan3A : f32 to vector<16xf32>
      %mul3A_1248 = arith.mulf %add3A_1223, %mul3A_1247 : vector<16xf32>
      %swap3A_1249 = arith.index_cast %add3A_1233 : i32 to index
      %swap3A_1250 = arith.constant 32 : index
      %swap3A_1251 = tpu.vector_load %arg8[%swap3A_1249, %swap3A_1250] {strides = array<i32>} : memref<512x64xf32, #tpu.memory_space<vmem>>, vector<1x16xf32>,
      %swap3A_1252 = vector.shape_cast %swap3A_1251 : vector<1x16xf32> to vector<16xf32>
      %swap3A_1253 = vector.shape_cast %mul3A_1248 : vector<16xf32> to vector<1x16xf32>
      tpu.vector_store %arg8[%swap3A_1249, %swap3A_1250], %swap3A_1253 {strides = array<i32>} : memref<512x64xf32, #tpu.memory_space<vmem>>, vector<1x16xf32>,
      %mul3A_1254 = vector.broadcast %scan3A : f32 to vector<16xf32>
      %mul3A_1255 = arith.mulf %add3A_1229, %mul3A_1254 : vector<16xf32>
      %swap3A_1256 = arith.index_cast %add3A_1233 : i32 to index
      %swap3A_1257 = arith.constant 48 : index
      %swap3A_1258 = tpu.vector_load %arg8[%swap3A_1256, %swap3A_1257] {strides = array<i32>} : memref<512x64xf32, #tpu.memory_space<vmem>>, vector<1x16xf32>,
      %swap3A_1259 = vector.shape_cast %swap3A_1258 : vector<1x16xf32> to vector<16xf32>
      %swap3A_1260 = vector.shape_cast %mul3A_1255 : vector<16xf32> to vector<1x16xf32>
      tpu.vector_store %arg8[%swap3A_1256, %swap3A_1257], %swap3A_1260 {strides = array<i32>} : memref<512x64xf32, #tpu.memory_space<vmem>>, vector<1x16xf32>,
      %get3A_1261 = arith.constant 50 : i32
      %get3A_1262 = arith.index_cast %get3A_1261 : i32 to index
      %get3A_1263 = arith.constant 0 : index
      %get3A_1264 = tpu.vector_load %arg6[%get3A_1262, %get3A_1263] {strides = array<i32>} : memref<100x64xf32, #tpu.memory_space<vmem>>, vector<1x16xf32>,
      %get3A_1265 = vector.shape_cast %get3A_1264 : vector<1x16xf32> to vector<16xf32>
      %get3A_1266 = arith.constant 50 : i32
      %get3A_1267 = arith.index_cast %get3A_1266 : i32 to index
      %get3A_1268 = arith.constant 16 : index
      %get3A_1269 = tpu.vector_load %arg6[%get3A_1267, %get3A_1268] {strides = array<i32>} : memref<100x64xf32, #tpu.memory_space<vmem>>, vector<1x16xf32>,
      %get3A_1270 = vector.shape_cast %get3A_1269 : vector<1x16xf32> to vector<16xf32>
      %get3A_1271 = arith.constant 50 : i32
      %get3A_1272 = arith.index_cast %get3A_1271 : i32 to index
      %get3A_1273 = arith.constant 32 : index
      %get3A_1274 = tpu.vector_load %arg6[%get3A_1272, %get3A_1273] {strides = array<i32>} : memref<100x64xf32, #tpu.memory_space<vmem>>, vector<1x16xf32>,
      %get3A_1275 = vector.shape_cast %get3A_1274 : vector<1x16xf32> to vector<16xf32>
      %get3A_1276 = arith.constant 50 : i32
      %get3A_1277 = arith.index_cast %get3A_1276 : i32 to index
      %get3A_1278 = arith.constant 48 : index
      %get3A_1279 = tpu.vector_load %arg6[%get3A_1277, %get3A_1278] {strides = array<i32>} : memref<100x64xf32, #tpu.memory_space<vmem>>, vector<1x16xf32>,
      %get3A_1280 = vector.shape_cast %get3A_1279 : vector<1x16xf32> to vector<16xf32>
      %get3A_1281 = arith.constant 51 : i32
      %get3A_1282 = arith.index_cast %get3A_1281 : i32 to index
      %get3A_1283 = arith.constant 0 : index
      %get3A_1284 = tpu.vector_load %arg6[%get3A_1282, %get3A_1283] {strides = array<i32>} : memref<100x64xf32, #tpu.memory_space<vmem>>, vector<1x16xf32>,
      %get3A_1285 = vector.shape_cast %get3A_1284 : vector<1x16xf32> to vector<16xf32>
      %add3A_1286 = arith.addf %get3A_1265, %get3A_1285 : vector<16xf32>
      %get3A_1287 = arith.constant 51 : i32
      %get3A_1288 = arith.index_cast %get3A_1287 : i32 to index
      %get3A_1289 = arith.constant 16 : index
      %get3A_1290 = tpu.vector_load %arg6[%get3A_1288, %get3A_1289] {strides = array<i32>} : memref<100x64xf32, #tpu.memory_space<vmem>>, vector<1x16xf32>,
      %get3A_1291 = vector.shape_cast %get3A_1290 : vector<1x16xf32> to vector<16xf32>
      %add3A_1292 = arith.addf %get3A_1270, %get3A_1291 : vector<16xf32>
      %get3A_1293 = arith.constant 51 : i32
      %get3A_1294 = arith.index_cast %get3A_1293 : i32 to index
      %get3A_1295 = arith.constant 32 : index
      %get3A_1296 = tpu.vector_load %arg6[%get3A_1294, %get3A_1295] {strides = array<i32>} : memref<100x64xf32, #tpu.memory_space<vmem>>, vector<1x16xf32>,
      %get3A_1297 = vector.shape_cast %get3A_1296 : vector<1x16xf32> to vector<16xf32>
      %add3A_1298 = arith.addf %get3A_1275, %get3A_1297 : vector<16xf32>
      %get3A_1299 = arith.constant 51 : i32
      %get3A_1300 = arith.index_cast %get3A_1299 : i32 to index
      %get3A_1301 = arith.constant 48 : index
      %get3A_1302 = tpu.vector_load %arg6[%get3A_1300, %get3A_1301] {strides = array<i32>} : memref<100x64xf32, #tpu.memory_space<vmem>>, vector<1x16xf32>,
      %get3A_1303 = vector.shape_cast %get3A_1302 : vector<1x16xf32> to vector<16xf32>
      %add3A_1304 = arith.addf %get3A_1280, %get3A_1303 : vector<16xf32>
      %get3A_1305 = arith.constant 52 : i32
      %get3A_1306 = arith.index_cast %get3A_1305 : i32 to index
      %get3A_1307 = arith.constant 0 : index
      %get3A_1308 = tpu.vector_load %arg6[%get3A_1306, %get3A_1307] {strides = array<i32>} : memref<100x64xf32, #tpu.memory_space<vmem>>, vector<1x16xf32>,
      %get3A_1309 = vector.shape_cast %get3A_1308 : vector<1x16xf32> to vector<16xf32>
      %add3A_1310 = arith.addf %add3A_1286, %get3A_1309 : vector<16xf32>
      %get3A_1311 = arith.constant 52 : i32
      %get3A_1312 = arith.index_cast %get3A_1311 : i32 to index
      %get3A_1313 = arith.constant 16 : index
      %get3A_1314 = tpu.vector_load %arg6[%get3A_1312, %get3A_1313] {strides = array<i32>} : memref<100x64xf32, #tpu.memory_space<vmem>>, vector<1x16xf32>,
      %get3A_1315 = vector.shape_cast %get3A_1314 : vector<1x16xf32> to vector<16xf32>
      %add3A_1316 = arith.addf %add3A_1292, %get3A_1315 : vector<16xf32>
      %get3A_1317 = arith.constant 52 : i32
      %get3A_1318 = arith.index_cast %get3A_1317 : i32 to index
      %get3A_1319 = arith.constant 32 : index
      %get3A_1320 = tpu.vector_load %arg6[%get3A_1318, %get3A_1319] {strides = array<i32>} : memref<100x64xf32, #tpu.memory_space<vmem>>, vector<1x16xf32>,
      %get3A_1321 = vector.shape_cast %get3A_1320 : vector<1x16xf32> to vector<16xf32>
      %add3A_1322 = arith.addf %add3A_1298, %get3A_1321 : vector<16xf32>
      %get3A_1323 = arith.constant 52 : i32
      %get3A_1324 = arith.index_cast %get3A_1323 : i32 to index
      %get3A_1325 = arith.constant 48 : index
      %get3A_1326 = tpu.vector_load %arg6[%get3A_1324, %get3A_1325] {strides = array<i32>} : memref<100x64xf32, #tpu.memory_space<vmem>>, vector<1x16xf32>,
      %get3A_1327 = vector.shape_cast %get3A_1326 : vector<1x16xf32> to vector<16xf32>
      %add3A_1328 = arith.addf %add3A_1304, %get3A_1327 : vector<16xf32>
      %get3A_1329 = arith.constant 53 : i32
      %get3A_1330 = arith.index_cast %get3A_1329 : i32 to index
      %get3A_1331 = arith.constant 0 : index
      %get3A_1332 = tpu.vector_load %arg6[%get3A_1330, %get3A_1331] {strides = array<i32>} : memref<100x64xf32, #tpu.memory_space<vmem>>, vector<1x16xf32>,
      %get3A_1333 = vector.shape_cast %get3A_1332 : vector<1x16xf32> to vector<16xf32>
      %add3A_1334 = arith.addf %add3A_1310, %get3A_1333 : vector<16xf32>
      %get3A_1335 = arith.constant 53 : i32
      %get3A_1336 = arith.index_cast %get3A_1335 : i32 to index
      %get3A_1337 = arith.constant 16 : index
      %get3A_1338 = tpu.vector_load %arg6[%get3A_1336, %get3A_1337] {strides = array<i32>} : memref<100x64xf32, #tpu.memory_space<vmem>>, vector<1x16xf32>,
      %get3A_1339 = vector.shape_cast %get3A_1338 : vector<1x16xf32> to vector<16xf32>
      %add3A_1340 = arith.addf %add3A_1316, %get3A_1339 : vector<16xf32>
      %get3A_1341 = arith.constant 53 : i32
      %get3A_1342 = arith.index_cast %get3A_1341 : i32 to index
      %get3A_1343 = arith.constant 32 : index
      %get3A_1344 = tpu.vector_load %arg6[%get3A_1342, %get3A_1343] {strides = array<i32>} : memref<100x64xf32, #tpu.memory_space<vmem>>, vector<1x16xf32>,
      %get3A_1345 = vector.shape_cast %get3A_1344 : vector<1x16xf32> to vector<16xf32>
      %add3A_1346 = arith.addf %add3A_1322, %get3A_1345 : vector<16xf32>
      %get3A_1347 = arith.constant 53 : i32
      %get3A_1348 = arith.index_cast %get3A_1347 : i32 to index
      %get3A_1349 = arith.constant 48 : index
      %get3A_1350 = tpu.vector_load %arg6[%get3A_1348, %get3A_1349] {strides = array<i32>} : memref<100x64xf32, #tpu.memory_space<vmem>>, vector<1x16xf32>,
      %get3A_1351 = vector.shape_cast %get3A_1350 : vector<1x16xf32> to vector<16xf32>
      %add3A_1352 = arith.addf %add3A_1328, %get3A_1351 : vector<16xf32>
      %get3A_1353 = arith.constant 54 : i32
      %get3A_1354 = arith.index_cast %get3A_1353 : i32 to index
      %get3A_1355 = arith.constant 0 : index
      %get3A_1356 = tpu.vector_load %arg6[%get3A_1354, %get3A_1355] {strides = array<i32>} : memref<100x64xf32, #tpu.memory_space<vmem>>, vector<1x16xf32>,
      %get3A_1357 = vector.shape_cast %get3A_1356 : vector<1x16xf32> to vector<16xf32>
      %add3A_1358 = arith.addf %add3A_1334, %get3A_1357 : vector<16xf32>
      %get3A_1359 = arith.constant 54 : i32
      %get3A_1360 = arith.index_cast %get3A_1359 : i32 to index
      %get3A_1361 = arith.constant 16 : index
      %get3A_1362 = tpu.vector_load %arg6[%get3A_1360, %get3A_1361] {strides = array<i32>} : memref<100x64xf32, #tpu.memory_space<vmem>>, vector<1x16xf32>,
      %get3A_1363 = vector.shape_cast %get3A_1362 : vector<1x16xf32> to vector<16xf32>
      %add3A_1364 = arith.addf %add3A_1340, %get3A_1363 : vector<16xf32>
      %get3A_1365 = arith.constant 54 : i32
      %get3A_1366 = arith.index_cast %get3A_1365 : i32 to index
      %get3A_1367 = arith.constant 32 : index
      %get3A_1368 = tpu.vector_load %arg6[%get3A_1366, %get3A_1367] {strides = array<i32>} : memref<100x64xf32, #tpu.memory_space<vmem>>, vector<1x16xf32>,
      %get3A_1369 = vector.shape_cast %get3A_1368 : vector<1x16xf32> to vector<16xf32>
      %add3A_1370 = arith.addf %add3A_1346, %get3A_1369 : vector<16xf32>
      %get3A_1371 = arith.constant 54 : i32
      %get3A_1372 = arith.index_cast %get3A_1371 : i32 to index
      %get3A_1373 = arith.constant 48 : index
      %get3A_1374 = tpu.vector_load %arg6[%get3A_1372, %get3A_1373] {strides = array<i32>} : memref<100x64xf32, #tpu.memory_space<vmem>>, vector<1x16xf32>,
      %get3A_1375 = vector.shape_cast %get3A_1374 : vector<1x16xf32> to vector<16xf32>
      %add3A_1376 = arith.addf %add3A_1352, %get3A_1375 : vector<16xf32>
      %get3A_1377 = arith.constant 55 : i32
      %get3A_1378 = arith.index_cast %get3A_1377 : i32 to index
      %get3A_1379 = arith.constant 0 : index
      %get3A_1380 = tpu.vector_load %arg6[%get3A_1378, %get3A_1379] {strides = array<i32>} : memref<100x64xf32, #tpu.memory_space<vmem>>, vector<1x16xf32>,
      %get3A_1381 = vector.shape_cast %get3A_1380 : vector<1x16xf32> to vector<16xf32>
      %add3A_1382 = arith.addf %add3A_1358, %get3A_1381 : vector<16xf32>
      %get3A_1383 = arith.constant 55 : i32
      %get3A_1384 = arith.index_cast %get3A_1383 : i32 to index
      %get3A_1385 = arith.constant 16 : index
      %get3A_1386 = tpu.vector_load %arg6[%get3A_1384, %get3A_1385] {strides = array<i32>} : memref<100x64xf32, #tpu.memory_space<vmem>>, vector<1x16xf32>,
      %get3A_1387 = vector.shape_cast %get3A_1386 : vector<1x16xf32> to vector<16xf32>
      %add3A_1388 = arith.addf %add3A_1364, %get3A_1387 : vector<16xf32>
      %get3A_1389 = arith.constant 55 : i32
      %get3A_1390 = arith.index_cast %get3A_1389 : i32 to index
      %get3A_1391 = arith.constant 32 : index
      %get3A_1392 = tpu.vector_load %arg6[%get3A_1390, %get3A_1391] {strides = array<i32>} : memref<100x64xf32, #tpu.memory_space<vmem>>, vector<1x16xf32>,
      %get3A_1393 = vector.shape_cast %get3A_1392 : vector<1x16xf32> to vector<16xf32>
      %add3A_1394 = arith.addf %add3A_1370, %get3A_1393 : vector<16xf32>
      %get3A_1395 = arith.constant 55 : i32
      %get3A_1396 = arith.index_cast %get3A_1395 : i32 to index
      %get3A_1397 = arith.constant 48 : index
      %get3A_1398 = tpu.vector_load %arg6[%get3A_1396, %get3A_1397] {strides = array<i32>} : memref<100x64xf32, #tpu.memory_space<vmem>>, vector<1x16xf32>,
      %get3A_1399 = vector.shape_cast %get3A_1398 : vector<1x16xf32> to vector<16xf32>
      %add3A_1400 = arith.addf %add3A_1376, %get3A_1399 : vector<16xf32>
      %get3A_1401 = arith.constant 56 : i32
      %get3A_1402 = arith.index_cast %get3A_1401 : i32 to index
      %get3A_1403 = arith.constant 0 : index
      %get3A_1404 = tpu.vector_load %arg6[%get3A_1402, %get3A_1403] {strides = array<i32>} : memref<100x64xf32, #tpu.memory_space<vmem>>, vector<1x16xf32>,
      %get3A_1405 = vector.shape_cast %get3A_1404 : vector<1x16xf32> to vector<16xf32>
      %add3A_1406 = arith.addf %add3A_1382, %get3A_1405 : vector<16xf32>
      %get3A_1407 = arith.constant 56 : i32
      %get3A_1408 = arith.index_cast %get3A_1407 : i32 to index
      %get3A_1409 = arith.constant 16 : index
      %get3A_1410 = tpu.vector_load %arg6[%get3A_1408, %get3A_1409] {strides = array<i32>} : memref<100x64xf32, #tpu.memory_space<vmem>>, vector<1x16xf32>,
      %get3A_1411 = vector.shape_cast %get3A_1410 : vector<1x16xf32> to vector<16xf32>
      %add3A_1412 = arith.addf %add3A_1388, %get3A_1411 : vector<16xf32>
      %get3A_1413 = arith.constant 56 : i32
      %get3A_1414 = arith.index_cast %get3A_1413 : i32 to index
      %get3A_1415 = arith.constant 32 : index
      %get3A_1416 = tpu.vector_load %arg6[%get3A_1414, %get3A_1415] {strides = array<i32>} : memref<100x64xf32, #tpu.memory_space<vmem>>, vector<1x16xf32>,
      %get3A_1417 = vector.shape_cast %get3A_1416 : vector<1x16xf32> to vector<16xf32>
      %add3A_1418 = arith.addf %add3A_1394, %get3A_1417 : vector<16xf32>
      %get3A_1419 = arith.constant 56 : i32
      %get3A_1420 = arith.index_cast %get3A_1419 : i32 to index
      %get3A_1421 = arith.constant 48 : index
      %get3A_1422 = tpu.vector_load %arg6[%get3A_1420, %get3A_1421] {strides = array<i32>} : memref<100x64xf32, #tpu.memory_space<vmem>>, vector<1x16xf32>,
      %get3A_1423 = vector.shape_cast %get3A_1422 : vector<1x16xf32> to vector<16xf32>
      %add3A_1424 = arith.addf %add3A_1400, %get3A_1423 : vector<16xf32>
      %get3A_1425 = arith.constant 57 : i32
      %get3A_1426 = arith.index_cast %get3A_1425 : i32 to index
      %get3A_1427 = arith.constant 0 : index
      %get3A_1428 = tpu.vector_load %arg6[%get3A_1426, %get3A_1427] {strides = array<i32>} : memref<100x64xf32, #tpu.memory_space<vmem>>, vector<1x16xf32>,
      %get3A_1429 = vector.shape_cast %get3A_1428 : vector<1x16xf32> to vector<16xf32>
      %add3A_1430 = arith.addf %add3A_1406, %get3A_1429 : vector<16xf32>
      %get3A_1431 = arith.constant 57 : i32
      %get3A_1432 = arith.index_cast %get3A_1431 : i32 to index
      %get3A_1433 = arith.constant 16 : index
      %get3A_1434 = tpu.vector_load %arg6[%get3A_1432, %get3A_1433] {strides = array<i32>} : memref<100x64xf32, #tpu.memory_space<vmem>>, vector<1x16xf32>,
      %get3A_1435 = vector.shape_cast %get3A_1434 : vector<1x16xf32> to vector<16xf32>
      %add3A_1436 = arith.addf %add3A_1412, %get3A_1435 : vector<16xf32>
      %get3A_1437 = arith.constant 57 : i32
      %get3A_1438 = arith.index_cast %get3A_1437 : i32 to index
      %get3A_1439 = arith.constant 32 : index
      %get3A_1440 = tpu.vector_load %arg6[%get3A_1438, %get3A_1439] {strides = array<i32>} : memref<100x64xf32, #tpu.memory_space<vmem>>, vector<1x16xf32>,
      %get3A_1441 = vector.shape_cast %get3A_1440 : vector<1x16xf32> to vector<16xf32>
      %add3A_1442 = arith.addf %add3A_1418, %get3A_1441 : vector<16xf32>
      %get3A_1443 = arith.constant 57 : i32
      %get3A_1444 = arith.index_cast %get3A_1443 : i32 to index
      %get3A_1445 = arith.constant 48 : index
      %get3A_1446 = tpu.vector_load %arg6[%get3A_1444, %get3A_1445] {strides = array<i32>} : memref<100x64xf32, #tpu.memory_space<vmem>>, vector<1x16xf32>,
      %get3A_1447 = vector.shape_cast %get3A_1446 : vector<1x16xf32> to vector<16xf32>
      %add3A_1448 = arith.addf %add3A_1424, %get3A_1447 : vector<16xf32>
      %get3A_1449 = arith.constant 58 : i32
      %get3A_1450 = arith.index_cast %get3A_1449 : i32 to index
      %get3A_1451 = arith.constant 0 : index
      %get3A_1452 = tpu.vector_load %arg6[%get3A_1450, %get3A_1451] {strides = array<i32>} : memref<100x64xf32, #tpu.memory_space<vmem>>, vector<1x16xf32>,
      %get3A_1453 = vector.shape_cast %get3A_1452 : vector<1x16xf32> to vector<16xf32>
      %add3A_1454 = arith.addf %add3A_1430, %get3A_1453 : vector<16xf32>
      %get3A_1455 = arith.constant 58 : i32
      %get3A_1456 = arith.index_cast %get3A_1455 : i32 to index
      %get3A_1457 = arith.constant 16 : index
      %get3A_1458 = tpu.vector_load %arg6[%get3A_1456, %get3A_1457] {strides = array<i32>} : memref<100x64xf32, #tpu.memory_space<vmem>>, vector<1x16xf32>,
      %get3A_1459 = vector.shape_cast %get3A_1458 : vector<1x16xf32> to vector<16xf32>
      %add3A_1460 = arith.addf %add3A_1436, %get3A_1459 : vector<16xf32>
      %get3A_1461 = arith.constant 58 : i32
      %get3A_1462 = arith.index_cast %get3A_1461 : i32 to index
      %get3A_1463 = arith.constant 32 : index
      %get3A_1464 = tpu.vector_load %arg6[%get3A_1462, %get3A_1463] {strides = array<i32>} : memref<100x64xf32, #tpu.memory_space<vmem>>, vector<1x16xf32>,
      %get3A_1465 = vector.shape_cast %get3A_1464 : vector<1x16xf32> to vector<16xf32>
      %add3A_1466 = arith.addf %add3A_1442, %get3A_1465 : vector<16xf32>
      %get3A_1467 = arith.constant 58 : i32
      %get3A_1468 = arith.index_cast %get3A_1467 : i32 to index
      %get3A_1469 = arith.constant 48 : index
      %get3A_1470 = tpu.vector_load %arg6[%get3A_1468, %get3A_1469] {strides = array<i32>} : memref<100x64xf32, #tpu.memory_space<vmem>>, vector<1x16xf32>,
      %get3A_1471 = vector.shape_cast %get3A_1470 : vector<1x16xf32> to vector<16xf32>
      %add3A_1472 = arith.addf %add3A_1448, %get3A_1471 : vector<16xf32>
      %get3A_1473 = arith.constant 59 : i32
      %get3A_1474 = arith.index_cast %get3A_1473 : i32 to index
      %get3A_1475 = arith.constant 0 : index
      %get3A_1476 = tpu.vector_load %arg6[%get3A_1474, %get3A_1475] {strides = array<i32>} : memref<100x64xf32, #tpu.memory_space<vmem>>, vector<1x16xf32>,
      %get3A_1477 = vector.shape_cast %get3A_1476 : vector<1x16xf32> to vector<16xf32>
      %add3A_1478 = arith.addf %add3A_1454, %get3A_1477 : vector<16xf32>
      %get3A_1479 = arith.constant 59 : i32
      %get3A_1480 = arith.index_cast %get3A_1479 : i32 to index
      %get3A_1481 = arith.constant 16 : index
      %get3A_1482 = tpu.vector_load %arg6[%get3A_1480, %get3A_1481] {strides = array<i32>} : memref<100x64xf32, #tpu.memory_space<vmem>>, vector<1x16xf32>,
      %get3A_1483 = vector.shape_cast %get3A_1482 : vector<1x16xf32> to vector<16xf32>
      %add3A_1484 = arith.addf %add3A_1460, %get3A_1483 : vector<16xf32>
      %get3A_1485 = arith.constant 59 : i32
      %get3A_1486 = arith.index_cast %get3A_1485 : i32 to index
      %get3A_1487 = arith.constant 32 : index
      %get3A_1488 = tpu.vector_load %arg6[%get3A_1486, %get3A_1487] {strides = array<i32>} : memref<100x64xf32, #tpu.memory_space<vmem>>, vector<1x16xf32>,
      %get3A_1489 = vector.shape_cast %get3A_1488 : vector<1x16xf32> to vector<16xf32>
      %add3A_1490 = arith.addf %add3A_1466, %get3A_1489 : vector<16xf32>
      %get3A_1491 = arith.constant 59 : i32
      %get3A_1492 = arith.index_cast %get3A_1491 : i32 to index
      %get3A_1493 = arith.constant 48 : index
      %get3A_1494 = tpu.vector_load %arg6[%get3A_1492, %get3A_1493] {strides = array<i32>} : memref<100x64xf32, #tpu.memory_space<vmem>>, vector<1x16xf32>,
      %get3A_1495 = vector.shape_cast %get3A_1494 : vector<1x16xf32> to vector<16xf32>
      %add3A_1496 = arith.addf %add3A_1472, %get3A_1495 : vector<16xf32>
      %get3A_1497 = arith.constant 60 : i32
      %get3A_1498 = arith.index_cast %get3A_1497 : i32 to index
      %get3A_1499 = arith.constant 0 : index
      %get3A_1500 = tpu.vector_load %arg6[%get3A_1498, %get3A_1499] {strides = array<i32>} : memref<100x64xf32, #tpu.memory_space<vmem>>, vector<1x16xf32>,
      %get3A_1501 = vector.shape_cast %get3A_1500 : vector<1x16xf32> to vector<16xf32>
      %add3A_1502 = arith.addf %add3A_1478, %get3A_1501 : vector<16xf32>
      %get3A_1503 = arith.constant 60 : i32
      %get3A_1504 = arith.index_cast %get3A_1503 : i32 to index
      %get3A_1505 = arith.constant 16 : index
      %get3A_1506 = tpu.vector_load %arg6[%get3A_1504, %get3A_1505] {strides = array<i32>} : memref<100x64xf32, #tpu.memory_space<vmem>>, vector<1x16xf32>,
      %get3A_1507 = vector.shape_cast %get3A_1506 : vector<1x16xf32> to vector<16xf32>
      %add3A_1508 = arith.addf %add3A_1484, %get3A_1507 : vector<16xf32>
      %get3A_1509 = arith.constant 60 : i32
      %get3A_1510 = arith.index_cast %get3A_1509 : i32 to index
      %get3A_1511 = arith.constant 32 : index
      %get3A_1512 = tpu.vector_load %arg6[%get3A_1510, %get3A_1511] {strides = array<i32>} : memref<100x64xf32, #tpu.memory_space<vmem>>, vector<1x16xf32>,
      %get3A_1513 = vector.shape_cast %get3A_1512 : vector<1x16xf32> to vector<16xf32>
      %add3A_1514 = arith.addf %add3A_1490, %get3A_1513 : vector<16xf32>
      %get3A_1515 = arith.constant 60 : i32
      %get3A_1516 = arith.index_cast %get3A_1515 : i32 to index
      %get3A_1517 = arith.constant 48 : index
      %get3A_1518 = tpu.vector_load %arg6[%get3A_1516, %get3A_1517] {strides = array<i32>} : memref<100x64xf32, #tpu.memory_space<vmem>>, vector<1x16xf32>,
      %get3A_1519 = vector.shape_cast %get3A_1518 : vector<1x16xf32> to vector<16xf32>
      %add3A_1520 = arith.addf %add3A_1496, %get3A_1519 : vector<16xf32>
      %get3A_1521 = arith.constant 61 : i32
      %get3A_1522 = arith.index_cast %get3A_1521 : i32 to index
      %get3A_1523 = arith.constant 0 : index
      %get3A_1524 = tpu.vector_load %arg6[%get3A_1522, %get3A_1523] {strides = array<i32>} : memref<100x64xf32, #tpu.memory_space<vmem>>, vector<1x16xf32>,
      %get3A_1525 = vector.shape_cast %get3A_1524 : vector<1x16xf32> to vector<16xf32>
      %add3A_1526 = arith.addf %add3A_1502, %get3A_1525 : vector<16xf32>
      %get3A_1527 = arith.constant 61 : i32
      %get3A_1528 = arith.index_cast %get3A_1527 : i32 to index
      %get3A_1529 = arith.constant 16 : index
      %get3A_1530 = tpu.vector_load %arg6[%get3A_1528, %get3A_1529] {strides = array<i32>} : memref<100x64xf32, #tpu.memory_space<vmem>>, vector<1x16xf32>,
      %get3A_1531 = vector.shape_cast %get3A_1530 : vector<1x16xf32> to vector<16xf32>
      %add3A_1532 = arith.addf %add3A_1508, %get3A_1531 : vector<16xf32>
      %get3A_1533 = arith.constant 61 : i32
      %get3A_1534 = arith.index_cast %get3A_1533 : i32 to index
      %get3A_1535 = arith.constant 32 : index
      %get3A_1536 = tpu.vector_load %arg6[%get3A_1534, %get3A_1535] {strides = array<i32>} : memref<100x64xf32, #tpu.memory_space<vmem>>, vector<1x16xf32>,
      %get3A_1537 = vector.shape_cast %get3A_1536 : vector<1x16xf32> to vector<16xf32>
      %add3A_1538 = arith.addf %add3A_1514, %get3A_1537 : vector<16xf32>
      %get3A_1539 = arith.constant 61 : i32
      %get3A_1540 = arith.index_cast %get3A_1539 : i32 to index
      %get3A_1541 = arith.constant 48 : index
      %get3A_1542 = tpu.vector_load %arg6[%get3A_1540, %get3A_1541] {strides = array<i32>} : memref<100x64xf32, #tpu.memory_space<vmem>>, vector<1x16xf32>,
      %get3A_1543 = vector.shape_cast %get3A_1542 : vector<1x16xf32> to vector<16xf32>
      %add3A_1544 = arith.addf %add3A_1520, %get3A_1543 : vector<16xf32>
      %get3A_1545 = arith.constant 62 : i32
      %get3A_1546 = arith.index_cast %get3A_1545 : i32 to index
      %get3A_1547 = arith.constant 0 : index
      %get3A_1548 = tpu.vector_load %arg6[%get3A_1546, %get3A_1547] {strides = array<i32>} : memref<100x64xf32, #tpu.memory_space<vmem>>, vector<1x16xf32>,
      %get3A_1549 = vector.shape_cast %get3A_1548 : vector<1x16xf32> to vector<16xf32>
      %add3A_1550 = arith.addf %add3A_1526, %get3A_1549 : vector<16xf32>
      %get3A_1551 = arith.constant 62 : i32
      %get3A_1552 = arith.index_cast %get3A_1551 : i32 to index
      %get3A_1553 = arith.constant 16 : index
      %get3A_1554 = tpu.vector_load %arg6[%get3A_1552, %get3A_1553] {strides = array<i32>} : memref<100x64xf32, #tpu.memory_space<vmem>>, vector<1x16xf32>,
      %get3A_1555 = vector.shape_cast %get3A_1554 : vector<1x16xf32> to vector<16xf32>
      %add3A_1556 = arith.addf %add3A_1532, %get3A_1555 : vector<16xf32>
      %get3A_1557 = arith.constant 62 : i32
      %get3A_1558 = arith.index_cast %get3A_1557 : i32 to index
      %get3A_1559 = arith.constant 32 : index
      %get3A_1560 = tpu.vector_load %arg6[%get3A_1558, %get3A_1559] {strides = array<i32>} : memref<100x64xf32, #tpu.memory_space<vmem>>, vector<1x16xf32>,
      %get3A_1561 = vector.shape_cast %get3A_1560 : vector<1x16xf32> to vector<16xf32>
      %add3A_1562 = arith.addf %add3A_1538, %get3A_1561 : vector<16xf32>
      %get3A_1563 = arith.constant 62 : i32
      %get3A_1564 = arith.index_cast %get3A_1563 : i32 to index
      %get3A_1565 = arith.constant 48 : index
      %get3A_1566 = tpu.vector_load %arg6[%get3A_1564, %get3A_1565] {strides = array<i32>} : memref<100x64xf32, #tpu.memory_space<vmem>>, vector<1x16xf32>,
      %get3A_1567 = vector.shape_cast %get3A_1566 : vector<1x16xf32> to vector<16xf32>
      %add3A_1568 = arith.addf %add3A_1544, %get3A_1567 : vector<16xf32>
      %get3A_1569 = arith.constant 63 : i32
      %get3A_1570 = arith.index_cast %get3A_1569 : i32 to index
      %get3A_1571 = arith.constant 0 : index
      %get3A_1572 = tpu.vector_load %arg6[%get3A_1570, %get3A_1571] {strides = array<i32>} : memref<100x64xf32, #tpu.memory_space<vmem>>, vector<1x16xf32>,
      %get3A_1573 = vector.shape_cast %get3A_1572 : vector<1x16xf32> to vector<16xf32>
      %add3A_1574 = arith.addf %add3A_1550, %get3A_1573 : vector<16xf32>
      %get3A_1575 = arith.constant 63 : i32
      %get3A_1576 = arith.index_cast %get3A_1575 : i32 to index
      %get3A_1577 = arith.constant 16 : index
      %get3A_1578 = tpu.vector_load %arg6[%get3A_1576, %get3A_1577] {strides = array<i32>} : memref<100x64xf32, #tpu.memory_space<vmem>>, vector<1x16xf32>,
      %get3A_1579 = vector.shape_cast %get3A_1578 : vector<1x16xf32> to vector<16xf32>
      %add3A_1580 = arith.addf %add3A_1556, %get3A_1579 : vector<16xf32>
      %get3A_1581 = arith.constant 63 : i32
      %get3A_1582 = arith.index_cast %get3A_1581 : i32 to index
      %get3A_1583 = arith.constant 32 : index
      %get3A_1584 = tpu.vector_load %arg6[%get3A_1582, %get3A_1583] {strides = array<i32>} : memref<100x64xf32, #tpu.memory_space<vmem>>, vector<1x16xf32>,
      %get3A_1585 = vector.shape_cast %get3A_1584 : vector<1x16xf32> to vector<16xf32>
      %add3A_1586 = arith.addf %add3A_1562, %get3A_1585 : vector<16xf32>
      %get3A_1587 = arith.constant 63 : i32
      %get3A_1588 = arith.index_cast %get3A_1587 : i32 to index
      %get3A_1589 = arith.constant 48 : index
      %get3A_1590 = tpu.vector_load %arg6[%get3A_1588, %get3A_1589] {strides = array<i32>} : memref<100x64xf32, #tpu.memory_space<vmem>>, vector<1x16xf32>,
      %get3A_1591 = vector.shape_cast %get3A_1590 : vector<1x16xf32> to vector<16xf32>
      %add3A_1592 = arith.addf %add3A_1568, %get3A_1591 : vector<16xf32>
      %get3A_1593 = arith.constant 64 : i32
      %get3A_1594 = arith.index_cast %get3A_1593 : i32 to index
      %get3A_1595 = arith.constant 0 : index
      %get3A_1596 = tpu.vector_load %arg6[%get3A_1594, %get3A_1595] {strides = array<i32>} : memref<100x64xf32, #tpu.memory_space<vmem>>, vector<1x16xf32>,
      %get3A_1597 = vector.shape_cast %get3A_1596 : vector<1x16xf32> to vector<16xf32>
      %add3A_1598 = arith.addf %add3A_1574, %get3A_1597 : vector<16xf32>
      %get3A_1599 = arith.constant 64 : i32
      %get3A_1600 = arith.index_cast %get3A_1599 : i32 to index
      %get3A_1601 = arith.constant 16 : index
      %get3A_1602 = tpu.vector_load %arg6[%get3A_1600, %get3A_1601] {strides = array<i32>} : memref<100x64xf32, #tpu.memory_space<vmem>>, vector<1x16xf32>,
      %get3A_1603 = vector.shape_cast %get3A_1602 : vector<1x16xf32> to vector<16xf32>
      %add3A_1604 = arith.addf %add3A_1580, %get3A_1603 : vector<16xf32>
      %get3A_1605 = arith.constant 64 : i32
      %get3A_1606 = arith.index_cast %get3A_1605 : i32 to index
      %get3A_1607 = arith.constant 32 : index
      %get3A_1608 = tpu.vector_load %arg6[%get3A_1606, %get3A_1607] {strides = array<i32>} : memref<100x64xf32, #tpu.memory_space<vmem>>, vector<1x16xf32>,
      %get3A_1609 = vector.shape_cast %get3A_1608 : vector<1x16xf32> to vector<16xf32>
      %add3A_1610 = arith.addf %add3A_1586, %get3A_1609 : vector<16xf32>
      %get3A_1611 = arith.constant 64 : i32
      %get3A_1612 = arith.index_cast %get3A_1611 : i32 to index
      %get3A_1613 = arith.constant 48 : index
      %get3A_1614 = tpu.vector_load %arg6[%get3A_1612, %get3A_1613] {strides = array<i32>} : memref<100x64xf32, #tpu.memory_space<vmem>>, vector<1x16xf32>,
      %get3A_1615 = vector.shape_cast %get3A_1614 : vector<1x16xf32> to vector<16xf32>
      %add3A_1616 = arith.addf %add3A_1592, %get3A_1615 : vector<16xf32>
      %get3A_1617 = arith.constant 65 : i32
      %get3A_1618 = arith.index_cast %get3A_1617 : i32 to index
      %get3A_1619 = arith.constant 0 : index
      %get3A_1620 = tpu.vector_load %arg6[%get3A_1618, %get3A_1619] {strides = array<i32>} : memref<100x64xf32, #tpu.memory_space<vmem>>, vector<1x16xf32>,
      %get3A_1621 = vector.shape_cast %get3A_1620 : vector<1x16xf32> to vector<16xf32>
      %add3A_1622 = arith.addf %add3A_1598, %get3A_1621 : vector<16xf32>
      %get3A_1623 = arith.constant 65 : i32
      %get3A_1624 = arith.index_cast %get3A_1623 : i32 to index
      %get3A_1625 = arith.constant 16 : index
      %get3A_1626 = tpu.vector_load %arg6[%get3A_1624, %get3A_1625] {strides = array<i32>} : memref<100x64xf32, #tpu.memory_space<vmem>>, vector<1x16xf32>,
      %get3A_1627 = vector.shape_cast %get3A_1626 : vector<1x16xf32> to vector<16xf32>
      %add3A_1628 = arith.addf %add3A_1604, %get3A_1627 : vector<16xf32>
      %get3A_1629 = arith.constant 65 : i32
      %get3A_1630 = arith.index_cast %get3A_1629 : i32 to index
      %get3A_1631 = arith.constant 32 : index
      %get3A_1632 = tpu.vector_load %arg6[%get3A_1630, %get3A_1631] {strides = array<i32>} : memref<100x64xf32, #tpu.memory_space<vmem>>, vector<1x16xf32>,
      %get3A_1633 = vector.shape_cast %get3A_1632 : vector<1x16xf32> to vector<16xf32>
      %add3A_1634 = arith.addf %add3A_1610, %get3A_1633 : vector<16xf32>
      %get3A_1635 = arith.constant 65 : i32
      %get3A_1636 = arith.index_cast %get3A_1635 : i32 to index
      %get3A_1637 = arith.constant 48 : index
      %get3A_1638 = tpu.vector_load %arg6[%get3A_1636, %get3A_1637] {strides = array<i32>} : memref<100x64xf32, #tpu.memory_space<vmem>>, vector<1x16xf32>,
      %get3A_1639 = vector.shape_cast %get3A_1638 : vector<1x16xf32> to vector<16xf32>
      %add3A_1640 = arith.addf %add3A_1616, %get3A_1639 : vector<16xf32>
      %get3A_1641 = arith.constant 66 : i32
      %get3A_1642 = arith.index_cast %get3A_1641 : i32 to index
      %get3A_1643 = arith.constant 0 : index
      %get3A_1644 = tpu.vector_load %arg6[%get3A_1642, %get3A_1643] {strides = array<i32>} : memref<100x64xf32, #tpu.memory_space<vmem>>, vector<1x16xf32>,
      %get3A_1645 = vector.shape_cast %get3A_1644 : vector<1x16xf32> to vector<16xf32>
      %add3A_1646 = arith.addf %add3A_1622, %get3A_1645 : vector<16xf32>
      %get3A_1647 = arith.constant 66 : i32
      %get3A_1648 = arith.index_cast %get3A_1647 : i32 to index
      %get3A_1649 = arith.constant 16 : index
      %get3A_1650 = tpu.vector_load %arg6[%get3A_1648, %get3A_1649] {strides = array<i32>} : memref<100x64xf32, #tpu.memory_space<vmem>>, vector<1x16xf32>,
      %get3A_1651 = vector.shape_cast %get3A_1650 : vector<1x16xf32> to vector<16xf32>
      %add3A_1652 = arith.addf %add3A_1628, %get3A_1651 : vector<16xf32>
      %get3A_1653 = arith.constant 66 : i32
      %get3A_1654 = arith.index_cast %get3A_1653 : i32 to index
      %get3A_1655 = arith.constant 32 : index
      %get3A_1656 = tpu.vector_load %arg6[%get3A_1654, %get3A_1655] {strides = array<i32>} : memref<100x64xf32, #tpu.memory_space<vmem>>, vector<1x16xf32>,
      %get3A_1657 = vector.shape_cast %get3A_1656 : vector<1x16xf32> to vector<16xf32>
      %add3A_1658 = arith.addf %add3A_1634, %get3A_1657 : vector<16xf32>
      %get3A_1659 = arith.constant 66 : i32
      %get3A_1660 = arith.index_cast %get3A_1659 : i32 to index
      %get3A_1661 = arith.constant 48 : index
      %get3A_1662 = tpu.vector_load %arg6[%get3A_1660, %get3A_1661] {strides = array<i32>} : memref<100x64xf32, #tpu.memory_space<vmem>>, vector<1x16xf32>,
      %get3A_1663 = vector.shape_cast %get3A_1662 : vector<1x16xf32> to vector<16xf32>
      %add3A_1664 = arith.addf %add3A_1640, %get3A_1663 : vector<16xf32>
      %get3A_1665 = arith.constant 67 : i32
      %get3A_1666 = arith.index_cast %get3A_1665 : i32 to index
      %get3A_1667 = arith.constant 0 : index
      %get3A_1668 = tpu.vector_load %arg6[%get3A_1666, %get3A_1667] {strides = array<i32>} : memref<100x64xf32, #tpu.memory_space<vmem>>, vector<1x16xf32>,
      %get3A_1669 = vector.shape_cast %get3A_1668 : vector<1x16xf32> to vector<16xf32>
      %add3A_1670 = arith.addf %add3A_1646, %get3A_1669 : vector<16xf32>
      %get3A_1671 = arith.constant 67 : i32
      %get3A_1672 = arith.index_cast %get3A_1671 : i32 to index
      %get3A_1673 = arith.constant 16 : index
      %get3A_1674 = tpu.vector_load %arg6[%get3A_1672, %get3A_1673] {strides = array<i32>} : memref<100x64xf32, #tpu.memory_space<vmem>>, vector<1x16xf32>,
      %get3A_1675 = vector.shape_cast %get3A_1674 : vector<1x16xf32> to vector<16xf32>
      %add3A_1676 = arith.addf %add3A_1652, %get3A_1675 : vector<16xf32>
      %get3A_1677 = arith.constant 67 : i32
      %get3A_1678 = arith.index_cast %get3A_1677 : i32 to index
      %get3A_1679 = arith.constant 32 : index
      %get3A_1680 = tpu.vector_load %arg6[%get3A_1678, %get3A_1679] {strides = array<i32>} : memref<100x64xf32, #tpu.memory_space<vmem>>, vector<1x16xf32>,
      %get3A_1681 = vector.shape_cast %get3A_1680 : vector<1x16xf32> to vector<16xf32>
      %add3A_1682 = arith.addf %add3A_1658, %get3A_1681 : vector<16xf32>
      %get3A_1683 = arith.constant 67 : i32
      %get3A_1684 = arith.index_cast %get3A_1683 : i32 to index
      %get3A_1685 = arith.constant 48 : index
      %get3A_1686 = tpu.vector_load %arg6[%get3A_1684, %get3A_1685] {strides = array<i32>} : memref<100x64xf32, #tpu.memory_space<vmem>>, vector<1x16xf32>,
      %get3A_1687 = vector.shape_cast %get3A_1686 : vector<1x16xf32> to vector<16xf32>
      %add3A_1688 = arith.addf %add3A_1664, %get3A_1687 : vector<16xf32>
      %get3A_1689 = arith.constant 68 : i32
      %get3A_1690 = arith.index_cast %get3A_1689 : i32 to index
      %get3A_1691 = arith.constant 0 : index
      %get3A_1692 = tpu.vector_load %arg6[%get3A_1690, %get3A_1691] {strides = array<i32>} : memref<100x64xf32, #tpu.memory_space<vmem>>, vector<1x16xf32>,
      %get3A_1693 = vector.shape_cast %get3A_1692 : vector<1x16xf32> to vector<16xf32>
      %add3A_1694 = arith.addf %add3A_1670, %get3A_1693 : vector<16xf32>
      %get3A_1695 = arith.constant 68 : i32
      %get3A_1696 = arith.index_cast %get3A_1695 : i32 to index
      %get3A_1697 = arith.constant 16 : index
      %get3A_1698 = tpu.vector_load %arg6[%get3A_1696, %get3A_1697] {strides = array<i32>} : memref<100x64xf32, #tpu.memory_space<vmem>>, vector<1x16xf32>,
      %get3A_1699 = vector.shape_cast %get3A_1698 : vector<1x16xf32> to vector<16xf32>
      %add3A_1700 = arith.addf %add3A_1676, %get3A_1699 : vector<16xf32>
      %get3A_1701 = arith.constant 68 : i32
      %get3A_1702 = arith.index_cast %get3A_1701 : i32 to index
      %get3A_1703 = arith.constant 32 : index
      %get3A_1704 = tpu.vector_load %arg6[%get3A_1702, %get3A_1703] {strides = array<i32>} : memref<100x64xf32, #tpu.memory_space<vmem>>, vector<1x16xf32>,
      %get3A_1705 = vector.shape_cast %get3A_1704 : vector<1x16xf32> to vector<16xf32>
      %add3A_1706 = arith.addf %add3A_1682, %get3A_1705 : vector<16xf32>
      %get3A_1707 = arith.constant 68 : i32
      %get3A_1708 = arith.index_cast %get3A_1707 : i32 to index
      %get3A_1709 = arith.constant 48 : index
      %get3A_1710 = tpu.vector_load %arg6[%get3A_1708, %get3A_1709] {strides = array<i32>} : memref<100x64xf32, #tpu.memory_space<vmem>>, vector<1x16xf32>,
      %get3A_1711 = vector.shape_cast %get3A_1710 : vector<1x16xf32> to vector<16xf32>
      %add3A_1712 = arith.addf %add3A_1688, %get3A_1711 : vector<16xf32>
      %get3A_1713 = arith.constant 69 : i32
      %get3A_1714 = arith.index_cast %get3A_1713 : i32 to index
      %get3A_1715 = arith.constant 0 : index
      %get3A_1716 = tpu.vector_load %arg6[%get3A_1714, %get3A_1715] {strides = array<i32>} : memref<100x64xf32, #tpu.memory_space<vmem>>, vector<1x16xf32>,
      %get3A_1717 = vector.shape_cast %get3A_1716 : vector<1x16xf32> to vector<16xf32>
      %add3A_1718 = arith.addf %add3A_1694, %get3A_1717 : vector<16xf32>
      %get3A_1719 = arith.constant 69 : i32
      %get3A_1720 = arith.index_cast %get3A_1719 : i32 to index
      %get3A_1721 = arith.constant 16 : index
      %get3A_1722 = tpu.vector_load %arg6[%get3A_1720, %get3A_1721] {strides = array<i32>} : memref<100x64xf32, #tpu.memory_space<vmem>>, vector<1x16xf32>,
      %get3A_1723 = vector.shape_cast %get3A_1722 : vector<1x16xf32> to vector<16xf32>
      %add3A_1724 = arith.addf %add3A_1700, %get3A_1723 : vector<16xf32>
      %get3A_1725 = arith.constant 69 : i32
      %get3A_1726 = arith.index_cast %get3A_1725 : i32 to index
      %get3A_1727 = arith.constant 32 : index
      %get3A_1728 = tpu.vector_load %arg6[%get3A_1726, %get3A_1727] {strides = array<i32>} : memref<100x64xf32, #tpu.memory_space<vmem>>, vector<1x16xf32>,
      %get3A_1729 = vector.shape_cast %get3A_1728 : vector<1x16xf32> to vector<16xf32>
      %add3A_1730 = arith.addf %add3A_1706, %get3A_1729 : vector<16xf32>
      %get3A_1731 = arith.constant 69 : i32
      %get3A_1732 = arith.index_cast %get3A_1731 : i32 to index
      %get3A_1733 = arith.constant 48 : index
      %get3A_1734 = tpu.vector_load %arg6[%get3A_1732, %get3A_1733] {strides = array<i32>} : memref<100x64xf32, #tpu.memory_space<vmem>>, vector<1x16xf32>,
      %get3A_1735 = vector.shape_cast %get3A_1734 : vector<1x16xf32> to vector<16xf32>
      %add3A_1736 = arith.addf %add3A_1712, %get3A_1735 : vector<16xf32>
      %get3A_1737 = arith.constant 70 : i32
      %get3A_1738 = arith.index_cast %get3A_1737 : i32 to index
      %get3A_1739 = arith.constant 0 : index
      %get3A_1740 = tpu.vector_load %arg6[%get3A_1738, %get3A_1739] {strides = array<i32>} : memref<100x64xf32, #tpu.memory_space<vmem>>, vector<1x16xf32>,
      %get3A_1741 = vector.shape_cast %get3A_1740 : vector<1x16xf32> to vector<16xf32>
      %add3A_1742 = arith.addf %add3A_1718, %get3A_1741 : vector<16xf32>
      %get3A_1743 = arith.constant 70 : i32
      %get3A_1744 = arith.index_cast %get3A_1743 : i32 to index
      %get3A_1745 = arith.constant 16 : index
      %get3A_1746 = tpu.vector_load %arg6[%get3A_1744, %get3A_1745] {strides = array<i32>} : memref<100x64xf32, #tpu.memory_space<vmem>>, vector<1x16xf32>,
      %get3A_1747 = vector.shape_cast %get3A_1746 : vector<1x16xf32> to vector<16xf32>
      %add3A_1748 = arith.addf %add3A_1724, %get3A_1747 : vector<16xf32>
      %get3A_1749 = arith.constant 70 : i32
      %get3A_1750 = arith.index_cast %get3A_1749 : i32 to index
      %get3A_1751 = arith.constant 32 : index
      %get3A_1752 = tpu.vector_load %arg6[%get3A_1750, %get3A_1751] {strides = array<i32>} : memref<100x64xf32, #tpu.memory_space<vmem>>, vector<1x16xf32>,
      %get3A_1753 = vector.shape_cast %get3A_1752 : vector<1x16xf32> to vector<16xf32>
      %add3A_1754 = arith.addf %add3A_1730, %get3A_1753 : vector<16xf32>
      %get3A_1755 = arith.constant 70 : i32
      %get3A_1756 = arith.index_cast %get3A_1755 : i32 to index
      %get3A_1757 = arith.constant 48 : index
      %get3A_1758 = tpu.vector_load %arg6[%get3A_1756, %get3A_1757] {strides = array<i32>} : memref<100x64xf32, #tpu.memory_space<vmem>>, vector<1x16xf32>,
      %get3A_1759 = vector.shape_cast %get3A_1758 : vector<1x16xf32> to vector<16xf32>
      %add3A_1760 = arith.addf %add3A_1736, %get3A_1759 : vector<16xf32>
      %get3A_1761 = arith.constant 71 : i32
      %get3A_1762 = arith.index_cast %get3A_1761 : i32 to index
      %get3A_1763 = arith.constant 0 : index
      %get3A_1764 = tpu.vector_load %arg6[%get3A_1762, %get3A_1763] {strides = array<i32>} : memref<100x64xf32, #tpu.memory_space<vmem>>, vector<1x16xf32>,
      %get3A_1765 = vector.shape_cast %get3A_1764 : vector<1x16xf32> to vector<16xf32>
      %add3A_1766 = arith.addf %add3A_1742, %get3A_1765 : vector<16xf32>
      %get3A_1767 = arith.constant 71 : i32
      %get3A_1768 = arith.index_cast %get3A_1767 : i32 to index
      %get3A_1769 = arith.constant 16 : index
      %get3A_1770 = tpu.vector_load %arg6[%get3A_1768, %get3A_1769] {strides = array<i32>} : memref<100x64xf32, #tpu.memory_space<vmem>>, vector<1x16xf32>,
      %get3A_1771 = vector.shape_cast %get3A_1770 : vector<1x16xf32> to vector<16xf32>
      %add3A_1772 = arith.addf %add3A_1748, %get3A_1771 : vector<16xf32>
      %get3A_1773 = arith.constant 71 : i32
      %get3A_1774 = arith.index_cast %get3A_1773 : i32 to index
      %get3A_1775 = arith.constant 32 : index
      %get3A_1776 = tpu.vector_load %arg6[%get3A_1774, %get3A_1775] {strides = array<i32>} : memref<100x64xf32, #tpu.memory_space<vmem>>, vector<1x16xf32>,
      %get3A_1777 = vector.shape_cast %get3A_1776 : vector<1x16xf32> to vector<16xf32>
      %add3A_1778 = arith.addf %add3A_1754, %get3A_1777 : vector<16xf32>
      %get3A_1779 = arith.constant 71 : i32
      %get3A_1780 = arith.index_cast %get3A_1779 : i32 to index
      %get3A_1781 = arith.constant 48 : index
      %get3A_1782 = tpu.vector_load %arg6[%get3A_1780, %get3A_1781] {strides = array<i32>} : memref<100x64xf32, #tpu.memory_space<vmem>>, vector<1x16xf32>,
      %get3A_1783 = vector.shape_cast %get3A_1782 : vector<1x16xf32> to vector<16xf32>
      %add3A_1784 = arith.addf %add3A_1760, %get3A_1783 : vector<16xf32>
      %get3A_1785 = arith.constant 72 : i32
      %get3A_1786 = arith.index_cast %get3A_1785 : i32 to index
      %get3A_1787 = arith.constant 0 : index
      %get3A_1788 = tpu.vector_load %arg6[%get3A_1786, %get3A_1787] {strides = array<i32>} : memref<100x64xf32, #tpu.memory_space<vmem>>, vector<1x16xf32>,
      %get3A_1789 = vector.shape_cast %get3A_1788 : vector<1x16xf32> to vector<16xf32>
      %add3A_1790 = arith.addf %add3A_1766, %get3A_1789 : vector<16xf32>
      %get3A_1791 = arith.constant 72 : i32
      %get3A_1792 = arith.index_cast %get3A_1791 : i32 to index
      %get3A_1793 = arith.constant 16 : index
      %get3A_1794 = tpu.vector_load %arg6[%get3A_1792, %get3A_1793] {strides = array<i32>} : memref<100x64xf32, #tpu.memory_space<vmem>>, vector<1x16xf32>,
      %get3A_1795 = vector.shape_cast %get3A_1794 : vector<1x16xf32> to vector<16xf32>
      %add3A_1796 = arith.addf %add3A_1772, %get3A_1795 : vector<16xf32>
      %get3A_1797 = arith.constant 72 : i32
      %get3A_1798 = arith.index_cast %get3A_1797 : i32 to index
      %get3A_1799 = arith.constant 32 : index
      %get3A_1800 = tpu.vector_load %arg6[%get3A_1798, %get3A_1799] {strides = array<i32>} : memref<100x64xf32, #tpu.memory_space<vmem>>, vector<1x16xf32>,
      %get3A_1801 = vector.shape_cast %get3A_1800 : vector<1x16xf32> to vector<16xf32>
      %add3A_1802 = arith.addf %add3A_1778, %get3A_1801 : vector<16xf32>
      %get3A_1803 = arith.constant 72 : i32
      %get3A_1804 = arith.index_cast %get3A_1803 : i32 to index
      %get3A_1805 = arith.constant 48 : index
      %get3A_1806 = tpu.vector_load %arg6[%get3A_1804, %get3A_1805] {strides = array<i32>} : memref<100x64xf32, #tpu.memory_space<vmem>>, vector<1x16xf32>,
      %get3A_1807 = vector.shape_cast %get3A_1806 : vector<1x16xf32> to vector<16xf32>
      %add3A_1808 = arith.addf %add3A_1784, %get3A_1807 : vector<16xf32>
      %get3A_1809 = arith.constant 73 : i32
      %get3A_1810 = arith.index_cast %get3A_1809 : i32 to index
      %get3A_1811 = arith.constant 0 : index
      %get3A_1812 = tpu.vector_load %arg6[%get3A_1810, %get3A_1811] {strides = array<i32>} : memref<100x64xf32, #tpu.memory_space<vmem>>, vector<1x16xf32>,
      %get3A_1813 = vector.shape_cast %get3A_1812 : vector<1x16xf32> to vector<16xf32>
      %add3A_1814 = arith.addf %add3A_1790, %get3A_1813 : vector<16xf32>
      %get3A_1815 = arith.constant 73 : i32
      %get3A_1816 = arith.index_cast %get3A_1815 : i32 to index
      %get3A_1817 = arith.constant 16 : index
      %get3A_1818 = tpu.vector_load %arg6[%get3A_1816, %get3A_1817] {strides = array<i32>} : memref<100x64xf32, #tpu.memory_space<vmem>>, vector<1x16xf32>,
      %get3A_1819 = vector.shape_cast %get3A_1818 : vector<1x16xf32> to vector<16xf32>
      %add3A_1820 = arith.addf %add3A_1796, %get3A_1819 : vector<16xf32>
      %get3A_1821 = arith.constant 73 : i32
      %get3A_1822 = arith.index_cast %get3A_1821 : i32 to index
      %get3A_1823 = arith.constant 32 : index
      %get3A_1824 = tpu.vector_load %arg6[%get3A_1822, %get3A_1823] {strides = array<i32>} : memref<100x64xf32, #tpu.memory_space<vmem>>, vector<1x16xf32>,
      %get3A_1825 = vector.shape_cast %get3A_1824 : vector<1x16xf32> to vector<16xf32>
      %add3A_1826 = arith.addf %add3A_1802, %get3A_1825 : vector<16xf32>
      %get3A_1827 = arith.constant 73 : i32
      %get3A_1828 = arith.index_cast %get3A_1827 : i32 to index
      %get3A_1829 = arith.constant 48 : index
      %get3A_1830 = tpu.vector_load %arg6[%get3A_1828, %get3A_1829] {strides = array<i32>} : memref<100x64xf32, #tpu.memory_space<vmem>>, vector<1x16xf32>,
      %get3A_1831 = vector.shape_cast %get3A_1830 : vector<1x16xf32> to vector<16xf32>
      %add3A_1832 = arith.addf %add3A_1808, %get3A_1831 : vector<16xf32>
      %get3A_1833 = arith.constant 74 : i32
      %get3A_1834 = arith.index_cast %get3A_1833 : i32 to index
      %get3A_1835 = arith.constant 0 : index
      %get3A_1836 = tpu.vector_load %arg6[%get3A_1834, %get3A_1835] {strides = array<i32>} : memref<100x64xf32, #tpu.memory_space<vmem>>, vector<1x16xf32>,
      %get3A_1837 = vector.shape_cast %get3A_1836 : vector<1x16xf32> to vector<16xf32>
      %add3A_1838 = arith.addf %add3A_1814, %get3A_1837 : vector<16xf32>
      %get3A_1839 = arith.constant 74 : i32
      %get3A_1840 = arith.index_cast %get3A_1839 : i32 to index
      %get3A_1841 = arith.constant 16 : index
      %get3A_1842 = tpu.vector_load %arg6[%get3A_1840, %get3A_1841] {strides = array<i32>} : memref<100x64xf32, #tpu.memory_space<vmem>>, vector<1x16xf32>,
      %get3A_1843 = vector.shape_cast %get3A_1842 : vector<1x16xf32> to vector<16xf32>
      %add3A_1844 = arith.addf %add3A_1820, %get3A_1843 : vector<16xf32>
      %get3A_1845 = arith.constant 74 : i32
      %get3A_1846 = arith.index_cast %get3A_1845 : i32 to index
      %get3A_1847 = arith.constant 32 : index
      %get3A_1848 = tpu.vector_load %arg6[%get3A_1846, %get3A_1847] {strides = array<i32>} : memref<100x64xf32, #tpu.memory_space<vmem>>, vector<1x16xf32>,
      %get3A_1849 = vector.shape_cast %get3A_1848 : vector<1x16xf32> to vector<16xf32>
      %add3A_1850 = arith.addf %add3A_1826, %get3A_1849 : vector<16xf32>
      %get3A_1851 = arith.constant 74 : i32
      %get3A_1852 = arith.index_cast %get3A_1851 : i32 to index
      %get3A_1853 = arith.constant 48 : index
      %get3A_1854 = tpu.vector_load %arg6[%get3A_1852, %get3A_1853] {strides = array<i32>} : memref<100x64xf32, #tpu.memory_space<vmem>>, vector<1x16xf32>,
      %get3A_1855 = vector.shape_cast %get3A_1854 : vector<1x16xf32> to vector<16xf32>
      %add3A_1856 = arith.addf %add3A_1832, %get3A_1855 : vector<16xf32>
      %get3A_1857 = arith.constant 75 : i32
      %get3A_1858 = arith.index_cast %get3A_1857 : i32 to index
      %get3A_1859 = arith.constant 0 : index
      %get3A_1860 = tpu.vector_load %arg6[%get3A_1858, %get3A_1859] {strides = array<i32>} : memref<100x64xf32, #tpu.memory_space<vmem>>, vector<1x16xf32>,
      %get3A_1861 = vector.shape_cast %get3A_1860 : vector<1x16xf32> to vector<16xf32>
      %add3A_1862 = arith.addf %add3A_1838, %get3A_1861 : vector<16xf32>
      %get3A_1863 = arith.constant 75 : i32
      %get3A_1864 = arith.index_cast %get3A_1863 : i32 to index
      %get3A_1865 = arith.constant 16 : index
      %get3A_1866 = tpu.vector_load %arg6[%get3A_1864, %get3A_1865] {strides = array<i32>} : memref<100x64xf32, #tpu.memory_space<vmem>>, vector<1x16xf32>,
      %get3A_1867 = vector.shape_cast %get3A_1866 : vector<1x16xf32> to vector<16xf32>
      %add3A_1868 = arith.addf %add3A_1844, %get3A_1867 : vector<16xf32>
      %get3A_1869 = arith.constant 75 : i32
      %get3A_1870 = arith.index_cast %get3A_1869 : i32 to index
      %get3A_1871 = arith.constant 32 : index
      %get3A_1872 = tpu.vector_load %arg6[%get3A_1870, %get3A_1871] {strides = array<i32>} : memref<100x64xf32, #tpu.memory_space<vmem>>, vector<1x16xf32>,
      %get3A_1873 = vector.shape_cast %get3A_1872 : vector<1x16xf32> to vector<16xf32>
      %add3A_1874 = arith.addf %add3A_1850, %get3A_1873 : vector<16xf32>
      %get3A_1875 = arith.constant 75 : i32
      %get3A_1876 = arith.index_cast %get3A_1875 : i32 to index
      %get3A_1877 = arith.constant 48 : index
      %get3A_1878 = tpu.vector_load %arg6[%get3A_1876, %get3A_1877] {strides = array<i32>} : memref<100x64xf32, #tpu.memory_space<vmem>>, vector<1x16xf32>,
      %get3A_1879 = vector.shape_cast %get3A_1878 : vector<1x16xf32> to vector<16xf32>
      %add3A_1880 = arith.addf %add3A_1856, %get3A_1879 : vector<16xf32>
      %get3A_1881 = arith.constant 76 : i32
      %get3A_1882 = arith.index_cast %get3A_1881 : i32 to index
      %get3A_1883 = arith.constant 0 : index
      %get3A_1884 = tpu.vector_load %arg6[%get3A_1882, %get3A_1883] {strides = array<i32>} : memref<100x64xf32, #tpu.memory_space<vmem>>, vector<1x16xf32>,
      %get3A_1885 = vector.shape_cast %get3A_1884 : vector<1x16xf32> to vector<16xf32>
      %add3A_1886 = arith.addf %add3A_1862, %get3A_1885 : vector<16xf32>
      %get3A_1887 = arith.constant 76 : i32
      %get3A_1888 = arith.index_cast %get3A_1887 : i32 to index
      %get3A_1889 = arith.constant 16 : index
      %get3A_1890 = tpu.vector_load %arg6[%get3A_1888, %get3A_1889] {strides = array<i32>} : memref<100x64xf32, #tpu.memory_space<vmem>>, vector<1x16xf32>,
      %get3A_1891 = vector.shape_cast %get3A_1890 : vector<1x16xf32> to vector<16xf32>
      %add3A_1892 = arith.addf %add3A_1868, %get3A_1891 : vector<16xf32>
      %get3A_1893 = arith.constant 76 : i32
      %get3A_1894 = arith.index_cast %get3A_1893 : i32 to index
      %get3A_1895 = arith.constant 32 : index
      %get3A_1896 = tpu.vector_load %arg6[%get3A_1894, %get3A_1895] {strides = array<i32>} : memref<100x64xf32, #tpu.memory_space<vmem>>, vector<1x16xf32>,
      %get3A_1897 = vector.shape_cast %get3A_1896 : vector<1x16xf32> to vector<16xf32>
      %add3A_1898 = arith.addf %add3A_1874, %get3A_1897 : vector<16xf32>
      %get3A_1899 = arith.constant 76 : i32
      %get3A_1900 = arith.index_cast %get3A_1899 : i32 to index
      %get3A_1901 = arith.constant 48 : index
      %get3A_1902 = tpu.vector_load %arg6[%get3A_1900, %get3A_1901] {strides = array<i32>} : memref<100x64xf32, #tpu.memory_space<vmem>>, vector<1x16xf32>,
      %get3A_1903 = vector.shape_cast %get3A_1902 : vector<1x16xf32> to vector<16xf32>
      %add3A_1904 = arith.addf %add3A_1880, %get3A_1903 : vector<16xf32>
      %get3A_1905 = arith.constant 77 : i32
      %get3A_1906 = arith.index_cast %get3A_1905 : i32 to index
      %get3A_1907 = arith.constant 0 : index
      %get3A_1908 = tpu.vector_load %arg6[%get3A_1906, %get3A_1907] {strides = array<i32>} : memref<100x64xf32, #tpu.memory_space<vmem>>, vector<1x16xf32>,
      %get3A_1909 = vector.shape_cast %get3A_1908 : vector<1x16xf32> to vector<16xf32>
      %add3A_1910 = arith.addf %add3A_1886, %get3A_1909 : vector<16xf32>
      %get3A_1911 = arith.constant 77 : i32
      %get3A_1912 = arith.index_cast %get3A_1911 : i32 to index
      %get3A_1913 = arith.constant 16 : index
      %get3A_1914 = tpu.vector_load %arg6[%get3A_1912, %get3A_1913] {strides = array<i32>} : memref<100x64xf32, #tpu.memory_space<vmem>>, vector<1x16xf32>,
      %get3A_1915 = vector.shape_cast %get3A_1914 : vector<1x16xf32> to vector<16xf32>
      %add3A_1916 = arith.addf %add3A_1892, %get3A_1915 : vector<16xf32>
      %get3A_1917 = arith.constant 77 : i32
      %get3A_1918 = arith.index_cast %get3A_1917 : i32 to index
      %get3A_1919 = arith.constant 32 : index
      %get3A_1920 = tpu.vector_load %arg6[%get3A_1918, %get3A_1919] {strides = array<i32>} : memref<100x64xf32, #tpu.memory_space<vmem>>, vector<1x16xf32>,
      %get3A_1921 = vector.shape_cast %get3A_1920 : vector<1x16xf32> to vector<16xf32>
      %add3A_1922 = arith.addf %add3A_1898, %get3A_1921 : vector<16xf32>
      %get3A_1923 = arith.constant 77 : i32
      %get3A_1924 = arith.index_cast %get3A_1923 : i32 to index
      %get3A_1925 = arith.constant 48 : index
      %get3A_1926 = tpu.vector_load %arg6[%get3A_1924, %get3A_1925] {strides = array<i32>} : memref<100x64xf32, #tpu.memory_space<vmem>>, vector<1x16xf32>,
      %get3A_1927 = vector.shape_cast %get3A_1926 : vector<1x16xf32> to vector<16xf32>
      %add3A_1928 = arith.addf %add3A_1904, %get3A_1927 : vector<16xf32>
      %get3A_1929 = arith.constant 78 : i32
      %get3A_1930 = arith.index_cast %get3A_1929 : i32 to index
      %get3A_1931 = arith.constant 0 : index
      %get3A_1932 = tpu.vector_load %arg6[%get3A_1930, %get3A_1931] {strides = array<i32>} : memref<100x64xf32, #tpu.memory_space<vmem>>, vector<1x16xf32>,
      %get3A_1933 = vector.shape_cast %get3A_1932 : vector<1x16xf32> to vector<16xf32>
      %add3A_1934 = arith.addf %add3A_1910, %get3A_1933 : vector<16xf32>
      %get3A_1935 = arith.constant 78 : i32
      %get3A_1936 = arith.index_cast %get3A_1935 : i32 to index
      %get3A_1937 = arith.constant 16 : index
      %get3A_1938 = tpu.vector_load %arg6[%get3A_1936, %get3A_1937] {strides = array<i32>} : memref<100x64xf32, #tpu.memory_space<vmem>>, vector<1x16xf32>,
      %get3A_1939 = vector.shape_cast %get3A_1938 : vector<1x16xf32> to vector<16xf32>
      %add3A_1940 = arith.addf %add3A_1916, %get3A_1939 : vector<16xf32>
      %get3A_1941 = arith.constant 78 : i32
      %get3A_1942 = arith.index_cast %get3A_1941 : i32 to index
      %get3A_1943 = arith.constant 32 : index
      %get3A_1944 = tpu.vector_load %arg6[%get3A_1942, %get3A_1943] {strides = array<i32>} : memref<100x64xf32, #tpu.memory_space<vmem>>, vector<1x16xf32>,
      %get3A_1945 = vector.shape_cast %get3A_1944 : vector<1x16xf32> to vector<16xf32>
      %add3A_1946 = arith.addf %add3A_1922, %get3A_1945 : vector<16xf32>
      %get3A_1947 = arith.constant 78 : i32
      %get3A_1948 = arith.index_cast %get3A_1947 : i32 to index
      %get3A_1949 = arith.constant 48 : index
      %get3A_1950 = tpu.vector_load %arg6[%get3A_1948, %get3A_1949] {strides = array<i32>} : memref<100x64xf32, #tpu.memory_space<vmem>>, vector<1x16xf32>,
      %get3A_1951 = vector.shape_cast %get3A_1950 : vector<1x16xf32> to vector<16xf32>
      %add3A_1952 = arith.addf %add3A_1928, %get3A_1951 : vector<16xf32>
      %get3A_1953 = arith.constant 79 : i32
      %get3A_1954 = arith.index_cast %get3A_1953 : i32 to index
      %get3A_1955 = arith.constant 0 : index
      %get3A_1956 = tpu.vector_load %arg6[%get3A_1954, %get3A_1955] {strides = array<i32>} : memref<100x64xf32, #tpu.memory_space<vmem>>, vector<1x16xf32>,
      %get3A_1957 = vector.shape_cast %get3A_1956 : vector<1x16xf32> to vector<16xf32>
      %add3A_1958 = arith.addf %add3A_1934, %get3A_1957 : vector<16xf32>
      %get3A_1959 = arith.constant 79 : i32
      %get3A_1960 = arith.index_cast %get3A_1959 : i32 to index
      %get3A_1961 = arith.constant 16 : index
      %get3A_1962 = tpu.vector_load %arg6[%get3A_1960, %get3A_1961] {strides = array<i32>} : memref<100x64xf32, #tpu.memory_space<vmem>>, vector<1x16xf32>,
      %get3A_1963 = vector.shape_cast %get3A_1962 : vector<1x16xf32> to vector<16xf32>
      %add3A_1964 = arith.addf %add3A_1940, %get3A_1963 : vector<16xf32>
      %get3A_1965 = arith.constant 79 : i32
      %get3A_1966 = arith.index_cast %get3A_1965 : i32 to index
      %get3A_1967 = arith.constant 32 : index
      %get3A_1968 = tpu.vector_load %arg6[%get3A_1966, %get3A_1967] {strides = array<i32>} : memref<100x64xf32, #tpu.memory_space<vmem>>, vector<1x16xf32>,
      %get3A_1969 = vector.shape_cast %get3A_1968 : vector<1x16xf32> to vector<16xf32>
      %add3A_1970 = arith.addf %add3A_1946, %get3A_1969 : vector<16xf32>
      %get3A_1971 = arith.constant 79 : i32
      %get3A_1972 = arith.index_cast %get3A_1971 : i32 to index
      %get3A_1973 = arith.constant 48 : index
      %get3A_1974 = tpu.vector_load %arg6[%get3A_1972, %get3A_1973] {strides = array<i32>} : memref<100x64xf32, #tpu.memory_space<vmem>>, vector<1x16xf32>,
      %get3A_1975 = vector.shape_cast %get3A_1974 : vector<1x16xf32> to vector<16xf32>
      %add3A_1976 = arith.addf %add3A_1952, %get3A_1975 : vector<16xf32>
      %get3A_1977 = arith.constant 80 : i32
      %get3A_1978 = arith.index_cast %get3A_1977 : i32 to index
      %get3A_1979 = arith.constant 0 : index
      %get3A_1980 = tpu.vector_load %arg6[%get3A_1978, %get3A_1979] {strides = array<i32>} : memref<100x64xf32, #tpu.memory_space<vmem>>, vector<1x16xf32>,
      %get3A_1981 = vector.shape_cast %get3A_1980 : vector<1x16xf32> to vector<16xf32>
      %add3A_1982 = arith.addf %add3A_1958, %get3A_1981 : vector<16xf32>
      %get3A_1983 = arith.constant 80 : i32
      %get3A_1984 = arith.index_cast %get3A_1983 : i32 to index
      %get3A_1985 = arith.constant 16 : index
      %get3A_1986 = tpu.vector_load %arg6[%get3A_1984, %get3A_1985] {strides = array<i32>} : memref<100x64xf32, #tpu.memory_space<vmem>>, vector<1x16xf32>,
      %get3A_1987 = vector.shape_cast %get3A_1986 : vector<1x16xf32> to vector<16xf32>
      %add3A_1988 = arith.addf %add3A_1964, %get3A_1987 : vector<16xf32>
      %get3A_1989 = arith.constant 80 : i32
      %get3A_1990 = arith.index_cast %get3A_1989 : i32 to index
      %get3A_1991 = arith.constant 32 : index
      %get3A_1992 = tpu.vector_load %arg6[%get3A_1990, %get3A_1991] {strides = array<i32>} : memref<100x64xf32, #tpu.memory_space<vmem>>, vector<1x16xf32>,
      %get3A_1993 = vector.shape_cast %get3A_1992 : vector<1x16xf32> to vector<16xf32>
      %add3A_1994 = arith.addf %add3A_1970, %get3A_1993 : vector<16xf32>
      %get3A_1995 = arith.constant 80 : i32
      %get3A_1996 = arith.index_cast %get3A_1995 : i32 to index
      %get3A_1997 = arith.constant 48 : index
      %get3A_1998 = tpu.vector_load %arg6[%get3A_1996, %get3A_1997] {strides = array<i32>} : memref<100x64xf32, #tpu.memory_space<vmem>>, vector<1x16xf32>,
      %get3A_1999 = vector.shape_cast %get3A_1998 : vector<1x16xf32> to vector<16xf32>
      %add3A_2000 = arith.addf %add3A_1976, %get3A_1999 : vector<16xf32>
      %get3A_2001 = arith.constant 81 : i32
      %get3A_2002 = arith.index_cast %get3A_2001 : i32 to index
      %get3A_2003 = arith.constant 0 : index
      %get3A_2004 = tpu.vector_load %arg6[%get3A_2002, %get3A_2003] {strides = array<i32>} : memref<100x64xf32, #tpu.memory_space<vmem>>, vector<1x16xf32>,
      %get3A_2005 = vector.shape_cast %get3A_2004 : vector<1x16xf32> to vector<16xf32>
      %add3A_2006 = arith.addf %add3A_1982, %get3A_2005 : vector<16xf32>
      %get3A_2007 = arith.constant 81 : i32
      %get3A_2008 = arith.index_cast %get3A_2007 : i32 to index
      %get3A_2009 = arith.constant 16 : index
      %get3A_2010 = tpu.vector_load %arg6[%get3A_2008, %get3A_2009] {strides = array<i32>} : memref<100x64xf32, #tpu.memory_space<vmem>>, vector<1x16xf32>,
      %get3A_2011 = vector.shape_cast %get3A_2010 : vector<1x16xf32> to vector<16xf32>
      %add3A_2012 = arith.addf %add3A_1988, %get3A_2011 : vector<16xf32>
      %get3A_2013 = arith.constant 81 : i32
      %get3A_2014 = arith.index_cast %get3A_2013 : i32 to index
      %get3A_2015 = arith.constant 32 : index
      %get3A_2016 = tpu.vector_load %arg6[%get3A_2014, %get3A_2015] {strides = array<i32>} : memref<100x64xf32, #tpu.memory_space<vmem>>, vector<1x16xf32>,
      %get3A_2017 = vector.shape_cast %get3A_2016 : vector<1x16xf32> to vector<16xf32>
      %add3A_2018 = arith.addf %add3A_1994, %get3A_2017 : vector<16xf32>
      %get3A_2019 = arith.constant 81 : i32
      %get3A_2020 = arith.index_cast %get3A_2019 : i32 to index
      %get3A_2021 = arith.constant 48 : index
      %get3A_2022 = tpu.vector_load %arg6[%get3A_2020, %get3A_2021] {strides = array<i32>} : memref<100x64xf32, #tpu.memory_space<vmem>>, vector<1x16xf32>,
      %get3A_2023 = vector.shape_cast %get3A_2022 : vector<1x16xf32> to vector<16xf32>
      %add3A_2024 = arith.addf %add3A_2000, %get3A_2023 : vector<16xf32>
      %get3A_2025 = arith.constant 82 : i32
      %get3A_2026 = arith.index_cast %get3A_2025 : i32 to index
      %get3A_2027 = arith.constant 0 : index
      %get3A_2028 = tpu.vector_load %arg6[%get3A_2026, %get3A_2027] {strides = array<i32>} : memref<100x64xf32, #tpu.memory_space<vmem>>, vector<1x16xf32>,
      %get3A_2029 = vector.shape_cast %get3A_2028 : vector<1x16xf32> to vector<16xf32>
      %add3A_2030 = arith.addf %add3A_2006, %get3A_2029 : vector<16xf32>
      %get3A_2031 = arith.constant 82 : i32
      %get3A_2032 = arith.index_cast %get3A_2031 : i32 to index
      %get3A_2033 = arith.constant 16 : index
      %get3A_2034 = tpu.vector_load %arg6[%get3A_2032, %get3A_2033] {strides = array<i32>} : memref<100x64xf32, #tpu.memory_space<vmem>>, vector<1x16xf32>,
      %get3A_2035 = vector.shape_cast %get3A_2034 : vector<1x16xf32> to vector<16xf32>
      %add3A_2036 = arith.addf %add3A_2012, %get3A_2035 : vector<16xf32>
      %get3A_2037 = arith.constant 82 : i32
      %get3A_2038 = arith.index_cast %get3A_2037 : i32 to index
      %get3A_2039 = arith.constant 32 : index
      %get3A_2040 = tpu.vector_load %arg6[%get3A_2038, %get3A_2039] {strides = array<i32>} : memref<100x64xf32, #tpu.memory_space<vmem>>, vector<1x16xf32>,
      %get3A_2041 = vector.shape_cast %get3A_2040 : vector<1x16xf32> to vector<16xf32>
      %add3A_2042 = arith.addf %add3A_2018, %get3A_2041 : vector<16xf32>
      %get3A_2043 = arith.constant 82 : i32
      %get3A_2044 = arith.index_cast %get3A_2043 : i32 to index
      %get3A_2045 = arith.constant 48 : index
      %get3A_2046 = tpu.vector_load %arg6[%get3A_2044, %get3A_2045] {strides = array<i32>} : memref<100x64xf32, #tpu.memory_space<vmem>>, vector<1x16xf32>,
      %get3A_2047 = vector.shape_cast %get3A_2046 : vector<1x16xf32> to vector<16xf32>
      %add3A_2048 = arith.addf %add3A_2024, %get3A_2047 : vector<16xf32>
      %get3A_2049 = arith.constant 83 : i32
      %get3A_2050 = arith.index_cast %get3A_2049 : i32 to index
      %get3A_2051 = arith.constant 0 : index
      %get3A_2052 = tpu.vector_load %arg6[%get3A_2050, %get3A_2051] {strides = array<i32>} : memref<100x64xf32, #tpu.memory_space<vmem>>, vector<1x16xf32>,
      %get3A_2053 = vector.shape_cast %get3A_2052 : vector<1x16xf32> to vector<16xf32>
      %add3A_2054 = arith.addf %add3A_2030, %get3A_2053 : vector<16xf32>
      %get3A_2055 = arith.constant 83 : i32
      %get3A_2056 = arith.index_cast %get3A_2055 : i32 to index
      %get3A_2057 = arith.constant 16 : index
      %get3A_2058 = tpu.vector_load %arg6[%get3A_2056, %get3A_2057] {strides = array<i32>} : memref<100x64xf32, #tpu.memory_space<vmem>>, vector<1x16xf32>,
      %get3A_2059 = vector.shape_cast %get3A_2058 : vector<1x16xf32> to vector<16xf32>
      %add3A_2060 = arith.addf %add3A_2036, %get3A_2059 : vector<16xf32>
      %get3A_2061 = arith.constant 83 : i32
      %get3A_2062 = arith.index_cast %get3A_2061 : i32 to index
      %get3A_2063 = arith.constant 32 : index
      %get3A_2064 = tpu.vector_load %arg6[%get3A_2062, %get3A_2063] {strides = array<i32>} : memref<100x64xf32, #tpu.memory_space<vmem>>, vector<1x16xf32>,
      %get3A_2065 = vector.shape_cast %get3A_2064 : vector<1x16xf32> to vector<16xf32>
      %add3A_2066 = arith.addf %add3A_2042, %get3A_2065 : vector<16xf32>
      %get3A_2067 = arith.constant 83 : i32
      %get3A_2068 = arith.index_cast %get3A_2067 : i32 to index
      %get3A_2069 = arith.constant 48 : index
      %get3A_2070 = tpu.vector_load %arg6[%get3A_2068, %get3A_2069] {strides = array<i32>} : memref<100x64xf32, #tpu.memory_space<vmem>>, vector<1x16xf32>,
      %get3A_2071 = vector.shape_cast %get3A_2070 : vector<1x16xf32> to vector<16xf32>
      %add3A_2072 = arith.addf %add3A_2048, %get3A_2071 : vector<16xf32>
      %get3A_2073 = arith.constant 84 : i32
      %get3A_2074 = arith.index_cast %get3A_2073 : i32 to index
      %get3A_2075 = arith.constant 0 : index
      %get3A_2076 = tpu.vector_load %arg6[%get3A_2074, %get3A_2075] {strides = array<i32>} : memref<100x64xf32, #tpu.memory_space<vmem>>, vector<1x16xf32>,
      %get3A_2077 = vector.shape_cast %get3A_2076 : vector<1x16xf32> to vector<16xf32>
      %add3A_2078 = arith.addf %add3A_2054, %get3A_2077 : vector<16xf32>
      %get3A_2079 = arith.constant 84 : i32
      %get3A_2080 = arith.index_cast %get3A_2079 : i32 to index
      %get3A_2081 = arith.constant 16 : index
      %get3A_2082 = tpu.vector_load %arg6[%get3A_2080, %get3A_2081] {strides = array<i32>} : memref<100x64xf32, #tpu.memory_space<vmem>>, vector<1x16xf32>,
      %get3A_2083 = vector.shape_cast %get3A_2082 : vector<1x16xf32> to vector<16xf32>
      %add3A_2084 = arith.addf %add3A_2060, %get3A_2083 : vector<16xf32>
      %get3A_2085 = arith.constant 84 : i32
      %get3A_2086 = arith.index_cast %get3A_2085 : i32 to index
      %get3A_2087 = arith.constant 32 : index
      %get3A_2088 = tpu.vector_load %arg6[%get3A_2086, %get3A_2087] {strides = array<i32>} : memref<100x64xf32, #tpu.memory_space<vmem>>, vector<1x16xf32>,
      %get3A_2089 = vector.shape_cast %get3A_2088 : vector<1x16xf32> to vector<16xf32>
      %add3A_2090 = arith.addf %add3A_2066, %get3A_2089 : vector<16xf32>
      %get3A_2091 = arith.constant 84 : i32
      %get3A_2092 = arith.index_cast %get3A_2091 : i32 to index
      %get3A_2093 = arith.constant 48 : index
      %get3A_2094 = tpu.vector_load %arg6[%get3A_2092, %get3A_2093] {strides = array<i32>} : memref<100x64xf32, #tpu.memory_space<vmem>>, vector<1x16xf32>,
      %get3A_2095 = vector.shape_cast %get3A_2094 : vector<1x16xf32> to vector<16xf32>
      %add3A_2096 = arith.addf %add3A_2072, %get3A_2095 : vector<16xf32>
      %get3A_2097 = arith.constant 85 : i32
      %get3A_2098 = arith.index_cast %get3A_2097 : i32 to index
      %get3A_2099 = arith.constant 0 : index
      %get3A_2100 = tpu.vector_load %arg6[%get3A_2098, %get3A_2099] {strides = array<i32>} : memref<100x64xf32, #tpu.memory_space<vmem>>, vector<1x16xf32>,
      %get3A_2101 = vector.shape_cast %get3A_2100 : vector<1x16xf32> to vector<16xf32>
      %add3A_2102 = arith.addf %add3A_2078, %get3A_2101 : vector<16xf32>
      %get3A_2103 = arith.constant 85 : i32
      %get3A_2104 = arith.index_cast %get3A_2103 : i32 to index
      %get3A_2105 = arith.constant 16 : index
      %get3A_2106 = tpu.vector_load %arg6[%get3A_2104, %get3A_2105] {strides = array<i32>} : memref<100x64xf32, #tpu.memory_space<vmem>>, vector<1x16xf32>,
      %get3A_2107 = vector.shape_cast %get3A_2106 : vector<1x16xf32> to vector<16xf32>
      %add3A_2108 = arith.addf %add3A_2084, %get3A_2107 : vector<16xf32>
      %get3A_2109 = arith.constant 85 : i32
      %get3A_2110 = arith.index_cast %get3A_2109 : i32 to index
      %get3A_2111 = arith.constant 32 : index
      %get3A_2112 = tpu.vector_load %arg6[%get3A_2110, %get3A_2111] {strides = array<i32>} : memref<100x64xf32, #tpu.memory_space<vmem>>, vector<1x16xf32>,
      %get3A_2113 = vector.shape_cast %get3A_2112 : vector<1x16xf32> to vector<16xf32>
      %add3A_2114 = arith.addf %add3A_2090, %get3A_2113 : vector<16xf32>
      %get3A_2115 = arith.constant 85 : i32
      %get3A_2116 = arith.index_cast %get3A_2115 : i32 to index
      %get3A_2117 = arith.constant 48 : index
      %get3A_2118 = tpu.vector_load %arg6[%get3A_2116, %get3A_2117] {strides = array<i32>} : memref<100x64xf32, #tpu.memory_space<vmem>>, vector<1x16xf32>,
      %get3A_2119 = vector.shape_cast %get3A_2118 : vector<1x16xf32> to vector<16xf32>
      %add3A_2120 = arith.addf %add3A_2096, %get3A_2119 : vector<16xf32>
      %get3A_2121 = arith.constant 86 : i32
      %get3A_2122 = arith.index_cast %get3A_2121 : i32 to index
      %get3A_2123 = arith.constant 0 : index
      %get3A_2124 = tpu.vector_load %arg6[%get3A_2122, %get3A_2123] {strides = array<i32>} : memref<100x64xf32, #tpu.memory_space<vmem>>, vector<1x16xf32>,
      %get3A_2125 = vector.shape_cast %get3A_2124 : vector<1x16xf32> to vector<16xf32>
      %add3A_2126 = arith.addf %add3A_2102, %get3A_2125 : vector<16xf32>
      %get3A_2127 = arith.constant 86 : i32
      %get3A_2128 = arith.index_cast %get3A_2127 : i32 to index
      %get3A_2129 = arith.constant 16 : index
      %get3A_2130 = tpu.vector_load %arg6[%get3A_2128, %get3A_2129] {strides = array<i32>} : memref<100x64xf32, #tpu.memory_space<vmem>>, vector<1x16xf32>,
      %get3A_2131 = vector.shape_cast %get3A_2130 : vector<1x16xf32> to vector<16xf32>
      %add3A_2132 = arith.addf %add3A_2108, %get3A_2131 : vector<16xf32>
      %get3A_2133 = arith.constant 86 : i32
      %get3A_2134 = arith.index_cast %get3A_2133 : i32 to index
      %get3A_2135 = arith.constant 32 : index
      %get3A_2136 = tpu.vector_load %arg6[%get3A_2134, %get3A_2135] {strides = array<i32>} : memref<100x64xf32, #tpu.memory_space<vmem>>, vector<1x16xf32>,
      %get3A_2137 = vector.shape_cast %get3A_2136 : vector<1x16xf32> to vector<16xf32>
      %add3A_2138 = arith.addf %add3A_2114, %get3A_2137 : vector<16xf32>
      %get3A_2139 = arith.constant 86 : i32
      %get3A_2140 = arith.index_cast %get3A_2139 : i32 to index
      %get3A_2141 = arith.constant 48 : index
      %get3A_2142 = tpu.vector_load %arg6[%get3A_2140, %get3A_2141] {strides = array<i32>} : memref<100x64xf32, #tpu.memory_space<vmem>>, vector<1x16xf32>,
      %get3A_2143 = vector.shape_cast %get3A_2142 : vector<1x16xf32> to vector<16xf32>
      %add3A_2144 = arith.addf %add3A_2120, %get3A_2143 : vector<16xf32>
      %get3A_2145 = arith.constant 87 : i32
      %get3A_2146 = arith.index_cast %get3A_2145 : i32 to index
      %get3A_2147 = arith.constant 0 : index
      %get3A_2148 = tpu.vector_load %arg6[%get3A_2146, %get3A_2147] {strides = array<i32>} : memref<100x64xf32, #tpu.memory_space<vmem>>, vector<1x16xf32>,
      %get3A_2149 = vector.shape_cast %get3A_2148 : vector<1x16xf32> to vector<16xf32>
      %add3A_2150 = arith.addf %add3A_2126, %get3A_2149 : vector<16xf32>
      %get3A_2151 = arith.constant 87 : i32
      %get3A_2152 = arith.index_cast %get3A_2151 : i32 to index
      %get3A_2153 = arith.constant 16 : index
      %get3A_2154 = tpu.vector_load %arg6[%get3A_2152, %get3A_2153] {strides = array<i32>} : memref<100x64xf32, #tpu.memory_space<vmem>>, vector<1x16xf32>,
      %get3A_2155 = vector.shape_cast %get3A_2154 : vector<1x16xf32> to vector<16xf32>
      %add3A_2156 = arith.addf %add3A_2132, %get3A_2155 : vector<16xf32>
      %get3A_2157 = arith.constant 87 : i32
      %get3A_2158 = arith.index_cast %get3A_2157 : i32 to index
      %get3A_2159 = arith.constant 32 : index
      %get3A_2160 = tpu.vector_load %arg6[%get3A_2158, %get3A_2159] {strides = array<i32>} : memref<100x64xf32, #tpu.memory_space<vmem>>, vector<1x16xf32>,
      %get3A_2161 = vector.shape_cast %get3A_2160 : vector<1x16xf32> to vector<16xf32>
      %add3A_2162 = arith.addf %add3A_2138, %get3A_2161 : vector<16xf32>
      %get3A_2163 = arith.constant 87 : i32
      %get3A_2164 = arith.index_cast %get3A_2163 : i32 to index
      %get3A_2165 = arith.constant 48 : index
      %get3A_2166 = tpu.vector_load %arg6[%get3A_2164, %get3A_2165] {strides = array<i32>} : memref<100x64xf32, #tpu.memory_space<vmem>>, vector<1x16xf32>,
      %get3A_2167 = vector.shape_cast %get3A_2166 : vector<1x16xf32> to vector<16xf32>
      %add3A_2168 = arith.addf %add3A_2144, %get3A_2167 : vector<16xf32>
      %get3A_2169 = arith.constant 88 : i32
      %get3A_2170 = arith.index_cast %get3A_2169 : i32 to index
      %get3A_2171 = arith.constant 0 : index
      %get3A_2172 = tpu.vector_load %arg6[%get3A_2170, %get3A_2171] {strides = array<i32>} : memref<100x64xf32, #tpu.memory_space<vmem>>, vector<1x16xf32>,
      %get3A_2173 = vector.shape_cast %get3A_2172 : vector<1x16xf32> to vector<16xf32>
      %add3A_2174 = arith.addf %add3A_2150, %get3A_2173 : vector<16xf32>
      %get3A_2175 = arith.constant 88 : i32
      %get3A_2176 = arith.index_cast %get3A_2175 : i32 to index
      %get3A_2177 = arith.constant 16 : index
      %get3A_2178 = tpu.vector_load %arg6[%get3A_2176, %get3A_2177] {strides = array<i32>} : memref<100x64xf32, #tpu.memory_space<vmem>>, vector<1x16xf32>,
      %get3A_2179 = vector.shape_cast %get3A_2178 : vector<1x16xf32> to vector<16xf32>
      %add3A_2180 = arith.addf %add3A_2156, %get3A_2179 : vector<16xf32>
      %get3A_2181 = arith.constant 88 : i32
      %get3A_2182 = arith.index_cast %get3A_2181 : i32 to index
      %get3A_2183 = arith.constant 32 : index
      %get3A_2184 = tpu.vector_load %arg6[%get3A_2182, %get3A_2183] {strides = array<i32>} : memref<100x64xf32, #tpu.memory_space<vmem>>, vector<1x16xf32>,
      %get3A_2185 = vector.shape_cast %get3A_2184 : vector<1x16xf32> to vector<16xf32>
      %add3A_2186 = arith.addf %add3A_2162, %get3A_2185 : vector<16xf32>
      %get3A_2187 = arith.constant 88 : i32
      %get3A_2188 = arith.index_cast %get3A_2187 : i32 to index
      %get3A_2189 = arith.constant 48 : index
      %get3A_2190 = tpu.vector_load %arg6[%get3A_2188, %get3A_2189] {strides = array<i32>} : memref<100x64xf32, #tpu.memory_space<vmem>>, vector<1x16xf32>,
      %get3A_2191 = vector.shape_cast %get3A_2190 : vector<1x16xf32> to vector<16xf32>
      %add3A_2192 = arith.addf %add3A_2168, %get3A_2191 : vector<16xf32>
      %get3A_2193 = arith.constant 89 : i32
      %get3A_2194 = arith.index_cast %get3A_2193 : i32 to index
      %get3A_2195 = arith.constant 0 : index
      %get3A_2196 = tpu.vector_load %arg6[%get3A_2194, %get3A_2195] {strides = array<i32>} : memref<100x64xf32, #tpu.memory_space<vmem>>, vector<1x16xf32>,
      %get3A_2197 = vector.shape_cast %get3A_2196 : vector<1x16xf32> to vector<16xf32>
      %add3A_2198 = arith.addf %add3A_2174, %get3A_2197 : vector<16xf32>
      %get3A_2199 = arith.constant 89 : i32
      %get3A_2200 = arith.index_cast %get3A_2199 : i32 to index
      %get3A_2201 = arith.constant 16 : index
      %get3A_2202 = tpu.vector_load %arg6[%get3A_2200, %get3A_2201] {strides = array<i32>} : memref<100x64xf32, #tpu.memory_space<vmem>>, vector<1x16xf32>,
      %get3A_2203 = vector.shape_cast %get3A_2202 : vector<1x16xf32> to vector<16xf32>
      %add3A_2204 = arith.addf %add3A_2180, %get3A_2203 : vector<16xf32>
      %get3A_2205 = arith.constant 89 : i32
      %get3A_2206 = arith.index_cast %get3A_2205 : i32 to index
      %get3A_2207 = arith.constant 32 : index
      %get3A_2208 = tpu.vector_load %arg6[%get3A_2206, %get3A_2207] {strides = array<i32>} : memref<100x64xf32, #tpu.memory_space<vmem>>, vector<1x16xf32>,
      %get3A_2209 = vector.shape_cast %get3A_2208 : vector<1x16xf32> to vector<16xf32>
      %add3A_2210 = arith.addf %add3A_2186, %get3A_2209 : vector<16xf32>
      %get3A_2211 = arith.constant 89 : i32
      %get3A_2212 = arith.index_cast %get3A_2211 : i32 to index
      %get3A_2213 = arith.constant 48 : index
      %get3A_2214 = tpu.vector_load %arg6[%get3A_2212, %get3A_2213] {strides = array<i32>} : memref<100x64xf32, #tpu.memory_space<vmem>>, vector<1x16xf32>,
      %get3A_2215 = vector.shape_cast %get3A_2214 : vector<1x16xf32> to vector<16xf32>
      %add3A_2216 = arith.addf %add3A_2192, %get3A_2215 : vector<16xf32>
      %get3A_2217 = arith.constant 90 : i32
      %get3A_2218 = arith.index_cast %get3A_2217 : i32 to index
      %get3A_2219 = arith.constant 0 : index
      %get3A_2220 = tpu.vector_load %arg6[%get3A_2218, %get3A_2219] {strides = array<i32>} : memref<100x64xf32, #tpu.memory_space<vmem>>, vector<1x16xf32>,
      %get3A_2221 = vector.shape_cast %get3A_2220 : vector<1x16xf32> to vector<16xf32>
      %add3A_2222 = arith.addf %add3A_2198, %get3A_2221 : vector<16xf32>
      %get3A_2223 = arith.constant 90 : i32
      %get3A_2224 = arith.index_cast %get3A_2223 : i32 to index
      %get3A_2225 = arith.constant 16 : index
      %get3A_2226 = tpu.vector_load %arg6[%get3A_2224, %get3A_2225] {strides = array<i32>} : memref<100x64xf32, #tpu.memory_space<vmem>>, vector<1x16xf32>,
      %get3A_2227 = vector.shape_cast %get3A_2226 : vector<1x16xf32> to vector<16xf32>
      %add3A_2228 = arith.addf %add3A_2204, %get3A_2227 : vector<16xf32>
      %get3A_2229 = arith.constant 90 : i32
      %get3A_2230 = arith.index_cast %get3A_2229 : i32 to index
      %get3A_2231 = arith.constant 32 : index
      %get3A_2232 = tpu.vector_load %arg6[%get3A_2230, %get3A_2231] {strides = array<i32>} : memref<100x64xf32, #tpu.memory_space<vmem>>, vector<1x16xf32>,
      %get3A_2233 = vector.shape_cast %get3A_2232 : vector<1x16xf32> to vector<16xf32>
      %add3A_2234 = arith.addf %add3A_2210, %get3A_2233 : vector<16xf32>
      %get3A_2235 = arith.constant 90 : i32
      %get3A_2236 = arith.index_cast %get3A_2235 : i32 to index
      %get3A_2237 = arith.constant 48 : index
      %get3A_2238 = tpu.vector_load %arg6[%get3A_2236, %get3A_2237] {strides = array<i32>} : memref<100x64xf32, #tpu.memory_space<vmem>>, vector<1x16xf32>,
      %get3A_2239 = vector.shape_cast %get3A_2238 : vector<1x16xf32> to vector<16xf32>
      %add3A_2240 = arith.addf %add3A_2216, %get3A_2239 : vector<16xf32>
      %get3A_2241 = arith.constant 91 : i32
      %get3A_2242 = arith.index_cast %get3A_2241 : i32 to index
      %get3A_2243 = arith.constant 0 : index
      %get3A_2244 = tpu.vector_load %arg6[%get3A_2242, %get3A_2243] {strides = array<i32>} : memref<100x64xf32, #tpu.memory_space<vmem>>, vector<1x16xf32>,
      %get3A_2245 = vector.shape_cast %get3A_2244 : vector<1x16xf32> to vector<16xf32>
      %add3A_2246 = arith.addf %add3A_2222, %get3A_2245 : vector<16xf32>
      %get3A_2247 = arith.constant 91 : i32
      %get3A_2248 = arith.index_cast %get3A_2247 : i32 to index
      %get3A_2249 = arith.constant 16 : index
      %get3A_2250 = tpu.vector_load %arg6[%get3A_2248, %get3A_2249] {strides = array<i32>} : memref<100x64xf32, #tpu.memory_space<vmem>>, vector<1x16xf32>,
      %get3A_2251 = vector.shape_cast %get3A_2250 : vector<1x16xf32> to vector<16xf32>
      %add3A_2252 = arith.addf %add3A_2228, %get3A_2251 : vector<16xf32>
      %get3A_2253 = arith.constant 91 : i32
      %get3A_2254 = arith.index_cast %get3A_2253 : i32 to index
      %get3A_2255 = arith.constant 32 : index
      %get3A_2256 = tpu.vector_load %arg6[%get3A_2254, %get3A_2255] {strides = array<i32>} : memref<100x64xf32, #tpu.memory_space<vmem>>, vector<1x16xf32>,
      %get3A_2257 = vector.shape_cast %get3A_2256 : vector<1x16xf32> to vector<16xf32>
      %add3A_2258 = arith.addf %add3A_2234, %get3A_2257 : vector<16xf32>
      %get3A_2259 = arith.constant 91 : i32
      %get3A_2260 = arith.index_cast %get3A_2259 : i32 to index
      %get3A_2261 = arith.constant 48 : index
      %get3A_2262 = tpu.vector_load %arg6[%get3A_2260, %get3A_2261] {strides = array<i32>} : memref<100x64xf32, #tpu.memory_space<vmem>>, vector<1x16xf32>,
      %get3A_2263 = vector.shape_cast %get3A_2262 : vector<1x16xf32> to vector<16xf32>
      %add3A_2264 = arith.addf %add3A_2240, %get3A_2263 : vector<16xf32>
      %get3A_2265 = arith.constant 92 : i32
      %get3A_2266 = arith.index_cast %get3A_2265 : i32 to index
      %get3A_2267 = arith.constant 0 : index
      %get3A_2268 = tpu.vector_load %arg6[%get3A_2266, %get3A_2267] {strides = array<i32>} : memref<100x64xf32, #tpu.memory_space<vmem>>, vector<1x16xf32>,
      %get3A_2269 = vector.shape_cast %get3A_2268 : vector<1x16xf32> to vector<16xf32>
      %add3A_2270 = arith.addf %add3A_2246, %get3A_2269 : vector<16xf32>
      %get3A_2271 = arith.constant 92 : i32
      %get3A_2272 = arith.index_cast %get3A_2271 : i32 to index
      %get3A_2273 = arith.constant 16 : index
      %get3A_2274 = tpu.vector_load %arg6[%get3A_2272, %get3A_2273] {strides = array<i32>} : memref<100x64xf32, #tpu.memory_space<vmem>>, vector<1x16xf32>,
      %get3A_2275 = vector.shape_cast %get3A_2274 : vector<1x16xf32> to vector<16xf32>
      %add3A_2276 = arith.addf %add3A_2252, %get3A_2275 : vector<16xf32>
      %get3A_2277 = arith.constant 92 : i32
      %get3A_2278 = arith.index_cast %get3A_2277 : i32 to index
      %get3A_2279 = arith.constant 32 : index
      %get3A_2280 = tpu.vector_load %arg6[%get3A_2278, %get3A_2279] {strides = array<i32>} : memref<100x64xf32, #tpu.memory_space<vmem>>, vector<1x16xf32>,
      %get3A_2281 = vector.shape_cast %get3A_2280 : vector<1x16xf32> to vector<16xf32>
      %add3A_2282 = arith.addf %add3A_2258, %get3A_2281 : vector<16xf32>
      %get3A_2283 = arith.constant 92 : i32
      %get3A_2284 = arith.index_cast %get3A_2283 : i32 to index
      %get3A_2285 = arith.constant 48 : index
      %get3A_2286 = tpu.vector_load %arg6[%get3A_2284, %get3A_2285] {strides = array<i32>} : memref<100x64xf32, #tpu.memory_space<vmem>>, vector<1x16xf32>,
      %get3A_2287 = vector.shape_cast %get3A_2286 : vector<1x16xf32> to vector<16xf32>
      %add3A_2288 = arith.addf %add3A_2264, %get3A_2287 : vector<16xf32>
      %get3A_2289 = arith.constant 93 : i32
      %get3A_2290 = arith.index_cast %get3A_2289 : i32 to index
      %get3A_2291 = arith.constant 0 : index
      %get3A_2292 = tpu.vector_load %arg6[%get3A_2290, %get3A_2291] {strides = array<i32>} : memref<100x64xf32, #tpu.memory_space<vmem>>, vector<1x16xf32>,
      %get3A_2293 = vector.shape_cast %get3A_2292 : vector<1x16xf32> to vector<16xf32>
      %add3A_2294 = arith.addf %add3A_2270, %get3A_2293 : vector<16xf32>
      %get3A_2295 = arith.constant 93 : i32
      %get3A_2296 = arith.index_cast %get3A_2295 : i32 to index
      %get3A_2297 = arith.constant 16 : index
      %get3A_2298 = tpu.vector_load %arg6[%get3A_2296, %get3A_2297] {strides = array<i32>} : memref<100x64xf32, #tpu.memory_space<vmem>>, vector<1x16xf32>,
      %get3A_2299 = vector.shape_cast %get3A_2298 : vector<1x16xf32> to vector<16xf32>
      %add3A_2300 = arith.addf %add3A_2276, %get3A_2299 : vector<16xf32>
      %get3A_2301 = arith.constant 93 : i32
      %get3A_2302 = arith.index_cast %get3A_2301 : i32 to index
      %get3A_2303 = arith.constant 32 : index
      %get3A_2304 = tpu.vector_load %arg6[%get3A_2302, %get3A_2303] {strides = array<i32>} : memref<100x64xf32, #tpu.memory_space<vmem>>, vector<1x16xf32>,
      %get3A_2305 = vector.shape_cast %get3A_2304 : vector<1x16xf32> to vector<16xf32>
      %add3A_2306 = arith.addf %add3A_2282, %get3A_2305 : vector<16xf32>
      %get3A_2307 = arith.constant 93 : i32
      %get3A_2308 = arith.index_cast %get3A_2307 : i32 to index
      %get3A_2309 = arith.constant 48 : index
      %get3A_2310 = tpu.vector_load %arg6[%get3A_2308, %get3A_2309] {strides = array<i32>} : memref<100x64xf32, #tpu.memory_space<vmem>>, vector<1x16xf32>,
      %get3A_2311 = vector.shape_cast %get3A_2310 : vector<1x16xf32> to vector<16xf32>
      %add3A_2312 = arith.addf %add3A_2288, %get3A_2311 : vector<16xf32>
      %get3A_2313 = arith.constant 94 : i32
      %get3A_2314 = arith.index_cast %get3A_2313 : i32 to index
      %get3A_2315 = arith.constant 0 : index
      %get3A_2316 = tpu.vector_load %arg6[%get3A_2314, %get3A_2315] {strides = array<i32>} : memref<100x64xf32, #tpu.memory_space<vmem>>, vector<1x16xf32>,
      %get3A_2317 = vector.shape_cast %get3A_2316 : vector<1x16xf32> to vector<16xf32>
      %add3A_2318 = arith.addf %add3A_2294, %get3A_2317 : vector<16xf32>
      %get3A_2319 = arith.constant 94 : i32
      %get3A_2320 = arith.index_cast %get3A_2319 : i32 to index
      %get3A_2321 = arith.constant 16 : index
      %get3A_2322 = tpu.vector_load %arg6[%get3A_2320, %get3A_2321] {strides = array<i32>} : memref<100x64xf32, #tpu.memory_space<vmem>>, vector<1x16xf32>,
      %get3A_2323 = vector.shape_cast %get3A_2322 : vector<1x16xf32> to vector<16xf32>
      %add3A_2324 = arith.addf %add3A_2300, %get3A_2323 : vector<16xf32>
      %get3A_2325 = arith.constant 94 : i32
      %get3A_2326 = arith.index_cast %get3A_2325 : i32 to index
      %get3A_2327 = arith.constant 32 : index
      %get3A_2328 = tpu.vector_load %arg6[%get3A_2326, %get3A_2327] {strides = array<i32>} : memref<100x64xf32, #tpu.memory_space<vmem>>, vector<1x16xf32>,
      %get3A_2329 = vector.shape_cast %get3A_2328 : vector<1x16xf32> to vector<16xf32>
      %add3A_2330 = arith.addf %add3A_2306, %get3A_2329 : vector<16xf32>
      %get3A_2331 = arith.constant 94 : i32
      %get3A_2332 = arith.index_cast %get3A_2331 : i32 to index
      %get3A_2333 = arith.constant 48 : index
      %get3A_2334 = tpu.vector_load %arg6[%get3A_2332, %get3A_2333] {strides = array<i32>} : memref<100x64xf32, #tpu.memory_space<vmem>>, vector<1x16xf32>,
      %get3A_2335 = vector.shape_cast %get3A_2334 : vector<1x16xf32> to vector<16xf32>
      %add3A_2336 = arith.addf %add3A_2312, %get3A_2335 : vector<16xf32>
      %get3A_2337 = arith.constant 95 : i32
      %get3A_2338 = arith.index_cast %get3A_2337 : i32 to index
      %get3A_2339 = arith.constant 0 : index
      %get3A_2340 = tpu.vector_load %arg6[%get3A_2338, %get3A_2339] {strides = array<i32>} : memref<100x64xf32, #tpu.memory_space<vmem>>, vector<1x16xf32>,
      %get3A_2341 = vector.shape_cast %get3A_2340 : vector<1x16xf32> to vector<16xf32>
      %add3A_2342 = arith.addf %add3A_2318, %get3A_2341 : vector<16xf32>
      %get3A_2343 = arith.constant 95 : i32
      %get3A_2344 = arith.index_cast %get3A_2343 : i32 to index
      %get3A_2345 = arith.constant 16 : index
      %get3A_2346 = tpu.vector_load %arg6[%get3A_2344, %get3A_2345] {strides = array<i32>} : memref<100x64xf32, #tpu.memory_space<vmem>>, vector<1x16xf32>,
      %get3A_2347 = vector.shape_cast %get3A_2346 : vector<1x16xf32> to vector<16xf32>
      %add3A_2348 = arith.addf %add3A_2324, %get3A_2347 : vector<16xf32>
      %get3A_2349 = arith.constant 95 : i32
      %get3A_2350 = arith.index_cast %get3A_2349 : i32 to index
      %get3A_2351 = arith.constant 32 : index
      %get3A_2352 = tpu.vector_load %arg6[%get3A_2350, %get3A_2351] {strides = array<i32>} : memref<100x64xf32, #tpu.memory_space<vmem>>, vector<1x16xf32>,
      %get3A_2353 = vector.shape_cast %get3A_2352 : vector<1x16xf32> to vector<16xf32>
      %add3A_2354 = arith.addf %add3A_2330, %get3A_2353 : vector<16xf32>
      %get3A_2355 = arith.constant 95 : i32
      %get3A_2356 = arith.index_cast %get3A_2355 : i32 to index
      %get3A_2357 = arith.constant 48 : index
      %get3A_2358 = tpu.vector_load %arg6[%get3A_2356, %get3A_2357] {strides = array<i32>} : memref<100x64xf32, #tpu.memory_space<vmem>>, vector<1x16xf32>,
      %get3A_2359 = vector.shape_cast %get3A_2358 : vector<1x16xf32> to vector<16xf32>
      %add3A_2360 = arith.addf %add3A_2336, %get3A_2359 : vector<16xf32>
      %get3A_2361 = arith.constant 96 : i32
      %get3A_2362 = arith.index_cast %get3A_2361 : i32 to index
      %get3A_2363 = arith.constant 0 : index
      %get3A_2364 = tpu.vector_load %arg6[%get3A_2362, %get3A_2363] {strides = array<i32>} : memref<100x64xf32, #tpu.memory_space<vmem>>, vector<1x16xf32>,
      %get3A_2365 = vector.shape_cast %get3A_2364 : vector<1x16xf32> to vector<16xf32>
      %add3A_2366 = arith.addf %add3A_2342, %get3A_2365 : vector<16xf32>
      %get3A_2367 = arith.constant 96 : i32
      %get3A_2368 = arith.index_cast %get3A_2367 : i32 to index
      %get3A_2369 = arith.constant 16 : index
      %get3A_2370 = tpu.vector_load %arg6[%get3A_2368, %get3A_2369] {strides = array<i32>} : memref<100x64xf32, #tpu.memory_space<vmem>>, vector<1x16xf32>,
      %get3A_2371 = vector.shape_cast %get3A_2370 : vector<1x16xf32> to vector<16xf32>
      %add3A_2372 = arith.addf %add3A_2348, %get3A_2371 : vector<16xf32>
      %get3A_2373 = arith.constant 96 : i32
      %get3A_2374 = arith.index_cast %get3A_2373 : i32 to index
      %get3A_2375 = arith.constant 32 : index
      %get3A_2376 = tpu.vector_load %arg6[%get3A_2374, %get3A_2375] {strides = array<i32>} : memref<100x64xf32, #tpu.memory_space<vmem>>, vector<1x16xf32>,
      %get3A_2377 = vector.shape_cast %get3A_2376 : vector<1x16xf32> to vector<16xf32>
      %add3A_2378 = arith.addf %add3A_2354, %get3A_2377 : vector<16xf32>
      %get3A_2379 = arith.constant 96 : i32
      %get3A_2380 = arith.index_cast %get3A_2379 : i32 to index
      %get3A_2381 = arith.constant 48 : index
      %get3A_2382 = tpu.vector_load %arg6[%get3A_2380, %get3A_2381] {strides = array<i32>} : memref<100x64xf32, #tpu.memory_space<vmem>>, vector<1x16xf32>,
      %get3A_2383 = vector.shape_cast %get3A_2382 : vector<1x16xf32> to vector<16xf32>
      %add3A_2384 = arith.addf %add3A_2360, %get3A_2383 : vector<16xf32>
      %get3A_2385 = arith.constant 97 : i32
      %get3A_2386 = arith.index_cast %get3A_2385 : i32 to index
      %get3A_2387 = arith.constant 0 : index
      %get3A_2388 = tpu.vector_load %arg6[%get3A_2386, %get3A_2387] {strides = array<i32>} : memref<100x64xf32, #tpu.memory_space<vmem>>, vector<1x16xf32>,
      %get3A_2389 = vector.shape_cast %get3A_2388 : vector<1x16xf32> to vector<16xf32>
      %add3A_2390 = arith.addf %add3A_2366, %get3A_2389 : vector<16xf32>
      %get3A_2391 = arith.constant 97 : i32
      %get3A_2392 = arith.index_cast %get3A_2391 : i32 to index
      %get3A_2393 = arith.constant 16 : index
      %get3A_2394 = tpu.vector_load %arg6[%get3A_2392, %get3A_2393] {strides = array<i32>} : memref<100x64xf32, #tpu.memory_space<vmem>>, vector<1x16xf32>,
      %get3A_2395 = vector.shape_cast %get3A_2394 : vector<1x16xf32> to vector<16xf32>
      %add3A_2396 = arith.addf %add3A_2372, %get3A_2395 : vector<16xf32>
      %get3A_2397 = arith.constant 97 : i32
      %get3A_2398 = arith.index_cast %get3A_2397 : i32 to index
      %get3A_2399 = arith.constant 32 : index
      %get3A_2400 = tpu.vector_load %arg6[%get3A_2398, %get3A_2399] {strides = array<i32>} : memref<100x64xf32, #tpu.memory_space<vmem>>, vector<1x16xf32>,
      %get3A_2401 = vector.shape_cast %get3A_2400 : vector<1x16xf32> to vector<16xf32>
      %add3A_2402 = arith.addf %add3A_2378, %get3A_2401 : vector<16xf32>
      %get3A_2403 = arith.constant 97 : i32
      %get3A_2404 = arith.index_cast %get3A_2403 : i32 to index
      %get3A_2405 = arith.constant 48 : index
      %get3A_2406 = tpu.vector_load %arg6[%get3A_2404, %get3A_2405] {strides = array<i32>} : memref<100x64xf32, #tpu.memory_space<vmem>>, vector<1x16xf32>,
      %get3A_2407 = vector.shape_cast %get3A_2406 : vector<1x16xf32> to vector<16xf32>
      %add3A_2408 = arith.addf %add3A_2384, %get3A_2407 : vector<16xf32>
      %get3A_2409 = arith.constant 98 : i32
      %get3A_2410 = arith.index_cast %get3A_2409 : i32 to index
      %get3A_2411 = arith.constant 0 : index
      %get3A_2412 = tpu.vector_load %arg6[%get3A_2410, %get3A_2411] {strides = array<i32>} : memref<100x64xf32, #tpu.memory_space<vmem>>, vector<1x16xf32>,
      %get3A_2413 = vector.shape_cast %get3A_2412 : vector<1x16xf32> to vector<16xf32>
      %add3A_2414 = arith.addf %add3A_2390, %get3A_2413 : vector<16xf32>
      %get3A_2415 = arith.constant 98 : i32
      %get3A_2416 = arith.index_cast %get3A_2415 : i32 to index
      %get3A_2417 = arith.constant 16 : index
      %get3A_2418 = tpu.vector_load %arg6[%get3A_2416, %get3A_2417] {strides = array<i32>} : memref<100x64xf32, #tpu.memory_space<vmem>>, vector<1x16xf32>,
      %get3A_2419 = vector.shape_cast %get3A_2418 : vector<1x16xf32> to vector<16xf32>
      %add3A_2420 = arith.addf %add3A_2396, %get3A_2419 : vector<16xf32>
      %get3A_2421 = arith.constant 98 : i32
      %get3A_2422 = arith.index_cast %get3A_2421 : i32 to index
      %get3A_2423 = arith.constant 32 : index
      %get3A_2424 = tpu.vector_load %arg6[%get3A_2422, %get3A_2423] {strides = array<i32>} : memref<100x64xf32, #tpu.memory_space<vmem>>, vector<1x16xf32>,
      %get3A_2425 = vector.shape_cast %get3A_2424 : vector<1x16xf32> to vector<16xf32>
      %add3A_2426 = arith.addf %add3A_2402, %get3A_2425 : vector<16xf32>
      %get3A_2427 = arith.constant 98 : i32
      %get3A_2428 = arith.index_cast %get3A_2427 : i32 to index
      %get3A_2429 = arith.constant 48 : index
      %get3A_2430 = tpu.vector_load %arg6[%get3A_2428, %get3A_2429] {strides = array<i32>} : memref<100x64xf32, #tpu.memory_space<vmem>>, vector<1x16xf32>,
      %get3A_2431 = vector.shape_cast %get3A_2430 : vector<1x16xf32> to vector<16xf32>
      %add3A_2432 = arith.addf %add3A_2408, %get3A_2431 : vector<16xf32>
      %get3A_2433 = arith.constant 99 : i32
      %get3A_2434 = arith.index_cast %get3A_2433 : i32 to index
      %get3A_2435 = arith.constant 0 : index
      %get3A_2436 = tpu.vector_load %arg6[%get3A_2434, %get3A_2435] {strides = array<i32>} : memref<100x64xf32, #tpu.memory_space<vmem>>, vector<1x16xf32>,
      %get3A_2437 = vector.shape_cast %get3A_2436 : vector<1x16xf32> to vector<16xf32>
      %add3A_2438 = arith.addf %add3A_2414, %get3A_2437 : vector<16xf32>
      %get3A_2439 = arith.constant 99 : i32
      %get3A_2440 = arith.index_cast %get3A_2439 : i32 to index
      %get3A_2441 = arith.constant 16 : index
      %get3A_2442 = tpu.vector_load %arg6[%get3A_2440, %get3A_2441] {strides = array<i32>} : memref<100x64xf32, #tpu.memory_space<vmem>>, vector<1x16xf32>,
      %get3A_2443 = vector.shape_cast %get3A_2442 : vector<1x16xf32> to vector<16xf32>
      %add3A_2444 = arith.addf %add3A_2420, %get3A_2443 : vector<16xf32>
      %get3A_2445 = arith.constant 99 : i32
      %get3A_2446 = arith.index_cast %get3A_2445 : i32 to index
      %get3A_2447 = arith.constant 32 : index
      %get3A_2448 = tpu.vector_load %arg6[%get3A_2446, %get3A_2447] {strides = array<i32>} : memref<100x64xf32, #tpu.memory_space<vmem>>, vector<1x16xf32>,
      %get3A_2449 = vector.shape_cast %get3A_2448 : vector<1x16xf32> to vector<16xf32>
      %add3A_2450 = arith.addf %add3A_2426, %get3A_2449 : vector<16xf32>
      %get3A_2451 = arith.constant 99 : i32
      %get3A_2452 = arith.index_cast %get3A_2451 : i32 to index
      %get3A_2453 = arith.constant 48 : index
      %get3A_2454 = tpu.vector_load %arg6[%get3A_2452, %get3A_2453] {strides = array<i32>} : memref<100x64xf32, #tpu.memory_space<vmem>>, vector<1x16xf32>,
      %get3A_2455 = vector.shape_cast %get3A_2454 : vector<1x16xf32> to vector<16xf32>
      %add3A_2456 = arith.addf %add3A_2432, %get3A_2455 : vector<16xf32>
      %mul3A_2457 = arith.constant 2 : i32
      %mul3A_2458 = arith.muli %add3A_29, %mul3A_2457 : i32
      %add3A_2459 = arith.constant 1 : i32
      %add3A_2460 = arith.addi %mul3A_2458, %add3A_2459 : i32
      %mul3A_2461 = vector.broadcast %scan3A : f32 to vector<16xf32>
      %mul3A_2462 = arith.mulf %add3A_2438, %mul3A_2461 : vector<16xf32>
      %swap3A_2463 = arith.index_cast %add3A_2460 : i32 to index
      %swap3A_2464 = arith.constant 0 : index
      %swap3A_2465 = tpu.vector_load %arg8[%swap3A_2463, %swap3A_2464] {strides = array<i32>} : memref<512x64xf32, #tpu.memory_space<vmem>>, vector<1x16xf32>,
      %swap3A_2466 = vector.shape_cast %swap3A_2465 : vector<1x16xf32> to vector<16xf32>
      %swap3A_2467 = vector.shape_cast %mul3A_2462 : vector<16xf32> to vector<1x16xf32>
      tpu.vector_store %arg8[%swap3A_2463, %swap3A_2464], %swap3A_2467 {strides = array<i32>} : memref<512x64xf32, #tpu.memory_space<vmem>>, vector<1x16xf32>,
      %mul3A_2468 = vector.broadcast %scan3A : f32 to vector<16xf32>
      %mul3A_2469 = arith.mulf %add3A_2444, %mul3A_2468 : vector<16xf32>
      %swap3A_2470 = arith.index_cast %add3A_2460 : i32 to index
      %swap3A_2471 = arith.constant 16 : index
      %swap3A_2472 = tpu.vector_load %arg8[%swap3A_2470, %swap3A_2471] {strides = array<i32>} : memref<512x64xf32, #tpu.memory_space<vmem>>, vector<1x16xf32>,
      %swap3A_2473 = vector.shape_cast %swap3A_2472 : vector<1x16xf32> to vector<16xf32>
      %swap3A_2474 = vector.shape_cast %mul3A_2469 : vector<16xf32> to vector<1x16xf32>
      tpu.vector_store %arg8[%swap3A_2470, %swap3A_2471], %swap3A_2474 {strides = array<i32>} : memref<512x64xf32, #tpu.memory_space<vmem>>, vector<1x16xf32>,
      %mul3A_2475 = vector.broadcast %scan3A : f32 to vector<16xf32>
      %mul3A_2476 = arith.mulf %add3A_2450, %mul3A_2475 : vector<16xf32>
      %swap3A_2477 = arith.index_cast %add3A_2460 : i32 to index
      %swap3A_2478 = arith.constant 32 : index
      %swap3A_2479 = tpu.vector_load %arg8[%swap3A_2477, %swap3A_2478] {strides = array<i32>} : memref<512x64xf32, #tpu.memory_space<vmem>>, vector<1x16xf32>,
      %swap3A_2480 = vector.shape_cast %swap3A_2479 : vector<1x16xf32> to vector<16xf32>
      %swap3A_2481 = vector.shape_cast %mul3A_2476 : vector<16xf32> to vector<1x16xf32>
      tpu.vector_store %arg8[%swap3A_2477, %swap3A_2478], %swap3A_2481 {strides = array<i32>} : memref<512x64xf32, #tpu.memory_space<vmem>>, vector<1x16xf32>,
      %mul3A_2482 = vector.broadcast %scan3A : f32 to vector<16xf32>
      %mul3A_2483 = arith.mulf %add3A_2456, %mul3A_2482 : vector<16xf32>
      %swap3A_2484 = arith.index_cast %add3A_2460 : i32 to index
      %swap3A_2485 = arith.constant 48 : index
      %swap3A_2486 = tpu.vector_load %arg8[%swap3A_2484, %swap3A_2485] {strides = array<i32>} : memref<512x64xf32, #tpu.memory_space<vmem>>, vector<1x16xf32>,
      %swap3A_2487 = vector.shape_cast %swap3A_2486 : vector<1x16xf32> to vector<16xf32>
      %swap3A_2488 = vector.shape_cast %mul3A_2483 : vector<16xf32> to vector<1x16xf32>
      tpu.vector_store %arg8[%swap3A_2484, %swap3A_2485], %swap3A_2488 {strides = array<i32>} : memref<512x64xf32, #tpu.memory_space<vmem>>, vector<1x16xf32>,
      %add3A_2489 = arith.constant 2 : i32
      %add3A_2490 = arith.addi %add3A_29, %add3A_2489 : i32
      %lt3A = arith.constant 256 : i32
      %lt3A_2491 = arith.cmpi slt, %add3A_2490, %lt3A : i32
      %convert_element_type3A = arith.extui %lt3A_2491 : i1 to i32
      %cond3A = arith.constant 0 : i32
      %cond3A_2492 = arith.cmpi ne, %convert_element_type3A, %cond3A : i32
      scf.if %cond3A_2492 {
        %dma_start3A_4966 = arith.constant 0 : i32
        %dma_start3A_4967 = tpu.memref_slice %arg5[%add3A_2490, %dma_start3A_4966] : memref<256x100xi32, #tpu.memory_space<vmem>> -> memref<1x100xi32, #tpu.memory_space<vmem>>
        %dma_start3A_4968 = tpu.memref_squeeze %dma_start3A_4967 : memref<1x100xi32, #tpu.memory_space<vmem>> -> memref<100xi32, #tpu.memory_space<vmem>>
        %dma_start3A_4969 = arith.constant 0 : i32
        %dma_start3A_4970 = arith.constant 0 : i32
        %dma_start3A_4971 = tpu.memref_slice %arg3[%dma_start3A_4969, %dma_start3A_4970] : memref<1000000x64xf32, #tpu.memory_space<hbm>> -> memref<1000000x64xf32, #tpu.memory_space<hbm>>
        tpu.enqueue_indirect_dma source(%dma_start3A_4971 : memref<1000000x64xf32, #tpu.memory_space<hbm>>) target(%arg6 : memref<100x64xf32, #tpu.memory_space<vmem>>) offsets(%dma_start3A_4968 : memref<100xi32, #tpu.memory_space<vmem>>) semaphore(%arg9 : memref<!tpu.dma_semaphore, #tpu.memory_space<semaphore_mem>>)
      } else {
      }
      %mul3A_2493 = arith.constant 2 : i32
      %mul3A_2494 = arith.muli %add3A_25, %mul3A_2493 : i32
      %add3A_2495 = arith.constant 1 : i32
      %add3A_2496 = arith.addi %mul3A_2494, %add3A_2495 : i32
      %dma_wait3A_2497 = arith.constant 0 : i32
      %dma_wait3A_2498 = tpu.memref_slice %arg5[%add3A_2496, %dma_wait3A_2497] : memref<256x100xi32, #tpu.memory_space<vmem>> -> memref<1x100xi32, #tpu.memory_space<vmem>>
      %dma_wait3A_2499 = tpu.memref_squeeze %dma_wait3A_2498 : memref<1x100xi32, #tpu.memory_space<vmem>> -> memref<100xi32, #tpu.memory_space<vmem>>
      %dma_wait3A_2500 = arith.constant 0 : i32
      %dma_wait3A_2501 = arith.constant 0 : i32
      %dma_wait3A_2502 = tpu.memref_slice %arg3[%dma_wait3A_2500, %dma_wait3A_2501] : memref<1000000x64xf32, #tpu.memory_space<hbm>> -> memref<1000000x64xf32, #tpu.memory_space<hbm>>
      tpu.wait_indirect_dma semaphore(%arg10 : memref<!tpu.dma_semaphore, #tpu.memory_space<semaphore_mem>>) src(%dma_wait3A_2502 : memref<1000000x64xf32, #tpu.memory_space<hbm>>) dst(%arg7 : memref<100x64xf32, #tpu.memory_space<vmem>>)
      %get3A_2503 = arith.constant 0 : i32
      %get3A_2504 = arith.index_cast %get3A_2503 : i32 to index
      %get3A_2505 = arith.constant 0 : index
      %get3A_2506 = tpu.vector_load %arg7[%get3A_2504, %get3A_2505] {strides = array<i32>} : memref<100x64xf32, #tpu.memory_space<vmem>>, vector<1x16xf32>,
      %get3A_2507 = vector.shape_cast %get3A_2506 : vector<1x16xf32> to vector<16xf32>
      %get3A_2508 = arith.constant 0 : i32
      %get3A_2509 = arith.index_cast %get3A_2508 : i32 to index
      %get3A_2510 = arith.constant 16 : index
      %get3A_2511 = tpu.vector_load %arg7[%get3A_2509, %get3A_2510] {strides = array<i32>} : memref<100x64xf32, #tpu.memory_space<vmem>>, vector<1x16xf32>,
      %get3A_2512 = vector.shape_cast %get3A_2511 : vector<1x16xf32> to vector<16xf32>
      %get3A_2513 = arith.constant 0 : i32
      %get3A_2514 = arith.index_cast %get3A_2513 : i32 to index
      %get3A_2515 = arith.constant 32 : index
      %get3A_2516 = tpu.vector_load %arg7[%get3A_2514, %get3A_2515] {strides = array<i32>} : memref<100x64xf32, #tpu.memory_space<vmem>>, vector<1x16xf32>,
      %get3A_2517 = vector.shape_cast %get3A_2516 : vector<1x16xf32> to vector<16xf32>
      %get3A_2518 = arith.constant 0 : i32
      %get3A_2519 = arith.index_cast %get3A_2518 : i32 to index
      %get3A_2520 = arith.constant 48 : index
      %get3A_2521 = tpu.vector_load %arg7[%get3A_2519, %get3A_2520] {strides = array<i32>} : memref<100x64xf32, #tpu.memory_space<vmem>>, vector<1x16xf32>,
      %get3A_2522 = vector.shape_cast %get3A_2521 : vector<1x16xf32> to vector<16xf32>
      %get3A_2523 = arith.constant 1 : i32
      %get3A_2524 = arith.index_cast %get3A_2523 : i32 to index
      %get3A_2525 = arith.constant 0 : index
      %get3A_2526 = tpu.vector_load %arg7[%get3A_2524, %get3A_2525] {strides = array<i32>} : memref<100x64xf32, #tpu.memory_space<vmem>>, vector<1x16xf32>,
      %get3A_2527 = vector.shape_cast %get3A_2526 : vector<1x16xf32> to vector<16xf32>
      %add3A_2528 = arith.addf %get3A_2507, %get3A_2527 : vector<16xf32>
      %get3A_2529 = arith.constant 1 : i32
      %get3A_2530 = arith.index_cast %get3A_2529 : i32 to index
      %get3A_2531 = arith.constant 16 : index
      %get3A_2532 = tpu.vector_load %arg7[%get3A_2530, %get3A_2531] {strides = array<i32>} : memref<100x64xf32, #tpu.memory_space<vmem>>, vector<1x16xf32>,
      %get3A_2533 = vector.shape_cast %get3A_2532 : vector<1x16xf32> to vector<16xf32>
      %add3A_2534 = arith.addf %get3A_2512, %get3A_2533 : vector<16xf32>
      %get3A_2535 = arith.constant 1 : i32
      %get3A_2536 = arith.index_cast %get3A_2535 : i32 to index
      %get3A_2537 = arith.constant 32 : index
      %get3A_2538 = tpu.vector_load %arg7[%get3A_2536, %get3A_2537] {strides = array<i32>} : memref<100x64xf32, #tpu.memory_space<vmem>>, vector<1x16xf32>,
      %get3A_2539 = vector.shape_cast %get3A_2538 : vector<1x16xf32> to vector<16xf32>
      %add3A_2540 = arith.addf %get3A_2517, %get3A_2539 : vector<16xf32>
      %get3A_2541 = arith.constant 1 : i32
      %get3A_2542 = arith.index_cast %get3A_2541 : i32 to index
      %get3A_2543 = arith.constant 48 : index
      %get3A_2544 = tpu.vector_load %arg7[%get3A_2542, %get3A_2543] {strides = array<i32>} : memref<100x64xf32, #tpu.memory_space<vmem>>, vector<1x16xf32>,
      %get3A_2545 = vector.shape_cast %get3A_2544 : vector<1x16xf32> to vector<16xf32>
      %add3A_2546 = arith.addf %get3A_2522, %get3A_2545 : vector<16xf32>
      %get3A_2547 = arith.constant 2 : i32
      %get3A_2548 = arith.index_cast %get3A_2547 : i32 to index
      %get3A_2549 = arith.constant 0 : index
      %get3A_2550 = tpu.vector_load %arg7[%get3A_2548, %get3A_2549] {strides = array<i32>} : memref<100x64xf32, #tpu.memory_space<vmem>>, vector<1x16xf32>,
      %get3A_2551 = vector.shape_cast %get3A_2550 : vector<1x16xf32> to vector<16xf32>
      %add3A_2552 = arith.addf %add3A_2528, %get3A_2551 : vector<16xf32>
      %get3A_2553 = arith.constant 2 : i32
      %get3A_2554 = arith.index_cast %get3A_2553 : i32 to index
      %get3A_2555 = arith.constant 16 : index
      %get3A_2556 = tpu.vector_load %arg7[%get3A_2554, %get3A_2555] {strides = array<i32>} : memref<100x64xf32, #tpu.memory_space<vmem>>, vector<1x16xf32>,
      %get3A_2557 = vector.shape_cast %get3A_2556 : vector<1x16xf32> to vector<16xf32>
      %add3A_2558 = arith.addf %add3A_2534, %get3A_2557 : vector<16xf32>
      %get3A_2559 = arith.constant 2 : i32
      %get3A_2560 = arith.index_cast %get3A_2559 : i32 to index
      %get3A_2561 = arith.constant 32 : index
      %get3A_2562 = tpu.vector_load %arg7[%get3A_2560, %get3A_2561] {strides = array<i32>} : memref<100x64xf32, #tpu.memory_space<vmem>>, vector<1x16xf32>,
      %get3A_2563 = vector.shape_cast %get3A_2562 : vector<1x16xf32> to vector<16xf32>
      %add3A_2564 = arith.addf %add3A_2540, %get3A_2563 : vector<16xf32>
      %get3A_2565 = arith.constant 2 : i32
      %get3A_2566 = arith.index_cast %get3A_2565 : i32 to index
      %get3A_2567 = arith.constant 48 : index
      %get3A_2568 = tpu.vector_load %arg7[%get3A_2566, %get3A_2567] {strides = array<i32>} : memref<100x64xf32, #tpu.memory_space<vmem>>, vector<1x16xf32>,
      %get3A_2569 = vector.shape_cast %get3A_2568 : vector<1x16xf32> to vector<16xf32>
      %add3A_2570 = arith.addf %add3A_2546, %get3A_2569 : vector<16xf32>
      %get3A_2571 = arith.constant 3 : i32
      %get3A_2572 = arith.index_cast %get3A_2571 : i32 to index
      %get3A_2573 = arith.constant 0 : index
      %get3A_2574 = tpu.vector_load %arg7[%get3A_2572, %get3A_2573] {strides = array<i32>} : memref<100x64xf32, #tpu.memory_space<vmem>>, vector<1x16xf32>,
      %get3A_2575 = vector.shape_cast %get3A_2574 : vector<1x16xf32> to vector<16xf32>
      %add3A_2576 = arith.addf %add3A_2552, %get3A_2575 : vector<16xf32>
      %get3A_2577 = arith.constant 3 : i32
      %get3A_2578 = arith.index_cast %get3A_2577 : i32 to index
      %get3A_2579 = arith.constant 16 : index
      %get3A_2580 = tpu.vector_load %arg7[%get3A_2578, %get3A_2579] {strides = array<i32>} : memref<100x64xf32, #tpu.memory_space<vmem>>, vector<1x16xf32>,
      %get3A_2581 = vector.shape_cast %get3A_2580 : vector<1x16xf32> to vector<16xf32>
      %add3A_2582 = arith.addf %add3A_2558, %get3A_2581 : vector<16xf32>
      %get3A_2583 = arith.constant 3 : i32
      %get3A_2584 = arith.index_cast %get3A_2583 : i32 to index
      %get3A_2585 = arith.constant 32 : index
      %get3A_2586 = tpu.vector_load %arg7[%get3A_2584, %get3A_2585] {strides = array<i32>} : memref<100x64xf32, #tpu.memory_space<vmem>>, vector<1x16xf32>,
      %get3A_2587 = vector.shape_cast %get3A_2586 : vector<1x16xf32> to vector<16xf32>
      %add3A_2588 = arith.addf %add3A_2564, %get3A_2587 : vector<16xf32>
      %get3A_2589 = arith.constant 3 : i32
      %get3A_2590 = arith.index_cast %get3A_2589 : i32 to index
      %get3A_2591 = arith.constant 48 : index
      %get3A_2592 = tpu.vector_load %arg7[%get3A_2590, %get3A_2591] {strides = array<i32>} : memref<100x64xf32, #tpu.memory_space<vmem>>, vector<1x16xf32>,
      %get3A_2593 = vector.shape_cast %get3A_2592 : vector<1x16xf32> to vector<16xf32>
      %add3A_2594 = arith.addf %add3A_2570, %get3A_2593 : vector<16xf32>
      %get3A_2595 = arith.constant 4 : i32
      %get3A_2596 = arith.index_cast %get3A_2595 : i32 to index
      %get3A_2597 = arith.constant 0 : index
      %get3A_2598 = tpu.vector_load %arg7[%get3A_2596, %get3A_2597] {strides = array<i32>} : memref<100x64xf32, #tpu.memory_space<vmem>>, vector<1x16xf32>,
      %get3A_2599 = vector.shape_cast %get3A_2598 : vector<1x16xf32> to vector<16xf32>
      %add3A_2600 = arith.addf %add3A_2576, %get3A_2599 : vector<16xf32>
      %get3A_2601 = arith.constant 4 : i32
      %get3A_2602 = arith.index_cast %get3A_2601 : i32 to index
      %get3A_2603 = arith.constant 16 : index
      %get3A_2604 = tpu.vector_load %arg7[%get3A_2602, %get3A_2603] {strides = array<i32>} : memref<100x64xf32, #tpu.memory_space<vmem>>, vector<1x16xf32>,
      %get3A_2605 = vector.shape_cast %get3A_2604 : vector<1x16xf32> to vector<16xf32>
      %add3A_2606 = arith.addf %add3A_2582, %get3A_2605 : vector<16xf32>
      %get3A_2607 = arith.constant 4 : i32
      %get3A_2608 = arith.index_cast %get3A_2607 : i32 to index
      %get3A_2609 = arith.constant 32 : index
      %get3A_2610 = tpu.vector_load %arg7[%get3A_2608, %get3A_2609] {strides = array<i32>} : memref<100x64xf32, #tpu.memory_space<vmem>>, vector<1x16xf32>,
      %get3A_2611 = vector.shape_cast %get3A_2610 : vector<1x16xf32> to vector<16xf32>
      %add3A_2612 = arith.addf %add3A_2588, %get3A_2611 : vector<16xf32>
      %get3A_2613 = arith.constant 4 : i32
      %get3A_2614 = arith.index_cast %get3A_2613 : i32 to index
      %get3A_2615 = arith.constant 48 : index
      %get3A_2616 = tpu.vector_load %arg7[%get3A_2614, %get3A_2615] {strides = array<i32>} : memref<100x64xf32, #tpu.memory_space<vmem>>, vector<1x16xf32>,
      %get3A_2617 = vector.shape_cast %get3A_2616 : vector<1x16xf32> to vector<16xf32>
      %add3A_2618 = arith.addf %add3A_2594, %get3A_2617 : vector<16xf32>
      %get3A_2619 = arith.constant 5 : i32
      %get3A_2620 = arith.index_cast %get3A_2619 : i32 to index
      %get3A_2621 = arith.constant 0 : index
      %get3A_2622 = tpu.vector_load %arg7[%get3A_2620, %get3A_2621] {strides = array<i32>} : memref<100x64xf32, #tpu.memory_space<vmem>>, vector<1x16xf32>,
      %get3A_2623 = vector.shape_cast %get3A_2622 : vector<1x16xf32> to vector<16xf32>
      %add3A_2624 = arith.addf %add3A_2600, %get3A_2623 : vector<16xf32>
      %get3A_2625 = arith.constant 5 : i32
      %get3A_2626 = arith.index_cast %get3A_2625 : i32 to index
      %get3A_2627 = arith.constant 16 : index
      %get3A_2628 = tpu.vector_load %arg7[%get3A_2626, %get3A_2627] {strides = array<i32>} : memref<100x64xf32, #tpu.memory_space<vmem>>, vector<1x16xf32>,
      %get3A_2629 = vector.shape_cast %get3A_2628 : vector<1x16xf32> to vector<16xf32>
      %add3A_2630 = arith.addf %add3A_2606, %get3A_2629 : vector<16xf32>
      %get3A_2631 = arith.constant 5 : i32
      %get3A_2632 = arith.index_cast %get3A_2631 : i32 to index
      %get3A_2633 = arith.constant 32 : index
      %get3A_2634 = tpu.vector_load %arg7[%get3A_2632, %get3A_2633] {strides = array<i32>} : memref<100x64xf32, #tpu.memory_space<vmem>>, vector<1x16xf32>,
      %get3A_2635 = vector.shape_cast %get3A_2634 : vector<1x16xf32> to vector<16xf32>
      %add3A_2636 = arith.addf %add3A_2612, %get3A_2635 : vector<16xf32>
      %get3A_2637 = arith.constant 5 : i32
      %get3A_2638 = arith.index_cast %get3A_2637 : i32 to index
      %get3A_2639 = arith.constant 48 : index
      %get3A_2640 = tpu.vector_load %arg7[%get3A_2638, %get3A_2639] {strides = array<i32>} : memref<100x64xf32, #tpu.memory_space<vmem>>, vector<1x16xf32>,
      %get3A_2641 = vector.shape_cast %get3A_2640 : vector<1x16xf32> to vector<16xf32>
      %add3A_2642 = arith.addf %add3A_2618, %get3A_2641 : vector<16xf32>
      %get3A_2643 = arith.constant 6 : i32
      %get3A_2644 = arith.index_cast %get3A_2643 : i32 to index
      %get3A_2645 = arith.constant 0 : index
      %get3A_2646 = tpu.vector_load %arg7[%get3A_2644, %get3A_2645] {strides = array<i32>} : memref<100x64xf32, #tpu.memory_space<vmem>>, vector<1x16xf32>,
      %get3A_2647 = vector.shape_cast %get3A_2646 : vector<1x16xf32> to vector<16xf32>
      %add3A_2648 = arith.addf %add3A_2624, %get3A_2647 : vector<16xf32>
      %get3A_2649 = arith.constant 6 : i32
      %get3A_2650 = arith.index_cast %get3A_2649 : i32 to index
      %get3A_2651 = arith.constant 16 : index
      %get3A_2652 = tpu.vector_load %arg7[%get3A_2650, %get3A_2651] {strides = array<i32>} : memref<100x64xf32, #tpu.memory_space<vmem>>, vector<1x16xf32>,
      %get3A_2653 = vector.shape_cast %get3A_2652 : vector<1x16xf32> to vector<16xf32>
      %add3A_2654 = arith.addf %add3A_2630, %get3A_2653 : vector<16xf32>
      %get3A_2655 = arith.constant 6 : i32
      %get3A_2656 = arith.index_cast %get3A_2655 : i32 to index
      %get3A_2657 = arith.constant 32 : index
      %get3A_2658 = tpu.vector_load %arg7[%get3A_2656, %get3A_2657] {strides = array<i32>} : memref<100x64xf32, #tpu.memory_space<vmem>>, vector<1x16xf32>,
      %get3A_2659 = vector.shape_cast %get3A_2658 : vector<1x16xf32> to vector<16xf32>
      %add3A_2660 = arith.addf %add3A_2636, %get3A_2659 : vector<16xf32>
      %get3A_2661 = arith.constant 6 : i32
      %get3A_2662 = arith.index_cast %get3A_2661 : i32 to index
      %get3A_2663 = arith.constant 48 : index
      %get3A_2664 = tpu.vector_load %arg7[%get3A_2662, %get3A_2663] {strides = array<i32>} : memref<100x64xf32, #tpu.memory_space<vmem>>, vector<1x16xf32>,
      %get3A_2665 = vector.shape_cast %get3A_2664 : vector<1x16xf32> to vector<16xf32>
      %add3A_2666 = arith.addf %add3A_2642, %get3A_2665 : vector<16xf32>
      %get3A_2667 = arith.constant 7 : i32
      %get3A_2668 = arith.index_cast %get3A_2667 : i32 to index
      %get3A_2669 = arith.constant 0 : index
      %get3A_2670 = tpu.vector_load %arg7[%get3A_2668, %get3A_2669] {strides = array<i32>} : memref<100x64xf32, #tpu.memory_space<vmem>>, vector<1x16xf32>,
      %get3A_2671 = vector.shape_cast %get3A_2670 : vector<1x16xf32> to vector<16xf32>
      %add3A_2672 = arith.addf %add3A_2648, %get3A_2671 : vector<16xf32>
      %get3A_2673 = arith.constant 7 : i32
      %get3A_2674 = arith.index_cast %get3A_2673 : i32 to index
      %get3A_2675 = arith.constant 16 : index
      %get3A_2676 = tpu.vector_load %arg7[%get3A_2674, %get3A_2675] {strides = array<i32>} : memref<100x64xf32, #tpu.memory_space<vmem>>, vector<1x16xf32>,
      %get3A_2677 = vector.shape_cast %get3A_2676 : vector<1x16xf32> to vector<16xf32>
      %add3A_2678 = arith.addf %add3A_2654, %get3A_2677 : vector<16xf32>
      %get3A_2679 = arith.constant 7 : i32
      %get3A_2680 = arith.index_cast %get3A_2679 : i32 to index
      %get3A_2681 = arith.constant 32 : index
      %get3A_2682 = tpu.vector_load %arg7[%get3A_2680, %get3A_2681] {strides = array<i32>} : memref<100x64xf32, #tpu.memory_space<vmem>>, vector<1x16xf32>,
      %get3A_2683 = vector.shape_cast %get3A_2682 : vector<1x16xf32> to vector<16xf32>
      %add3A_2684 = arith.addf %add3A_2660, %get3A_2683 : vector<16xf32>
      %get3A_2685 = arith.constant 7 : i32
      %get3A_2686 = arith.index_cast %get3A_2685 : i32 to index
      %get3A_2687 = arith.constant 48 : index
      %get3A_2688 = tpu.vector_load %arg7[%get3A_2686, %get3A_2687] {strides = array<i32>} : memref<100x64xf32, #tpu.memory_space<vmem>>, vector<1x16xf32>,
      %get3A_2689 = vector.shape_cast %get3A_2688 : vector<1x16xf32> to vector<16xf32>
      %add3A_2690 = arith.addf %add3A_2666, %get3A_2689 : vector<16xf32>
      %get3A_2691 = arith.constant 8 : i32
      %get3A_2692 = arith.index_cast %get3A_2691 : i32 to index
      %get3A_2693 = arith.constant 0 : index
      %get3A_2694 = tpu.vector_load %arg7[%get3A_2692, %get3A_2693] {strides = array<i32>} : memref<100x64xf32, #tpu.memory_space<vmem>>, vector<1x16xf32>,
      %get3A_2695 = vector.shape_cast %get3A_2694 : vector<1x16xf32> to vector<16xf32>
      %add3A_2696 = arith.addf %add3A_2672, %get3A_2695 : vector<16xf32>
      %get3A_2697 = arith.constant 8 : i32
      %get3A_2698 = arith.index_cast %get3A_2697 : i32 to index
      %get3A_2699 = arith.constant 16 : index
      %get3A_2700 = tpu.vector_load %arg7[%get3A_2698, %get3A_2699] {strides = array<i32>} : memref<100x64xf32, #tpu.memory_space<vmem>>, vector<1x16xf32>,
      %get3A_2701 = vector.shape_cast %get3A_2700 : vector<1x16xf32> to vector<16xf32>
      %add3A_2702 = arith.addf %add3A_2678, %get3A_2701 : vector<16xf32>
      %get3A_2703 = arith.constant 8 : i32
      %get3A_2704 = arith.index_cast %get3A_2703 : i32 to index
      %get3A_2705 = arith.constant 32 : index
      %get3A_2706 = tpu.vector_load %arg7[%get3A_2704, %get3A_2705] {strides = array<i32>} : memref<100x64xf32, #tpu.memory_space<vmem>>, vector<1x16xf32>,
      %get3A_2707 = vector.shape_cast %get3A_2706 : vector<1x16xf32> to vector<16xf32>
      %add3A_2708 = arith.addf %add3A_2684, %get3A_2707 : vector<16xf32>
      %get3A_2709 = arith.constant 8 : i32
      %get3A_2710 = arith.index_cast %get3A_2709 : i32 to index
      %get3A_2711 = arith.constant 48 : index
      %get3A_2712 = tpu.vector_load %arg7[%get3A_2710, %get3A_2711] {strides = array<i32>} : memref<100x64xf32, #tpu.memory_space<vmem>>, vector<1x16xf32>,
      %get3A_2713 = vector.shape_cast %get3A_2712 : vector<1x16xf32> to vector<16xf32>
      %add3A_2714 = arith.addf %add3A_2690, %get3A_2713 : vector<16xf32>
      %get3A_2715 = arith.constant 9 : i32
      %get3A_2716 = arith.index_cast %get3A_2715 : i32 to index
      %get3A_2717 = arith.constant 0 : index
      %get3A_2718 = tpu.vector_load %arg7[%get3A_2716, %get3A_2717] {strides = array<i32>} : memref<100x64xf32, #tpu.memory_space<vmem>>, vector<1x16xf32>,
      %get3A_2719 = vector.shape_cast %get3A_2718 : vector<1x16xf32> to vector<16xf32>
      %add3A_2720 = arith.addf %add3A_2696, %get3A_2719 : vector<16xf32>
      %get3A_2721 = arith.constant 9 : i32
      %get3A_2722 = arith.index_cast %get3A_2721 : i32 to index
      %get3A_2723 = arith.constant 16 : index
      %get3A_2724 = tpu.vector_load %arg7[%get3A_2722, %get3A_2723] {strides = array<i32>} : memref<100x64xf32, #tpu.memory_space<vmem>>, vector<1x16xf32>,
      %get3A_2725 = vector.shape_cast %get3A_2724 : vector<1x16xf32> to vector<16xf32>
      %add3A_2726 = arith.addf %add3A_2702, %get3A_2725 : vector<16xf32>
      %get3A_2727 = arith.constant 9 : i32
      %get3A_2728 = arith.index_cast %get3A_2727 : i32 to index
      %get3A_2729 = arith.constant 32 : index
      %get3A_2730 = tpu.vector_load %arg7[%get3A_2728, %get3A_2729] {strides = array<i32>} : memref<100x64xf32, #tpu.memory_space<vmem>>, vector<1x16xf32>,
      %get3A_2731 = vector.shape_cast %get3A_2730 : vector<1x16xf32> to vector<16xf32>
      %add3A_2732 = arith.addf %add3A_2708, %get3A_2731 : vector<16xf32>
      %get3A_2733 = arith.constant 9 : i32
      %get3A_2734 = arith.index_cast %get3A_2733 : i32 to index
      %get3A_2735 = arith.constant 48 : index
      %get3A_2736 = tpu.vector_load %arg7[%get3A_2734, %get3A_2735] {strides = array<i32>} : memref<100x64xf32, #tpu.memory_space<vmem>>, vector<1x16xf32>,
      %get3A_2737 = vector.shape_cast %get3A_2736 : vector<1x16xf32> to vector<16xf32>
      %add3A_2738 = arith.addf %add3A_2714, %get3A_2737 : vector<16xf32>
      %get3A_2739 = arith.constant 10 : i32
      %get3A_2740 = arith.index_cast %get3A_2739 : i32 to index
      %get3A_2741 = arith.constant 0 : index
      %get3A_2742 = tpu.vector_load %arg7[%get3A_2740, %get3A_2741] {strides = array<i32>} : memref<100x64xf32, #tpu.memory_space<vmem>>, vector<1x16xf32>,
      %get3A_2743 = vector.shape_cast %get3A_2742 : vector<1x16xf32> to vector<16xf32>
      %add3A_2744 = arith.addf %add3A_2720, %get3A_2743 : vector<16xf32>
      %get3A_2745 = arith.constant 10 : i32
      %get3A_2746 = arith.index_cast %get3A_2745 : i32 to index
      %get3A_2747 = arith.constant 16 : index
      %get3A_2748 = tpu.vector_load %arg7[%get3A_2746, %get3A_2747] {strides = array<i32>} : memref<100x64xf32, #tpu.memory_space<vmem>>, vector<1x16xf32>,
      %get3A_2749 = vector.shape_cast %get3A_2748 : vector<1x16xf32> to vector<16xf32>
      %add3A_2750 = arith.addf %add3A_2726, %get3A_2749 : vector<16xf32>
      %get3A_2751 = arith.constant 10 : i32
      %get3A_2752 = arith.index_cast %get3A_2751 : i32 to index
      %get3A_2753 = arith.constant 32 : index
      %get3A_2754 = tpu.vector_load %arg7[%get3A_2752, %get3A_2753] {strides = array<i32>} : memref<100x64xf32, #tpu.memory_space<vmem>>, vector<1x16xf32>,
      %get3A_2755 = vector.shape_cast %get3A_2754 : vector<1x16xf32> to vector<16xf32>
      %add3A_2756 = arith.addf %add3A_2732, %get3A_2755 : vector<16xf32>
      %get3A_2757 = arith.constant 10 : i32
      %get3A_2758 = arith.index_cast %get3A_2757 : i32 to index
      %get3A_2759 = arith.constant 48 : index
      %get3A_2760 = tpu.vector_load %arg7[%get3A_2758, %get3A_2759] {strides = array<i32>} : memref<100x64xf32, #tpu.memory_space<vmem>>, vector<1x16xf32>,
      %get3A_2761 = vector.shape_cast %get3A_2760 : vector<1x16xf32> to vector<16xf32>
      %add3A_2762 = arith.addf %add3A_2738, %get3A_2761 : vector<16xf32>
      %get3A_2763 = arith.constant 11 : i32
      %get3A_2764 = arith.index_cast %get3A_2763 : i32 to index
      %get3A_2765 = arith.constant 0 : index
      %get3A_2766 = tpu.vector_load %arg7[%get3A_2764, %get3A_2765] {strides = array<i32>} : memref<100x64xf32, #tpu.memory_space<vmem>>, vector<1x16xf32>,
      %get3A_2767 = vector.shape_cast %get3A_2766 : vector<1x16xf32> to vector<16xf32>
      %add3A_2768 = arith.addf %add3A_2744, %get3A_2767 : vector<16xf32>
      %get3A_2769 = arith.constant 11 : i32
      %get3A_2770 = arith.index_cast %get3A_2769 : i32 to index
      %get3A_2771 = arith.constant 16 : index
      %get3A_2772 = tpu.vector_load %arg7[%get3A_2770, %get3A_2771] {strides = array<i32>} : memref<100x64xf32, #tpu.memory_space<vmem>>, vector<1x16xf32>,
      %get3A_2773 = vector.shape_cast %get3A_2772 : vector<1x16xf32> to vector<16xf32>
      %add3A_2774 = arith.addf %add3A_2750, %get3A_2773 : vector<16xf32>
      %get3A_2775 = arith.constant 11 : i32
      %get3A_2776 = arith.index_cast %get3A_2775 : i32 to index
      %get3A_2777 = arith.constant 32 : index
      %get3A_2778 = tpu.vector_load %arg7[%get3A_2776, %get3A_2777] {strides = array<i32>} : memref<100x64xf32, #tpu.memory_space<vmem>>, vector<1x16xf32>,
      %get3A_2779 = vector.shape_cast %get3A_2778 : vector<1x16xf32> to vector<16xf32>
      %add3A_2780 = arith.addf %add3A_2756, %get3A_2779 : vector<16xf32>
      %get3A_2781 = arith.constant 11 : i32
      %get3A_2782 = arith.index_cast %get3A_2781 : i32 to index
      %get3A_2783 = arith.constant 48 : index
      %get3A_2784 = tpu.vector_load %arg7[%get3A_2782, %get3A_2783] {strides = array<i32>} : memref<100x64xf32, #tpu.memory_space<vmem>>, vector<1x16xf32>,
      %get3A_2785 = vector.shape_cast %get3A_2784 : vector<1x16xf32> to vector<16xf32>
      %add3A_2786 = arith.addf %add3A_2762, %get3A_2785 : vector<16xf32>
      %get3A_2787 = arith.constant 12 : i32
      %get3A_2788 = arith.index_cast %get3A_2787 : i32 to index
      %get3A_2789 = arith.constant 0 : index
      %get3A_2790 = tpu.vector_load %arg7[%get3A_2788, %get3A_2789] {strides = array<i32>} : memref<100x64xf32, #tpu.memory_space<vmem>>, vector<1x16xf32>,
      %get3A_2791 = vector.shape_cast %get3A_2790 : vector<1x16xf32> to vector<16xf32>
      %add3A_2792 = arith.addf %add3A_2768, %get3A_2791 : vector<16xf32>
      %get3A_2793 = arith.constant 12 : i32
      %get3A_2794 = arith.index_cast %get3A_2793 : i32 to index
      %get3A_2795 = arith.constant 16 : index
      %get3A_2796 = tpu.vector_load %arg7[%get3A_2794, %get3A_2795] {strides = array<i32>} : memref<100x64xf32, #tpu.memory_space<vmem>>, vector<1x16xf32>,
      %get3A_2797 = vector.shape_cast %get3A_2796 : vector<1x16xf32> to vector<16xf32>
      %add3A_2798 = arith.addf %add3A_2774, %get3A_2797 : vector<16xf32>
      %get3A_2799 = arith.constant 12 : i32
      %get3A_2800 = arith.index_cast %get3A_2799 : i32 to index
      %get3A_2801 = arith.constant 32 : index
      %get3A_2802 = tpu.vector_load %arg7[%get3A_2800, %get3A_2801] {strides = array<i32>} : memref<100x64xf32, #tpu.memory_space<vmem>>, vector<1x16xf32>,
      %get3A_2803 = vector.shape_cast %get3A_2802 : vector<1x16xf32> to vector<16xf32>
      %add3A_2804 = arith.addf %add3A_2780, %get3A_2803 : vector<16xf32>
      %get3A_2805 = arith.constant 12 : i32
      %get3A_2806 = arith.index_cast %get3A_2805 : i32 to index
      %get3A_2807 = arith.constant 48 : index
      %get3A_2808 = tpu.vector_load %arg7[%get3A_2806, %get3A_2807] {strides = array<i32>} : memref<100x64xf32, #tpu.memory_space<vmem>>, vector<1x16xf32>,
      %get3A_2809 = vector.shape_cast %get3A_2808 : vector<1x16xf32> to vector<16xf32>
      %add3A_2810 = arith.addf %add3A_2786, %get3A_2809 : vector<16xf32>
      %get3A_2811 = arith.constant 13 : i32
      %get3A_2812 = arith.index_cast %get3A_2811 : i32 to index
      %get3A_2813 = arith.constant 0 : index
      %get3A_2814 = tpu.vector_load %arg7[%get3A_2812, %get3A_2813] {strides = array<i32>} : memref<100x64xf32, #tpu.memory_space<vmem>>, vector<1x16xf32>,
      %get3A_2815 = vector.shape_cast %get3A_2814 : vector<1x16xf32> to vector<16xf32>
      %add3A_2816 = arith.addf %add3A_2792, %get3A_2815 : vector<16xf32>
      %get3A_2817 = arith.constant 13 : i32
      %get3A_2818 = arith.index_cast %get3A_2817 : i32 to index
      %get3A_2819 = arith.constant 16 : index
      %get3A_2820 = tpu.vector_load %arg7[%get3A_2818, %get3A_2819] {strides = array<i32>} : memref<100x64xf32, #tpu.memory_space<vmem>>, vector<1x16xf32>,
      %get3A_2821 = vector.shape_cast %get3A_2820 : vector<1x16xf32> to vector<16xf32>
      %add3A_2822 = arith.addf %add3A_2798, %get3A_2821 : vector<16xf32>
      %get3A_2823 = arith.constant 13 : i32
      %get3A_2824 = arith.index_cast %get3A_2823 : i32 to index
      %get3A_2825 = arith.constant 32 : index
      %get3A_2826 = tpu.vector_load %arg7[%get3A_2824, %get3A_2825] {strides = array<i32>} : memref<100x64xf32, #tpu.memory_space<vmem>>, vector<1x16xf32>,
      %get3A_2827 = vector.shape_cast %get3A_2826 : vector<1x16xf32> to vector<16xf32>
      %add3A_2828 = arith.addf %add3A_2804, %get3A_2827 : vector<16xf32>
      %get3A_2829 = arith.constant 13 : i32
      %get3A_2830 = arith.index_cast %get3A_2829 : i32 to index
      %get3A_2831 = arith.constant 48 : index
      %get3A_2832 = tpu.vector_load %arg7[%get3A_2830, %get3A_2831] {strides = array<i32>} : memref<100x64xf32, #tpu.memory_space<vmem>>, vector<1x16xf32>,
      %get3A_2833 = vector.shape_cast %get3A_2832 : vector<1x16xf32> to vector<16xf32>
      %add3A_2834 = arith.addf %add3A_2810, %get3A_2833 : vector<16xf32>
      %get3A_2835 = arith.constant 14 : i32
      %get3A_2836 = arith.index_cast %get3A_2835 : i32 to index
      %get3A_2837 = arith.constant 0 : index
      %get3A_2838 = tpu.vector_load %arg7[%get3A_2836, %get3A_2837] {strides = array<i32>} : memref<100x64xf32, #tpu.memory_space<vmem>>, vector<1x16xf32>,
      %get3A_2839 = vector.shape_cast %get3A_2838 : vector<1x16xf32> to vector<16xf32>
      %add3A_2840 = arith.addf %add3A_2816, %get3A_2839 : vector<16xf32>
      %get3A_2841 = arith.constant 14 : i32
      %get3A_2842 = arith.index_cast %get3A_2841 : i32 to index
      %get3A_2843 = arith.constant 16 : index
      %get3A_2844 = tpu.vector_load %arg7[%get3A_2842, %get3A_2843] {strides = array<i32>} : memref<100x64xf32, #tpu.memory_space<vmem>>, vector<1x16xf32>,
      %get3A_2845 = vector.shape_cast %get3A_2844 : vector<1x16xf32> to vector<16xf32>
      %add3A_2846 = arith.addf %add3A_2822, %get3A_2845 : vector<16xf32>
      %get3A_2847 = arith.constant 14 : i32
      %get3A_2848 = arith.index_cast %get3A_2847 : i32 to index
      %get3A_2849 = arith.constant 32 : index
      %get3A_2850 = tpu.vector_load %arg7[%get3A_2848, %get3A_2849] {strides = array<i32>} : memref<100x64xf32, #tpu.memory_space<vmem>>, vector<1x16xf32>,
      %get3A_2851 = vector.shape_cast %get3A_2850 : vector<1x16xf32> to vector<16xf32>
      %add3A_2852 = arith.addf %add3A_2828, %get3A_2851 : vector<16xf32>
      %get3A_2853 = arith.constant 14 : i32
      %get3A_2854 = arith.index_cast %get3A_2853 : i32 to index
      %get3A_2855 = arith.constant 48 : index
      %get3A_2856 = tpu.vector_load %arg7[%get3A_2854, %get3A_2855] {strides = array<i32>} : memref<100x64xf32, #tpu.memory_space<vmem>>, vector<1x16xf32>,
      %get3A_2857 = vector.shape_cast %get3A_2856 : vector<1x16xf32> to vector<16xf32>
      %add3A_2858 = arith.addf %add3A_2834, %get3A_2857 : vector<16xf32>
      %get3A_2859 = arith.constant 15 : i32
      %get3A_2860 = arith.index_cast %get3A_2859 : i32 to index
      %get3A_2861 = arith.constant 0 : index
      %get3A_2862 = tpu.vector_load %arg7[%get3A_2860, %get3A_2861] {strides = array<i32>} : memref<100x64xf32, #tpu.memory_space<vmem>>, vector<1x16xf32>,
      %get3A_2863 = vector.shape_cast %get3A_2862 : vector<1x16xf32> to vector<16xf32>
      %add3A_2864 = arith.addf %add3A_2840, %get3A_2863 : vector<16xf32>
      %get3A_2865 = arith.constant 15 : i32
      %get3A_2866 = arith.index_cast %get3A_2865 : i32 to index
      %get3A_2867 = arith.constant 16 : index
      %get3A_2868 = tpu.vector_load %arg7[%get3A_2866, %get3A_2867] {strides = array<i32>} : memref<100x64xf32, #tpu.memory_space<vmem>>, vector<1x16xf32>,
      %get3A_2869 = vector.shape_cast %get3A_2868 : vector<1x16xf32> to vector<16xf32>
      %add3A_2870 = arith.addf %add3A_2846, %get3A_2869 : vector<16xf32>
      %get3A_2871 = arith.constant 15 : i32
      %get3A_2872 = arith.index_cast %get3A_2871 : i32 to index
      %get3A_2873 = arith.constant 32 : index
      %get3A_2874 = tpu.vector_load %arg7[%get3A_2872, %get3A_2873] {strides = array<i32>} : memref<100x64xf32, #tpu.memory_space<vmem>>, vector<1x16xf32>,
      %get3A_2875 = vector.shape_cast %get3A_2874 : vector<1x16xf32> to vector<16xf32>
      %add3A_2876 = arith.addf %add3A_2852, %get3A_2875 : vector<16xf32>
      %get3A_2877 = arith.constant 15 : i32
      %get3A_2878 = arith.index_cast %get3A_2877 : i32 to index
      %get3A_2879 = arith.constant 48 : index
      %get3A_2880 = tpu.vector_load %arg7[%get3A_2878, %get3A_2879] {strides = array<i32>} : memref<100x64xf32, #tpu.memory_space<vmem>>, vector<1x16xf32>,
      %get3A_2881 = vector.shape_cast %get3A_2880 : vector<1x16xf32> to vector<16xf32>
      %add3A_2882 = arith.addf %add3A_2858, %get3A_2881 : vector<16xf32>
      %get3A_2883 = arith.constant 16 : i32
      %get3A_2884 = arith.index_cast %get3A_2883 : i32 to index
      %get3A_2885 = arith.constant 0 : index
      %get3A_2886 = tpu.vector_load %arg7[%get3A_2884, %get3A_2885] {strides = array<i32>} : memref<100x64xf32, #tpu.memory_space<vmem>>, vector<1x16xf32>,
      %get3A_2887 = vector.shape_cast %get3A_2886 : vector<1x16xf32> to vector<16xf32>
      %add3A_2888 = arith.addf %add3A_2864, %get3A_2887 : vector<16xf32>
      %get3A_2889 = arith.constant 16 : i32
      %get3A_2890 = arith.index_cast %get3A_2889 : i32 to index
      %get3A_2891 = arith.constant 16 : index
      %get3A_2892 = tpu.vector_load %arg7[%get3A_2890, %get3A_2891] {strides = array<i32>} : memref<100x64xf32, #tpu.memory_space<vmem>>, vector<1x16xf32>,
      %get3A_2893 = vector.shape_cast %get3A_2892 : vector<1x16xf32> to vector<16xf32>
      %add3A_2894 = arith.addf %add3A_2870, %get3A_2893 : vector<16xf32>
      %get3A_2895 = arith.constant 16 : i32
      %get3A_2896 = arith.index_cast %get3A_2895 : i32 to index
      %get3A_2897 = arith.constant 32 : index
      %get3A_2898 = tpu.vector_load %arg7[%get3A_2896, %get3A_2897] {strides = array<i32>} : memref<100x64xf32, #tpu.memory_space<vmem>>, vector<1x16xf32>,
      %get3A_2899 = vector.shape_cast %get3A_2898 : vector<1x16xf32> to vector<16xf32>
      %add3A_2900 = arith.addf %add3A_2876, %get3A_2899 : vector<16xf32>
      %get3A_2901 = arith.constant 16 : i32
      %get3A_2902 = arith.index_cast %get3A_2901 : i32 to index
      %get3A_2903 = arith.constant 48 : index
      %get3A_2904 = tpu.vector_load %arg7[%get3A_2902, %get3A_2903] {strides = array<i32>} : memref<100x64xf32, #tpu.memory_space<vmem>>, vector<1x16xf32>,
      %get3A_2905 = vector.shape_cast %get3A_2904 : vector<1x16xf32> to vector<16xf32>
      %add3A_2906 = arith.addf %add3A_2882, %get3A_2905 : vector<16xf32>
      %get3A_2907 = arith.constant 17 : i32
      %get3A_2908 = arith.index_cast %get3A_2907 : i32 to index
      %get3A_2909 = arith.constant 0 : index
      %get3A_2910 = tpu.vector_load %arg7[%get3A_2908, %get3A_2909] {strides = array<i32>} : memref<100x64xf32, #tpu.memory_space<vmem>>, vector<1x16xf32>,
      %get3A_2911 = vector.shape_cast %get3A_2910 : vector<1x16xf32> to vector<16xf32>
      %add3A_2912 = arith.addf %add3A_2888, %get3A_2911 : vector<16xf32>
      %get3A_2913 = arith.constant 17 : i32
      %get3A_2914 = arith.index_cast %get3A_2913 : i32 to index
      %get3A_2915 = arith.constant 16 : index
      %get3A_2916 = tpu.vector_load %arg7[%get3A_2914, %get3A_2915] {strides = array<i32>} : memref<100x64xf32, #tpu.memory_space<vmem>>, vector<1x16xf32>,
      %get3A_2917 = vector.shape_cast %get3A_2916 : vector<1x16xf32> to vector<16xf32>
      %add3A_2918 = arith.addf %add3A_2894, %get3A_2917 : vector<16xf32>
      %get3A_2919 = arith.constant 17 : i32
      %get3A_2920 = arith.index_cast %get3A_2919 : i32 to index
      %get3A_2921 = arith.constant 32 : index
      %get3A_2922 = tpu.vector_load %arg7[%get3A_2920, %get3A_2921] {strides = array<i32>} : memref<100x64xf32, #tpu.memory_space<vmem>>, vector<1x16xf32>,
      %get3A_2923 = vector.shape_cast %get3A_2922 : vector<1x16xf32> to vector<16xf32>
      %add3A_2924 = arith.addf %add3A_2900, %get3A_2923 : vector<16xf32>
      %get3A_2925 = arith.constant 17 : i32
      %get3A_2926 = arith.index_cast %get3A_2925 : i32 to index
      %get3A_2927 = arith.constant 48 : index
      %get3A_2928 = tpu.vector_load %arg7[%get3A_2926, %get3A_2927] {strides = array<i32>} : memref<100x64xf32, #tpu.memory_space<vmem>>, vector<1x16xf32>,
      %get3A_2929 = vector.shape_cast %get3A_2928 : vector<1x16xf32> to vector<16xf32>
      %add3A_2930 = arith.addf %add3A_2906, %get3A_2929 : vector<16xf32>
      %get3A_2931 = arith.constant 18 : i32
      %get3A_2932 = arith.index_cast %get3A_2931 : i32 to index
      %get3A_2933 = arith.constant 0 : index
      %get3A_2934 = tpu.vector_load %arg7[%get3A_2932, %get3A_2933] {strides = array<i32>} : memref<100x64xf32, #tpu.memory_space<vmem>>, vector<1x16xf32>,
      %get3A_2935 = vector.shape_cast %get3A_2934 : vector<1x16xf32> to vector<16xf32>
      %add3A_2936 = arith.addf %add3A_2912, %get3A_2935 : vector<16xf32>
      %get3A_2937 = arith.constant 18 : i32
      %get3A_2938 = arith.index_cast %get3A_2937 : i32 to index
      %get3A_2939 = arith.constant 16 : index
      %get3A_2940 = tpu.vector_load %arg7[%get3A_2938, %get3A_2939] {strides = array<i32>} : memref<100x64xf32, #tpu.memory_space<vmem>>, vector<1x16xf32>,
      %get3A_2941 = vector.shape_cast %get3A_2940 : vector<1x16xf32> to vector<16xf32>
      %add3A_2942 = arith.addf %add3A_2918, %get3A_2941 : vector<16xf32>
      %get3A_2943 = arith.constant 18 : i32
      %get3A_2944 = arith.index_cast %get3A_2943 : i32 to index
      %get3A_2945 = arith.constant 32 : index
      %get3A_2946 = tpu.vector_load %arg7[%get3A_2944, %get3A_2945] {strides = array<i32>} : memref<100x64xf32, #tpu.memory_space<vmem>>, vector<1x16xf32>,
      %get3A_2947 = vector.shape_cast %get3A_2946 : vector<1x16xf32> to vector<16xf32>
      %add3A_2948 = arith.addf %add3A_2924, %get3A_2947 : vector<16xf32>
      %get3A_2949 = arith.constant 18 : i32
      %get3A_2950 = arith.index_cast %get3A_2949 : i32 to index
      %get3A_2951 = arith.constant 48 : index
      %get3A_2952 = tpu.vector_load %arg7[%get3A_2950, %get3A_2951] {strides = array<i32>} : memref<100x64xf32, #tpu.memory_space<vmem>>, vector<1x16xf32>,
      %get3A_2953 = vector.shape_cast %get3A_2952 : vector<1x16xf32> to vector<16xf32>
      %add3A_2954 = arith.addf %add3A_2930, %get3A_2953 : vector<16xf32>
      %get3A_2955 = arith.constant 19 : i32
      %get3A_2956 = arith.index_cast %get3A_2955 : i32 to index
      %get3A_2957 = arith.constant 0 : index
      %get3A_2958 = tpu.vector_load %arg7[%get3A_2956, %get3A_2957] {strides = array<i32>} : memref<100x64xf32, #tpu.memory_space<vmem>>, vector<1x16xf32>,
      %get3A_2959 = vector.shape_cast %get3A_2958 : vector<1x16xf32> to vector<16xf32>
      %add3A_2960 = arith.addf %add3A_2936, %get3A_2959 : vector<16xf32>
      %get3A_2961 = arith.constant 19 : i32
      %get3A_2962 = arith.index_cast %get3A_2961 : i32 to index
      %get3A_2963 = arith.constant 16 : index
      %get3A_2964 = tpu.vector_load %arg7[%get3A_2962, %get3A_2963] {strides = array<i32>} : memref<100x64xf32, #tpu.memory_space<vmem>>, vector<1x16xf32>,
      %get3A_2965 = vector.shape_cast %get3A_2964 : vector<1x16xf32> to vector<16xf32>
      %add3A_2966 = arith.addf %add3A_2942, %get3A_2965 : vector<16xf32>
      %get3A_2967 = arith.constant 19 : i32
      %get3A_2968 = arith.index_cast %get3A_2967 : i32 to index
      %get3A_2969 = arith.constant 32 : index
      %get3A_2970 = tpu.vector_load %arg7[%get3A_2968, %get3A_2969] {strides = array<i32>} : memref<100x64xf32, #tpu.memory_space<vmem>>, vector<1x16xf32>,
      %get3A_2971 = vector.shape_cast %get3A_2970 : vector<1x16xf32> to vector<16xf32>
      %add3A_2972 = arith.addf %add3A_2948, %get3A_2971 : vector<16xf32>
      %get3A_2973 = arith.constant 19 : i32
      %get3A_2974 = arith.index_cast %get3A_2973 : i32 to index
      %get3A_2975 = arith.constant 48 : index
      %get3A_2976 = tpu.vector_load %arg7[%get3A_2974, %get3A_2975] {strides = array<i32>} : memref<100x64xf32, #tpu.memory_space<vmem>>, vector<1x16xf32>,
      %get3A_2977 = vector.shape_cast %get3A_2976 : vector<1x16xf32> to vector<16xf32>
      %add3A_2978 = arith.addf %add3A_2954, %get3A_2977 : vector<16xf32>
      %get3A_2979 = arith.constant 20 : i32
      %get3A_2980 = arith.index_cast %get3A_2979 : i32 to index
      %get3A_2981 = arith.constant 0 : index
      %get3A_2982 = tpu.vector_load %arg7[%get3A_2980, %get3A_2981] {strides = array<i32>} : memref<100x64xf32, #tpu.memory_space<vmem>>, vector<1x16xf32>,
      %get3A_2983 = vector.shape_cast %get3A_2982 : vector<1x16xf32> to vector<16xf32>
      %add3A_2984 = arith.addf %add3A_2960, %get3A_2983 : vector<16xf32>
      %get3A_2985 = arith.constant 20 : i32
      %get3A_2986 = arith.index_cast %get3A_2985 : i32 to index
      %get3A_2987 = arith.constant 16 : index
      %get3A_2988 = tpu.vector_load %arg7[%get3A_2986, %get3A_2987] {strides = array<i32>} : memref<100x64xf32, #tpu.memory_space<vmem>>, vector<1x16xf32>,
      %get3A_2989 = vector.shape_cast %get3A_2988 : vector<1x16xf32> to vector<16xf32>
      %add3A_2990 = arith.addf %add3A_2966, %get3A_2989 : vector<16xf32>
      %get3A_2991 = arith.constant 20 : i32
      %get3A_2992 = arith.index_cast %get3A_2991 : i32 to index
      %get3A_2993 = arith.constant 32 : index
      %get3A_2994 = tpu.vector_load %arg7[%get3A_2992, %get3A_2993] {strides = array<i32>} : memref<100x64xf32, #tpu.memory_space<vmem>>, vector<1x16xf32>,
      %get3A_2995 = vector.shape_cast %get3A_2994 : vector<1x16xf32> to vector<16xf32>
      %add3A_2996 = arith.addf %add3A_2972, %get3A_2995 : vector<16xf32>
      %get3A_2997 = arith.constant 20 : i32
      %get3A_2998 = arith.index_cast %get3A_2997 : i32 to index
      %get3A_2999 = arith.constant 48 : index
      %get3A_3000 = tpu.vector_load %arg7[%get3A_2998, %get3A_2999] {strides = array<i32>} : memref<100x64xf32, #tpu.memory_space<vmem>>, vector<1x16xf32>,
      %get3A_3001 = vector.shape_cast %get3A_3000 : vector<1x16xf32> to vector<16xf32>
      %add3A_3002 = arith.addf %add3A_2978, %get3A_3001 : vector<16xf32>
      %get3A_3003 = arith.constant 21 : i32
      %get3A_3004 = arith.index_cast %get3A_3003 : i32 to index
      %get3A_3005 = arith.constant 0 : index
      %get3A_3006 = tpu.vector_load %arg7[%get3A_3004, %get3A_3005] {strides = array<i32>} : memref<100x64xf32, #tpu.memory_space<vmem>>, vector<1x16xf32>,
      %get3A_3007 = vector.shape_cast %get3A_3006 : vector<1x16xf32> to vector<16xf32>
      %add3A_3008 = arith.addf %add3A_2984, %get3A_3007 : vector<16xf32>
      %get3A_3009 = arith.constant 21 : i32
      %get3A_3010 = arith.index_cast %get3A_3009 : i32 to index
      %get3A_3011 = arith.constant 16 : index
      %get3A_3012 = tpu.vector_load %arg7[%get3A_3010, %get3A_3011] {strides = array<i32>} : memref<100x64xf32, #tpu.memory_space<vmem>>, vector<1x16xf32>,
      %get3A_3013 = vector.shape_cast %get3A_3012 : vector<1x16xf32> to vector<16xf32>
      %add3A_3014 = arith.addf %add3A_2990, %get3A_3013 : vector<16xf32>
      %get3A_3015 = arith.constant 21 : i32
      %get3A_3016 = arith.index_cast %get3A_3015 : i32 to index
      %get3A_3017 = arith.constant 32 : index
      %get3A_3018 = tpu.vector_load %arg7[%get3A_3016, %get3A_3017] {strides = array<i32>} : memref<100x64xf32, #tpu.memory_space<vmem>>, vector<1x16xf32>,
      %get3A_3019 = vector.shape_cast %get3A_3018 : vector<1x16xf32> to vector<16xf32>
      %add3A_3020 = arith.addf %add3A_2996, %get3A_3019 : vector<16xf32>
      %get3A_3021 = arith.constant 21 : i32
      %get3A_3022 = arith.index_cast %get3A_3021 : i32 to index
      %get3A_3023 = arith.constant 48 : index
      %get3A_3024 = tpu.vector_load %arg7[%get3A_3022, %get3A_3023] {strides = array<i32>} : memref<100x64xf32, #tpu.memory_space<vmem>>, vector<1x16xf32>,
      %get3A_3025 = vector.shape_cast %get3A_3024 : vector<1x16xf32> to vector<16xf32>
      %add3A_3026 = arith.addf %add3A_3002, %get3A_3025 : vector<16xf32>
      %get3A_3027 = arith.constant 22 : i32
      %get3A_3028 = arith.index_cast %get3A_3027 : i32 to index
      %get3A_3029 = arith.constant 0 : index
      %get3A_3030 = tpu.vector_load %arg7[%get3A_3028, %get3A_3029] {strides = array<i32>} : memref<100x64xf32, #tpu.memory_space<vmem>>, vector<1x16xf32>,
      %get3A_3031 = vector.shape_cast %get3A_3030 : vector<1x16xf32> to vector<16xf32>
      %add3A_3032 = arith.addf %add3A_3008, %get3A_3031 : vector<16xf32>
      %get3A_3033 = arith.constant 22 : i32
      %get3A_3034 = arith.index_cast %get3A_3033 : i32 to index
      %get3A_3035 = arith.constant 16 : index
      %get3A_3036 = tpu.vector_load %arg7[%get3A_3034, %get3A_3035] {strides = array<i32>} : memref<100x64xf32, #tpu.memory_space<vmem>>, vector<1x16xf32>,
      %get3A_3037 = vector.shape_cast %get3A_3036 : vector<1x16xf32> to vector<16xf32>
      %add3A_3038 = arith.addf %add3A_3014, %get3A_3037 : vector<16xf32>
      %get3A_3039 = arith.constant 22 : i32
      %get3A_3040 = arith.index_cast %get3A_3039 : i32 to index
      %get3A_3041 = arith.constant 32 : index
      %get3A_3042 = tpu.vector_load %arg7[%get3A_3040, %get3A_3041] {strides = array<i32>} : memref<100x64xf32, #tpu.memory_space<vmem>>, vector<1x16xf32>,
      %get3A_3043 = vector.shape_cast %get3A_3042 : vector<1x16xf32> to vector<16xf32>
      %add3A_3044 = arith.addf %add3A_3020, %get3A_3043 : vector<16xf32>
      %get3A_3045 = arith.constant 22 : i32
      %get3A_3046 = arith.index_cast %get3A_3045 : i32 to index
      %get3A_3047 = arith.constant 48 : index
      %get3A_3048 = tpu.vector_load %arg7[%get3A_3046, %get3A_3047] {strides = array<i32>} : memref<100x64xf32, #tpu.memory_space<vmem>>, vector<1x16xf32>,
      %get3A_3049 = vector.shape_cast %get3A_3048 : vector<1x16xf32> to vector<16xf32>
      %add3A_3050 = arith.addf %add3A_3026, %get3A_3049 : vector<16xf32>
      %get3A_3051 = arith.constant 23 : i32
      %get3A_3052 = arith.index_cast %get3A_3051 : i32 to index
      %get3A_3053 = arith.constant 0 : index
      %get3A_3054 = tpu.vector_load %arg7[%get3A_3052, %get3A_3053] {strides = array<i32>} : memref<100x64xf32, #tpu.memory_space<vmem>>, vector<1x16xf32>,
      %get3A_3055 = vector.shape_cast %get3A_3054 : vector<1x16xf32> to vector<16xf32>
      %add3A_3056 = arith.addf %add3A_3032, %get3A_3055 : vector<16xf32>
      %get3A_3057 = arith.constant 23 : i32
      %get3A_3058 = arith.index_cast %get3A_3057 : i32 to index
      %get3A_3059 = arith.constant 16 : index
      %get3A_3060 = tpu.vector_load %arg7[%get3A_3058, %get3A_3059] {strides = array<i32>} : memref<100x64xf32, #tpu.memory_space<vmem>>, vector<1x16xf32>,
      %get3A_3061 = vector.shape_cast %get3A_3060 : vector<1x16xf32> to vector<16xf32>
      %add3A_3062 = arith.addf %add3A_3038, %get3A_3061 : vector<16xf32>
      %get3A_3063 = arith.constant 23 : i32
      %get3A_3064 = arith.index_cast %get3A_3063 : i32 to index
      %get3A_3065 = arith.constant 32 : index
      %get3A_3066 = tpu.vector_load %arg7[%get3A_3064, %get3A_3065] {strides = array<i32>} : memref<100x64xf32, #tpu.memory_space<vmem>>, vector<1x16xf32>,
      %get3A_3067 = vector.shape_cast %get3A_3066 : vector<1x16xf32> to vector<16xf32>
      %add3A_3068 = arith.addf %add3A_3044, %get3A_3067 : vector<16xf32>
      %get3A_3069 = arith.constant 23 : i32
      %get3A_3070 = arith.index_cast %get3A_3069 : i32 to index
      %get3A_3071 = arith.constant 48 : index
      %get3A_3072 = tpu.vector_load %arg7[%get3A_3070, %get3A_3071] {strides = array<i32>} : memref<100x64xf32, #tpu.memory_space<vmem>>, vector<1x16xf32>,
      %get3A_3073 = vector.shape_cast %get3A_3072 : vector<1x16xf32> to vector<16xf32>
      %add3A_3074 = arith.addf %add3A_3050, %get3A_3073 : vector<16xf32>
      %get3A_3075 = arith.constant 24 : i32
      %get3A_3076 = arith.index_cast %get3A_3075 : i32 to index
      %get3A_3077 = arith.constant 0 : index
      %get3A_3078 = tpu.vector_load %arg7[%get3A_3076, %get3A_3077] {strides = array<i32>} : memref<100x64xf32, #tpu.memory_space<vmem>>, vector<1x16xf32>,
      %get3A_3079 = vector.shape_cast %get3A_3078 : vector<1x16xf32> to vector<16xf32>
      %add3A_3080 = arith.addf %add3A_3056, %get3A_3079 : vector<16xf32>
      %get3A_3081 = arith.constant 24 : i32
      %get3A_3082 = arith.index_cast %get3A_3081 : i32 to index
      %get3A_3083 = arith.constant 16 : index
      %get3A_3084 = tpu.vector_load %arg7[%get3A_3082, %get3A_3083] {strides = array<i32>} : memref<100x64xf32, #tpu.memory_space<vmem>>, vector<1x16xf32>,
      %get3A_3085 = vector.shape_cast %get3A_3084 : vector<1x16xf32> to vector<16xf32>
      %add3A_3086 = arith.addf %add3A_3062, %get3A_3085 : vector<16xf32>
      %get3A_3087 = arith.constant 24 : i32
      %get3A_3088 = arith.index_cast %get3A_3087 : i32 to index
      %get3A_3089 = arith.constant 32 : index
      %get3A_3090 = tpu.vector_load %arg7[%get3A_3088, %get3A_3089] {strides = array<i32>} : memref<100x64xf32, #tpu.memory_space<vmem>>, vector<1x16xf32>,
      %get3A_3091 = vector.shape_cast %get3A_3090 : vector<1x16xf32> to vector<16xf32>
      %add3A_3092 = arith.addf %add3A_3068, %get3A_3091 : vector<16xf32>
      %get3A_3093 = arith.constant 24 : i32
      %get3A_3094 = arith.index_cast %get3A_3093 : i32 to index
      %get3A_3095 = arith.constant 48 : index
      %get3A_3096 = tpu.vector_load %arg7[%get3A_3094, %get3A_3095] {strides = array<i32>} : memref<100x64xf32, #tpu.memory_space<vmem>>, vector<1x16xf32>,
      %get3A_3097 = vector.shape_cast %get3A_3096 : vector<1x16xf32> to vector<16xf32>
      %add3A_3098 = arith.addf %add3A_3074, %get3A_3097 : vector<16xf32>
      %get3A_3099 = arith.constant 25 : i32
      %get3A_3100 = arith.index_cast %get3A_3099 : i32 to index
      %get3A_3101 = arith.constant 0 : index
      %get3A_3102 = tpu.vector_load %arg7[%get3A_3100, %get3A_3101] {strides = array<i32>} : memref<100x64xf32, #tpu.memory_space<vmem>>, vector<1x16xf32>,
      %get3A_3103 = vector.shape_cast %get3A_3102 : vector<1x16xf32> to vector<16xf32>
      %add3A_3104 = arith.addf %add3A_3080, %get3A_3103 : vector<16xf32>
      %get3A_3105 = arith.constant 25 : i32
      %get3A_3106 = arith.index_cast %get3A_3105 : i32 to index
      %get3A_3107 = arith.constant 16 : index
      %get3A_3108 = tpu.vector_load %arg7[%get3A_3106, %get3A_3107] {strides = array<i32>} : memref<100x64xf32, #tpu.memory_space<vmem>>, vector<1x16xf32>,
      %get3A_3109 = vector.shape_cast %get3A_3108 : vector<1x16xf32> to vector<16xf32>
      %add3A_3110 = arith.addf %add3A_3086, %get3A_3109 : vector<16xf32>
      %get3A_3111 = arith.constant 25 : i32
      %get3A_3112 = arith.index_cast %get3A_3111 : i32 to index
      %get3A_3113 = arith.constant 32 : index
      %get3A_3114 = tpu.vector_load %arg7[%get3A_3112, %get3A_3113] {strides = array<i32>} : memref<100x64xf32, #tpu.memory_space<vmem>>, vector<1x16xf32>,
      %get3A_3115 = vector.shape_cast %get3A_3114 : vector<1x16xf32> to vector<16xf32>
      %add3A_3116 = arith.addf %add3A_3092, %get3A_3115 : vector<16xf32>
      %get3A_3117 = arith.constant 25 : i32
      %get3A_3118 = arith.index_cast %get3A_3117 : i32 to index
      %get3A_3119 = arith.constant 48 : index
      %get3A_3120 = tpu.vector_load %arg7[%get3A_3118, %get3A_3119] {strides = array<i32>} : memref<100x64xf32, #tpu.memory_space<vmem>>, vector<1x16xf32>,
      %get3A_3121 = vector.shape_cast %get3A_3120 : vector<1x16xf32> to vector<16xf32>
      %add3A_3122 = arith.addf %add3A_3098, %get3A_3121 : vector<16xf32>
      %get3A_3123 = arith.constant 26 : i32
      %get3A_3124 = arith.index_cast %get3A_3123 : i32 to index
      %get3A_3125 = arith.constant 0 : index
      %get3A_3126 = tpu.vector_load %arg7[%get3A_3124, %get3A_3125] {strides = array<i32>} : memref<100x64xf32, #tpu.memory_space<vmem>>, vector<1x16xf32>,
      %get3A_3127 = vector.shape_cast %get3A_3126 : vector<1x16xf32> to vector<16xf32>
      %add3A_3128 = arith.addf %add3A_3104, %get3A_3127 : vector<16xf32>
      %get3A_3129 = arith.constant 26 : i32
      %get3A_3130 = arith.index_cast %get3A_3129 : i32 to index
      %get3A_3131 = arith.constant 16 : index
      %get3A_3132 = tpu.vector_load %arg7[%get3A_3130, %get3A_3131] {strides = array<i32>} : memref<100x64xf32, #tpu.memory_space<vmem>>, vector<1x16xf32>,
      %get3A_3133 = vector.shape_cast %get3A_3132 : vector<1x16xf32> to vector<16xf32>
      %add3A_3134 = arith.addf %add3A_3110, %get3A_3133 : vector<16xf32>
      %get3A_3135 = arith.constant 26 : i32
      %get3A_3136 = arith.index_cast %get3A_3135 : i32 to index
      %get3A_3137 = arith.constant 32 : index
      %get3A_3138 = tpu.vector_load %arg7[%get3A_3136, %get3A_3137] {strides = array<i32>} : memref<100x64xf32, #tpu.memory_space<vmem>>, vector<1x16xf32>,
      %get3A_3139 = vector.shape_cast %get3A_3138 : vector<1x16xf32> to vector<16xf32>
      %add3A_3140 = arith.addf %add3A_3116, %get3A_3139 : vector<16xf32>
      %get3A_3141 = arith.constant 26 : i32
      %get3A_3142 = arith.index_cast %get3A_3141 : i32 to index
      %get3A_3143 = arith.constant 48 : index
      %get3A_3144 = tpu.vector_load %arg7[%get3A_3142, %get3A_3143] {strides = array<i32>} : memref<100x64xf32, #tpu.memory_space<vmem>>, vector<1x16xf32>,
      %get3A_3145 = vector.shape_cast %get3A_3144 : vector<1x16xf32> to vector<16xf32>
      %add3A_3146 = arith.addf %add3A_3122, %get3A_3145 : vector<16xf32>
      %get3A_3147 = arith.constant 27 : i32
      %get3A_3148 = arith.index_cast %get3A_3147 : i32 to index
      %get3A_3149 = arith.constant 0 : index
      %get3A_3150 = tpu.vector_load %arg7[%get3A_3148, %get3A_3149] {strides = array<i32>} : memref<100x64xf32, #tpu.memory_space<vmem>>, vector<1x16xf32>,
      %get3A_3151 = vector.shape_cast %get3A_3150 : vector<1x16xf32> to vector<16xf32>
      %add3A_3152 = arith.addf %add3A_3128, %get3A_3151 : vector<16xf32>
      %get3A_3153 = arith.constant 27 : i32
      %get3A_3154 = arith.index_cast %get3A_3153 : i32 to index
      %get3A_3155 = arith.constant 16 : index
      %get3A_3156 = tpu.vector_load %arg7[%get3A_3154, %get3A_3155] {strides = array<i32>} : memref<100x64xf32, #tpu.memory_space<vmem>>, vector<1x16xf32>,
      %get3A_3157 = vector.shape_cast %get3A_3156 : vector<1x16xf32> to vector<16xf32>
      %add3A_3158 = arith.addf %add3A_3134, %get3A_3157 : vector<16xf32>
      %get3A_3159 = arith.constant 27 : i32
      %get3A_3160 = arith.index_cast %get3A_3159 : i32 to index
      %get3A_3161 = arith.constant 32 : index
      %get3A_3162 = tpu.vector_load %arg7[%get3A_3160, %get3A_3161] {strides = array<i32>} : memref<100x64xf32, #tpu.memory_space<vmem>>, vector<1x16xf32>,
      %get3A_3163 = vector.shape_cast %get3A_3162 : vector<1x16xf32> to vector<16xf32>
      %add3A_3164 = arith.addf %add3A_3140, %get3A_3163 : vector<16xf32>
      %get3A_3165 = arith.constant 27 : i32
      %get3A_3166 = arith.index_cast %get3A_3165 : i32 to index
      %get3A_3167 = arith.constant 48 : index
      %get3A_3168 = tpu.vector_load %arg7[%get3A_3166, %get3A_3167] {strides = array<i32>} : memref<100x64xf32, #tpu.memory_space<vmem>>, vector<1x16xf32>,
      %get3A_3169 = vector.shape_cast %get3A_3168 : vector<1x16xf32> to vector<16xf32>
      %add3A_3170 = arith.addf %add3A_3146, %get3A_3169 : vector<16xf32>
      %get3A_3171 = arith.constant 28 : i32
      %get3A_3172 = arith.index_cast %get3A_3171 : i32 to index
      %get3A_3173 = arith.constant 0 : index
      %get3A_3174 = tpu.vector_load %arg7[%get3A_3172, %get3A_3173] {strides = array<i32>} : memref<100x64xf32, #tpu.memory_space<vmem>>, vector<1x16xf32>,
      %get3A_3175 = vector.shape_cast %get3A_3174 : vector<1x16xf32> to vector<16xf32>
      %add3A_3176 = arith.addf %add3A_3152, %get3A_3175 : vector<16xf32>
      %get3A_3177 = arith.constant 28 : i32
      %get3A_3178 = arith.index_cast %get3A_3177 : i32 to index
      %get3A_3179 = arith.constant 16 : index
      %get3A_3180 = tpu.vector_load %arg7[%get3A_3178, %get3A_3179] {strides = array<i32>} : memref<100x64xf32, #tpu.memory_space<vmem>>, vector<1x16xf32>,
      %get3A_3181 = vector.shape_cast %get3A_3180 : vector<1x16xf32> to vector<16xf32>
      %add3A_3182 = arith.addf %add3A_3158, %get3A_3181 : vector<16xf32>
      %get3A_3183 = arith.constant 28 : i32
      %get3A_3184 = arith.index_cast %get3A_3183 : i32 to index
      %get3A_3185 = arith.constant 32 : index
      %get3A_3186 = tpu.vector_load %arg7[%get3A_3184, %get3A_3185] {strides = array<i32>} : memref<100x64xf32, #tpu.memory_space<vmem>>, vector<1x16xf32>,
      %get3A_3187 = vector.shape_cast %get3A_3186 : vector<1x16xf32> to vector<16xf32>
      %add3A_3188 = arith.addf %add3A_3164, %get3A_3187 : vector<16xf32>
      %get3A_3189 = arith.constant 28 : i32
      %get3A_3190 = arith.index_cast %get3A_3189 : i32 to index
      %get3A_3191 = arith.constant 48 : index
      %get3A_3192 = tpu.vector_load %arg7[%get3A_3190, %get3A_3191] {strides = array<i32>} : memref<100x64xf32, #tpu.memory_space<vmem>>, vector<1x16xf32>,
      %get3A_3193 = vector.shape_cast %get3A_3192 : vector<1x16xf32> to vector<16xf32>
      %add3A_3194 = arith.addf %add3A_3170, %get3A_3193 : vector<16xf32>
      %get3A_3195 = arith.constant 29 : i32
      %get3A_3196 = arith.index_cast %get3A_3195 : i32 to index
      %get3A_3197 = arith.constant 0 : index
      %get3A_3198 = tpu.vector_load %arg7[%get3A_3196, %get3A_3197] {strides = array<i32>} : memref<100x64xf32, #tpu.memory_space<vmem>>, vector<1x16xf32>,
      %get3A_3199 = vector.shape_cast %get3A_3198 : vector<1x16xf32> to vector<16xf32>
      %add3A_3200 = arith.addf %add3A_3176, %get3A_3199 : vector<16xf32>
      %get3A_3201 = arith.constant 29 : i32
      %get3A_3202 = arith.index_cast %get3A_3201 : i32 to index
      %get3A_3203 = arith.constant 16 : index
      %get3A_3204 = tpu.vector_load %arg7[%get3A_3202, %get3A_3203] {strides = array<i32>} : memref<100x64xf32, #tpu.memory_space<vmem>>, vector<1x16xf32>,
      %get3A_3205 = vector.shape_cast %get3A_3204 : vector<1x16xf32> to vector<16xf32>
      %add3A_3206 = arith.addf %add3A_3182, %get3A_3205 : vector<16xf32>
      %get3A_3207 = arith.constant 29 : i32
      %get3A_3208 = arith.index_cast %get3A_3207 : i32 to index
      %get3A_3209 = arith.constant 32 : index
      %get3A_3210 = tpu.vector_load %arg7[%get3A_3208, %get3A_3209] {strides = array<i32>} : memref<100x64xf32, #tpu.memory_space<vmem>>, vector<1x16xf32>,
      %get3A_3211 = vector.shape_cast %get3A_3210 : vector<1x16xf32> to vector<16xf32>
      %add3A_3212 = arith.addf %add3A_3188, %get3A_3211 : vector<16xf32>
      %get3A_3213 = arith.constant 29 : i32
      %get3A_3214 = arith.index_cast %get3A_3213 : i32 to index
      %get3A_3215 = arith.constant 48 : index
      %get3A_3216 = tpu.vector_load %arg7[%get3A_3214, %get3A_3215] {strides = array<i32>} : memref<100x64xf32, #tpu.memory_space<vmem>>, vector<1x16xf32>,
      %get3A_3217 = vector.shape_cast %get3A_3216 : vector<1x16xf32> to vector<16xf32>
      %add3A_3218 = arith.addf %add3A_3194, %get3A_3217 : vector<16xf32>
      %get3A_3219 = arith.constant 30 : i32
      %get3A_3220 = arith.index_cast %get3A_3219 : i32 to index
      %get3A_3221 = arith.constant 0 : index
      %get3A_3222 = tpu.vector_load %arg7[%get3A_3220, %get3A_3221] {strides = array<i32>} : memref<100x64xf32, #tpu.memory_space<vmem>>, vector<1x16xf32>,
      %get3A_3223 = vector.shape_cast %get3A_3222 : vector<1x16xf32> to vector<16xf32>
      %add3A_3224 = arith.addf %add3A_3200, %get3A_3223 : vector<16xf32>
      %get3A_3225 = arith.constant 30 : i32
      %get3A_3226 = arith.index_cast %get3A_3225 : i32 to index
      %get3A_3227 = arith.constant 16 : index
      %get3A_3228 = tpu.vector_load %arg7[%get3A_3226, %get3A_3227] {strides = array<i32>} : memref<100x64xf32, #tpu.memory_space<vmem>>, vector<1x16xf32>,
      %get3A_3229 = vector.shape_cast %get3A_3228 : vector<1x16xf32> to vector<16xf32>
      %add3A_3230 = arith.addf %add3A_3206, %get3A_3229 : vector<16xf32>
      %get3A_3231 = arith.constant 30 : i32
      %get3A_3232 = arith.index_cast %get3A_3231 : i32 to index
      %get3A_3233 = arith.constant 32 : index
      %get3A_3234 = tpu.vector_load %arg7[%get3A_3232, %get3A_3233] {strides = array<i32>} : memref<100x64xf32, #tpu.memory_space<vmem>>, vector<1x16xf32>,
      %get3A_3235 = vector.shape_cast %get3A_3234 : vector<1x16xf32> to vector<16xf32>
      %add3A_3236 = arith.addf %add3A_3212, %get3A_3235 : vector<16xf32>
      %get3A_3237 = arith.constant 30 : i32
      %get3A_3238 = arith.index_cast %get3A_3237 : i32 to index
      %get3A_3239 = arith.constant 48 : index
      %get3A_3240 = tpu.vector_load %arg7[%get3A_3238, %get3A_3239] {strides = array<i32>} : memref<100x64xf32, #tpu.memory_space<vmem>>, vector<1x16xf32>,
      %get3A_3241 = vector.shape_cast %get3A_3240 : vector<1x16xf32> to vector<16xf32>
      %add3A_3242 = arith.addf %add3A_3218, %get3A_3241 : vector<16xf32>
      %get3A_3243 = arith.constant 31 : i32
      %get3A_3244 = arith.index_cast %get3A_3243 : i32 to index
      %get3A_3245 = arith.constant 0 : index
      %get3A_3246 = tpu.vector_load %arg7[%get3A_3244, %get3A_3245] {strides = array<i32>} : memref<100x64xf32, #tpu.memory_space<vmem>>, vector<1x16xf32>,
      %get3A_3247 = vector.shape_cast %get3A_3246 : vector<1x16xf32> to vector<16xf32>
      %add3A_3248 = arith.addf %add3A_3224, %get3A_3247 : vector<16xf32>
      %get3A_3249 = arith.constant 31 : i32
      %get3A_3250 = arith.index_cast %get3A_3249 : i32 to index
      %get3A_3251 = arith.constant 16 : index
      %get3A_3252 = tpu.vector_load %arg7[%get3A_3250, %get3A_3251] {strides = array<i32>} : memref<100x64xf32, #tpu.memory_space<vmem>>, vector<1x16xf32>,
      %get3A_3253 = vector.shape_cast %get3A_3252 : vector<1x16xf32> to vector<16xf32>
      %add3A_3254 = arith.addf %add3A_3230, %get3A_3253 : vector<16xf32>
      %get3A_3255 = arith.constant 31 : i32
      %get3A_3256 = arith.index_cast %get3A_3255 : i32 to index
      %get3A_3257 = arith.constant 32 : index
      %get3A_3258 = tpu.vector_load %arg7[%get3A_3256, %get3A_3257] {strides = array<i32>} : memref<100x64xf32, #tpu.memory_space<vmem>>, vector<1x16xf32>,
      %get3A_3259 = vector.shape_cast %get3A_3258 : vector<1x16xf32> to vector<16xf32>
      %add3A_3260 = arith.addf %add3A_3236, %get3A_3259 : vector<16xf32>
      %get3A_3261 = arith.constant 31 : i32
      %get3A_3262 = arith.index_cast %get3A_3261 : i32 to index
      %get3A_3263 = arith.constant 48 : index
      %get3A_3264 = tpu.vector_load %arg7[%get3A_3262, %get3A_3263] {strides = array<i32>} : memref<100x64xf32, #tpu.memory_space<vmem>>, vector<1x16xf32>,
      %get3A_3265 = vector.shape_cast %get3A_3264 : vector<1x16xf32> to vector<16xf32>
      %add3A_3266 = arith.addf %add3A_3242, %get3A_3265 : vector<16xf32>
      %get3A_3267 = arith.constant 32 : i32
      %get3A_3268 = arith.index_cast %get3A_3267 : i32 to index
      %get3A_3269 = arith.constant 0 : index
      %get3A_3270 = tpu.vector_load %arg7[%get3A_3268, %get3A_3269] {strides = array<i32>} : memref<100x64xf32, #tpu.memory_space<vmem>>, vector<1x16xf32>,
      %get3A_3271 = vector.shape_cast %get3A_3270 : vector<1x16xf32> to vector<16xf32>
      %add3A_3272 = arith.addf %add3A_3248, %get3A_3271 : vector<16xf32>
      %get3A_3273 = arith.constant 32 : i32
      %get3A_3274 = arith.index_cast %get3A_3273 : i32 to index
      %get3A_3275 = arith.constant 16 : index
      %get3A_3276 = tpu.vector_load %arg7[%get3A_3274, %get3A_3275] {strides = array<i32>} : memref<100x64xf32, #tpu.memory_space<vmem>>, vector<1x16xf32>,
      %get3A_3277 = vector.shape_cast %get3A_3276 : vector<1x16xf32> to vector<16xf32>
      %add3A_3278 = arith.addf %add3A_3254, %get3A_3277 : vector<16xf32>
      %get3A_3279 = arith.constant 32 : i32
      %get3A_3280 = arith.index_cast %get3A_3279 : i32 to index
      %get3A_3281 = arith.constant 32 : index
      %get3A_3282 = tpu.vector_load %arg7[%get3A_3280, %get3A_3281] {strides = array<i32>} : memref<100x64xf32, #tpu.memory_space<vmem>>, vector<1x16xf32>,
      %get3A_3283 = vector.shape_cast %get3A_3282 : vector<1x16xf32> to vector<16xf32>
      %add3A_3284 = arith.addf %add3A_3260, %get3A_3283 : vector<16xf32>
      %get3A_3285 = arith.constant 32 : i32
      %get3A_3286 = arith.index_cast %get3A_3285 : i32 to index
      %get3A_3287 = arith.constant 48 : index
      %get3A_3288 = tpu.vector_load %arg7[%get3A_3286, %get3A_3287] {strides = array<i32>} : memref<100x64xf32, #tpu.memory_space<vmem>>, vector<1x16xf32>,
      %get3A_3289 = vector.shape_cast %get3A_3288 : vector<1x16xf32> to vector<16xf32>
      %add3A_3290 = arith.addf %add3A_3266, %get3A_3289 : vector<16xf32>
      %get3A_3291 = arith.constant 33 : i32
      %get3A_3292 = arith.index_cast %get3A_3291 : i32 to index
      %get3A_3293 = arith.constant 0 : index
      %get3A_3294 = tpu.vector_load %arg7[%get3A_3292, %get3A_3293] {strides = array<i32>} : memref<100x64xf32, #tpu.memory_space<vmem>>, vector<1x16xf32>,
      %get3A_3295 = vector.shape_cast %get3A_3294 : vector<1x16xf32> to vector<16xf32>
      %add3A_3296 = arith.addf %add3A_3272, %get3A_3295 : vector<16xf32>
      %get3A_3297 = arith.constant 33 : i32
      %get3A_3298 = arith.index_cast %get3A_3297 : i32 to index
      %get3A_3299 = arith.constant 16 : index
      %get3A_3300 = tpu.vector_load %arg7[%get3A_3298, %get3A_3299] {strides = array<i32>} : memref<100x64xf32, #tpu.memory_space<vmem>>, vector<1x16xf32>,
      %get3A_3301 = vector.shape_cast %get3A_3300 : vector<1x16xf32> to vector<16xf32>
      %add3A_3302 = arith.addf %add3A_3278, %get3A_3301 : vector<16xf32>
      %get3A_3303 = arith.constant 33 : i32
      %get3A_3304 = arith.index_cast %get3A_3303 : i32 to index
      %get3A_3305 = arith.constant 32 : index
      %get3A_3306 = tpu.vector_load %arg7[%get3A_3304, %get3A_3305] {strides = array<i32>} : memref<100x64xf32, #tpu.memory_space<vmem>>, vector<1x16xf32>,
      %get3A_3307 = vector.shape_cast %get3A_3306 : vector<1x16xf32> to vector<16xf32>
      %add3A_3308 = arith.addf %add3A_3284, %get3A_3307 : vector<16xf32>
      %get3A_3309 = arith.constant 33 : i32
      %get3A_3310 = arith.index_cast %get3A_3309 : i32 to index
      %get3A_3311 = arith.constant 48 : index
      %get3A_3312 = tpu.vector_load %arg7[%get3A_3310, %get3A_3311] {strides = array<i32>} : memref<100x64xf32, #tpu.memory_space<vmem>>, vector<1x16xf32>,
      %get3A_3313 = vector.shape_cast %get3A_3312 : vector<1x16xf32> to vector<16xf32>
      %add3A_3314 = arith.addf %add3A_3290, %get3A_3313 : vector<16xf32>
      %get3A_3315 = arith.constant 34 : i32
      %get3A_3316 = arith.index_cast %get3A_3315 : i32 to index
      %get3A_3317 = arith.constant 0 : index
      %get3A_3318 = tpu.vector_load %arg7[%get3A_3316, %get3A_3317] {strides = array<i32>} : memref<100x64xf32, #tpu.memory_space<vmem>>, vector<1x16xf32>,
      %get3A_3319 = vector.shape_cast %get3A_3318 : vector<1x16xf32> to vector<16xf32>
      %add3A_3320 = arith.addf %add3A_3296, %get3A_3319 : vector<16xf32>
      %get3A_3321 = arith.constant 34 : i32
      %get3A_3322 = arith.index_cast %get3A_3321 : i32 to index
      %get3A_3323 = arith.constant 16 : index
      %get3A_3324 = tpu.vector_load %arg7[%get3A_3322, %get3A_3323] {strides = array<i32>} : memref<100x64xf32, #tpu.memory_space<vmem>>, vector<1x16xf32>,
      %get3A_3325 = vector.shape_cast %get3A_3324 : vector<1x16xf32> to vector<16xf32>
      %add3A_3326 = arith.addf %add3A_3302, %get3A_3325 : vector<16xf32>
      %get3A_3327 = arith.constant 34 : i32
      %get3A_3328 = arith.index_cast %get3A_3327 : i32 to index
      %get3A_3329 = arith.constant 32 : index
      %get3A_3330 = tpu.vector_load %arg7[%get3A_3328, %get3A_3329] {strides = array<i32>} : memref<100x64xf32, #tpu.memory_space<vmem>>, vector<1x16xf32>,
      %get3A_3331 = vector.shape_cast %get3A_3330 : vector<1x16xf32> to vector<16xf32>
      %add3A_3332 = arith.addf %add3A_3308, %get3A_3331 : vector<16xf32>
      %get3A_3333 = arith.constant 34 : i32
      %get3A_3334 = arith.index_cast %get3A_3333 : i32 to index
      %get3A_3335 = arith.constant 48 : index
      %get3A_3336 = tpu.vector_load %arg7[%get3A_3334, %get3A_3335] {strides = array<i32>} : memref<100x64xf32, #tpu.memory_space<vmem>>, vector<1x16xf32>,
      %get3A_3337 = vector.shape_cast %get3A_3336 : vector<1x16xf32> to vector<16xf32>
      %add3A_3338 = arith.addf %add3A_3314, %get3A_3337 : vector<16xf32>
      %get3A_3339 = arith.constant 35 : i32
      %get3A_3340 = arith.index_cast %get3A_3339 : i32 to index
      %get3A_3341 = arith.constant 0 : index
      %get3A_3342 = tpu.vector_load %arg7[%get3A_3340, %get3A_3341] {strides = array<i32>} : memref<100x64xf32, #tpu.memory_space<vmem>>, vector<1x16xf32>,
      %get3A_3343 = vector.shape_cast %get3A_3342 : vector<1x16xf32> to vector<16xf32>
      %add3A_3344 = arith.addf %add3A_3320, %get3A_3343 : vector<16xf32>
      %get3A_3345 = arith.constant 35 : i32
      %get3A_3346 = arith.index_cast %get3A_3345 : i32 to index
      %get3A_3347 = arith.constant 16 : index
      %get3A_3348 = tpu.vector_load %arg7[%get3A_3346, %get3A_3347] {strides = array<i32>} : memref<100x64xf32, #tpu.memory_space<vmem>>, vector<1x16xf32>,
      %get3A_3349 = vector.shape_cast %get3A_3348 : vector<1x16xf32> to vector<16xf32>
      %add3A_3350 = arith.addf %add3A_3326, %get3A_3349 : vector<16xf32>
      %get3A_3351 = arith.constant 35 : i32
      %get3A_3352 = arith.index_cast %get3A_3351 : i32 to index
      %get3A_3353 = arith.constant 32 : index
      %get3A_3354 = tpu.vector_load %arg7[%get3A_3352, %get3A_3353] {strides = array<i32>} : memref<100x64xf32, #tpu.memory_space<vmem>>, vector<1x16xf32>,
      %get3A_3355 = vector.shape_cast %get3A_3354 : vector<1x16xf32> to vector<16xf32>
      %add3A_3356 = arith.addf %add3A_3332, %get3A_3355 : vector<16xf32>
      %get3A_3357 = arith.constant 35 : i32
      %get3A_3358 = arith.index_cast %get3A_3357 : i32 to index
      %get3A_3359 = arith.constant 48 : index
      %get3A_3360 = tpu.vector_load %arg7[%get3A_3358, %get3A_3359] {strides = array<i32>} : memref<100x64xf32, #tpu.memory_space<vmem>>, vector<1x16xf32>,
      %get3A_3361 = vector.shape_cast %get3A_3360 : vector<1x16xf32> to vector<16xf32>
      %add3A_3362 = arith.addf %add3A_3338, %get3A_3361 : vector<16xf32>
      %get3A_3363 = arith.constant 36 : i32
      %get3A_3364 = arith.index_cast %get3A_3363 : i32 to index
      %get3A_3365 = arith.constant 0 : index
      %get3A_3366 = tpu.vector_load %arg7[%get3A_3364, %get3A_3365] {strides = array<i32>} : memref<100x64xf32, #tpu.memory_space<vmem>>, vector<1x16xf32>,
      %get3A_3367 = vector.shape_cast %get3A_3366 : vector<1x16xf32> to vector<16xf32>
      %add3A_3368 = arith.addf %add3A_3344, %get3A_3367 : vector<16xf32>
      %get3A_3369 = arith.constant 36 : i32
      %get3A_3370 = arith.index_cast %get3A_3369 : i32 to index
      %get3A_3371 = arith.constant 16 : index
      %get3A_3372 = tpu.vector_load %arg7[%get3A_3370, %get3A_3371] {strides = array<i32>} : memref<100x64xf32, #tpu.memory_space<vmem>>, vector<1x16xf32>,
      %get3A_3373 = vector.shape_cast %get3A_3372 : vector<1x16xf32> to vector<16xf32>
      %add3A_3374 = arith.addf %add3A_3350, %get3A_3373 : vector<16xf32>
      %get3A_3375 = arith.constant 36 : i32
      %get3A_3376 = arith.index_cast %get3A_3375 : i32 to index
      %get3A_3377 = arith.constant 32 : index
      %get3A_3378 = tpu.vector_load %arg7[%get3A_3376, %get3A_3377] {strides = array<i32>} : memref<100x64xf32, #tpu.memory_space<vmem>>, vector<1x16xf32>,
      %get3A_3379 = vector.shape_cast %get3A_3378 : vector<1x16xf32> to vector<16xf32>
      %add3A_3380 = arith.addf %add3A_3356, %get3A_3379 : vector<16xf32>
      %get3A_3381 = arith.constant 36 : i32
      %get3A_3382 = arith.index_cast %get3A_3381 : i32 to index
      %get3A_3383 = arith.constant 48 : index
      %get3A_3384 = tpu.vector_load %arg7[%get3A_3382, %get3A_3383] {strides = array<i32>} : memref<100x64xf32, #tpu.memory_space<vmem>>, vector<1x16xf32>,
      %get3A_3385 = vector.shape_cast %get3A_3384 : vector<1x16xf32> to vector<16xf32>
      %add3A_3386 = arith.addf %add3A_3362, %get3A_3385 : vector<16xf32>
      %get3A_3387 = arith.constant 37 : i32
      %get3A_3388 = arith.index_cast %get3A_3387 : i32 to index
      %get3A_3389 = arith.constant 0 : index
      %get3A_3390 = tpu.vector_load %arg7[%get3A_3388, %get3A_3389] {strides = array<i32>} : memref<100x64xf32, #tpu.memory_space<vmem>>, vector<1x16xf32>,
      %get3A_3391 = vector.shape_cast %get3A_3390 : vector<1x16xf32> to vector<16xf32>
      %add3A_3392 = arith.addf %add3A_3368, %get3A_3391 : vector<16xf32>
      %get3A_3393 = arith.constant 37 : i32
      %get3A_3394 = arith.index_cast %get3A_3393 : i32 to index
      %get3A_3395 = arith.constant 16 : index
      %get3A_3396 = tpu.vector_load %arg7[%get3A_3394, %get3A_3395] {strides = array<i32>} : memref<100x64xf32, #tpu.memory_space<vmem>>, vector<1x16xf32>,
      %get3A_3397 = vector.shape_cast %get3A_3396 : vector<1x16xf32> to vector<16xf32>
      %add3A_3398 = arith.addf %add3A_3374, %get3A_3397 : vector<16xf32>
      %get3A_3399 = arith.constant 37 : i32
      %get3A_3400 = arith.index_cast %get3A_3399 : i32 to index
      %get3A_3401 = arith.constant 32 : index
      %get3A_3402 = tpu.vector_load %arg7[%get3A_3400, %get3A_3401] {strides = array<i32>} : memref<100x64xf32, #tpu.memory_space<vmem>>, vector<1x16xf32>,
      %get3A_3403 = vector.shape_cast %get3A_3402 : vector<1x16xf32> to vector<16xf32>
      %add3A_3404 = arith.addf %add3A_3380, %get3A_3403 : vector<16xf32>
      %get3A_3405 = arith.constant 37 : i32
      %get3A_3406 = arith.index_cast %get3A_3405 : i32 to index
      %get3A_3407 = arith.constant 48 : index
      %get3A_3408 = tpu.vector_load %arg7[%get3A_3406, %get3A_3407] {strides = array<i32>} : memref<100x64xf32, #tpu.memory_space<vmem>>, vector<1x16xf32>,
      %get3A_3409 = vector.shape_cast %get3A_3408 : vector<1x16xf32> to vector<16xf32>
      %add3A_3410 = arith.addf %add3A_3386, %get3A_3409 : vector<16xf32>
      %get3A_3411 = arith.constant 38 : i32
      %get3A_3412 = arith.index_cast %get3A_3411 : i32 to index
      %get3A_3413 = arith.constant 0 : index
      %get3A_3414 = tpu.vector_load %arg7[%get3A_3412, %get3A_3413] {strides = array<i32>} : memref<100x64xf32, #tpu.memory_space<vmem>>, vector<1x16xf32>,
      %get3A_3415 = vector.shape_cast %get3A_3414 : vector<1x16xf32> to vector<16xf32>
      %add3A_3416 = arith.addf %add3A_3392, %get3A_3415 : vector<16xf32>
      %get3A_3417 = arith.constant 38 : i32
      %get3A_3418 = arith.index_cast %get3A_3417 : i32 to index
      %get3A_3419 = arith.constant 16 : index
      %get3A_3420 = tpu.vector_load %arg7[%get3A_3418, %get3A_3419] {strides = array<i32>} : memref<100x64xf32, #tpu.memory_space<vmem>>, vector<1x16xf32>,
      %get3A_3421 = vector.shape_cast %get3A_3420 : vector<1x16xf32> to vector<16xf32>
      %add3A_3422 = arith.addf %add3A_3398, %get3A_3421 : vector<16xf32>
      %get3A_3423 = arith.constant 38 : i32
      %get3A_3424 = arith.index_cast %get3A_3423 : i32 to index
      %get3A_3425 = arith.constant 32 : index
      %get3A_3426 = tpu.vector_load %arg7[%get3A_3424, %get3A_3425] {strides = array<i32>} : memref<100x64xf32, #tpu.memory_space<vmem>>, vector<1x16xf32>,
      %get3A_3427 = vector.shape_cast %get3A_3426 : vector<1x16xf32> to vector<16xf32>
      %add3A_3428 = arith.addf %add3A_3404, %get3A_3427 : vector<16xf32>
      %get3A_3429 = arith.constant 38 : i32
      %get3A_3430 = arith.index_cast %get3A_3429 : i32 to index
      %get3A_3431 = arith.constant 48 : index
      %get3A_3432 = tpu.vector_load %arg7[%get3A_3430, %get3A_3431] {strides = array<i32>} : memref<100x64xf32, #tpu.memory_space<vmem>>, vector<1x16xf32>,
      %get3A_3433 = vector.shape_cast %get3A_3432 : vector<1x16xf32> to vector<16xf32>
      %add3A_3434 = arith.addf %add3A_3410, %get3A_3433 : vector<16xf32>
      %get3A_3435 = arith.constant 39 : i32
      %get3A_3436 = arith.index_cast %get3A_3435 : i32 to index
      %get3A_3437 = arith.constant 0 : index
      %get3A_3438 = tpu.vector_load %arg7[%get3A_3436, %get3A_3437] {strides = array<i32>} : memref<100x64xf32, #tpu.memory_space<vmem>>, vector<1x16xf32>,
      %get3A_3439 = vector.shape_cast %get3A_3438 : vector<1x16xf32> to vector<16xf32>
      %add3A_3440 = arith.addf %add3A_3416, %get3A_3439 : vector<16xf32>
      %get3A_3441 = arith.constant 39 : i32
      %get3A_3442 = arith.index_cast %get3A_3441 : i32 to index
      %get3A_3443 = arith.constant 16 : index
      %get3A_3444 = tpu.vector_load %arg7[%get3A_3442, %get3A_3443] {strides = array<i32>} : memref<100x64xf32, #tpu.memory_space<vmem>>, vector<1x16xf32>,
      %get3A_3445 = vector.shape_cast %get3A_3444 : vector<1x16xf32> to vector<16xf32>
      %add3A_3446 = arith.addf %add3A_3422, %get3A_3445 : vector<16xf32>
      %get3A_3447 = arith.constant 39 : i32
      %get3A_3448 = arith.index_cast %get3A_3447 : i32 to index
      %get3A_3449 = arith.constant 32 : index
      %get3A_3450 = tpu.vector_load %arg7[%get3A_3448, %get3A_3449] {strides = array<i32>} : memref<100x64xf32, #tpu.memory_space<vmem>>, vector<1x16xf32>,
      %get3A_3451 = vector.shape_cast %get3A_3450 : vector<1x16xf32> to vector<16xf32>
      %add3A_3452 = arith.addf %add3A_3428, %get3A_3451 : vector<16xf32>
      %get3A_3453 = arith.constant 39 : i32
      %get3A_3454 = arith.index_cast %get3A_3453 : i32 to index
      %get3A_3455 = arith.constant 48 : index
      %get3A_3456 = tpu.vector_load %arg7[%get3A_3454, %get3A_3455] {strides = array<i32>} : memref<100x64xf32, #tpu.memory_space<vmem>>, vector<1x16xf32>,
      %get3A_3457 = vector.shape_cast %get3A_3456 : vector<1x16xf32> to vector<16xf32>
      %add3A_3458 = arith.addf %add3A_3434, %get3A_3457 : vector<16xf32>
      %get3A_3459 = arith.constant 40 : i32
      %get3A_3460 = arith.index_cast %get3A_3459 : i32 to index
      %get3A_3461 = arith.constant 0 : index
      %get3A_3462 = tpu.vector_load %arg7[%get3A_3460, %get3A_3461] {strides = array<i32>} : memref<100x64xf32, #tpu.memory_space<vmem>>, vector<1x16xf32>,
      %get3A_3463 = vector.shape_cast %get3A_3462 : vector<1x16xf32> to vector<16xf32>
      %add3A_3464 = arith.addf %add3A_3440, %get3A_3463 : vector<16xf32>
      %get3A_3465 = arith.constant 40 : i32
      %get3A_3466 = arith.index_cast %get3A_3465 : i32 to index
      %get3A_3467 = arith.constant 16 : index
      %get3A_3468 = tpu.vector_load %arg7[%get3A_3466, %get3A_3467] {strides = array<i32>} : memref<100x64xf32, #tpu.memory_space<vmem>>, vector<1x16xf32>,
      %get3A_3469 = vector.shape_cast %get3A_3468 : vector<1x16xf32> to vector<16xf32>
      %add3A_3470 = arith.addf %add3A_3446, %get3A_3469 : vector<16xf32>
      %get3A_3471 = arith.constant 40 : i32
      %get3A_3472 = arith.index_cast %get3A_3471 : i32 to index
      %get3A_3473 = arith.constant 32 : index
      %get3A_3474 = tpu.vector_load %arg7[%get3A_3472, %get3A_3473] {strides = array<i32>} : memref<100x64xf32, #tpu.memory_space<vmem>>, vector<1x16xf32>,
      %get3A_3475 = vector.shape_cast %get3A_3474 : vector<1x16xf32> to vector<16xf32>
      %add3A_3476 = arith.addf %add3A_3452, %get3A_3475 : vector<16xf32>
      %get3A_3477 = arith.constant 40 : i32
      %get3A_3478 = arith.index_cast %get3A_3477 : i32 to index
      %get3A_3479 = arith.constant 48 : index
      %get3A_3480 = tpu.vector_load %arg7[%get3A_3478, %get3A_3479] {strides = array<i32>} : memref<100x64xf32, #tpu.memory_space<vmem>>, vector<1x16xf32>,
      %get3A_3481 = vector.shape_cast %get3A_3480 : vector<1x16xf32> to vector<16xf32>
      %add3A_3482 = arith.addf %add3A_3458, %get3A_3481 : vector<16xf32>
      %get3A_3483 = arith.constant 41 : i32
      %get3A_3484 = arith.index_cast %get3A_3483 : i32 to index
      %get3A_3485 = arith.constant 0 : index
      %get3A_3486 = tpu.vector_load %arg7[%get3A_3484, %get3A_3485] {strides = array<i32>} : memref<100x64xf32, #tpu.memory_space<vmem>>, vector<1x16xf32>,
      %get3A_3487 = vector.shape_cast %get3A_3486 : vector<1x16xf32> to vector<16xf32>
      %add3A_3488 = arith.addf %add3A_3464, %get3A_3487 : vector<16xf32>
      %get3A_3489 = arith.constant 41 : i32
      %get3A_3490 = arith.index_cast %get3A_3489 : i32 to index
      %get3A_3491 = arith.constant 16 : index
      %get3A_3492 = tpu.vector_load %arg7[%get3A_3490, %get3A_3491] {strides = array<i32>} : memref<100x64xf32, #tpu.memory_space<vmem>>, vector<1x16xf32>,
      %get3A_3493 = vector.shape_cast %get3A_3492 : vector<1x16xf32> to vector<16xf32>
      %add3A_3494 = arith.addf %add3A_3470, %get3A_3493 : vector<16xf32>
      %get3A_3495 = arith.constant 41 : i32
      %get3A_3496 = arith.index_cast %get3A_3495 : i32 to index
      %get3A_3497 = arith.constant 32 : index
      %get3A_3498 = tpu.vector_load %arg7[%get3A_3496, %get3A_3497] {strides = array<i32>} : memref<100x64xf32, #tpu.memory_space<vmem>>, vector<1x16xf32>,
      %get3A_3499 = vector.shape_cast %get3A_3498 : vector<1x16xf32> to vector<16xf32>
      %add3A_3500 = arith.addf %add3A_3476, %get3A_3499 : vector<16xf32>
      %get3A_3501 = arith.constant 41 : i32
      %get3A_3502 = arith.index_cast %get3A_3501 : i32 to index
      %get3A_3503 = arith.constant 48 : index
      %get3A_3504 = tpu.vector_load %arg7[%get3A_3502, %get3A_3503] {strides = array<i32>} : memref<100x64xf32, #tpu.memory_space<vmem>>, vector<1x16xf32>,
      %get3A_3505 = vector.shape_cast %get3A_3504 : vector<1x16xf32> to vector<16xf32>
      %add3A_3506 = arith.addf %add3A_3482, %get3A_3505 : vector<16xf32>
      %get3A_3507 = arith.constant 42 : i32
      %get3A_3508 = arith.index_cast %get3A_3507 : i32 to index
      %get3A_3509 = arith.constant 0 : index
      %get3A_3510 = tpu.vector_load %arg7[%get3A_3508, %get3A_3509] {strides = array<i32>} : memref<100x64xf32, #tpu.memory_space<vmem>>, vector<1x16xf32>,
      %get3A_3511 = vector.shape_cast %get3A_3510 : vector<1x16xf32> to vector<16xf32>
      %add3A_3512 = arith.addf %add3A_3488, %get3A_3511 : vector<16xf32>
      %get3A_3513 = arith.constant 42 : i32
      %get3A_3514 = arith.index_cast %get3A_3513 : i32 to index
      %get3A_3515 = arith.constant 16 : index
      %get3A_3516 = tpu.vector_load %arg7[%get3A_3514, %get3A_3515] {strides = array<i32>} : memref<100x64xf32, #tpu.memory_space<vmem>>, vector<1x16xf32>,
      %get3A_3517 = vector.shape_cast %get3A_3516 : vector<1x16xf32> to vector<16xf32>
      %add3A_3518 = arith.addf %add3A_3494, %get3A_3517 : vector<16xf32>
      %get3A_3519 = arith.constant 42 : i32
      %get3A_3520 = arith.index_cast %get3A_3519 : i32 to index
      %get3A_3521 = arith.constant 32 : index
      %get3A_3522 = tpu.vector_load %arg7[%get3A_3520, %get3A_3521] {strides = array<i32>} : memref<100x64xf32, #tpu.memory_space<vmem>>, vector<1x16xf32>,
      %get3A_3523 = vector.shape_cast %get3A_3522 : vector<1x16xf32> to vector<16xf32>
      %add3A_3524 = arith.addf %add3A_3500, %get3A_3523 : vector<16xf32>
      %get3A_3525 = arith.constant 42 : i32
      %get3A_3526 = arith.index_cast %get3A_3525 : i32 to index
      %get3A_3527 = arith.constant 48 : index
      %get3A_3528 = tpu.vector_load %arg7[%get3A_3526, %get3A_3527] {strides = array<i32>} : memref<100x64xf32, #tpu.memory_space<vmem>>, vector<1x16xf32>,
      %get3A_3529 = vector.shape_cast %get3A_3528 : vector<1x16xf32> to vector<16xf32>
      %add3A_3530 = arith.addf %add3A_3506, %get3A_3529 : vector<16xf32>
      %get3A_3531 = arith.constant 43 : i32
      %get3A_3532 = arith.index_cast %get3A_3531 : i32 to index
      %get3A_3533 = arith.constant 0 : index
      %get3A_3534 = tpu.vector_load %arg7[%get3A_3532, %get3A_3533] {strides = array<i32>} : memref<100x64xf32, #tpu.memory_space<vmem>>, vector<1x16xf32>,
      %get3A_3535 = vector.shape_cast %get3A_3534 : vector<1x16xf32> to vector<16xf32>
      %add3A_3536 = arith.addf %add3A_3512, %get3A_3535 : vector<16xf32>
      %get3A_3537 = arith.constant 43 : i32
      %get3A_3538 = arith.index_cast %get3A_3537 : i32 to index
      %get3A_3539 = arith.constant 16 : index
      %get3A_3540 = tpu.vector_load %arg7[%get3A_3538, %get3A_3539] {strides = array<i32>} : memref<100x64xf32, #tpu.memory_space<vmem>>, vector<1x16xf32>,
      %get3A_3541 = vector.shape_cast %get3A_3540 : vector<1x16xf32> to vector<16xf32>
      %add3A_3542 = arith.addf %add3A_3518, %get3A_3541 : vector<16xf32>
      %get3A_3543 = arith.constant 43 : i32
      %get3A_3544 = arith.index_cast %get3A_3543 : i32 to index
      %get3A_3545 = arith.constant 32 : index
      %get3A_3546 = tpu.vector_load %arg7[%get3A_3544, %get3A_3545] {strides = array<i32>} : memref<100x64xf32, #tpu.memory_space<vmem>>, vector<1x16xf32>,
      %get3A_3547 = vector.shape_cast %get3A_3546 : vector<1x16xf32> to vector<16xf32>
      %add3A_3548 = arith.addf %add3A_3524, %get3A_3547 : vector<16xf32>
      %get3A_3549 = arith.constant 43 : i32
      %get3A_3550 = arith.index_cast %get3A_3549 : i32 to index
      %get3A_3551 = arith.constant 48 : index
      %get3A_3552 = tpu.vector_load %arg7[%get3A_3550, %get3A_3551] {strides = array<i32>} : memref<100x64xf32, #tpu.memory_space<vmem>>, vector<1x16xf32>,
      %get3A_3553 = vector.shape_cast %get3A_3552 : vector<1x16xf32> to vector<16xf32>
      %add3A_3554 = arith.addf %add3A_3530, %get3A_3553 : vector<16xf32>
      %get3A_3555 = arith.constant 44 : i32
      %get3A_3556 = arith.index_cast %get3A_3555 : i32 to index
      %get3A_3557 = arith.constant 0 : index
      %get3A_3558 = tpu.vector_load %arg7[%get3A_3556, %get3A_3557] {strides = array<i32>} : memref<100x64xf32, #tpu.memory_space<vmem>>, vector<1x16xf32>,
      %get3A_3559 = vector.shape_cast %get3A_3558 : vector<1x16xf32> to vector<16xf32>
      %add3A_3560 = arith.addf %add3A_3536, %get3A_3559 : vector<16xf32>
      %get3A_3561 = arith.constant 44 : i32
      %get3A_3562 = arith.index_cast %get3A_3561 : i32 to index
      %get3A_3563 = arith.constant 16 : index
      %get3A_3564 = tpu.vector_load %arg7[%get3A_3562, %get3A_3563] {strides = array<i32>} : memref<100x64xf32, #tpu.memory_space<vmem>>, vector<1x16xf32>,
      %get3A_3565 = vector.shape_cast %get3A_3564 : vector<1x16xf32> to vector<16xf32>
      %add3A_3566 = arith.addf %add3A_3542, %get3A_3565 : vector<16xf32>
      %get3A_3567 = arith.constant 44 : i32
      %get3A_3568 = arith.index_cast %get3A_3567 : i32 to index
      %get3A_3569 = arith.constant 32 : index
      %get3A_3570 = tpu.vector_load %arg7[%get3A_3568, %get3A_3569] {strides = array<i32>} : memref<100x64xf32, #tpu.memory_space<vmem>>, vector<1x16xf32>,
      %get3A_3571 = vector.shape_cast %get3A_3570 : vector<1x16xf32> to vector<16xf32>
      %add3A_3572 = arith.addf %add3A_3548, %get3A_3571 : vector<16xf32>
      %get3A_3573 = arith.constant 44 : i32
      %get3A_3574 = arith.index_cast %get3A_3573 : i32 to index
      %get3A_3575 = arith.constant 48 : index
      %get3A_3576 = tpu.vector_load %arg7[%get3A_3574, %get3A_3575] {strides = array<i32>} : memref<100x64xf32, #tpu.memory_space<vmem>>, vector<1x16xf32>,
      %get3A_3577 = vector.shape_cast %get3A_3576 : vector<1x16xf32> to vector<16xf32>
      %add3A_3578 = arith.addf %add3A_3554, %get3A_3577 : vector<16xf32>
      %get3A_3579 = arith.constant 45 : i32
      %get3A_3580 = arith.index_cast %get3A_3579 : i32 to index
      %get3A_3581 = arith.constant 0 : index
      %get3A_3582 = tpu.vector_load %arg7[%get3A_3580, %get3A_3581] {strides = array<i32>} : memref<100x64xf32, #tpu.memory_space<vmem>>, vector<1x16xf32>,
      %get3A_3583 = vector.shape_cast %get3A_3582 : vector<1x16xf32> to vector<16xf32>
      %add3A_3584 = arith.addf %add3A_3560, %get3A_3583 : vector<16xf32>
      %get3A_3585 = arith.constant 45 : i32
      %get3A_3586 = arith.index_cast %get3A_3585 : i32 to index
      %get3A_3587 = arith.constant 16 : index
      %get3A_3588 = tpu.vector_load %arg7[%get3A_3586, %get3A_3587] {strides = array<i32>} : memref<100x64xf32, #tpu.memory_space<vmem>>, vector<1x16xf32>,
      %get3A_3589 = vector.shape_cast %get3A_3588 : vector<1x16xf32> to vector<16xf32>
      %add3A_3590 = arith.addf %add3A_3566, %get3A_3589 : vector<16xf32>
      %get3A_3591 = arith.constant 45 : i32
      %get3A_3592 = arith.index_cast %get3A_3591 : i32 to index
      %get3A_3593 = arith.constant 32 : index
      %get3A_3594 = tpu.vector_load %arg7[%get3A_3592, %get3A_3593] {strides = array<i32>} : memref<100x64xf32, #tpu.memory_space<vmem>>, vector<1x16xf32>,
      %get3A_3595 = vector.shape_cast %get3A_3594 : vector<1x16xf32> to vector<16xf32>
      %add3A_3596 = arith.addf %add3A_3572, %get3A_3595 : vector<16xf32>
      %get3A_3597 = arith.constant 45 : i32
      %get3A_3598 = arith.index_cast %get3A_3597 : i32 to index
      %get3A_3599 = arith.constant 48 : index
      %get3A_3600 = tpu.vector_load %arg7[%get3A_3598, %get3A_3599] {strides = array<i32>} : memref<100x64xf32, #tpu.memory_space<vmem>>, vector<1x16xf32>,
      %get3A_3601 = vector.shape_cast %get3A_3600 : vector<1x16xf32> to vector<16xf32>
      %add3A_3602 = arith.addf %add3A_3578, %get3A_3601 : vector<16xf32>
      %get3A_3603 = arith.constant 46 : i32
      %get3A_3604 = arith.index_cast %get3A_3603 : i32 to index
      %get3A_3605 = arith.constant 0 : index
      %get3A_3606 = tpu.vector_load %arg7[%get3A_3604, %get3A_3605] {strides = array<i32>} : memref<100x64xf32, #tpu.memory_space<vmem>>, vector<1x16xf32>,
      %get3A_3607 = vector.shape_cast %get3A_3606 : vector<1x16xf32> to vector<16xf32>
      %add3A_3608 = arith.addf %add3A_3584, %get3A_3607 : vector<16xf32>
      %get3A_3609 = arith.constant 46 : i32
      %get3A_3610 = arith.index_cast %get3A_3609 : i32 to index
      %get3A_3611 = arith.constant 16 : index
      %get3A_3612 = tpu.vector_load %arg7[%get3A_3610, %get3A_3611] {strides = array<i32>} : memref<100x64xf32, #tpu.memory_space<vmem>>, vector<1x16xf32>,
      %get3A_3613 = vector.shape_cast %get3A_3612 : vector<1x16xf32> to vector<16xf32>
      %add3A_3614 = arith.addf %add3A_3590, %get3A_3613 : vector<16xf32>
      %get3A_3615 = arith.constant 46 : i32
      %get3A_3616 = arith.index_cast %get3A_3615 : i32 to index
      %get3A_3617 = arith.constant 32 : index
      %get3A_3618 = tpu.vector_load %arg7[%get3A_3616, %get3A_3617] {strides = array<i32>} : memref<100x64xf32, #tpu.memory_space<vmem>>, vector<1x16xf32>,
      %get3A_3619 = vector.shape_cast %get3A_3618 : vector<1x16xf32> to vector<16xf32>
      %add3A_3620 = arith.addf %add3A_3596, %get3A_3619 : vector<16xf32>
      %get3A_3621 = arith.constant 46 : i32
      %get3A_3622 = arith.index_cast %get3A_3621 : i32 to index
      %get3A_3623 = arith.constant 48 : index
      %get3A_3624 = tpu.vector_load %arg7[%get3A_3622, %get3A_3623] {strides = array<i32>} : memref<100x64xf32, #tpu.memory_space<vmem>>, vector<1x16xf32>,
      %get3A_3625 = vector.shape_cast %get3A_3624 : vector<1x16xf32> to vector<16xf32>
      %add3A_3626 = arith.addf %add3A_3602, %get3A_3625 : vector<16xf32>
      %get3A_3627 = arith.constant 47 : i32
      %get3A_3628 = arith.index_cast %get3A_3627 : i32 to index
      %get3A_3629 = arith.constant 0 : index
      %get3A_3630 = tpu.vector_load %arg7[%get3A_3628, %get3A_3629] {strides = array<i32>} : memref<100x64xf32, #tpu.memory_space<vmem>>, vector<1x16xf32>,
      %get3A_3631 = vector.shape_cast %get3A_3630 : vector<1x16xf32> to vector<16xf32>
      %add3A_3632 = arith.addf %add3A_3608, %get3A_3631 : vector<16xf32>
      %get3A_3633 = arith.constant 47 : i32
      %get3A_3634 = arith.index_cast %get3A_3633 : i32 to index
      %get3A_3635 = arith.constant 16 : index
      %get3A_3636 = tpu.vector_load %arg7[%get3A_3634, %get3A_3635] {strides = array<i32>} : memref<100x64xf32, #tpu.memory_space<vmem>>, vector<1x16xf32>,
      %get3A_3637 = vector.shape_cast %get3A_3636 : vector<1x16xf32> to vector<16xf32>
      %add3A_3638 = arith.addf %add3A_3614, %get3A_3637 : vector<16xf32>
      %get3A_3639 = arith.constant 47 : i32
      %get3A_3640 = arith.index_cast %get3A_3639 : i32 to index
      %get3A_3641 = arith.constant 32 : index
      %get3A_3642 = tpu.vector_load %arg7[%get3A_3640, %get3A_3641] {strides = array<i32>} : memref<100x64xf32, #tpu.memory_space<vmem>>, vector<1x16xf32>,
      %get3A_3643 = vector.shape_cast %get3A_3642 : vector<1x16xf32> to vector<16xf32>
      %add3A_3644 = arith.addf %add3A_3620, %get3A_3643 : vector<16xf32>
      %get3A_3645 = arith.constant 47 : i32
      %get3A_3646 = arith.index_cast %get3A_3645 : i32 to index
      %get3A_3647 = arith.constant 48 : index
      %get3A_3648 = tpu.vector_load %arg7[%get3A_3646, %get3A_3647] {strides = array<i32>} : memref<100x64xf32, #tpu.memory_space<vmem>>, vector<1x16xf32>,
      %get3A_3649 = vector.shape_cast %get3A_3648 : vector<1x16xf32> to vector<16xf32>
      %add3A_3650 = arith.addf %add3A_3626, %get3A_3649 : vector<16xf32>
      %get3A_3651 = arith.constant 48 : i32
      %get3A_3652 = arith.index_cast %get3A_3651 : i32 to index
      %get3A_3653 = arith.constant 0 : index
      %get3A_3654 = tpu.vector_load %arg7[%get3A_3652, %get3A_3653] {strides = array<i32>} : memref<100x64xf32, #tpu.memory_space<vmem>>, vector<1x16xf32>,
      %get3A_3655 = vector.shape_cast %get3A_3654 : vector<1x16xf32> to vector<16xf32>
      %add3A_3656 = arith.addf %add3A_3632, %get3A_3655 : vector<16xf32>
      %get3A_3657 = arith.constant 48 : i32
      %get3A_3658 = arith.index_cast %get3A_3657 : i32 to index
      %get3A_3659 = arith.constant 16 : index
      %get3A_3660 = tpu.vector_load %arg7[%get3A_3658, %get3A_3659] {strides = array<i32>} : memref<100x64xf32, #tpu.memory_space<vmem>>, vector<1x16xf32>,
      %get3A_3661 = vector.shape_cast %get3A_3660 : vector<1x16xf32> to vector<16xf32>
      %add3A_3662 = arith.addf %add3A_3638, %get3A_3661 : vector<16xf32>
      %get3A_3663 = arith.constant 48 : i32
      %get3A_3664 = arith.index_cast %get3A_3663 : i32 to index
      %get3A_3665 = arith.constant 32 : index
      %get3A_3666 = tpu.vector_load %arg7[%get3A_3664, %get3A_3665] {strides = array<i32>} : memref<100x64xf32, #tpu.memory_space<vmem>>, vector<1x16xf32>,
      %get3A_3667 = vector.shape_cast %get3A_3666 : vector<1x16xf32> to vector<16xf32>
      %add3A_3668 = arith.addf %add3A_3644, %get3A_3667 : vector<16xf32>
      %get3A_3669 = arith.constant 48 : i32
      %get3A_3670 = arith.index_cast %get3A_3669 : i32 to index
      %get3A_3671 = arith.constant 48 : index
      %get3A_3672 = tpu.vector_load %arg7[%get3A_3670, %get3A_3671] {strides = array<i32>} : memref<100x64xf32, #tpu.memory_space<vmem>>, vector<1x16xf32>,
      %get3A_3673 = vector.shape_cast %get3A_3672 : vector<1x16xf32> to vector<16xf32>
      %add3A_3674 = arith.addf %add3A_3650, %get3A_3673 : vector<16xf32>
      %get3A_3675 = arith.constant 49 : i32
      %get3A_3676 = arith.index_cast %get3A_3675 : i32 to index
      %get3A_3677 = arith.constant 0 : index
      %get3A_3678 = tpu.vector_load %arg7[%get3A_3676, %get3A_3677] {strides = array<i32>} : memref<100x64xf32, #tpu.memory_space<vmem>>, vector<1x16xf32>,
      %get3A_3679 = vector.shape_cast %get3A_3678 : vector<1x16xf32> to vector<16xf32>
      %add3A_3680 = arith.addf %add3A_3656, %get3A_3679 : vector<16xf32>
      %get3A_3681 = arith.constant 49 : i32
      %get3A_3682 = arith.index_cast %get3A_3681 : i32 to index
      %get3A_3683 = arith.constant 16 : index
      %get3A_3684 = tpu.vector_load %arg7[%get3A_3682, %get3A_3683] {strides = array<i32>} : memref<100x64xf32, #tpu.memory_space<vmem>>, vector<1x16xf32>,
      %get3A_3685 = vector.shape_cast %get3A_3684 : vector<1x16xf32> to vector<16xf32>
      %add3A_3686 = arith.addf %add3A_3662, %get3A_3685 : vector<16xf32>
      %get3A_3687 = arith.constant 49 : i32
      %get3A_3688 = arith.index_cast %get3A_3687 : i32 to index
      %get3A_3689 = arith.constant 32 : index
      %get3A_3690 = tpu.vector_load %arg7[%get3A_3688, %get3A_3689] {strides = array<i32>} : memref<100x64xf32, #tpu.memory_space<vmem>>, vector<1x16xf32>,
      %get3A_3691 = vector.shape_cast %get3A_3690 : vector<1x16xf32> to vector<16xf32>
      %add3A_3692 = arith.addf %add3A_3668, %get3A_3691 : vector<16xf32>
      %get3A_3693 = arith.constant 49 : i32
      %get3A_3694 = arith.index_cast %get3A_3693 : i32 to index
      %get3A_3695 = arith.constant 48 : index
      %get3A_3696 = tpu.vector_load %arg7[%get3A_3694, %get3A_3695] {strides = array<i32>} : memref<100x64xf32, #tpu.memory_space<vmem>>, vector<1x16xf32>,
      %get3A_3697 = vector.shape_cast %get3A_3696 : vector<1x16xf32> to vector<16xf32>
      %add3A_3698 = arith.addf %add3A_3674, %get3A_3697 : vector<16xf32>
      %mul3A_3699 = arith.constant 2 : i32
      %mul3A_3700 = arith.muli %add3A_2496, %mul3A_3699 : i32
      %add3A_3701 = arith.constant 0 : i32
      %add3A_3702 = arith.addi %mul3A_3700, %add3A_3701 : i32
      %mul3A_3703 = vector.broadcast %scan3A : f32 to vector<16xf32>
      %mul3A_3704 = arith.mulf %add3A_3680, %mul3A_3703 : vector<16xf32>
      %swap3A_3705 = arith.index_cast %add3A_3702 : i32 to index
      %swap3A_3706 = arith.constant 0 : index
      %swap3A_3707 = tpu.vector_load %arg8[%swap3A_3705, %swap3A_3706] {strides = array<i32>} : memref<512x64xf32, #tpu.memory_space<vmem>>, vector<1x16xf32>,
      %swap3A_3708 = vector.shape_cast %swap3A_3707 : vector<1x16xf32> to vector<16xf32>
      %swap3A_3709 = vector.shape_cast %mul3A_3704 : vector<16xf32> to vector<1x16xf32>
      tpu.vector_store %arg8[%swap3A_3705, %swap3A_3706], %swap3A_3709 {strides = array<i32>} : memref<512x64xf32, #tpu.memory_space<vmem>>, vector<1x16xf32>,
      %mul3A_3710 = vector.broadcast %scan3A : f32 to vector<16xf32>
      %mul3A_3711 = arith.mulf %add3A_3686, %mul3A_3710 : vector<16xf32>
      %swap3A_3712 = arith.index_cast %add3A_3702 : i32 to index
      %swap3A_3713 = arith.constant 16 : index
      %swap3A_3714 = tpu.vector_load %arg8[%swap3A_3712, %swap3A_3713] {strides = array<i32>} : memref<512x64xf32, #tpu.memory_space<vmem>>, vector<1x16xf32>,
      %swap3A_3715 = vector.shape_cast %swap3A_3714 : vector<1x16xf32> to vector<16xf32>
      %swap3A_3716 = vector.shape_cast %mul3A_3711 : vector<16xf32> to vector<1x16xf32>
      tpu.vector_store %arg8[%swap3A_3712, %swap3A_3713], %swap3A_3716 {strides = array<i32>} : memref<512x64xf32, #tpu.memory_space<vmem>>, vector<1x16xf32>,
      %mul3A_3717 = vector.broadcast %scan3A : f32 to vector<16xf32>
      %mul3A_3718 = arith.mulf %add3A_3692, %mul3A_3717 : vector<16xf32>
      %swap3A_3719 = arith.index_cast %add3A_3702 : i32 to index
      %swap3A_3720 = arith.constant 32 : index
      %swap3A_3721 = tpu.vector_load %arg8[%swap3A_3719, %swap3A_3720] {strides = array<i32>} : memref<512x64xf32, #tpu.memory_space<vmem>>, vector<1x16xf32>,
      %swap3A_3722 = vector.shape_cast %swap3A_3721 : vector<1x16xf32> to vector<16xf32>
      %swap3A_3723 = vector.shape_cast %mul3A_3718 : vector<16xf32> to vector<1x16xf32>
      tpu.vector_store %arg8[%swap3A_3719, %swap3A_3720], %swap3A_3723 {strides = array<i32>} : memref<512x64xf32, #tpu.memory_space<vmem>>, vector<1x16xf32>,
      %mul3A_3724 = vector.broadcast %scan3A : f32 to vector<16xf32>
      %mul3A_3725 = arith.mulf %add3A_3698, %mul3A_3724 : vector<16xf32>
      %swap3A_3726 = arith.index_cast %add3A_3702 : i32 to index
      %swap3A_3727 = arith.constant 48 : index
      %swap3A_3728 = tpu.vector_load %arg8[%swap3A_3726, %swap3A_3727] {strides = array<i32>} : memref<512x64xf32, #tpu.memory_space<vmem>>, vector<1x16xf32>,
      %swap3A_3729 = vector.shape_cast %swap3A_3728 : vector<1x16xf32> to vector<16xf32>
      %swap3A_3730 = vector.shape_cast %mul3A_3725 : vector<16xf32> to vector<1x16xf32>
      tpu.vector_store %arg8[%swap3A_3726, %swap3A_3727], %swap3A_3730 {strides = array<i32>} : memref<512x64xf32, #tpu.memory_space<vmem>>, vector<1x16xf32>,
      %get3A_3731 = arith.constant 50 : i32
      %get3A_3732 = arith.index_cast %get3A_3731 : i32 to index
      %get3A_3733 = arith.constant 0 : index
      %get3A_3734 = tpu.vector_load %arg7[%get3A_3732, %get3A_3733] {strides = array<i32>} : memref<100x64xf32, #tpu.memory_space<vmem>>, vector<1x16xf32>,
      %get3A_3735 = vector.shape_cast %get3A_3734 : vector<1x16xf32> to vector<16xf32>
      %get3A_3736 = arith.constant 50 : i32
      %get3A_3737 = arith.index_cast %get3A_3736 : i32 to index
      %get3A_3738 = arith.constant 16 : index
      %get3A_3739 = tpu.vector_load %arg7[%get3A_3737, %get3A_3738] {strides = array<i32>} : memref<100x64xf32, #tpu.memory_space<vmem>>, vector<1x16xf32>,
      %get3A_3740 = vector.shape_cast %get3A_3739 : vector<1x16xf32> to vector<16xf32>
      %get3A_3741 = arith.constant 50 : i32
      %get3A_3742 = arith.index_cast %get3A_3741 : i32 to index
      %get3A_3743 = arith.constant 32 : index
      %get3A_3744 = tpu.vector_load %arg7[%get3A_3742, %get3A_3743] {strides = array<i32>} : memref<100x64xf32, #tpu.memory_space<vmem>>, vector<1x16xf32>,
      %get3A_3745 = vector.shape_cast %get3A_3744 : vector<1x16xf32> to vector<16xf32>
      %get3A_3746 = arith.constant 50 : i32
      %get3A_3747 = arith.index_cast %get3A_3746 : i32 to index
      %get3A_3748 = arith.constant 48 : index
      %get3A_3749 = tpu.vector_load %arg7[%get3A_3747, %get3A_3748] {strides = array<i32>} : memref<100x64xf32, #tpu.memory_space<vmem>>, vector<1x16xf32>,
      %get3A_3750 = vector.shape_cast %get3A_3749 : vector<1x16xf32> to vector<16xf32>
      %get3A_3751 = arith.constant 51 : i32
      %get3A_3752 = arith.index_cast %get3A_3751 : i32 to index
      %get3A_3753 = arith.constant 0 : index
      %get3A_3754 = tpu.vector_load %arg7[%get3A_3752, %get3A_3753] {strides = array<i32>} : memref<100x64xf32, #tpu.memory_space<vmem>>, vector<1x16xf32>,
      %get3A_3755 = vector.shape_cast %get3A_3754 : vector<1x16xf32> to vector<16xf32>
      %add3A_3756 = arith.addf %get3A_3735, %get3A_3755 : vector<16xf32>
      %get3A_3757 = arith.constant 51 : i32
      %get3A_3758 = arith.index_cast %get3A_3757 : i32 to index
      %get3A_3759 = arith.constant 16 : index
      %get3A_3760 = tpu.vector_load %arg7[%get3A_3758, %get3A_3759] {strides = array<i32>} : memref<100x64xf32, #tpu.memory_space<vmem>>, vector<1x16xf32>,
      %get3A_3761 = vector.shape_cast %get3A_3760 : vector<1x16xf32> to vector<16xf32>
      %add3A_3762 = arith.addf %get3A_3740, %get3A_3761 : vector<16xf32>
      %get3A_3763 = arith.constant 51 : i32
      %get3A_3764 = arith.index_cast %get3A_3763 : i32 to index
      %get3A_3765 = arith.constant 32 : index
      %get3A_3766 = tpu.vector_load %arg7[%get3A_3764, %get3A_3765] {strides = array<i32>} : memref<100x64xf32, #tpu.memory_space<vmem>>, vector<1x16xf32>,
      %get3A_3767 = vector.shape_cast %get3A_3766 : vector<1x16xf32> to vector<16xf32>
      %add3A_3768 = arith.addf %get3A_3745, %get3A_3767 : vector<16xf32>
      %get3A_3769 = arith.constant 51 : i32
      %get3A_3770 = arith.index_cast %get3A_3769 : i32 to index
      %get3A_3771 = arith.constant 48 : index
      %get3A_3772 = tpu.vector_load %arg7[%get3A_3770, %get3A_3771] {strides = array<i32>} : memref<100x64xf32, #tpu.memory_space<vmem>>, vector<1x16xf32>,
      %get3A_3773 = vector.shape_cast %get3A_3772 : vector<1x16xf32> to vector<16xf32>
      %add3A_3774 = arith.addf %get3A_3750, %get3A_3773 : vector<16xf32>
      %get3A_3775 = arith.constant 52 : i32
      %get3A_3776 = arith.index_cast %get3A_3775 : i32 to index
      %get3A_3777 = arith.constant 0 : index
      %get3A_3778 = tpu.vector_load %arg7[%get3A_3776, %get3A_3777] {strides = array<i32>} : memref<100x64xf32, #tpu.memory_space<vmem>>, vector<1x16xf32>,
      %get3A_3779 = vector.shape_cast %get3A_3778 : vector<1x16xf32> to vector<16xf32>
      %add3A_3780 = arith.addf %add3A_3756, %get3A_3779 : vector<16xf32>
      %get3A_3781 = arith.constant 52 : i32
      %get3A_3782 = arith.index_cast %get3A_3781 : i32 to index
      %get3A_3783 = arith.constant 16 : index
      %get3A_3784 = tpu.vector_load %arg7[%get3A_3782, %get3A_3783] {strides = array<i32>} : memref<100x64xf32, #tpu.memory_space<vmem>>, vector<1x16xf32>,
      %get3A_3785 = vector.shape_cast %get3A_3784 : vector<1x16xf32> to vector<16xf32>
      %add3A_3786 = arith.addf %add3A_3762, %get3A_3785 : vector<16xf32>
      %get3A_3787 = arith.constant 52 : i32
      %get3A_3788 = arith.index_cast %get3A_3787 : i32 to index
      %get3A_3789 = arith.constant 32 : index
      %get3A_3790 = tpu.vector_load %arg7[%get3A_3788, %get3A_3789] {strides = array<i32>} : memref<100x64xf32, #tpu.memory_space<vmem>>, vector<1x16xf32>,
      %get3A_3791 = vector.shape_cast %get3A_3790 : vector<1x16xf32> to vector<16xf32>
      %add3A_3792 = arith.addf %add3A_3768, %get3A_3791 : vector<16xf32>
      %get3A_3793 = arith.constant 52 : i32
      %get3A_3794 = arith.index_cast %get3A_3793 : i32 to index
      %get3A_3795 = arith.constant 48 : index
      %get3A_3796 = tpu.vector_load %arg7[%get3A_3794, %get3A_3795] {strides = array<i32>} : memref<100x64xf32, #tpu.memory_space<vmem>>, vector<1x16xf32>,
      %get3A_3797 = vector.shape_cast %get3A_3796 : vector<1x16xf32> to vector<16xf32>
      %add3A_3798 = arith.addf %add3A_3774, %get3A_3797 : vector<16xf32>
      %get3A_3799 = arith.constant 53 : i32
      %get3A_3800 = arith.index_cast %get3A_3799 : i32 to index
      %get3A_3801 = arith.constant 0 : index
      %get3A_3802 = tpu.vector_load %arg7[%get3A_3800, %get3A_3801] {strides = array<i32>} : memref<100x64xf32, #tpu.memory_space<vmem>>, vector<1x16xf32>,
      %get3A_3803 = vector.shape_cast %get3A_3802 : vector<1x16xf32> to vector<16xf32>
      %add3A_3804 = arith.addf %add3A_3780, %get3A_3803 : vector<16xf32>
      %get3A_3805 = arith.constant 53 : i32
      %get3A_3806 = arith.index_cast %get3A_3805 : i32 to index
      %get3A_3807 = arith.constant 16 : index
      %get3A_3808 = tpu.vector_load %arg7[%get3A_3806, %get3A_3807] {strides = array<i32>} : memref<100x64xf32, #tpu.memory_space<vmem>>, vector<1x16xf32>,
      %get3A_3809 = vector.shape_cast %get3A_3808 : vector<1x16xf32> to vector<16xf32>
      %add3A_3810 = arith.addf %add3A_3786, %get3A_3809 : vector<16xf32>
      %get3A_3811 = arith.constant 53 : i32
      %get3A_3812 = arith.index_cast %get3A_3811 : i32 to index
      %get3A_3813 = arith.constant 32 : index
      %get3A_3814 = tpu.vector_load %arg7[%get3A_3812, %get3A_3813] {strides = array<i32>} : memref<100x64xf32, #tpu.memory_space<vmem>>, vector<1x16xf32>,
      %get3A_3815 = vector.shape_cast %get3A_3814 : vector<1x16xf32> to vector<16xf32>
      %add3A_3816 = arith.addf %add3A_3792, %get3A_3815 : vector<16xf32>
      %get3A_3817 = arith.constant 53 : i32
      %get3A_3818 = arith.index_cast %get3A_3817 : i32 to index
      %get3A_3819 = arith.constant 48 : index
      %get3A_3820 = tpu.vector_load %arg7[%get3A_3818, %get3A_3819] {strides = array<i32>} : memref<100x64xf32, #tpu.memory_space<vmem>>, vector<1x16xf32>,
      %get3A_3821 = vector.shape_cast %get3A_3820 : vector<1x16xf32> to vector<16xf32>
      %add3A_3822 = arith.addf %add3A_3798, %get3A_3821 : vector<16xf32>
      %get3A_3823 = arith.constant 54 : i32
      %get3A_3824 = arith.index_cast %get3A_3823 : i32 to index
      %get3A_3825 = arith.constant 0 : index
      %get3A_3826 = tpu.vector_load %arg7[%get3A_3824, %get3A_3825] {strides = array<i32>} : memref<100x64xf32, #tpu.memory_space<vmem>>, vector<1x16xf32>,
      %get3A_3827 = vector.shape_cast %get3A_3826 : vector<1x16xf32> to vector<16xf32>
      %add3A_3828 = arith.addf %add3A_3804, %get3A_3827 : vector<16xf32>
      %get3A_3829 = arith.constant 54 : i32
      %get3A_3830 = arith.index_cast %get3A_3829 : i32 to index
      %get3A_3831 = arith.constant 16 : index
      %get3A_3832 = tpu.vector_load %arg7[%get3A_3830, %get3A_3831] {strides = array<i32>} : memref<100x64xf32, #tpu.memory_space<vmem>>, vector<1x16xf32>,
      %get3A_3833 = vector.shape_cast %get3A_3832 : vector<1x16xf32> to vector<16xf32>
      %add3A_3834 = arith.addf %add3A_3810, %get3A_3833 : vector<16xf32>
      %get3A_3835 = arith.constant 54 : i32
      %get3A_3836 = arith.index_cast %get3A_3835 : i32 to index
      %get3A_3837 = arith.constant 32 : index
      %get3A_3838 = tpu.vector_load %arg7[%get3A_3836, %get3A_3837] {strides = array<i32>} : memref<100x64xf32, #tpu.memory_space<vmem>>, vector<1x16xf32>,
      %get3A_3839 = vector.shape_cast %get3A_3838 : vector<1x16xf32> to vector<16xf32>
      %add3A_3840 = arith.addf %add3A_3816, %get3A_3839 : vector<16xf32>
      %get3A_3841 = arith.constant 54 : i32
      %get3A_3842 = arith.index_cast %get3A_3841 : i32 to index
      %get3A_3843 = arith.constant 48 : index
      %get3A_3844 = tpu.vector_load %arg7[%get3A_3842, %get3A_3843] {strides = array<i32>} : memref<100x64xf32, #tpu.memory_space<vmem>>, vector<1x16xf32>,
      %get3A_3845 = vector.shape_cast %get3A_3844 : vector<1x16xf32> to vector<16xf32>
      %add3A_3846 = arith.addf %add3A_3822, %get3A_3845 : vector<16xf32>
      %get3A_3847 = arith.constant 55 : i32
      %get3A_3848 = arith.index_cast %get3A_3847 : i32 to index
      %get3A_3849 = arith.constant 0 : index
      %get3A_3850 = tpu.vector_load %arg7[%get3A_3848, %get3A_3849] {strides = array<i32>} : memref<100x64xf32, #tpu.memory_space<vmem>>, vector<1x16xf32>,
      %get3A_3851 = vector.shape_cast %get3A_3850 : vector<1x16xf32> to vector<16xf32>
      %add3A_3852 = arith.addf %add3A_3828, %get3A_3851 : vector<16xf32>
      %get3A_3853 = arith.constant 55 : i32
      %get3A_3854 = arith.index_cast %get3A_3853 : i32 to index
      %get3A_3855 = arith.constant 16 : index
      %get3A_3856 = tpu.vector_load %arg7[%get3A_3854, %get3A_3855] {strides = array<i32>} : memref<100x64xf32, #tpu.memory_space<vmem>>, vector<1x16xf32>,
      %get3A_3857 = vector.shape_cast %get3A_3856 : vector<1x16xf32> to vector<16xf32>
      %add3A_3858 = arith.addf %add3A_3834, %get3A_3857 : vector<16xf32>
      %get3A_3859 = arith.constant 55 : i32
      %get3A_3860 = arith.index_cast %get3A_3859 : i32 to index
      %get3A_3861 = arith.constant 32 : index
      %get3A_3862 = tpu.vector_load %arg7[%get3A_3860, %get3A_3861] {strides = array<i32>} : memref<100x64xf32, #tpu.memory_space<vmem>>, vector<1x16xf32>,
      %get3A_3863 = vector.shape_cast %get3A_3862 : vector<1x16xf32> to vector<16xf32>
      %add3A_3864 = arith.addf %add3A_3840, %get3A_3863 : vector<16xf32>
      %get3A_3865 = arith.constant 55 : i32
      %get3A_3866 = arith.index_cast %get3A_3865 : i32 to index
      %get3A_3867 = arith.constant 48 : index
      %get3A_3868 = tpu.vector_load %arg7[%get3A_3866, %get3A_3867] {strides = array<i32>} : memref<100x64xf32, #tpu.memory_space<vmem>>, vector<1x16xf32>,
      %get3A_3869 = vector.shape_cast %get3A_3868 : vector<1x16xf32> to vector<16xf32>
      %add3A_3870 = arith.addf %add3A_3846, %get3A_3869 : vector<16xf32>
      %get3A_3871 = arith.constant 56 : i32
      %get3A_3872 = arith.index_cast %get3A_3871 : i32 to index
      %get3A_3873 = arith.constant 0 : index
      %get3A_3874 = tpu.vector_load %arg7[%get3A_3872, %get3A_3873] {strides = array<i32>} : memref<100x64xf32, #tpu.memory_space<vmem>>, vector<1x16xf32>,
      %get3A_3875 = vector.shape_cast %get3A_3874 : vector<1x16xf32> to vector<16xf32>
      %add3A_3876 = arith.addf %add3A_3852, %get3A_3875 : vector<16xf32>
      %get3A_3877 = arith.constant 56 : i32
      %get3A_3878 = arith.index_cast %get3A_3877 : i32 to index
      %get3A_3879 = arith.constant 16 : index
      %get3A_3880 = tpu.vector_load %arg7[%get3A_3878, %get3A_3879] {strides = array<i32>} : memref<100x64xf32, #tpu.memory_space<vmem>>, vector<1x16xf32>,
      %get3A_3881 = vector.shape_cast %get3A_3880 : vector<1x16xf32> to vector<16xf32>
      %add3A_3882 = arith.addf %add3A_3858, %get3A_3881 : vector<16xf32>
      %get3A_3883 = arith.constant 56 : i32
      %get3A_3884 = arith.index_cast %get3A_3883 : i32 to index
      %get3A_3885 = arith.constant 32 : index
      %get3A_3886 = tpu.vector_load %arg7[%get3A_3884, %get3A_3885] {strides = array<i32>} : memref<100x64xf32, #tpu.memory_space<vmem>>, vector<1x16xf32>,
      %get3A_3887 = vector.shape_cast %get3A_3886 : vector<1x16xf32> to vector<16xf32>
      %add3A_3888 = arith.addf %add3A_3864, %get3A_3887 : vector<16xf32>
      %get3A_3889 = arith.constant 56 : i32
      %get3A_3890 = arith.index_cast %get3A_3889 : i32 to index
      %get3A_3891 = arith.constant 48 : index
      %get3A_3892 = tpu.vector_load %arg7[%get3A_3890, %get3A_3891] {strides = array<i32>} : memref<100x64xf32, #tpu.memory_space<vmem>>, vector<1x16xf32>,
      %get3A_3893 = vector.shape_cast %get3A_3892 : vector<1x16xf32> to vector<16xf32>
      %add3A_3894 = arith.addf %add3A_3870, %get3A_3893 : vector<16xf32>
      %get3A_3895 = arith.constant 57 : i32
      %get3A_3896 = arith.index_cast %get3A_3895 : i32 to index
      %get3A_3897 = arith.constant 0 : index
      %get3A_3898 = tpu.vector_load %arg7[%get3A_3896, %get3A_3897] {strides = array<i32>} : memref<100x64xf32, #tpu.memory_space<vmem>>, vector<1x16xf32>,
      %get3A_3899 = vector.shape_cast %get3A_3898 : vector<1x16xf32> to vector<16xf32>
      %add3A_3900 = arith.addf %add3A_3876, %get3A_3899 : vector<16xf32>
      %get3A_3901 = arith.constant 57 : i32
      %get3A_3902 = arith.index_cast %get3A_3901 : i32 to index
      %get3A_3903 = arith.constant 16 : index
      %get3A_3904 = tpu.vector_load %arg7[%get3A_3902, %get3A_3903] {strides = array<i32>} : memref<100x64xf32, #tpu.memory_space<vmem>>, vector<1x16xf32>,
      %get3A_3905 = vector.shape_cast %get3A_3904 : vector<1x16xf32> to vector<16xf32>
      %add3A_3906 = arith.addf %add3A_3882, %get3A_3905 : vector<16xf32>
      %get3A_3907 = arith.constant 57 : i32
      %get3A_3908 = arith.index_cast %get3A_3907 : i32 to index
      %get3A_3909 = arith.constant 32 : index
      %get3A_3910 = tpu.vector_load %arg7[%get3A_3908, %get3A_3909] {strides = array<i32>} : memref<100x64xf32, #tpu.memory_space<vmem>>, vector<1x16xf32>,
      %get3A_3911 = vector.shape_cast %get3A_3910 : vector<1x16xf32> to vector<16xf32>
      %add3A_3912 = arith.addf %add3A_3888, %get3A_3911 : vector<16xf32>
      %get3A_3913 = arith.constant 57 : i32
      %get3A_3914 = arith.index_cast %get3A_3913 : i32 to index
      %get3A_3915 = arith.constant 48 : index
      %get3A_3916 = tpu.vector_load %arg7[%get3A_3914, %get3A_3915] {strides = array<i32>} : memref<100x64xf32, #tpu.memory_space<vmem>>, vector<1x16xf32>,
      %get3A_3917 = vector.shape_cast %get3A_3916 : vector<1x16xf32> to vector<16xf32>
      %add3A_3918 = arith.addf %add3A_3894, %get3A_3917 : vector<16xf32>
      %get3A_3919 = arith.constant 58 : i32
      %get3A_3920 = arith.index_cast %get3A_3919 : i32 to index
      %get3A_3921 = arith.constant 0 : index
      %get3A_3922 = tpu.vector_load %arg7[%get3A_3920, %get3A_3921] {strides = array<i32>} : memref<100x64xf32, #tpu.memory_space<vmem>>, vector<1x16xf32>,
      %get3A_3923 = vector.shape_cast %get3A_3922 : vector<1x16xf32> to vector<16xf32>
      %add3A_3924 = arith.addf %add3A_3900, %get3A_3923 : vector<16xf32>
      %get3A_3925 = arith.constant 58 : i32
      %get3A_3926 = arith.index_cast %get3A_3925 : i32 to index
      %get3A_3927 = arith.constant 16 : index
      %get3A_3928 = tpu.vector_load %arg7[%get3A_3926, %get3A_3927] {strides = array<i32>} : memref<100x64xf32, #tpu.memory_space<vmem>>, vector<1x16xf32>,
      %get3A_3929 = vector.shape_cast %get3A_3928 : vector<1x16xf32> to vector<16xf32>
      %add3A_3930 = arith.addf %add3A_3906, %get3A_3929 : vector<16xf32>
      %get3A_3931 = arith.constant 58 : i32
      %get3A_3932 = arith.index_cast %get3A_3931 : i32 to index
      %get3A_3933 = arith.constant 32 : index
      %get3A_3934 = tpu.vector_load %arg7[%get3A_3932, %get3A_3933] {strides = array<i32>} : memref<100x64xf32, #tpu.memory_space<vmem>>, vector<1x16xf32>,
      %get3A_3935 = vector.shape_cast %get3A_3934 : vector<1x16xf32> to vector<16xf32>
      %add3A_3936 = arith.addf %add3A_3912, %get3A_3935 : vector<16xf32>
      %get3A_3937 = arith.constant 58 : i32
      %get3A_3938 = arith.index_cast %get3A_3937 : i32 to index
      %get3A_3939 = arith.constant 48 : index
      %get3A_3940 = tpu.vector_load %arg7[%get3A_3938, %get3A_3939] {strides = array<i32>} : memref<100x64xf32, #tpu.memory_space<vmem>>, vector<1x16xf32>,
      %get3A_3941 = vector.shape_cast %get3A_3940 : vector<1x16xf32> to vector<16xf32>
      %add3A_3942 = arith.addf %add3A_3918, %get3A_3941 : vector<16xf32>
      %get3A_3943 = arith.constant 59 : i32
      %get3A_3944 = arith.index_cast %get3A_3943 : i32 to index
      %get3A_3945 = arith.constant 0 : index
      %get3A_3946 = tpu.vector_load %arg7[%get3A_3944, %get3A_3945] {strides = array<i32>} : memref<100x64xf32, #tpu.memory_space<vmem>>, vector<1x16xf32>,
      %get3A_3947 = vector.shape_cast %get3A_3946 : vector<1x16xf32> to vector<16xf32>
      %add3A_3948 = arith.addf %add3A_3924, %get3A_3947 : vector<16xf32>
      %get3A_3949 = arith.constant 59 : i32
      %get3A_3950 = arith.index_cast %get3A_3949 : i32 to index
      %get3A_3951 = arith.constant 16 : index
      %get3A_3952 = tpu.vector_load %arg7[%get3A_3950, %get3A_3951] {strides = array<i32>} : memref<100x64xf32, #tpu.memory_space<vmem>>, vector<1x16xf32>,
      %get3A_3953 = vector.shape_cast %get3A_3952 : vector<1x16xf32> to vector<16xf32>
      %add3A_3954 = arith.addf %add3A_3930, %get3A_3953 : vector<16xf32>
      %get3A_3955 = arith.constant 59 : i32
      %get3A_3956 = arith.index_cast %get3A_3955 : i32 to index
      %get3A_3957 = arith.constant 32 : index
      %get3A_3958 = tpu.vector_load %arg7[%get3A_3956, %get3A_3957] {strides = array<i32>} : memref<100x64xf32, #tpu.memory_space<vmem>>, vector<1x16xf32>,
      %get3A_3959 = vector.shape_cast %get3A_3958 : vector<1x16xf32> to vector<16xf32>
      %add3A_3960 = arith.addf %add3A_3936, %get3A_3959 : vector<16xf32>
      %get3A_3961 = arith.constant 59 : i32
      %get3A_3962 = arith.index_cast %get3A_3961 : i32 to index
      %get3A_3963 = arith.constant 48 : index
      %get3A_3964 = tpu.vector_load %arg7[%get3A_3962, %get3A_3963] {strides = array<i32>} : memref<100x64xf32, #tpu.memory_space<vmem>>, vector<1x16xf32>,
      %get3A_3965 = vector.shape_cast %get3A_3964 : vector<1x16xf32> to vector<16xf32>
      %add3A_3966 = arith.addf %add3A_3942, %get3A_3965 : vector<16xf32>
      %get3A_3967 = arith.constant 60 : i32
      %get3A_3968 = arith.index_cast %get3A_3967 : i32 to index
      %get3A_3969 = arith.constant 0 : index
      %get3A_3970 = tpu.vector_load %arg7[%get3A_3968, %get3A_3969] {strides = array<i32>} : memref<100x64xf32, #tpu.memory_space<vmem>>, vector<1x16xf32>,
      %get3A_3971 = vector.shape_cast %get3A_3970 : vector<1x16xf32> to vector<16xf32>
      %add3A_3972 = arith.addf %add3A_3948, %get3A_3971 : vector<16xf32>
      %get3A_3973 = arith.constant 60 : i32
      %get3A_3974 = arith.index_cast %get3A_3973 : i32 to index
      %get3A_3975 = arith.constant 16 : index
      %get3A_3976 = tpu.vector_load %arg7[%get3A_3974, %get3A_3975] {strides = array<i32>} : memref<100x64xf32, #tpu.memory_space<vmem>>, vector<1x16xf32>,
      %get3A_3977 = vector.shape_cast %get3A_3976 : vector<1x16xf32> to vector<16xf32>
      %add3A_3978 = arith.addf %add3A_3954, %get3A_3977 : vector<16xf32>
      %get3A_3979 = arith.constant 60 : i32
      %get3A_3980 = arith.index_cast %get3A_3979 : i32 to index
      %get3A_3981 = arith.constant 32 : index
      %get3A_3982 = tpu.vector_load %arg7[%get3A_3980, %get3A_3981] {strides = array<i32>} : memref<100x64xf32, #tpu.memory_space<vmem>>, vector<1x16xf32>,
      %get3A_3983 = vector.shape_cast %get3A_3982 : vector<1x16xf32> to vector<16xf32>
      %add3A_3984 = arith.addf %add3A_3960, %get3A_3983 : vector<16xf32>
      %get3A_3985 = arith.constant 60 : i32
      %get3A_3986 = arith.index_cast %get3A_3985 : i32 to index
      %get3A_3987 = arith.constant 48 : index
      %get3A_3988 = tpu.vector_load %arg7[%get3A_3986, %get3A_3987] {strides = array<i32>} : memref<100x64xf32, #tpu.memory_space<vmem>>, vector<1x16xf32>,
      %get3A_3989 = vector.shape_cast %get3A_3988 : vector<1x16xf32> to vector<16xf32>
      %add3A_3990 = arith.addf %add3A_3966, %get3A_3989 : vector<16xf32>
      %get3A_3991 = arith.constant 61 : i32
      %get3A_3992 = arith.index_cast %get3A_3991 : i32 to index
      %get3A_3993 = arith.constant 0 : index
      %get3A_3994 = tpu.vector_load %arg7[%get3A_3992, %get3A_3993] {strides = array<i32>} : memref<100x64xf32, #tpu.memory_space<vmem>>, vector<1x16xf32>,
      %get3A_3995 = vector.shape_cast %get3A_3994 : vector<1x16xf32> to vector<16xf32>
      %add3A_3996 = arith.addf %add3A_3972, %get3A_3995 : vector<16xf32>
      %get3A_3997 = arith.constant 61 : i32
      %get3A_3998 = arith.index_cast %get3A_3997 : i32 to index
      %get3A_3999 = arith.constant 16 : index
      %get3A_4000 = tpu.vector_load %arg7[%get3A_3998, %get3A_3999] {strides = array<i32>} : memref<100x64xf32, #tpu.memory_space<vmem>>, vector<1x16xf32>,
      %get3A_4001 = vector.shape_cast %get3A_4000 : vector<1x16xf32> to vector<16xf32>
      %add3A_4002 = arith.addf %add3A_3978, %get3A_4001 : vector<16xf32>
      %get3A_4003 = arith.constant 61 : i32
      %get3A_4004 = arith.index_cast %get3A_4003 : i32 to index
      %get3A_4005 = arith.constant 32 : index
      %get3A_4006 = tpu.vector_load %arg7[%get3A_4004, %get3A_4005] {strides = array<i32>} : memref<100x64xf32, #tpu.memory_space<vmem>>, vector<1x16xf32>,
      %get3A_4007 = vector.shape_cast %get3A_4006 : vector<1x16xf32> to vector<16xf32>
      %add3A_4008 = arith.addf %add3A_3984, %get3A_4007 : vector<16xf32>
      %get3A_4009 = arith.constant 61 : i32
      %get3A_4010 = arith.index_cast %get3A_4009 : i32 to index
      %get3A_4011 = arith.constant 48 : index
      %get3A_4012 = tpu.vector_load %arg7[%get3A_4010, %get3A_4011] {strides = array<i32>} : memref<100x64xf32, #tpu.memory_space<vmem>>, vector<1x16xf32>,
      %get3A_4013 = vector.shape_cast %get3A_4012 : vector<1x16xf32> to vector<16xf32>
      %add3A_4014 = arith.addf %add3A_3990, %get3A_4013 : vector<16xf32>
      %get3A_4015 = arith.constant 62 : i32
      %get3A_4016 = arith.index_cast %get3A_4015 : i32 to index
      %get3A_4017 = arith.constant 0 : index
      %get3A_4018 = tpu.vector_load %arg7[%get3A_4016, %get3A_4017] {strides = array<i32>} : memref<100x64xf32, #tpu.memory_space<vmem>>, vector<1x16xf32>,
      %get3A_4019 = vector.shape_cast %get3A_4018 : vector<1x16xf32> to vector<16xf32>
      %add3A_4020 = arith.addf %add3A_3996, %get3A_4019 : vector<16xf32>
      %get3A_4021 = arith.constant 62 : i32
      %get3A_4022 = arith.index_cast %get3A_4021 : i32 to index
      %get3A_4023 = arith.constant 16 : index
      %get3A_4024 = tpu.vector_load %arg7[%get3A_4022, %get3A_4023] {strides = array<i32>} : memref<100x64xf32, #tpu.memory_space<vmem>>, vector<1x16xf32>,
      %get3A_4025 = vector.shape_cast %get3A_4024 : vector<1x16xf32> to vector<16xf32>
      %add3A_4026 = arith.addf %add3A_4002, %get3A_4025 : vector<16xf32>
      %get3A_4027 = arith.constant 62 : i32
      %get3A_4028 = arith.index_cast %get3A_4027 : i32 to index
      %get3A_4029 = arith.constant 32 : index
      %get3A_4030 = tpu.vector_load %arg7[%get3A_4028, %get3A_4029] {strides = array<i32>} : memref<100x64xf32, #tpu.memory_space<vmem>>, vector<1x16xf32>,
      %get3A_4031 = vector.shape_cast %get3A_4030 : vector<1x16xf32> to vector<16xf32>
      %add3A_4032 = arith.addf %add3A_4008, %get3A_4031 : vector<16xf32>
      %get3A_4033 = arith.constant 62 : i32
      %get3A_4034 = arith.index_cast %get3A_4033 : i32 to index
      %get3A_4035 = arith.constant 48 : index
      %get3A_4036 = tpu.vector_load %arg7[%get3A_4034, %get3A_4035] {strides = array<i32>} : memref<100x64xf32, #tpu.memory_space<vmem>>, vector<1x16xf32>,
      %get3A_4037 = vector.shape_cast %get3A_4036 : vector<1x16xf32> to vector<16xf32>
      %add3A_4038 = arith.addf %add3A_4014, %get3A_4037 : vector<16xf32>
      %get3A_4039 = arith.constant 63 : i32
      %get3A_4040 = arith.index_cast %get3A_4039 : i32 to index
      %get3A_4041 = arith.constant 0 : index
      %get3A_4042 = tpu.vector_load %arg7[%get3A_4040, %get3A_4041] {strides = array<i32>} : memref<100x64xf32, #tpu.memory_space<vmem>>, vector<1x16xf32>,
      %get3A_4043 = vector.shape_cast %get3A_4042 : vector<1x16xf32> to vector<16xf32>
      %add3A_4044 = arith.addf %add3A_4020, %get3A_4043 : vector<16xf32>
      %get3A_4045 = arith.constant 63 : i32
      %get3A_4046 = arith.index_cast %get3A_4045 : i32 to index
      %get3A_4047 = arith.constant 16 : index
      %get3A_4048 = tpu.vector_load %arg7[%get3A_4046, %get3A_4047] {strides = array<i32>} : memref<100x64xf32, #tpu.memory_space<vmem>>, vector<1x16xf32>,
      %get3A_4049 = vector.shape_cast %get3A_4048 : vector<1x16xf32> to vector<16xf32>
      %add3A_4050 = arith.addf %add3A_4026, %get3A_4049 : vector<16xf32>
      %get3A_4051 = arith.constant 63 : i32
      %get3A_4052 = arith.index_cast %get3A_4051 : i32 to index
      %get3A_4053 = arith.constant 32 : index
      %get3A_4054 = tpu.vector_load %arg7[%get3A_4052, %get3A_4053] {strides = array<i32>} : memref<100x64xf32, #tpu.memory_space<vmem>>, vector<1x16xf32>,
      %get3A_4055 = vector.shape_cast %get3A_4054 : vector<1x16xf32> to vector<16xf32>
      %add3A_4056 = arith.addf %add3A_4032, %get3A_4055 : vector<16xf32>
      %get3A_4057 = arith.constant 63 : i32
      %get3A_4058 = arith.index_cast %get3A_4057 : i32 to index
      %get3A_4059 = arith.constant 48 : index
      %get3A_4060 = tpu.vector_load %arg7[%get3A_4058, %get3A_4059] {strides = array<i32>} : memref<100x64xf32, #tpu.memory_space<vmem>>, vector<1x16xf32>,
      %get3A_4061 = vector.shape_cast %get3A_4060 : vector<1x16xf32> to vector<16xf32>
      %add3A_4062 = arith.addf %add3A_4038, %get3A_4061 : vector<16xf32>
      %get3A_4063 = arith.constant 64 : i32
      %get3A_4064 = arith.index_cast %get3A_4063 : i32 to index
      %get3A_4065 = arith.constant 0 : index
      %get3A_4066 = tpu.vector_load %arg7[%get3A_4064, %get3A_4065] {strides = array<i32>} : memref<100x64xf32, #tpu.memory_space<vmem>>, vector<1x16xf32>,
      %get3A_4067 = vector.shape_cast %get3A_4066 : vector<1x16xf32> to vector<16xf32>
      %add3A_4068 = arith.addf %add3A_4044, %get3A_4067 : vector<16xf32>
      %get3A_4069 = arith.constant 64 : i32
      %get3A_4070 = arith.index_cast %get3A_4069 : i32 to index
      %get3A_4071 = arith.constant 16 : index
      %get3A_4072 = tpu.vector_load %arg7[%get3A_4070, %get3A_4071] {strides = array<i32>} : memref<100x64xf32, #tpu.memory_space<vmem>>, vector<1x16xf32>,
      %get3A_4073 = vector.shape_cast %get3A_4072 : vector<1x16xf32> to vector<16xf32>
      %add3A_4074 = arith.addf %add3A_4050, %get3A_4073 : vector<16xf32>
      %get3A_4075 = arith.constant 64 : i32
      %get3A_4076 = arith.index_cast %get3A_4075 : i32 to index
      %get3A_4077 = arith.constant 32 : index
      %get3A_4078 = tpu.vector_load %arg7[%get3A_4076, %get3A_4077] {strides = array<i32>} : memref<100x64xf32, #tpu.memory_space<vmem>>, vector<1x16xf32>,
      %get3A_4079 = vector.shape_cast %get3A_4078 : vector<1x16xf32> to vector<16xf32>
      %add3A_4080 = arith.addf %add3A_4056, %get3A_4079 : vector<16xf32>
      %get3A_4081 = arith.constant 64 : i32
      %get3A_4082 = arith.index_cast %get3A_4081 : i32 to index
      %get3A_4083 = arith.constant 48 : index
      %get3A_4084 = tpu.vector_load %arg7[%get3A_4082, %get3A_4083] {strides = array<i32>} : memref<100x64xf32, #tpu.memory_space<vmem>>, vector<1x16xf32>,
      %get3A_4085 = vector.shape_cast %get3A_4084 : vector<1x16xf32> to vector<16xf32>
      %add3A_4086 = arith.addf %add3A_4062, %get3A_4085 : vector<16xf32>
      %get3A_4087 = arith.constant 65 : i32
      %get3A_4088 = arith.index_cast %get3A_4087 : i32 to index
      %get3A_4089 = arith.constant 0 : index
      %get3A_4090 = tpu.vector_load %arg7[%get3A_4088, %get3A_4089] {strides = array<i32>} : memref<100x64xf32, #tpu.memory_space<vmem>>, vector<1x16xf32>,
      %get3A_4091 = vector.shape_cast %get3A_4090 : vector<1x16xf32> to vector<16xf32>
      %add3A_4092 = arith.addf %add3A_4068, %get3A_4091 : vector<16xf32>
      %get3A_4093 = arith.constant 65 : i32
      %get3A_4094 = arith.index_cast %get3A_4093 : i32 to index
      %get3A_4095 = arith.constant 16 : index
      %get3A_4096 = tpu.vector_load %arg7[%get3A_4094, %get3A_4095] {strides = array<i32>} : memref<100x64xf32, #tpu.memory_space<vmem>>, vector<1x16xf32>,
      %get3A_4097 = vector.shape_cast %get3A_4096 : vector<1x16xf32> to vector<16xf32>
      %add3A_4098 = arith.addf %add3A_4074, %get3A_4097 : vector<16xf32>
      %get3A_4099 = arith.constant 65 : i32
      %get3A_4100 = arith.index_cast %get3A_4099 : i32 to index
      %get3A_4101 = arith.constant 32 : index
      %get3A_4102 = tpu.vector_load %arg7[%get3A_4100, %get3A_4101] {strides = array<i32>} : memref<100x64xf32, #tpu.memory_space<vmem>>, vector<1x16xf32>,
      %get3A_4103 = vector.shape_cast %get3A_4102 : vector<1x16xf32> to vector<16xf32>
      %add3A_4104 = arith.addf %add3A_4080, %get3A_4103 : vector<16xf32>
      %get3A_4105 = arith.constant 65 : i32
      %get3A_4106 = arith.index_cast %get3A_4105 : i32 to index
      %get3A_4107 = arith.constant 48 : index
      %get3A_4108 = tpu.vector_load %arg7[%get3A_4106, %get3A_4107] {strides = array<i32>} : memref<100x64xf32, #tpu.memory_space<vmem>>, vector<1x16xf32>,
      %get3A_4109 = vector.shape_cast %get3A_4108 : vector<1x16xf32> to vector<16xf32>
      %add3A_4110 = arith.addf %add3A_4086, %get3A_4109 : vector<16xf32>
      %get3A_4111 = arith.constant 66 : i32
      %get3A_4112 = arith.index_cast %get3A_4111 : i32 to index
      %get3A_4113 = arith.constant 0 : index
      %get3A_4114 = tpu.vector_load %arg7[%get3A_4112, %get3A_4113] {strides = array<i32>} : memref<100x64xf32, #tpu.memory_space<vmem>>, vector<1x16xf32>,
      %get3A_4115 = vector.shape_cast %get3A_4114 : vector<1x16xf32> to vector<16xf32>
      %add3A_4116 = arith.addf %add3A_4092, %get3A_4115 : vector<16xf32>
      %get3A_4117 = arith.constant 66 : i32
      %get3A_4118 = arith.index_cast %get3A_4117 : i32 to index
      %get3A_4119 = arith.constant 16 : index
      %get3A_4120 = tpu.vector_load %arg7[%get3A_4118, %get3A_4119] {strides = array<i32>} : memref<100x64xf32, #tpu.memory_space<vmem>>, vector<1x16xf32>,
      %get3A_4121 = vector.shape_cast %get3A_4120 : vector<1x16xf32> to vector<16xf32>
      %add3A_4122 = arith.addf %add3A_4098, %get3A_4121 : vector<16xf32>
      %get3A_4123 = arith.constant 66 : i32
      %get3A_4124 = arith.index_cast %get3A_4123 : i32 to index
      %get3A_4125 = arith.constant 32 : index
      %get3A_4126 = tpu.vector_load %arg7[%get3A_4124, %get3A_4125] {strides = array<i32>} : memref<100x64xf32, #tpu.memory_space<vmem>>, vector<1x16xf32>,
      %get3A_4127 = vector.shape_cast %get3A_4126 : vector<1x16xf32> to vector<16xf32>
      %add3A_4128 = arith.addf %add3A_4104, %get3A_4127 : vector<16xf32>
      %get3A_4129 = arith.constant 66 : i32
      %get3A_4130 = arith.index_cast %get3A_4129 : i32 to index
      %get3A_4131 = arith.constant 48 : index
      %get3A_4132 = tpu.vector_load %arg7[%get3A_4130, %get3A_4131] {strides = array<i32>} : memref<100x64xf32, #tpu.memory_space<vmem>>, vector<1x16xf32>,
      %get3A_4133 = vector.shape_cast %get3A_4132 : vector<1x16xf32> to vector<16xf32>
      %add3A_4134 = arith.addf %add3A_4110, %get3A_4133 : vector<16xf32>
      %get3A_4135 = arith.constant 67 : i32
      %get3A_4136 = arith.index_cast %get3A_4135 : i32 to index
      %get3A_4137 = arith.constant 0 : index
      %get3A_4138 = tpu.vector_load %arg7[%get3A_4136, %get3A_4137] {strides = array<i32>} : memref<100x64xf32, #tpu.memory_space<vmem>>, vector<1x16xf32>,
      %get3A_4139 = vector.shape_cast %get3A_4138 : vector<1x16xf32> to vector<16xf32>
      %add3A_4140 = arith.addf %add3A_4116, %get3A_4139 : vector<16xf32>
      %get3A_4141 = arith.constant 67 : i32
      %get3A_4142 = arith.index_cast %get3A_4141 : i32 to index
      %get3A_4143 = arith.constant 16 : index
      %get3A_4144 = tpu.vector_load %arg7[%get3A_4142, %get3A_4143] {strides = array<i32>} : memref<100x64xf32, #tpu.memory_space<vmem>>, vector<1x16xf32>,
      %get3A_4145 = vector.shape_cast %get3A_4144 : vector<1x16xf32> to vector<16xf32>
      %add3A_4146 = arith.addf %add3A_4122, %get3A_4145 : vector<16xf32>
      %get3A_4147 = arith.constant 67 : i32
      %get3A_4148 = arith.index_cast %get3A_4147 : i32 to index
      %get3A_4149 = arith.constant 32 : index
      %get3A_4150 = tpu.vector_load %arg7[%get3A_4148, %get3A_4149] {strides = array<i32>} : memref<100x64xf32, #tpu.memory_space<vmem>>, vector<1x16xf32>,
      %get3A_4151 = vector.shape_cast %get3A_4150 : vector<1x16xf32> to vector<16xf32>
      %add3A_4152 = arith.addf %add3A_4128, %get3A_4151 : vector<16xf32>
      %get3A_4153 = arith.constant 67 : i32
      %get3A_4154 = arith.index_cast %get3A_4153 : i32 to index
      %get3A_4155 = arith.constant 48 : index
      %get3A_4156 = tpu.vector_load %arg7[%get3A_4154, %get3A_4155] {strides = array<i32>} : memref<100x64xf32, #tpu.memory_space<vmem>>, vector<1x16xf32>,
      %get3A_4157 = vector.shape_cast %get3A_4156 : vector<1x16xf32> to vector<16xf32>
      %add3A_4158 = arith.addf %add3A_4134, %get3A_4157 : vector<16xf32>
      %get3A_4159 = arith.constant 68 : i32
      %get3A_4160 = arith.index_cast %get3A_4159 : i32 to index
      %get3A_4161 = arith.constant 0 : index
      %get3A_4162 = tpu.vector_load %arg7[%get3A_4160, %get3A_4161] {strides = array<i32>} : memref<100x64xf32, #tpu.memory_space<vmem>>, vector<1x16xf32>,
      %get3A_4163 = vector.shape_cast %get3A_4162 : vector<1x16xf32> to vector<16xf32>
      %add3A_4164 = arith.addf %add3A_4140, %get3A_4163 : vector<16xf32>
      %get3A_4165 = arith.constant 68 : i32
      %get3A_4166 = arith.index_cast %get3A_4165 : i32 to index
      %get3A_4167 = arith.constant 16 : index
      %get3A_4168 = tpu.vector_load %arg7[%get3A_4166, %get3A_4167] {strides = array<i32>} : memref<100x64xf32, #tpu.memory_space<vmem>>, vector<1x16xf32>,
      %get3A_4169 = vector.shape_cast %get3A_4168 : vector<1x16xf32> to vector<16xf32>
      %add3A_4170 = arith.addf %add3A_4146, %get3A_4169 : vector<16xf32>
      %get3A_4171 = arith.constant 68 : i32
      %get3A_4172 = arith.index_cast %get3A_4171 : i32 to index
      %get3A_4173 = arith.constant 32 : index
      %get3A_4174 = tpu.vector_load %arg7[%get3A_4172, %get3A_4173] {strides = array<i32>} : memref<100x64xf32, #tpu.memory_space<vmem>>, vector<1x16xf32>,
      %get3A_4175 = vector.shape_cast %get3A_4174 : vector<1x16xf32> to vector<16xf32>
      %add3A_4176 = arith.addf %add3A_4152, %get3A_4175 : vector<16xf32>
      %get3A_4177 = arith.constant 68 : i32
      %get3A_4178 = arith.index_cast %get3A_4177 : i32 to index
      %get3A_4179 = arith.constant 48 : index
      %get3A_4180 = tpu.vector_load %arg7[%get3A_4178, %get3A_4179] {strides = array<i32>} : memref<100x64xf32, #tpu.memory_space<vmem>>, vector<1x16xf32>,
      %get3A_4181 = vector.shape_cast %get3A_4180 : vector<1x16xf32> to vector<16xf32>
      %add3A_4182 = arith.addf %add3A_4158, %get3A_4181 : vector<16xf32>
      %get3A_4183 = arith.constant 69 : i32
      %get3A_4184 = arith.index_cast %get3A_4183 : i32 to index
      %get3A_4185 = arith.constant 0 : index
      %get3A_4186 = tpu.vector_load %arg7[%get3A_4184, %get3A_4185] {strides = array<i32>} : memref<100x64xf32, #tpu.memory_space<vmem>>, vector<1x16xf32>,
      %get3A_4187 = vector.shape_cast %get3A_4186 : vector<1x16xf32> to vector<16xf32>
      %add3A_4188 = arith.addf %add3A_4164, %get3A_4187 : vector<16xf32>
      %get3A_4189 = arith.constant 69 : i32
      %get3A_4190 = arith.index_cast %get3A_4189 : i32 to index
      %get3A_4191 = arith.constant 16 : index
      %get3A_4192 = tpu.vector_load %arg7[%get3A_4190, %get3A_4191] {strides = array<i32>} : memref<100x64xf32, #tpu.memory_space<vmem>>, vector<1x16xf32>,
      %get3A_4193 = vector.shape_cast %get3A_4192 : vector<1x16xf32> to vector<16xf32>
      %add3A_4194 = arith.addf %add3A_4170, %get3A_4193 : vector<16xf32>
      %get3A_4195 = arith.constant 69 : i32
      %get3A_4196 = arith.index_cast %get3A_4195 : i32 to index
      %get3A_4197 = arith.constant 32 : index
      %get3A_4198 = tpu.vector_load %arg7[%get3A_4196, %get3A_4197] {strides = array<i32>} : memref<100x64xf32, #tpu.memory_space<vmem>>, vector<1x16xf32>,
      %get3A_4199 = vector.shape_cast %get3A_4198 : vector<1x16xf32> to vector<16xf32>
      %add3A_4200 = arith.addf %add3A_4176, %get3A_4199 : vector<16xf32>
      %get3A_4201 = arith.constant 69 : i32
      %get3A_4202 = arith.index_cast %get3A_4201 : i32 to index
      %get3A_4203 = arith.constant 48 : index
      %get3A_4204 = tpu.vector_load %arg7[%get3A_4202, %get3A_4203] {strides = array<i32>} : memref<100x64xf32, #tpu.memory_space<vmem>>, vector<1x16xf32>,
      %get3A_4205 = vector.shape_cast %get3A_4204 : vector<1x16xf32> to vector<16xf32>
      %add3A_4206 = arith.addf %add3A_4182, %get3A_4205 : vector<16xf32>
      %get3A_4207 = arith.constant 70 : i32
      %get3A_4208 = arith.index_cast %get3A_4207 : i32 to index
      %get3A_4209 = arith.constant 0 : index
      %get3A_4210 = tpu.vector_load %arg7[%get3A_4208, %get3A_4209] {strides = array<i32>} : memref<100x64xf32, #tpu.memory_space<vmem>>, vector<1x16xf32>,
      %get3A_4211 = vector.shape_cast %get3A_4210 : vector<1x16xf32> to vector<16xf32>
      %add3A_4212 = arith.addf %add3A_4188, %get3A_4211 : vector<16xf32>
      %get3A_4213 = arith.constant 70 : i32
      %get3A_4214 = arith.index_cast %get3A_4213 : i32 to index
      %get3A_4215 = arith.constant 16 : index
      %get3A_4216 = tpu.vector_load %arg7[%get3A_4214, %get3A_4215] {strides = array<i32>} : memref<100x64xf32, #tpu.memory_space<vmem>>, vector<1x16xf32>,
      %get3A_4217 = vector.shape_cast %get3A_4216 : vector<1x16xf32> to vector<16xf32>
      %add3A_4218 = arith.addf %add3A_4194, %get3A_4217 : vector<16xf32>
      %get3A_4219 = arith.constant 70 : i32
      %get3A_4220 = arith.index_cast %get3A_4219 : i32 to index
      %get3A_4221 = arith.constant 32 : index
      %get3A_4222 = tpu.vector_load %arg7[%get3A_4220, %get3A_4221] {strides = array<i32>} : memref<100x64xf32, #tpu.memory_space<vmem>>, vector<1x16xf32>,
      %get3A_4223 = vector.shape_cast %get3A_4222 : vector<1x16xf32> to vector<16xf32>
      %add3A_4224 = arith.addf %add3A_4200, %get3A_4223 : vector<16xf32>
      %get3A_4225 = arith.constant 70 : i32
      %get3A_4226 = arith.index_cast %get3A_4225 : i32 to index
      %get3A_4227 = arith.constant 48 : index
      %get3A_4228 = tpu.vector_load %arg7[%get3A_4226, %get3A_4227] {strides = array<i32>} : memref<100x64xf32, #tpu.memory_space<vmem>>, vector<1x16xf32>,
      %get3A_4229 = vector.shape_cast %get3A_4228 : vector<1x16xf32> to vector<16xf32>
      %add3A_4230 = arith.addf %add3A_4206, %get3A_4229 : vector<16xf32>
      %get3A_4231 = arith.constant 71 : i32
      %get3A_4232 = arith.index_cast %get3A_4231 : i32 to index
      %get3A_4233 = arith.constant 0 : index
      %get3A_4234 = tpu.vector_load %arg7[%get3A_4232, %get3A_4233] {strides = array<i32>} : memref<100x64xf32, #tpu.memory_space<vmem>>, vector<1x16xf32>,
      %get3A_4235 = vector.shape_cast %get3A_4234 : vector<1x16xf32> to vector<16xf32>
      %add3A_4236 = arith.addf %add3A_4212, %get3A_4235 : vector<16xf32>
      %get3A_4237 = arith.constant 71 : i32
      %get3A_4238 = arith.index_cast %get3A_4237 : i32 to index
      %get3A_4239 = arith.constant 16 : index
      %get3A_4240 = tpu.vector_load %arg7[%get3A_4238, %get3A_4239] {strides = array<i32>} : memref<100x64xf32, #tpu.memory_space<vmem>>, vector<1x16xf32>,
      %get3A_4241 = vector.shape_cast %get3A_4240 : vector<1x16xf32> to vector<16xf32>
      %add3A_4242 = arith.addf %add3A_4218, %get3A_4241 : vector<16xf32>
      %get3A_4243 = arith.constant 71 : i32
      %get3A_4244 = arith.index_cast %get3A_4243 : i32 to index
      %get3A_4245 = arith.constant 32 : index
      %get3A_4246 = tpu.vector_load %arg7[%get3A_4244, %get3A_4245] {strides = array<i32>} : memref<100x64xf32, #tpu.memory_space<vmem>>, vector<1x16xf32>,
      %get3A_4247 = vector.shape_cast %get3A_4246 : vector<1x16xf32> to vector<16xf32>
      %add3A_4248 = arith.addf %add3A_4224, %get3A_4247 : vector<16xf32>
      %get3A_4249 = arith.constant 71 : i32
      %get3A_4250 = arith.index_cast %get3A_4249 : i32 to index
      %get3A_4251 = arith.constant 48 : index
      %get3A_4252 = tpu.vector_load %arg7[%get3A_4250, %get3A_4251] {strides = array<i32>} : memref<100x64xf32, #tpu.memory_space<vmem>>, vector<1x16xf32>,
      %get3A_4253 = vector.shape_cast %get3A_4252 : vector<1x16xf32> to vector<16xf32>
      %add3A_4254 = arith.addf %add3A_4230, %get3A_4253 : vector<16xf32>
      %get3A_4255 = arith.constant 72 : i32
      %get3A_4256 = arith.index_cast %get3A_4255 : i32 to index
      %get3A_4257 = arith.constant 0 : index
      %get3A_4258 = tpu.vector_load %arg7[%get3A_4256, %get3A_4257] {strides = array<i32>} : memref<100x64xf32, #tpu.memory_space<vmem>>, vector<1x16xf32>,
      %get3A_4259 = vector.shape_cast %get3A_4258 : vector<1x16xf32> to vector<16xf32>
      %add3A_4260 = arith.addf %add3A_4236, %get3A_4259 : vector<16xf32>
      %get3A_4261 = arith.constant 72 : i32
      %get3A_4262 = arith.index_cast %get3A_4261 : i32 to index
      %get3A_4263 = arith.constant 16 : index
      %get3A_4264 = tpu.vector_load %arg7[%get3A_4262, %get3A_4263] {strides = array<i32>} : memref<100x64xf32, #tpu.memory_space<vmem>>, vector<1x16xf32>,
      %get3A_4265 = vector.shape_cast %get3A_4264 : vector<1x16xf32> to vector<16xf32>
      %add3A_4266 = arith.addf %add3A_4242, %get3A_4265 : vector<16xf32>
      %get3A_4267 = arith.constant 72 : i32
      %get3A_4268 = arith.index_cast %get3A_4267 : i32 to index
      %get3A_4269 = arith.constant 32 : index
      %get3A_4270 = tpu.vector_load %arg7[%get3A_4268, %get3A_4269] {strides = array<i32>} : memref<100x64xf32, #tpu.memory_space<vmem>>, vector<1x16xf32>,
      %get3A_4271 = vector.shape_cast %get3A_4270 : vector<1x16xf32> to vector<16xf32>
      %add3A_4272 = arith.addf %add3A_4248, %get3A_4271 : vector<16xf32>
      %get3A_4273 = arith.constant 72 : i32
      %get3A_4274 = arith.index_cast %get3A_4273 : i32 to index
      %get3A_4275 = arith.constant 48 : index
      %get3A_4276 = tpu.vector_load %arg7[%get3A_4274, %get3A_4275] {strides = array<i32>} : memref<100x64xf32, #tpu.memory_space<vmem>>, vector<1x16xf32>,
      %get3A_4277 = vector.shape_cast %get3A_4276 : vector<1x16xf32> to vector<16xf32>
      %add3A_4278 = arith.addf %add3A_4254, %get3A_4277 : vector<16xf32>
      %get3A_4279 = arith.constant 73 : i32
      %get3A_4280 = arith.index_cast %get3A_4279 : i32 to index
      %get3A_4281 = arith.constant 0 : index
      %get3A_4282 = tpu.vector_load %arg7[%get3A_4280, %get3A_4281] {strides = array<i32>} : memref<100x64xf32, #tpu.memory_space<vmem>>, vector<1x16xf32>,
      %get3A_4283 = vector.shape_cast %get3A_4282 : vector<1x16xf32> to vector<16xf32>
      %add3A_4284 = arith.addf %add3A_4260, %get3A_4283 : vector<16xf32>
      %get3A_4285 = arith.constant 73 : i32
      %get3A_4286 = arith.index_cast %get3A_4285 : i32 to index
      %get3A_4287 = arith.constant 16 : index
      %get3A_4288 = tpu.vector_load %arg7[%get3A_4286, %get3A_4287] {strides = array<i32>} : memref<100x64xf32, #tpu.memory_space<vmem>>, vector<1x16xf32>,
      %get3A_4289 = vector.shape_cast %get3A_4288 : vector<1x16xf32> to vector<16xf32>
      %add3A_4290 = arith.addf %add3A_4266, %get3A_4289 : vector<16xf32>
      %get3A_4291 = arith.constant 73 : i32
      %get3A_4292 = arith.index_cast %get3A_4291 : i32 to index
      %get3A_4293 = arith.constant 32 : index
      %get3A_4294 = tpu.vector_load %arg7[%get3A_4292, %get3A_4293] {strides = array<i32>} : memref<100x64xf32, #tpu.memory_space<vmem>>, vector<1x16xf32>,
      %get3A_4295 = vector.shape_cast %get3A_4294 : vector<1x16xf32> to vector<16xf32>
      %add3A_4296 = arith.addf %add3A_4272, %get3A_4295 : vector<16xf32>
      %get3A_4297 = arith.constant 73 : i32
      %get3A_4298 = arith.index_cast %get3A_4297 : i32 to index
      %get3A_4299 = arith.constant 48 : index
      %get3A_4300 = tpu.vector_load %arg7[%get3A_4298, %get3A_4299] {strides = array<i32>} : memref<100x64xf32, #tpu.memory_space<vmem>>, vector<1x16xf32>,
      %get3A_4301 = vector.shape_cast %get3A_4300 : vector<1x16xf32> to vector<16xf32>
      %add3A_4302 = arith.addf %add3A_4278, %get3A_4301 : vector<16xf32>
      %get3A_4303 = arith.constant 74 : i32
      %get3A_4304 = arith.index_cast %get3A_4303 : i32 to index
      %get3A_4305 = arith.constant 0 : index
      %get3A_4306 = tpu.vector_load %arg7[%get3A_4304, %get3A_4305] {strides = array<i32>} : memref<100x64xf32, #tpu.memory_space<vmem>>, vector<1x16xf32>,
      %get3A_4307 = vector.shape_cast %get3A_4306 : vector<1x16xf32> to vector<16xf32>
      %add3A_4308 = arith.addf %add3A_4284, %get3A_4307 : vector<16xf32>
      %get3A_4309 = arith.constant 74 : i32
      %get3A_4310 = arith.index_cast %get3A_4309 : i32 to index
      %get3A_4311 = arith.constant 16 : index
      %get3A_4312 = tpu.vector_load %arg7[%get3A_4310, %get3A_4311] {strides = array<i32>} : memref<100x64xf32, #tpu.memory_space<vmem>>, vector<1x16xf32>,
      %get3A_4313 = vector.shape_cast %get3A_4312 : vector<1x16xf32> to vector<16xf32>
      %add3A_4314 = arith.addf %add3A_4290, %get3A_4313 : vector<16xf32>
      %get3A_4315 = arith.constant 74 : i32
      %get3A_4316 = arith.index_cast %get3A_4315 : i32 to index
      %get3A_4317 = arith.constant 32 : index
      %get3A_4318 = tpu.vector_load %arg7[%get3A_4316, %get3A_4317] {strides = array<i32>} : memref<100x64xf32, #tpu.memory_space<vmem>>, vector<1x16xf32>,
      %get3A_4319 = vector.shape_cast %get3A_4318 : vector<1x16xf32> to vector<16xf32>
      %add3A_4320 = arith.addf %add3A_4296, %get3A_4319 : vector<16xf32>
      %get3A_4321 = arith.constant 74 : i32
      %get3A_4322 = arith.index_cast %get3A_4321 : i32 to index
      %get3A_4323 = arith.constant 48 : index
      %get3A_4324 = tpu.vector_load %arg7[%get3A_4322, %get3A_4323] {strides = array<i32>} : memref<100x64xf32, #tpu.memory_space<vmem>>, vector<1x16xf32>,
      %get3A_4325 = vector.shape_cast %get3A_4324 : vector<1x16xf32> to vector<16xf32>
      %add3A_4326 = arith.addf %add3A_4302, %get3A_4325 : vector<16xf32>
      %get3A_4327 = arith.constant 75 : i32
      %get3A_4328 = arith.index_cast %get3A_4327 : i32 to index
      %get3A_4329 = arith.constant 0 : index
      %get3A_4330 = tpu.vector_load %arg7[%get3A_4328, %get3A_4329] {strides = array<i32>} : memref<100x64xf32, #tpu.memory_space<vmem>>, vector<1x16xf32>,
      %get3A_4331 = vector.shape_cast %get3A_4330 : vector<1x16xf32> to vector<16xf32>
      %add3A_4332 = arith.addf %add3A_4308, %get3A_4331 : vector<16xf32>
      %get3A_4333 = arith.constant 75 : i32
      %get3A_4334 = arith.index_cast %get3A_4333 : i32 to index
      %get3A_4335 = arith.constant 16 : index
      %get3A_4336 = tpu.vector_load %arg7[%get3A_4334, %get3A_4335] {strides = array<i32>} : memref<100x64xf32, #tpu.memory_space<vmem>>, vector<1x16xf32>,
      %get3A_4337 = vector.shape_cast %get3A_4336 : vector<1x16xf32> to vector<16xf32>
      %add3A_4338 = arith.addf %add3A_4314, %get3A_4337 : vector<16xf32>
      %get3A_4339 = arith.constant 75 : i32
      %get3A_4340 = arith.index_cast %get3A_4339 : i32 to index
      %get3A_4341 = arith.constant 32 : index
      %get3A_4342 = tpu.vector_load %arg7[%get3A_4340, %get3A_4341] {strides = array<i32>} : memref<100x64xf32, #tpu.memory_space<vmem>>, vector<1x16xf32>,
      %get3A_4343 = vector.shape_cast %get3A_4342 : vector<1x16xf32> to vector<16xf32>
      %add3A_4344 = arith.addf %add3A_4320, %get3A_4343 : vector<16xf32>
      %get3A_4345 = arith.constant 75 : i32
      %get3A_4346 = arith.index_cast %get3A_4345 : i32 to index
      %get3A_4347 = arith.constant 48 : index
      %get3A_4348 = tpu.vector_load %arg7[%get3A_4346, %get3A_4347] {strides = array<i32>} : memref<100x64xf32, #tpu.memory_space<vmem>>, vector<1x16xf32>,
      %get3A_4349 = vector.shape_cast %get3A_4348 : vector<1x16xf32> to vector<16xf32>
      %add3A_4350 = arith.addf %add3A_4326, %get3A_4349 : vector<16xf32>
      %get3A_4351 = arith.constant 76 : i32
      %get3A_4352 = arith.index_cast %get3A_4351 : i32 to index
      %get3A_4353 = arith.constant 0 : index
      %get3A_4354 = tpu.vector_load %arg7[%get3A_4352, %get3A_4353] {strides = array<i32>} : memref<100x64xf32, #tpu.memory_space<vmem>>, vector<1x16xf32>,
      %get3A_4355 = vector.shape_cast %get3A_4354 : vector<1x16xf32> to vector<16xf32>
      %add3A_4356 = arith.addf %add3A_4332, %get3A_4355 : vector<16xf32>
      %get3A_4357 = arith.constant 76 : i32
      %get3A_4358 = arith.index_cast %get3A_4357 : i32 to index
      %get3A_4359 = arith.constant 16 : index
      %get3A_4360 = tpu.vector_load %arg7[%get3A_4358, %get3A_4359] {strides = array<i32>} : memref<100x64xf32, #tpu.memory_space<vmem>>, vector<1x16xf32>,
      %get3A_4361 = vector.shape_cast %get3A_4360 : vector<1x16xf32> to vector<16xf32>
      %add3A_4362 = arith.addf %add3A_4338, %get3A_4361 : vector<16xf32>
      %get3A_4363 = arith.constant 76 : i32
      %get3A_4364 = arith.index_cast %get3A_4363 : i32 to index
      %get3A_4365 = arith.constant 32 : index
      %get3A_4366 = tpu.vector_load %arg7[%get3A_4364, %get3A_4365] {strides = array<i32>} : memref<100x64xf32, #tpu.memory_space<vmem>>, vector<1x16xf32>,
      %get3A_4367 = vector.shape_cast %get3A_4366 : vector<1x16xf32> to vector<16xf32>
      %add3A_4368 = arith.addf %add3A_4344, %get3A_4367 : vector<16xf32>
      %get3A_4369 = arith.constant 76 : i32
      %get3A_4370 = arith.index_cast %get3A_4369 : i32 to index
      %get3A_4371 = arith.constant 48 : index
      %get3A_4372 = tpu.vector_load %arg7[%get3A_4370, %get3A_4371] {strides = array<i32>} : memref<100x64xf32, #tpu.memory_space<vmem>>, vector<1x16xf32>,
      %get3A_4373 = vector.shape_cast %get3A_4372 : vector<1x16xf32> to vector<16xf32>
      %add3A_4374 = arith.addf %add3A_4350, %get3A_4373 : vector<16xf32>
      %get3A_4375 = arith.constant 77 : i32
      %get3A_4376 = arith.index_cast %get3A_4375 : i32 to index
      %get3A_4377 = arith.constant 0 : index
      %get3A_4378 = tpu.vector_load %arg7[%get3A_4376, %get3A_4377] {strides = array<i32>} : memref<100x64xf32, #tpu.memory_space<vmem>>, vector<1x16xf32>,
      %get3A_4379 = vector.shape_cast %get3A_4378 : vector<1x16xf32> to vector<16xf32>
      %add3A_4380 = arith.addf %add3A_4356, %get3A_4379 : vector<16xf32>
      %get3A_4381 = arith.constant 77 : i32
      %get3A_4382 = arith.index_cast %get3A_4381 : i32 to index
      %get3A_4383 = arith.constant 16 : index
      %get3A_4384 = tpu.vector_load %arg7[%get3A_4382, %get3A_4383] {strides = array<i32>} : memref<100x64xf32, #tpu.memory_space<vmem>>, vector<1x16xf32>,
      %get3A_4385 = vector.shape_cast %get3A_4384 : vector<1x16xf32> to vector<16xf32>
      %add3A_4386 = arith.addf %add3A_4362, %get3A_4385 : vector<16xf32>
      %get3A_4387 = arith.constant 77 : i32
      %get3A_4388 = arith.index_cast %get3A_4387 : i32 to index
      %get3A_4389 = arith.constant 32 : index
      %get3A_4390 = tpu.vector_load %arg7[%get3A_4388, %get3A_4389] {strides = array<i32>} : memref<100x64xf32, #tpu.memory_space<vmem>>, vector<1x16xf32>,
      %get3A_4391 = vector.shape_cast %get3A_4390 : vector<1x16xf32> to vector<16xf32>
      %add3A_4392 = arith.addf %add3A_4368, %get3A_4391 : vector<16xf32>
      %get3A_4393 = arith.constant 77 : i32
      %get3A_4394 = arith.index_cast %get3A_4393 : i32 to index
      %get3A_4395 = arith.constant 48 : index
      %get3A_4396 = tpu.vector_load %arg7[%get3A_4394, %get3A_4395] {strides = array<i32>} : memref<100x64xf32, #tpu.memory_space<vmem>>, vector<1x16xf32>,
      %get3A_4397 = vector.shape_cast %get3A_4396 : vector<1x16xf32> to vector<16xf32>
      %add3A_4398 = arith.addf %add3A_4374, %get3A_4397 : vector<16xf32>
      %get3A_4399 = arith.constant 78 : i32
      %get3A_4400 = arith.index_cast %get3A_4399 : i32 to index
      %get3A_4401 = arith.constant 0 : index
      %get3A_4402 = tpu.vector_load %arg7[%get3A_4400, %get3A_4401] {strides = array<i32>} : memref<100x64xf32, #tpu.memory_space<vmem>>, vector<1x16xf32>,
      %get3A_4403 = vector.shape_cast %get3A_4402 : vector<1x16xf32> to vector<16xf32>
      %add3A_4404 = arith.addf %add3A_4380, %get3A_4403 : vector<16xf32>
      %get3A_4405 = arith.constant 78 : i32
      %get3A_4406 = arith.index_cast %get3A_4405 : i32 to index
      %get3A_4407 = arith.constant 16 : index
      %get3A_4408 = tpu.vector_load %arg7[%get3A_4406, %get3A_4407] {strides = array<i32>} : memref<100x64xf32, #tpu.memory_space<vmem>>, vector<1x16xf32>,
      %get3A_4409 = vector.shape_cast %get3A_4408 : vector<1x16xf32> to vector<16xf32>
      %add3A_4410 = arith.addf %add3A_4386, %get3A_4409 : vector<16xf32>
      %get3A_4411 = arith.constant 78 : i32
      %get3A_4412 = arith.index_cast %get3A_4411 : i32 to index
      %get3A_4413 = arith.constant 32 : index
      %get3A_4414 = tpu.vector_load %arg7[%get3A_4412, %get3A_4413] {strides = array<i32>} : memref<100x64xf32, #tpu.memory_space<vmem>>, vector<1x16xf32>,
      %get3A_4415 = vector.shape_cast %get3A_4414 : vector<1x16xf32> to vector<16xf32>
      %add3A_4416 = arith.addf %add3A_4392, %get3A_4415 : vector<16xf32>
      %get3A_4417 = arith.constant 78 : i32
      %get3A_4418 = arith.index_cast %get3A_4417 : i32 to index
      %get3A_4419 = arith.constant 48 : index
      %get3A_4420 = tpu.vector_load %arg7[%get3A_4418, %get3A_4419] {strides = array<i32>} : memref<100x64xf32, #tpu.memory_space<vmem>>, vector<1x16xf32>,
      %get3A_4421 = vector.shape_cast %get3A_4420 : vector<1x16xf32> to vector<16xf32>
      %add3A_4422 = arith.addf %add3A_4398, %get3A_4421 : vector<16xf32>
      %get3A_4423 = arith.constant 79 : i32
      %get3A_4424 = arith.index_cast %get3A_4423 : i32 to index
      %get3A_4425 = arith.constant 0 : index
      %get3A_4426 = tpu.vector_load %arg7[%get3A_4424, %get3A_4425] {strides = array<i32>} : memref<100x64xf32, #tpu.memory_space<vmem>>, vector<1x16xf32>,
      %get3A_4427 = vector.shape_cast %get3A_4426 : vector<1x16xf32> to vector<16xf32>
      %add3A_4428 = arith.addf %add3A_4404, %get3A_4427 : vector<16xf32>
      %get3A_4429 = arith.constant 79 : i32
      %get3A_4430 = arith.index_cast %get3A_4429 : i32 to index
      %get3A_4431 = arith.constant 16 : index
      %get3A_4432 = tpu.vector_load %arg7[%get3A_4430, %get3A_4431] {strides = array<i32>} : memref<100x64xf32, #tpu.memory_space<vmem>>, vector<1x16xf32>,
      %get3A_4433 = vector.shape_cast %get3A_4432 : vector<1x16xf32> to vector<16xf32>
      %add3A_4434 = arith.addf %add3A_4410, %get3A_4433 : vector<16xf32>
      %get3A_4435 = arith.constant 79 : i32
      %get3A_4436 = arith.index_cast %get3A_4435 : i32 to index
      %get3A_4437 = arith.constant 32 : index
      %get3A_4438 = tpu.vector_load %arg7[%get3A_4436, %get3A_4437] {strides = array<i32>} : memref<100x64xf32, #tpu.memory_space<vmem>>, vector<1x16xf32>,
      %get3A_4439 = vector.shape_cast %get3A_4438 : vector<1x16xf32> to vector<16xf32>
      %add3A_4440 = arith.addf %add3A_4416, %get3A_4439 : vector<16xf32>
      %get3A_4441 = arith.constant 79 : i32
      %get3A_4442 = arith.index_cast %get3A_4441 : i32 to index
      %get3A_4443 = arith.constant 48 : index
      %get3A_4444 = tpu.vector_load %arg7[%get3A_4442, %get3A_4443] {strides = array<i32>} : memref<100x64xf32, #tpu.memory_space<vmem>>, vector<1x16xf32>,
      %get3A_4445 = vector.shape_cast %get3A_4444 : vector<1x16xf32> to vector<16xf32>
      %add3A_4446 = arith.addf %add3A_4422, %get3A_4445 : vector<16xf32>
      %get3A_4447 = arith.constant 80 : i32
      %get3A_4448 = arith.index_cast %get3A_4447 : i32 to index
      %get3A_4449 = arith.constant 0 : index
      %get3A_4450 = tpu.vector_load %arg7[%get3A_4448, %get3A_4449] {strides = array<i32>} : memref<100x64xf32, #tpu.memory_space<vmem>>, vector<1x16xf32>,
      %get3A_4451 = vector.shape_cast %get3A_4450 : vector<1x16xf32> to vector<16xf32>
      %add3A_4452 = arith.addf %add3A_4428, %get3A_4451 : vector<16xf32>
      %get3A_4453 = arith.constant 80 : i32
      %get3A_4454 = arith.index_cast %get3A_4453 : i32 to index
      %get3A_4455 = arith.constant 16 : index
      %get3A_4456 = tpu.vector_load %arg7[%get3A_4454, %get3A_4455] {strides = array<i32>} : memref<100x64xf32, #tpu.memory_space<vmem>>, vector<1x16xf32>,
      %get3A_4457 = vector.shape_cast %get3A_4456 : vector<1x16xf32> to vector<16xf32>
      %add3A_4458 = arith.addf %add3A_4434, %get3A_4457 : vector<16xf32>
      %get3A_4459 = arith.constant 80 : i32
      %get3A_4460 = arith.index_cast %get3A_4459 : i32 to index
      %get3A_4461 = arith.constant 32 : index
      %get3A_4462 = tpu.vector_load %arg7[%get3A_4460, %get3A_4461] {strides = array<i32>} : memref<100x64xf32, #tpu.memory_space<vmem>>, vector<1x16xf32>,
      %get3A_4463 = vector.shape_cast %get3A_4462 : vector<1x16xf32> to vector<16xf32>
      %add3A_4464 = arith.addf %add3A_4440, %get3A_4463 : vector<16xf32>
      %get3A_4465 = arith.constant 80 : i32
      %get3A_4466 = arith.index_cast %get3A_4465 : i32 to index
      %get3A_4467 = arith.constant 48 : index
      %get3A_4468 = tpu.vector_load %arg7[%get3A_4466, %get3A_4467] {strides = array<i32>} : memref<100x64xf32, #tpu.memory_space<vmem>>, vector<1x16xf32>,
      %get3A_4469 = vector.shape_cast %get3A_4468 : vector<1x16xf32> to vector<16xf32>
      %add3A_4470 = arith.addf %add3A_4446, %get3A_4469 : vector<16xf32>
      %get3A_4471 = arith.constant 81 : i32
      %get3A_4472 = arith.index_cast %get3A_4471 : i32 to index
      %get3A_4473 = arith.constant 0 : index
      %get3A_4474 = tpu.vector_load %arg7[%get3A_4472, %get3A_4473] {strides = array<i32>} : memref<100x64xf32, #tpu.memory_space<vmem>>, vector<1x16xf32>,
      %get3A_4475 = vector.shape_cast %get3A_4474 : vector<1x16xf32> to vector<16xf32>
      %add3A_4476 = arith.addf %add3A_4452, %get3A_4475 : vector<16xf32>
      %get3A_4477 = arith.constant 81 : i32
      %get3A_4478 = arith.index_cast %get3A_4477 : i32 to index
      %get3A_4479 = arith.constant 16 : index
      %get3A_4480 = tpu.vector_load %arg7[%get3A_4478, %get3A_4479] {strides = array<i32>} : memref<100x64xf32, #tpu.memory_space<vmem>>, vector<1x16xf32>,
      %get3A_4481 = vector.shape_cast %get3A_4480 : vector<1x16xf32> to vector<16xf32>
      %add3A_4482 = arith.addf %add3A_4458, %get3A_4481 : vector<16xf32>
      %get3A_4483 = arith.constant 81 : i32
      %get3A_4484 = arith.index_cast %get3A_4483 : i32 to index
      %get3A_4485 = arith.constant 32 : index
      %get3A_4486 = tpu.vector_load %arg7[%get3A_4484, %get3A_4485] {strides = array<i32>} : memref<100x64xf32, #tpu.memory_space<vmem>>, vector<1x16xf32>,
      %get3A_4487 = vector.shape_cast %get3A_4486 : vector<1x16xf32> to vector<16xf32>
      %add3A_4488 = arith.addf %add3A_4464, %get3A_4487 : vector<16xf32>
      %get3A_4489 = arith.constant 81 : i32
      %get3A_4490 = arith.index_cast %get3A_4489 : i32 to index
      %get3A_4491 = arith.constant 48 : index
      %get3A_4492 = tpu.vector_load %arg7[%get3A_4490, %get3A_4491] {strides = array<i32>} : memref<100x64xf32, #tpu.memory_space<vmem>>, vector<1x16xf32>,
      %get3A_4493 = vector.shape_cast %get3A_4492 : vector<1x16xf32> to vector<16xf32>
      %add3A_4494 = arith.addf %add3A_4470, %get3A_4493 : vector<16xf32>
      %get3A_4495 = arith.constant 82 : i32
      %get3A_4496 = arith.index_cast %get3A_4495 : i32 to index
      %get3A_4497 = arith.constant 0 : index
      %get3A_4498 = tpu.vector_load %arg7[%get3A_4496, %get3A_4497] {strides = array<i32>} : memref<100x64xf32, #tpu.memory_space<vmem>>, vector<1x16xf32>,
      %get3A_4499 = vector.shape_cast %get3A_4498 : vector<1x16xf32> to vector<16xf32>
      %add3A_4500 = arith.addf %add3A_4476, %get3A_4499 : vector<16xf32>
      %get3A_4501 = arith.constant 82 : i32
      %get3A_4502 = arith.index_cast %get3A_4501 : i32 to index
      %get3A_4503 = arith.constant 16 : index
      %get3A_4504 = tpu.vector_load %arg7[%get3A_4502, %get3A_4503] {strides = array<i32>} : memref<100x64xf32, #tpu.memory_space<vmem>>, vector<1x16xf32>,
      %get3A_4505 = vector.shape_cast %get3A_4504 : vector<1x16xf32> to vector<16xf32>
      %add3A_4506 = arith.addf %add3A_4482, %get3A_4505 : vector<16xf32>
      %get3A_4507 = arith.constant 82 : i32
      %get3A_4508 = arith.index_cast %get3A_4507 : i32 to index
      %get3A_4509 = arith.constant 32 : index
      %get3A_4510 = tpu.vector_load %arg7[%get3A_4508, %get3A_4509] {strides = array<i32>} : memref<100x64xf32, #tpu.memory_space<vmem>>, vector<1x16xf32>,
      %get3A_4511 = vector.shape_cast %get3A_4510 : vector<1x16xf32> to vector<16xf32>
      %add3A_4512 = arith.addf %add3A_4488, %get3A_4511 : vector<16xf32>
      %get3A_4513 = arith.constant 82 : i32
      %get3A_4514 = arith.index_cast %get3A_4513 : i32 to index
      %get3A_4515 = arith.constant 48 : index
      %get3A_4516 = tpu.vector_load %arg7[%get3A_4514, %get3A_4515] {strides = array<i32>} : memref<100x64xf32, #tpu.memory_space<vmem>>, vector<1x16xf32>,
      %get3A_4517 = vector.shape_cast %get3A_4516 : vector<1x16xf32> to vector<16xf32>
      %add3A_4518 = arith.addf %add3A_4494, %get3A_4517 : vector<16xf32>
      %get3A_4519 = arith.constant 83 : i32
      %get3A_4520 = arith.index_cast %get3A_4519 : i32 to index
      %get3A_4521 = arith.constant 0 : index
      %get3A_4522 = tpu.vector_load %arg7[%get3A_4520, %get3A_4521] {strides = array<i32>} : memref<100x64xf32, #tpu.memory_space<vmem>>, vector<1x16xf32>,
      %get3A_4523 = vector.shape_cast %get3A_4522 : vector<1x16xf32> to vector<16xf32>
      %add3A_4524 = arith.addf %add3A_4500, %get3A_4523 : vector<16xf32>
      %get3A_4525 = arith.constant 83 : i32
      %get3A_4526 = arith.index_cast %get3A_4525 : i32 to index
      %get3A_4527 = arith.constant 16 : index
      %get3A_4528 = tpu.vector_load %arg7[%get3A_4526, %get3A_4527] {strides = array<i32>} : memref<100x64xf32, #tpu.memory_space<vmem>>, vector<1x16xf32>,
      %get3A_4529 = vector.shape_cast %get3A_4528 : vector<1x16xf32> to vector<16xf32>
      %add3A_4530 = arith.addf %add3A_4506, %get3A_4529 : vector<16xf32>
      %get3A_4531 = arith.constant 83 : i32
      %get3A_4532 = arith.index_cast %get3A_4531 : i32 to index
      %get3A_4533 = arith.constant 32 : index
      %get3A_4534 = tpu.vector_load %arg7[%get3A_4532, %get3A_4533] {strides = array<i32>} : memref<100x64xf32, #tpu.memory_space<vmem>>, vector<1x16xf32>,
      %get3A_4535 = vector.shape_cast %get3A_4534 : vector<1x16xf32> to vector<16xf32>
      %add3A_4536 = arith.addf %add3A_4512, %get3A_4535 : vector<16xf32>
      %get3A_4537 = arith.constant 83 : i32
      %get3A_4538 = arith.index_cast %get3A_4537 : i32 to index
      %get3A_4539 = arith.constant 48 : index
      %get3A_4540 = tpu.vector_load %arg7[%get3A_4538, %get3A_4539] {strides = array<i32>} : memref<100x64xf32, #tpu.memory_space<vmem>>, vector<1x16xf32>,
      %get3A_4541 = vector.shape_cast %get3A_4540 : vector<1x16xf32> to vector<16xf32>
      %add3A_4542 = arith.addf %add3A_4518, %get3A_4541 : vector<16xf32>
      %get3A_4543 = arith.constant 84 : i32
      %get3A_4544 = arith.index_cast %get3A_4543 : i32 to index
      %get3A_4545 = arith.constant 0 : index
      %get3A_4546 = tpu.vector_load %arg7[%get3A_4544, %get3A_4545] {strides = array<i32>} : memref<100x64xf32, #tpu.memory_space<vmem>>, vector<1x16xf32>,
      %get3A_4547 = vector.shape_cast %get3A_4546 : vector<1x16xf32> to vector<16xf32>
      %add3A_4548 = arith.addf %add3A_4524, %get3A_4547 : vector<16xf32>
      %get3A_4549 = arith.constant 84 : i32
      %get3A_4550 = arith.index_cast %get3A_4549 : i32 to index
      %get3A_4551 = arith.constant 16 : index
      %get3A_4552 = tpu.vector_load %arg7[%get3A_4550, %get3A_4551] {strides = array<i32>} : memref<100x64xf32, #tpu.memory_space<vmem>>, vector<1x16xf32>,
      %get3A_4553 = vector.shape_cast %get3A_4552 : vector<1x16xf32> to vector<16xf32>
      %add3A_4554 = arith.addf %add3A_4530, %get3A_4553 : vector<16xf32>
      %get3A_4555 = arith.constant 84 : i32
      %get3A_4556 = arith.index_cast %get3A_4555 : i32 to index
      %get3A_4557 = arith.constant 32 : index
      %get3A_4558 = tpu.vector_load %arg7[%get3A_4556, %get3A_4557] {strides = array<i32>} : memref<100x64xf32, #tpu.memory_space<vmem>>, vector<1x16xf32>,
      %get3A_4559 = vector.shape_cast %get3A_4558 : vector<1x16xf32> to vector<16xf32>
      %add3A_4560 = arith.addf %add3A_4536, %get3A_4559 : vector<16xf32>
      %get3A_4561 = arith.constant 84 : i32
      %get3A_4562 = arith.index_cast %get3A_4561 : i32 to index
      %get3A_4563 = arith.constant 48 : index
      %get3A_4564 = tpu.vector_load %arg7[%get3A_4562, %get3A_4563] {strides = array<i32>} : memref<100x64xf32, #tpu.memory_space<vmem>>, vector<1x16xf32>,
      %get3A_4565 = vector.shape_cast %get3A_4564 : vector<1x16xf32> to vector<16xf32>
      %add3A_4566 = arith.addf %add3A_4542, %get3A_4565 : vector<16xf32>
      %get3A_4567 = arith.constant 85 : i32
      %get3A_4568 = arith.index_cast %get3A_4567 : i32 to index
      %get3A_4569 = arith.constant 0 : index
      %get3A_4570 = tpu.vector_load %arg7[%get3A_4568, %get3A_4569] {strides = array<i32>} : memref<100x64xf32, #tpu.memory_space<vmem>>, vector<1x16xf32>,
      %get3A_4571 = vector.shape_cast %get3A_4570 : vector<1x16xf32> to vector<16xf32>
      %add3A_4572 = arith.addf %add3A_4548, %get3A_4571 : vector<16xf32>
      %get3A_4573 = arith.constant 85 : i32
      %get3A_4574 = arith.index_cast %get3A_4573 : i32 to index
      %get3A_4575 = arith.constant 16 : index
      %get3A_4576 = tpu.vector_load %arg7[%get3A_4574, %get3A_4575] {strides = array<i32>} : memref<100x64xf32, #tpu.memory_space<vmem>>, vector<1x16xf32>,
      %get3A_4577 = vector.shape_cast %get3A_4576 : vector<1x16xf32> to vector<16xf32>
      %add3A_4578 = arith.addf %add3A_4554, %get3A_4577 : vector<16xf32>
      %get3A_4579 = arith.constant 85 : i32
      %get3A_4580 = arith.index_cast %get3A_4579 : i32 to index
      %get3A_4581 = arith.constant 32 : index
      %get3A_4582 = tpu.vector_load %arg7[%get3A_4580, %get3A_4581] {strides = array<i32>} : memref<100x64xf32, #tpu.memory_space<vmem>>, vector<1x16xf32>,
      %get3A_4583 = vector.shape_cast %get3A_4582 : vector<1x16xf32> to vector<16xf32>
      %add3A_4584 = arith.addf %add3A_4560, %get3A_4583 : vector<16xf32>
      %get3A_4585 = arith.constant 85 : i32
      %get3A_4586 = arith.index_cast %get3A_4585 : i32 to index
      %get3A_4587 = arith.constant 48 : index
      %get3A_4588 = tpu.vector_load %arg7[%get3A_4586, %get3A_4587] {strides = array<i32>} : memref<100x64xf32, #tpu.memory_space<vmem>>, vector<1x16xf32>,
      %get3A_4589 = vector.shape_cast %get3A_4588 : vector<1x16xf32> to vector<16xf32>
      %add3A_4590 = arith.addf %add3A_4566, %get3A_4589 : vector<16xf32>
      %get3A_4591 = arith.constant 86 : i32
      %get3A_4592 = arith.index_cast %get3A_4591 : i32 to index
      %get3A_4593 = arith.constant 0 : index
      %get3A_4594 = tpu.vector_load %arg7[%get3A_4592, %get3A_4593] {strides = array<i32>} : memref<100x64xf32, #tpu.memory_space<vmem>>, vector<1x16xf32>,
      %get3A_4595 = vector.shape_cast %get3A_4594 : vector<1x16xf32> to vector<16xf32>
      %add3A_4596 = arith.addf %add3A_4572, %get3A_4595 : vector<16xf32>
      %get3A_4597 = arith.constant 86 : i32
      %get3A_4598 = arith.index_cast %get3A_4597 : i32 to index
      %get3A_4599 = arith.constant 16 : index
      %get3A_4600 = tpu.vector_load %arg7[%get3A_4598, %get3A_4599] {strides = array<i32>} : memref<100x64xf32, #tpu.memory_space<vmem>>, vector<1x16xf32>,
      %get3A_4601 = vector.shape_cast %get3A_4600 : vector<1x16xf32> to vector<16xf32>
      %add3A_4602 = arith.addf %add3A_4578, %get3A_4601 : vector<16xf32>
      %get3A_4603 = arith.constant 86 : i32
      %get3A_4604 = arith.index_cast %get3A_4603 : i32 to index
      %get3A_4605 = arith.constant 32 : index
      %get3A_4606 = tpu.vector_load %arg7[%get3A_4604, %get3A_4605] {strides = array<i32>} : memref<100x64xf32, #tpu.memory_space<vmem>>, vector<1x16xf32>,
      %get3A_4607 = vector.shape_cast %get3A_4606 : vector<1x16xf32> to vector<16xf32>
      %add3A_4608 = arith.addf %add3A_4584, %get3A_4607 : vector<16xf32>
      %get3A_4609 = arith.constant 86 : i32
      %get3A_4610 = arith.index_cast %get3A_4609 : i32 to index
      %get3A_4611 = arith.constant 48 : index
      %get3A_4612 = tpu.vector_load %arg7[%get3A_4610, %get3A_4611] {strides = array<i32>} : memref<100x64xf32, #tpu.memory_space<vmem>>, vector<1x16xf32>,
      %get3A_4613 = vector.shape_cast %get3A_4612 : vector<1x16xf32> to vector<16xf32>
      %add3A_4614 = arith.addf %add3A_4590, %get3A_4613 : vector<16xf32>
      %get3A_4615 = arith.constant 87 : i32
      %get3A_4616 = arith.index_cast %get3A_4615 : i32 to index
      %get3A_4617 = arith.constant 0 : index
      %get3A_4618 = tpu.vector_load %arg7[%get3A_4616, %get3A_4617] {strides = array<i32>} : memref<100x64xf32, #tpu.memory_space<vmem>>, vector<1x16xf32>,
      %get3A_4619 = vector.shape_cast %get3A_4618 : vector<1x16xf32> to vector<16xf32>
      %add3A_4620 = arith.addf %add3A_4596, %get3A_4619 : vector<16xf32>
      %get3A_4621 = arith.constant 87 : i32
      %get3A_4622 = arith.index_cast %get3A_4621 : i32 to index
      %get3A_4623 = arith.constant 16 : index
      %get3A_4624 = tpu.vector_load %arg7[%get3A_4622, %get3A_4623] {strides = array<i32>} : memref<100x64xf32, #tpu.memory_space<vmem>>, vector<1x16xf32>,
      %get3A_4625 = vector.shape_cast %get3A_4624 : vector<1x16xf32> to vector<16xf32>
      %add3A_4626 = arith.addf %add3A_4602, %get3A_4625 : vector<16xf32>
      %get3A_4627 = arith.constant 87 : i32
      %get3A_4628 = arith.index_cast %get3A_4627 : i32 to index
      %get3A_4629 = arith.constant 32 : index
      %get3A_4630 = tpu.vector_load %arg7[%get3A_4628, %get3A_4629] {strides = array<i32>} : memref<100x64xf32, #tpu.memory_space<vmem>>, vector<1x16xf32>,
      %get3A_4631 = vector.shape_cast %get3A_4630 : vector<1x16xf32> to vector<16xf32>
      %add3A_4632 = arith.addf %add3A_4608, %get3A_4631 : vector<16xf32>
      %get3A_4633 = arith.constant 87 : i32
      %get3A_4634 = arith.index_cast %get3A_4633 : i32 to index
      %get3A_4635 = arith.constant 48 : index
      %get3A_4636 = tpu.vector_load %arg7[%get3A_4634, %get3A_4635] {strides = array<i32>} : memref<100x64xf32, #tpu.memory_space<vmem>>, vector<1x16xf32>,
      %get3A_4637 = vector.shape_cast %get3A_4636 : vector<1x16xf32> to vector<16xf32>
      %add3A_4638 = arith.addf %add3A_4614, %get3A_4637 : vector<16xf32>
      %get3A_4639 = arith.constant 88 : i32
      %get3A_4640 = arith.index_cast %get3A_4639 : i32 to index
      %get3A_4641 = arith.constant 0 : index
      %get3A_4642 = tpu.vector_load %arg7[%get3A_4640, %get3A_4641] {strides = array<i32>} : memref<100x64xf32, #tpu.memory_space<vmem>>, vector<1x16xf32>,
      %get3A_4643 = vector.shape_cast %get3A_4642 : vector<1x16xf32> to vector<16xf32>
      %add3A_4644 = arith.addf %add3A_4620, %get3A_4643 : vector<16xf32>
      %get3A_4645 = arith.constant 88 : i32
      %get3A_4646 = arith.index_cast %get3A_4645 : i32 to index
      %get3A_4647 = arith.constant 16 : index
      %get3A_4648 = tpu.vector_load %arg7[%get3A_4646, %get3A_4647] {strides = array<i32>} : memref<100x64xf32, #tpu.memory_space<vmem>>, vector<1x16xf32>,
      %get3A_4649 = vector.shape_cast %get3A_4648 : vector<1x16xf32> to vector<16xf32>
      %add3A_4650 = arith.addf %add3A_4626, %get3A_4649 : vector<16xf32>
      %get3A_4651 = arith.constant 88 : i32
      %get3A_4652 = arith.index_cast %get3A_4651 : i32 to index
      %get3A_4653 = arith.constant 32 : index
      %get3A_4654 = tpu.vector_load %arg7[%get3A_4652, %get3A_4653] {strides = array<i32>} : memref<100x64xf32, #tpu.memory_space<vmem>>, vector<1x16xf32>,
      %get3A_4655 = vector.shape_cast %get3A_4654 : vector<1x16xf32> to vector<16xf32>
      %add3A_4656 = arith.addf %add3A_4632, %get3A_4655 : vector<16xf32>
      %get3A_4657 = arith.constant 88 : i32
      %get3A_4658 = arith.index_cast %get3A_4657 : i32 to index
      %get3A_4659 = arith.constant 48 : index
      %get3A_4660 = tpu.vector_load %arg7[%get3A_4658, %get3A_4659] {strides = array<i32>} : memref<100x64xf32, #tpu.memory_space<vmem>>, vector<1x16xf32>,
      %get3A_4661 = vector.shape_cast %get3A_4660 : vector<1x16xf32> to vector<16xf32>
      %add3A_4662 = arith.addf %add3A_4638, %get3A_4661 : vector<16xf32>
      %get3A_4663 = arith.constant 89 : i32
      %get3A_4664 = arith.index_cast %get3A_4663 : i32 to index
      %get3A_4665 = arith.constant 0 : index
      %get3A_4666 = tpu.vector_load %arg7[%get3A_4664, %get3A_4665] {strides = array<i32>} : memref<100x64xf32, #tpu.memory_space<vmem>>, vector<1x16xf32>,
      %get3A_4667 = vector.shape_cast %get3A_4666 : vector<1x16xf32> to vector<16xf32>
      %add3A_4668 = arith.addf %add3A_4644, %get3A_4667 : vector<16xf32>
      %get3A_4669 = arith.constant 89 : i32
      %get3A_4670 = arith.index_cast %get3A_4669 : i32 to index
      %get3A_4671 = arith.constant 16 : index
      %get3A_4672 = tpu.vector_load %arg7[%get3A_4670, %get3A_4671] {strides = array<i32>} : memref<100x64xf32, #tpu.memory_space<vmem>>, vector<1x16xf32>,
      %get3A_4673 = vector.shape_cast %get3A_4672 : vector<1x16xf32> to vector<16xf32>
      %add3A_4674 = arith.addf %add3A_4650, %get3A_4673 : vector<16xf32>
      %get3A_4675 = arith.constant 89 : i32
      %get3A_4676 = arith.index_cast %get3A_4675 : i32 to index
      %get3A_4677 = arith.constant 32 : index
      %get3A_4678 = tpu.vector_load %arg7[%get3A_4676, %get3A_4677] {strides = array<i32>} : memref<100x64xf32, #tpu.memory_space<vmem>>, vector<1x16xf32>,
      %get3A_4679 = vector.shape_cast %get3A_4678 : vector<1x16xf32> to vector<16xf32>
      %add3A_4680 = arith.addf %add3A_4656, %get3A_4679 : vector<16xf32>
      %get3A_4681 = arith.constant 89 : i32
      %get3A_4682 = arith.index_cast %get3A_4681 : i32 to index
      %get3A_4683 = arith.constant 48 : index
      %get3A_4684 = tpu.vector_load %arg7[%get3A_4682, %get3A_4683] {strides = array<i32>} : memref<100x64xf32, #tpu.memory_space<vmem>>, vector<1x16xf32>,
      %get3A_4685 = vector.shape_cast %get3A_4684 : vector<1x16xf32> to vector<16xf32>
      %add3A_4686 = arith.addf %add3A_4662, %get3A_4685 : vector<16xf32>
      %get3A_4687 = arith.constant 90 : i32
      %get3A_4688 = arith.index_cast %get3A_4687 : i32 to index
      %get3A_4689 = arith.constant 0 : index
      %get3A_4690 = tpu.vector_load %arg7[%get3A_4688, %get3A_4689] {strides = array<i32>} : memref<100x64xf32, #tpu.memory_space<vmem>>, vector<1x16xf32>,
      %get3A_4691 = vector.shape_cast %get3A_4690 : vector<1x16xf32> to vector<16xf32>
      %add3A_4692 = arith.addf %add3A_4668, %get3A_4691 : vector<16xf32>
      %get3A_4693 = arith.constant 90 : i32
      %get3A_4694 = arith.index_cast %get3A_4693 : i32 to index
      %get3A_4695 = arith.constant 16 : index
      %get3A_4696 = tpu.vector_load %arg7[%get3A_4694, %get3A_4695] {strides = array<i32>} : memref<100x64xf32, #tpu.memory_space<vmem>>, vector<1x16xf32>,
      %get3A_4697 = vector.shape_cast %get3A_4696 : vector<1x16xf32> to vector<16xf32>
      %add3A_4698 = arith.addf %add3A_4674, %get3A_4697 : vector<16xf32>
      %get3A_4699 = arith.constant 90 : i32
      %get3A_4700 = arith.index_cast %get3A_4699 : i32 to index
      %get3A_4701 = arith.constant 32 : index
      %get3A_4702 = tpu.vector_load %arg7[%get3A_4700, %get3A_4701] {strides = array<i32>} : memref<100x64xf32, #tpu.memory_space<vmem>>, vector<1x16xf32>,
      %get3A_4703 = vector.shape_cast %get3A_4702 : vector<1x16xf32> to vector<16xf32>
      %add3A_4704 = arith.addf %add3A_4680, %get3A_4703 : vector<16xf32>
      %get3A_4705 = arith.constant 90 : i32
      %get3A_4706 = arith.index_cast %get3A_4705 : i32 to index
      %get3A_4707 = arith.constant 48 : index
      %get3A_4708 = tpu.vector_load %arg7[%get3A_4706, %get3A_4707] {strides = array<i32>} : memref<100x64xf32, #tpu.memory_space<vmem>>, vector<1x16xf32>,
      %get3A_4709 = vector.shape_cast %get3A_4708 : vector<1x16xf32> to vector<16xf32>
      %add3A_4710 = arith.addf %add3A_4686, %get3A_4709 : vector<16xf32>
      %get3A_4711 = arith.constant 91 : i32
      %get3A_4712 = arith.index_cast %get3A_4711 : i32 to index
      %get3A_4713 = arith.constant 0 : index
      %get3A_4714 = tpu.vector_load %arg7[%get3A_4712, %get3A_4713] {strides = array<i32>} : memref<100x64xf32, #tpu.memory_space<vmem>>, vector<1x16xf32>,
      %get3A_4715 = vector.shape_cast %get3A_4714 : vector<1x16xf32> to vector<16xf32>
      %add3A_4716 = arith.addf %add3A_4692, %get3A_4715 : vector<16xf32>
      %get3A_4717 = arith.constant 91 : i32
      %get3A_4718 = arith.index_cast %get3A_4717 : i32 to index
      %get3A_4719 = arith.constant 16 : index
      %get3A_4720 = tpu.vector_load %arg7[%get3A_4718, %get3A_4719] {strides = array<i32>} : memref<100x64xf32, #tpu.memory_space<vmem>>, vector<1x16xf32>,
      %get3A_4721 = vector.shape_cast %get3A_4720 : vector<1x16xf32> to vector<16xf32>
      %add3A_4722 = arith.addf %add3A_4698, %get3A_4721 : vector<16xf32>
      %get3A_4723 = arith.constant 91 : i32
      %get3A_4724 = arith.index_cast %get3A_4723 : i32 to index
      %get3A_4725 = arith.constant 32 : index
      %get3A_4726 = tpu.vector_load %arg7[%get3A_4724, %get3A_4725] {strides = array<i32>} : memref<100x64xf32, #tpu.memory_space<vmem>>, vector<1x16xf32>,
      %get3A_4727 = vector.shape_cast %get3A_4726 : vector<1x16xf32> to vector<16xf32>
      %add3A_4728 = arith.addf %add3A_4704, %get3A_4727 : vector<16xf32>
      %get3A_4729 = arith.constant 91 : i32
      %get3A_4730 = arith.index_cast %get3A_4729 : i32 to index
      %get3A_4731 = arith.constant 48 : index
      %get3A_4732 = tpu.vector_load %arg7[%get3A_4730, %get3A_4731] {strides = array<i32>} : memref<100x64xf32, #tpu.memory_space<vmem>>, vector<1x16xf32>,
      %get3A_4733 = vector.shape_cast %get3A_4732 : vector<1x16xf32> to vector<16xf32>
      %add3A_4734 = arith.addf %add3A_4710, %get3A_4733 : vector<16xf32>
      %get3A_4735 = arith.constant 92 : i32
      %get3A_4736 = arith.index_cast %get3A_4735 : i32 to index
      %get3A_4737 = arith.constant 0 : index
      %get3A_4738 = tpu.vector_load %arg7[%get3A_4736, %get3A_4737] {strides = array<i32>} : memref<100x64xf32, #tpu.memory_space<vmem>>, vector<1x16xf32>,
      %get3A_4739 = vector.shape_cast %get3A_4738 : vector<1x16xf32> to vector<16xf32>
      %add3A_4740 = arith.addf %add3A_4716, %get3A_4739 : vector<16xf32>
      %get3A_4741 = arith.constant 92 : i32
      %get3A_4742 = arith.index_cast %get3A_4741 : i32 to index
      %get3A_4743 = arith.constant 16 : index
      %get3A_4744 = tpu.vector_load %arg7[%get3A_4742, %get3A_4743] {strides = array<i32>} : memref<100x64xf32, #tpu.memory_space<vmem>>, vector<1x16xf32>,
      %get3A_4745 = vector.shape_cast %get3A_4744 : vector<1x16xf32> to vector<16xf32>
      %add3A_4746 = arith.addf %add3A_4722, %get3A_4745 : vector<16xf32>
      %get3A_4747 = arith.constant 92 : i32
      %get3A_4748 = arith.index_cast %get3A_4747 : i32 to index
      %get3A_4749 = arith.constant 32 : index
      %get3A_4750 = tpu.vector_load %arg7[%get3A_4748, %get3A_4749] {strides = array<i32>} : memref<100x64xf32, #tpu.memory_space<vmem>>, vector<1x16xf32>,
      %get3A_4751 = vector.shape_cast %get3A_4750 : vector<1x16xf32> to vector<16xf32>
      %add3A_4752 = arith.addf %add3A_4728, %get3A_4751 : vector<16xf32>
      %get3A_4753 = arith.constant 92 : i32
      %get3A_4754 = arith.index_cast %get3A_4753 : i32 to index
      %get3A_4755 = arith.constant 48 : index
      %get3A_4756 = tpu.vector_load %arg7[%get3A_4754, %get3A_4755] {strides = array<i32>} : memref<100x64xf32, #tpu.memory_space<vmem>>, vector<1x16xf32>,
      %get3A_4757 = vector.shape_cast %get3A_4756 : vector<1x16xf32> to vector<16xf32>
      %add3A_4758 = arith.addf %add3A_4734, %get3A_4757 : vector<16xf32>
      %get3A_4759 = arith.constant 93 : i32
      %get3A_4760 = arith.index_cast %get3A_4759 : i32 to index
      %get3A_4761 = arith.constant 0 : index
      %get3A_4762 = tpu.vector_load %arg7[%get3A_4760, %get3A_4761] {strides = array<i32>} : memref<100x64xf32, #tpu.memory_space<vmem>>, vector<1x16xf32>,
      %get3A_4763 = vector.shape_cast %get3A_4762 : vector<1x16xf32> to vector<16xf32>
      %add3A_4764 = arith.addf %add3A_4740, %get3A_4763 : vector<16xf32>
      %get3A_4765 = arith.constant 93 : i32
      %get3A_4766 = arith.index_cast %get3A_4765 : i32 to index
      %get3A_4767 = arith.constant 16 : index
      %get3A_4768 = tpu.vector_load %arg7[%get3A_4766, %get3A_4767] {strides = array<i32>} : memref<100x64xf32, #tpu.memory_space<vmem>>, vector<1x16xf32>,
      %get3A_4769 = vector.shape_cast %get3A_4768 : vector<1x16xf32> to vector<16xf32>
      %add3A_4770 = arith.addf %add3A_4746, %get3A_4769 : vector<16xf32>
      %get3A_4771 = arith.constant 93 : i32
      %get3A_4772 = arith.index_cast %get3A_4771 : i32 to index
      %get3A_4773 = arith.constant 32 : index
      %get3A_4774 = tpu.vector_load %arg7[%get3A_4772, %get3A_4773] {strides = array<i32>} : memref<100x64xf32, #tpu.memory_space<vmem>>, vector<1x16xf32>,
      %get3A_4775 = vector.shape_cast %get3A_4774 : vector<1x16xf32> to vector<16xf32>
      %add3A_4776 = arith.addf %add3A_4752, %get3A_4775 : vector<16xf32>
      %get3A_4777 = arith.constant 93 : i32
      %get3A_4778 = arith.index_cast %get3A_4777 : i32 to index
      %get3A_4779 = arith.constant 48 : index
      %get3A_4780 = tpu.vector_load %arg7[%get3A_4778, %get3A_4779] {strides = array<i32>} : memref<100x64xf32, #tpu.memory_space<vmem>>, vector<1x16xf32>,
      %get3A_4781 = vector.shape_cast %get3A_4780 : vector<1x16xf32> to vector<16xf32>
      %add3A_4782 = arith.addf %add3A_4758, %get3A_4781 : vector<16xf32>
      %get3A_4783 = arith.constant 94 : i32
      %get3A_4784 = arith.index_cast %get3A_4783 : i32 to index
      %get3A_4785 = arith.constant 0 : index
      %get3A_4786 = tpu.vector_load %arg7[%get3A_4784, %get3A_4785] {strides = array<i32>} : memref<100x64xf32, #tpu.memory_space<vmem>>, vector<1x16xf32>,
      %get3A_4787 = vector.shape_cast %get3A_4786 : vector<1x16xf32> to vector<16xf32>
      %add3A_4788 = arith.addf %add3A_4764, %get3A_4787 : vector<16xf32>
      %get3A_4789 = arith.constant 94 : i32
      %get3A_4790 = arith.index_cast %get3A_4789 : i32 to index
      %get3A_4791 = arith.constant 16 : index
      %get3A_4792 = tpu.vector_load %arg7[%get3A_4790, %get3A_4791] {strides = array<i32>} : memref<100x64xf32, #tpu.memory_space<vmem>>, vector<1x16xf32>,
      %get3A_4793 = vector.shape_cast %get3A_4792 : vector<1x16xf32> to vector<16xf32>
      %add3A_4794 = arith.addf %add3A_4770, %get3A_4793 : vector<16xf32>
      %get3A_4795 = arith.constant 94 : i32
      %get3A_4796 = arith.index_cast %get3A_4795 : i32 to index
      %get3A_4797 = arith.constant 32 : index
      %get3A_4798 = tpu.vector_load %arg7[%get3A_4796, %get3A_4797] {strides = array<i32>} : memref<100x64xf32, #tpu.memory_space<vmem>>, vector<1x16xf32>,
      %get3A_4799 = vector.shape_cast %get3A_4798 : vector<1x16xf32> to vector<16xf32>
      %add3A_4800 = arith.addf %add3A_4776, %get3A_4799 : vector<16xf32>
      %get3A_4801 = arith.constant 94 : i32
      %get3A_4802 = arith.index_cast %get3A_4801 : i32 to index
      %get3A_4803 = arith.constant 48 : index
      %get3A_4804 = tpu.vector_load %arg7[%get3A_4802, %get3A_4803] {strides = array<i32>} : memref<100x64xf32, #tpu.memory_space<vmem>>, vector<1x16xf32>,
      %get3A_4805 = vector.shape_cast %get3A_4804 : vector<1x16xf32> to vector<16xf32>
      %add3A_4806 = arith.addf %add3A_4782, %get3A_4805 : vector<16xf32>
      %get3A_4807 = arith.constant 95 : i32
      %get3A_4808 = arith.index_cast %get3A_4807 : i32 to index
      %get3A_4809 = arith.constant 0 : index
      %get3A_4810 = tpu.vector_load %arg7[%get3A_4808, %get3A_4809] {strides = array<i32>} : memref<100x64xf32, #tpu.memory_space<vmem>>, vector<1x16xf32>,
      %get3A_4811 = vector.shape_cast %get3A_4810 : vector<1x16xf32> to vector<16xf32>
      %add3A_4812 = arith.addf %add3A_4788, %get3A_4811 : vector<16xf32>
      %get3A_4813 = arith.constant 95 : i32
      %get3A_4814 = arith.index_cast %get3A_4813 : i32 to index
      %get3A_4815 = arith.constant 16 : index
      %get3A_4816 = tpu.vector_load %arg7[%get3A_4814, %get3A_4815] {strides = array<i32>} : memref<100x64xf32, #tpu.memory_space<vmem>>, vector<1x16xf32>,
      %get3A_4817 = vector.shape_cast %get3A_4816 : vector<1x16xf32> to vector<16xf32>
      %add3A_4818 = arith.addf %add3A_4794, %get3A_4817 : vector<16xf32>
      %get3A_4819 = arith.constant 95 : i32
      %get3A_4820 = arith.index_cast %get3A_4819 : i32 to index
      %get3A_4821 = arith.constant 32 : index
      %get3A_4822 = tpu.vector_load %arg7[%get3A_4820, %get3A_4821] {strides = array<i32>} : memref<100x64xf32, #tpu.memory_space<vmem>>, vector<1x16xf32>,
      %get3A_4823 = vector.shape_cast %get3A_4822 : vector<1x16xf32> to vector<16xf32>
      %add3A_4824 = arith.addf %add3A_4800, %get3A_4823 : vector<16xf32>
      %get3A_4825 = arith.constant 95 : i32
      %get3A_4826 = arith.index_cast %get3A_4825 : i32 to index
      %get3A_4827 = arith.constant 48 : index
      %get3A_4828 = tpu.vector_load %arg7[%get3A_4826, %get3A_4827] {strides = array<i32>} : memref<100x64xf32, #tpu.memory_space<vmem>>, vector<1x16xf32>,
      %get3A_4829 = vector.shape_cast %get3A_4828 : vector<1x16xf32> to vector<16xf32>
      %add3A_4830 = arith.addf %add3A_4806, %get3A_4829 : vector<16xf32>
      %get3A_4831 = arith.constant 96 : i32
      %get3A_4832 = arith.index_cast %get3A_4831 : i32 to index
      %get3A_4833 = arith.constant 0 : index
      %get3A_4834 = tpu.vector_load %arg7[%get3A_4832, %get3A_4833] {strides = array<i32>} : memref<100x64xf32, #tpu.memory_space<vmem>>, vector<1x16xf32>,
      %get3A_4835 = vector.shape_cast %get3A_4834 : vector<1x16xf32> to vector<16xf32>
      %add3A_4836 = arith.addf %add3A_4812, %get3A_4835 : vector<16xf32>
      %get3A_4837 = arith.constant 96 : i32
      %get3A_4838 = arith.index_cast %get3A_4837 : i32 to index
      %get3A_4839 = arith.constant 16 : index
      %get3A_4840 = tpu.vector_load %arg7[%get3A_4838, %get3A_4839] {strides = array<i32>} : memref<100x64xf32, #tpu.memory_space<vmem>>, vector<1x16xf32>,
      %get3A_4841 = vector.shape_cast %get3A_4840 : vector<1x16xf32> to vector<16xf32>
      %add3A_4842 = arith.addf %add3A_4818, %get3A_4841 : vector<16xf32>
      %get3A_4843 = arith.constant 96 : i32
      %get3A_4844 = arith.index_cast %get3A_4843 : i32 to index
      %get3A_4845 = arith.constant 32 : index
      %get3A_4846 = tpu.vector_load %arg7[%get3A_4844, %get3A_4845] {strides = array<i32>} : memref<100x64xf32, #tpu.memory_space<vmem>>, vector<1x16xf32>,
      %get3A_4847 = vector.shape_cast %get3A_4846 : vector<1x16xf32> to vector<16xf32>
      %add3A_4848 = arith.addf %add3A_4824, %get3A_4847 : vector<16xf32>
      %get3A_4849 = arith.constant 96 : i32
      %get3A_4850 = arith.index_cast %get3A_4849 : i32 to index
      %get3A_4851 = arith.constant 48 : index
      %get3A_4852 = tpu.vector_load %arg7[%get3A_4850, %get3A_4851] {strides = array<i32>} : memref<100x64xf32, #tpu.memory_space<vmem>>, vector<1x16xf32>,
      %get3A_4853 = vector.shape_cast %get3A_4852 : vector<1x16xf32> to vector<16xf32>
      %add3A_4854 = arith.addf %add3A_4830, %get3A_4853 : vector<16xf32>
      %get3A_4855 = arith.constant 97 : i32
      %get3A_4856 = arith.index_cast %get3A_4855 : i32 to index
      %get3A_4857 = arith.constant 0 : index
      %get3A_4858 = tpu.vector_load %arg7[%get3A_4856, %get3A_4857] {strides = array<i32>} : memref<100x64xf32, #tpu.memory_space<vmem>>, vector<1x16xf32>,
      %get3A_4859 = vector.shape_cast %get3A_4858 : vector<1x16xf32> to vector<16xf32>
      %add3A_4860 = arith.addf %add3A_4836, %get3A_4859 : vector<16xf32>
      %get3A_4861 = arith.constant 97 : i32
      %get3A_4862 = arith.index_cast %get3A_4861 : i32 to index
      %get3A_4863 = arith.constant 16 : index
      %get3A_4864 = tpu.vector_load %arg7[%get3A_4862, %get3A_4863] {strides = array<i32>} : memref<100x64xf32, #tpu.memory_space<vmem>>, vector<1x16xf32>,
      %get3A_4865 = vector.shape_cast %get3A_4864 : vector<1x16xf32> to vector<16xf32>
      %add3A_4866 = arith.addf %add3A_4842, %get3A_4865 : vector<16xf32>
      %get3A_4867 = arith.constant 97 : i32
      %get3A_4868 = arith.index_cast %get3A_4867 : i32 to index
      %get3A_4869 = arith.constant 32 : index
      %get3A_4870 = tpu.vector_load %arg7[%get3A_4868, %get3A_4869] {strides = array<i32>} : memref<100x64xf32, #tpu.memory_space<vmem>>, vector<1x16xf32>,
      %get3A_4871 = vector.shape_cast %get3A_4870 : vector<1x16xf32> to vector<16xf32>
      %add3A_4872 = arith.addf %add3A_4848, %get3A_4871 : vector<16xf32>
      %get3A_4873 = arith.constant 97 : i32
      %get3A_4874 = arith.index_cast %get3A_4873 : i32 to index
      %get3A_4875 = arith.constant 48 : index
      %get3A_4876 = tpu.vector_load %arg7[%get3A_4874, %get3A_4875] {strides = array<i32>} : memref<100x64xf32, #tpu.memory_space<vmem>>, vector<1x16xf32>,
      %get3A_4877 = vector.shape_cast %get3A_4876 : vector<1x16xf32> to vector<16xf32>
      %add3A_4878 = arith.addf %add3A_4854, %get3A_4877 : vector<16xf32>
      %get3A_4879 = arith.constant 98 : i32
      %get3A_4880 = arith.index_cast %get3A_4879 : i32 to index
      %get3A_4881 = arith.constant 0 : index
      %get3A_4882 = tpu.vector_load %arg7[%get3A_4880, %get3A_4881] {strides = array<i32>} : memref<100x64xf32, #tpu.memory_space<vmem>>, vector<1x16xf32>,
      %get3A_4883 = vector.shape_cast %get3A_4882 : vector<1x16xf32> to vector<16xf32>
      %add3A_4884 = arith.addf %add3A_4860, %get3A_4883 : vector<16xf32>
      %get3A_4885 = arith.constant 98 : i32
      %get3A_4886 = arith.index_cast %get3A_4885 : i32 to index
      %get3A_4887 = arith.constant 16 : index
      %get3A_4888 = tpu.vector_load %arg7[%get3A_4886, %get3A_4887] {strides = array<i32>} : memref<100x64xf32, #tpu.memory_space<vmem>>, vector<1x16xf32>,
      %get3A_4889 = vector.shape_cast %get3A_4888 : vector<1x16xf32> to vector<16xf32>
      %add3A_4890 = arith.addf %add3A_4866, %get3A_4889 : vector<16xf32>
      %get3A_4891 = arith.constant 98 : i32
      %get3A_4892 = arith.index_cast %get3A_4891 : i32 to index
      %get3A_4893 = arith.constant 32 : index
      %get3A_4894 = tpu.vector_load %arg7[%get3A_4892, %get3A_4893] {strides = array<i32>} : memref<100x64xf32, #tpu.memory_space<vmem>>, vector<1x16xf32>,
      %get3A_4895 = vector.shape_cast %get3A_4894 : vector<1x16xf32> to vector<16xf32>
      %add3A_4896 = arith.addf %add3A_4872, %get3A_4895 : vector<16xf32>
      %get3A_4897 = arith.constant 98 : i32
      %get3A_4898 = arith.index_cast %get3A_4897 : i32 to index
      %get3A_4899 = arith.constant 48 : index
      %get3A_4900 = tpu.vector_load %arg7[%get3A_4898, %get3A_4899] {strides = array<i32>} : memref<100x64xf32, #tpu.memory_space<vmem>>, vector<1x16xf32>,
      %get3A_4901 = vector.shape_cast %get3A_4900 : vector<1x16xf32> to vector<16xf32>
      %add3A_4902 = arith.addf %add3A_4878, %get3A_4901 : vector<16xf32>
      %get3A_4903 = arith.constant 99 : i32
      %get3A_4904 = arith.index_cast %get3A_4903 : i32 to index
      %get3A_4905 = arith.constant 0 : index
      %get3A_4906 = tpu.vector_load %arg7[%get3A_4904, %get3A_4905] {strides = array<i32>} : memref<100x64xf32, #tpu.memory_space<vmem>>, vector<1x16xf32>,
      %get3A_4907 = vector.shape_cast %get3A_4906 : vector<1x16xf32> to vector<16xf32>
      %add3A_4908 = arith.addf %add3A_4884, %get3A_4907 : vector<16xf32>
      %get3A_4909 = arith.constant 99 : i32
      %get3A_4910 = arith.index_cast %get3A_4909 : i32 to index
      %get3A_4911 = arith.constant 16 : index
      %get3A_4912 = tpu.vector_load %arg7[%get3A_4910, %get3A_4911] {strides = array<i32>} : memref<100x64xf32, #tpu.memory_space<vmem>>, vector<1x16xf32>,
      %get3A_4913 = vector.shape_cast %get3A_4912 : vector<1x16xf32> to vector<16xf32>
      %add3A_4914 = arith.addf %add3A_4890, %get3A_4913 : vector<16xf32>
      %get3A_4915 = arith.constant 99 : i32
      %get3A_4916 = arith.index_cast %get3A_4915 : i32 to index
      %get3A_4917 = arith.constant 32 : index
      %get3A_4918 = tpu.vector_load %arg7[%get3A_4916, %get3A_4917] {strides = array<i32>} : memref<100x64xf32, #tpu.memory_space<vmem>>, vector<1x16xf32>,
      %get3A_4919 = vector.shape_cast %get3A_4918 : vector<1x16xf32> to vector<16xf32>
      %add3A_4920 = arith.addf %add3A_4896, %get3A_4919 : vector<16xf32>
      %get3A_4921 = arith.constant 99 : i32
      %get3A_4922 = arith.index_cast %get3A_4921 : i32 to index
      %get3A_4923 = arith.constant 48 : index
      %get3A_4924 = tpu.vector_load %arg7[%get3A_4922, %get3A_4923] {strides = array<i32>} : memref<100x64xf32, #tpu.memory_space<vmem>>, vector<1x16xf32>,
      %get3A_4925 = vector.shape_cast %get3A_4924 : vector<1x16xf32> to vector<16xf32>
      %add3A_4926 = arith.addf %add3A_4902, %get3A_4925 : vector<16xf32>
      %mul3A_4927 = arith.constant 2 : i32
      %mul3A_4928 = arith.muli %add3A_2496, %mul3A_4927 : i32
      %add3A_4929 = arith.constant 1 : i32
      %add3A_4930 = arith.addi %mul3A_4928, %add3A_4929 : i32
      %mul3A_4931 = vector.broadcast %scan3A : f32 to vector<16xf32>
      %mul3A_4932 = arith.mulf %add3A_4908, %mul3A_4931 : vector<16xf32>
      %swap3A_4933 = arith.index_cast %add3A_4930 : i32 to index
      %swap3A_4934 = arith.constant 0 : index
      %swap3A_4935 = tpu.vector_load %arg8[%swap3A_4933, %swap3A_4934] {strides = array<i32>} : memref<512x64xf32, #tpu.memory_space<vmem>>, vector<1x16xf32>,
      %swap3A_4936 = vector.shape_cast %swap3A_4935 : vector<1x16xf32> to vector<16xf32>
      %swap3A_4937 = vector.shape_cast %mul3A_4932 : vector<16xf32> to vector<1x16xf32>
      tpu.vector_store %arg8[%swap3A_4933, %swap3A_4934], %swap3A_4937 {strides = array<i32>} : memref<512x64xf32, #tpu.memory_space<vmem>>, vector<1x16xf32>,
      %mul3A_4938 = vector.broadcast %scan3A : f32 to vector<16xf32>
      %mul3A_4939 = arith.mulf %add3A_4914, %mul3A_4938 : vector<16xf32>
      %swap3A_4940 = arith.index_cast %add3A_4930 : i32 to index
      %swap3A_4941 = arith.constant 16 : index
      %swap3A_4942 = tpu.vector_load %arg8[%swap3A_4940, %swap3A_4941] {strides = array<i32>} : memref<512x64xf32, #tpu.memory_space<vmem>>, vector<1x16xf32>,
      %swap3A_4943 = vector.shape_cast %swap3A_4942 : vector<1x16xf32> to vector<16xf32>
      %swap3A_4944 = vector.shape_cast %mul3A_4939 : vector<16xf32> to vector<1x16xf32>
      tpu.vector_store %arg8[%swap3A_4940, %swap3A_4941], %swap3A_4944 {strides = array<i32>} : memref<512x64xf32, #tpu.memory_space<vmem>>, vector<1x16xf32>,
      %mul3A_4945 = vector.broadcast %scan3A : f32 to vector<16xf32>
      %mul3A_4946 = arith.mulf %add3A_4920, %mul3A_4945 : vector<16xf32>
      %swap3A_4947 = arith.index_cast %add3A_4930 : i32 to index
      %swap3A_4948 = arith.constant 32 : index
      %swap3A_4949 = tpu.vector_load %arg8[%swap3A_4947, %swap3A_4948] {strides = array<i32>} : memref<512x64xf32, #tpu.memory_space<vmem>>, vector<1x16xf32>,
      %swap3A_4950 = vector.shape_cast %swap3A_4949 : vector<1x16xf32> to vector<16xf32>
      %swap3A_4951 = vector.shape_cast %mul3A_4946 : vector<16xf32> to vector<1x16xf32>
      tpu.vector_store %arg8[%swap3A_4947, %swap3A_4948], %swap3A_4951 {strides = array<i32>} : memref<512x64xf32, #tpu.memory_space<vmem>>, vector<1x16xf32>,
      %mul3A_4952 = vector.broadcast %scan3A : f32 to vector<16xf32>
      %mul3A_4953 = arith.mulf %add3A_4926, %mul3A_4952 : vector<16xf32>
      %swap3A_4954 = arith.index_cast %add3A_4930 : i32 to index
      %swap3A_4955 = arith.constant 48 : index
      %swap3A_4956 = tpu.vector_load %arg8[%swap3A_4954, %swap3A_4955] {strides = array<i32>} : memref<512x64xf32, #tpu.memory_space<vmem>>, vector<1x16xf32>,
      %swap3A_4957 = vector.shape_cast %swap3A_4956 : vector<1x16xf32> to vector<16xf32>
      %swap3A_4958 = vector.shape_cast %mul3A_4953 : vector<16xf32> to vector<1x16xf32>
      tpu.vector_store %arg8[%swap3A_4954, %swap3A_4955], %swap3A_4958 {strides = array<i32>} : memref<512x64xf32, #tpu.memory_space<vmem>>, vector<1x16xf32>,
      %add3A_4959 = arith.constant 2 : i32
      %add3A_4960 = arith.addi %add3A_2496, %add3A_4959 : i32
      %lt3A_4961 = arith.constant 256 : i32
      %lt3A_4962 = arith.cmpi slt, %add3A_4960, %lt3A_4961 : i32
      %convert_element_type3A_4963 = arith.extui %lt3A_4962 : i1 to i32
      %cond3A_4964 = arith.constant 0 : i32
      %cond3A_4965 = arith.cmpi ne, %convert_element_type3A_4963, %cond3A_4964 : i32
      scf.if %cond3A_4965 {
        %dma_start3A_4966 = arith.constant 0 : i32
        %dma_start3A_4967 = tpu.memref_slice %arg5[%add3A_4960, %dma_start3A_4966] : memref<256x100xi32, #tpu.memory_space<vmem>> -> memref<1x100xi32, #tpu.memory_space<vmem>>
        %dma_start3A_4968 = tpu.memref_squeeze %dma_start3A_4967 : memref<1x100xi32, #tpu.memory_space<vmem>> -> memref<100xi32, #tpu.memory_space<vmem>>
        %dma_start3A_4969 = arith.constant 0 : i32
        %dma_start3A_4970 = arith.constant 0 : i32
        %dma_start3A_4971 = tpu.memref_slice %arg3[%dma_start3A_4969, %dma_start3A_4970] : memref<1000000x64xf32, #tpu.memory_space<hbm>> -> memref<1000000x64xf32, #tpu.memory_space<hbm>>
        tpu.enqueue_indirect_dma source(%dma_start3A_4971 : memref<1000000x64xf32, #tpu.memory_space<hbm>>) target(%arg7 : memref<100x64xf32, #tpu.memory_space<vmem>>) offsets(%dma_start3A_4968 : memref<100xi32, #tpu.memory_space<vmem>>) semaphore(%arg10 : memref<!tpu.dma_semaphore, #tpu.memory_space<semaphore_mem>>)
      } else {
      }
    }
    %scan3A_18 = arith.constant 128 : i32
    %mul3A_19 = arith.constant 512 : i32
    %mul3A_20 = arith.muli %add3A, %mul3A_19 : i32
    "tpu.region"() ({
      %run_scoped3A = tpu.sem_alloc : memref<!tpu.dma_semaphore, #tpu.memory_space<semaphore_mem>>
      %dma_start3A_21 = arith.constant 0 : i32
      %dma_start3A_22 = tpu.memref_slice %arg4[%mul3A_20, %dma_start3A_21] : memref<16384x64xf32, #tpu.memory_space<hbm>> -> memref<512x64xf32, #tpu.memory_space<hbm>>
      %dma_start3A_23 = arith.constant 0 : i32
      %dma_start3A_24 = tpu.memref_slice %arg4[%mul3A_20, %dma_start3A_23] : memref<16384x64xf32, #tpu.memory_space<hbm>> -> memref<512x64xf32, #tpu.memory_space<hbm>>
      tpu.enqueue_dma source(%arg8 : memref<512x64xf32, #tpu.memory_space<vmem>>) target(%dma_start3A_24 : memref<512x64xf32, #tpu.memory_space<hbm>>) target_semaphore(%run_scoped3A : memref<!tpu.dma_semaphore, #tpu.memory_space<semaphore_mem>>)
      %dma_wait3A = arith.constant 0 : i32
      %dma_wait3A_25 = tpu.memref_slice %arg4[%mul3A_20, %dma_wait3A] : memref<16384x64xf32, #tpu.memory_space<hbm>> -> memref<512x64xf32, #tpu.memory_space<hbm>>
      %dma_wait3A_26 = arith.constant 0 : i32
      %dma_wait3A_27 = tpu.memref_slice %arg4[%mul3A_20, %dma_wait3A_26] : memref<16384x64xf32, #tpu.memory_space<hbm>> -> memref<512x64xf32, #tpu.memory_space<hbm>>
      tpu.wait_dma2 semaphore(%run_scoped3A : memref<!tpu.dma_semaphore, #tpu.memory_space<semaphore_mem>>) src(%arg8 : memref<512x64xf32, #tpu.memory_space<vmem>>) dst(%dma_wait3A_27 : memref<512x64xf32, #tpu.memory_space<hbm>>)
      tpu.yield
    }) : () -> ()
    return
  }
}

</mosaic_0001>

<sc_bundles>
// kernel: kernel.3.cloned.1.call-start
scs
__scs_entry_jumppad:
0x0: {  	(pc) =	sbr.rel $0x88, $3  }
0x1: {  	(tag) =	ssettag $0x0;
	lr =	simm.s32 $0x1  }
0x2: {  	[smem:$0x3F9F] =	sst lr;
	_ =	strace $0xD0000000  }
0x3: {  	_ = 	snop  }
0x4: {  	_ = 	snop  }
0x5: {  	_ = 	snop  }
0x6: {  	_ = 	snop  }
0x7: {  	_ = 	snop  }
__scs_overlays_trampoline_lowered:
0x8: {  	[smem:$0x3FAE] =	sst s0  }
0x9: {  	[smem:$0x3FAF] =	sst s1  }
0xa: {  	[smem:$0x3FB0] =	sst s2  }
0xb: {  	[smem:$0x3FB1] =	sst s3  }
0xc: {  	[smem:$0x3FB2] =	sst s4  }
0xd: {  	[smem:$0x3FB3] =	sst s5  }
0xe: {  	[smem:$0x3FB4] =	sst s6  }
0xf: {  	[smem:$0x3FB5] =	sst s7  }
0x10: {  	[smem:$0x3FB6] =	sst s8  }
0x11: {  	[smem:$0x3FB7] =	sst s9;
	s0 =	simm.s32 @!p0 $0x0  }
0x12: {  	s1 =	sld [smem:$0x3F9D];
	s0 =	simm.s32 @p0 $0x1  }
0x13: {  	[smem:$0x3FB8] =	sst s0;
	s0 =	simm.s32 @!p1 $0x0  }
0x14: {  	s2 =	sld [smem:$0x3F9C];
	s0 =	simm.s32 @p1 $0x1  }
0x15: {  	[smem:$0x3FB9] =	sst s0;
	s0 =	simm.s32 @!p2 $0x0  }
0x16: {  	s3 =	sld [smem:$0x3FDB];
	s0 =	simm.s32 @p2 $0x1  }
0x17: {  	s4 =	simm.s32 $0x1BF5;
	[smem:$0x3FBB] =	sst s0  }
0x18: {  	s0 =	sld [smem:$0x3F9E];
	_ =	swait.ge [sflag:s4], $0x0  }
0x19: {  	s7 =	sld [smem:$0x3F9F]  }
0x1a: {  	s8 =	sadd.s32 $0xFFFFE003, lr  }
0x1b: {  	s9 =	sadd.s32 $0xFFFFFEF7, lr;
	s5 =	simm.s32 $0xFFFFFFFF;
	p2 =	slt.u32 s8, $0xFFFFF086  }
0x1c: {  	p1 =	slt.u32 s9, $0xF7A;
	s5 =	simm.s32 @!p2 $0x0  }
0x1d: {  	s5 =	simm.s32 @p1 $0x1;
	p0 =	seq.s32 s7, s2  }
0x1e: {  	s7 =	smul.u32 @!p0 $0xF7A, s2;
	p2 =	seq.s32 @!p0 s5, $0x0  }
0x1f: {  	s9 =	smul.u32 $0xF7A, s1;
	s8 =	simm.s32 @!p0 $0x1BF5;
	p2 =	por !p2, p0  }
0x20: {  	[sflag:s8] =	ssyncset.s32 @!p0 $0xFFFFF086;
	s6 =	sadd.s32 @!p0 s3, s7;
	s7 =	simm.s32 @!p0 $0x108  }
0x21: {  	s3 =	sadd.s32 s3, s9;
	s6 =	sadd.s32 @!p0 $0x88, s6;
	s7 =	simm.s32 @p2 $0x1082  }
0x22: {  	[simem:s7], [sflag:s8] =	dma.local @!p0 [hbm:s6], $0xF7A  }
0x23: {  	s9 =	sor.u32 $0xD0000000, s2;
	s6 =	simm.s32 $0x108;
	_ =	swait.ge @!p0 [sflag:s8], $0x0  }
0x24: {  	s3 =	sadd.s32 $0x88, s3;
	s6 =	simm.s32 @!p1 $0x1082;
	[sflag:s4] =	ssyncset.s32 $0xFFFFF086  }
0x25: {  	[simem:s6], [sflag:s4] =	dma.local [hbm:s3], $0xF7A  }
0x26: {  	[smem:$0x3F9F] =	sst s1;
	(tag) =	ssettag s2;
	_ =	strace s9  }
0x27: {  	s1 =	sld [smem:$0x3FAF]  }
0x28: {  	s2 =	sld [smem:$0x3FB0]  }
0x29: {  	s4 =	sld [smem:$0x3FB2]  }
0x2a: {  	p0 =	seq.s32 s5, $0x0;
	s5 =	sld [smem:$0x3FB3]  }
0x2b: {  	s6 =	sld [smem:$0x3FB4]  }
0x2c: {  	s7 =	sld [smem:$0x3FB5]  }
0x2d: {  	s3 =	simm.s32 $0x108;
	s8 =	sld [smem:$0x3FB6]  }
0x2e: {  	s3 =	simm.s32 @!p0 $0x1082;
	s9 =	sld [smem:$0x3FB7]  }
0x2f: {  	lr =	sadd.s32 s0, s3;
	s0 =	sld [smem:$0x3FAE]  }
0x30: {  	s3 =	sld [smem:$0x3FB1]  }
0x31: {  	[smem:$0x3FBA] =	sst s10  }
0x32: {  	s10 =	sld [smem:$0x3FB8];
	_ =	sdelay $0x3  }
0x33: {  	p0 =	seq.s32 s10, $0x1;
	s10 =	sld [smem:$0x3FBA];
	_ =	sdelay $0x3  }
0x34: {  	[smem:$0x3FBA] =	sst s10  }
0x35: {  	s10 =	sld [smem:$0x3FB9];
	_ =	sdelay $0x3  }
0x36: {  	p1 =	seq.s32 s10, $0x1;
	s10 =	sld [smem:$0x3FBA];
	_ =	sdelay $0x3  }
0x37: {  	[smem:$0x3FBA] =	sst s10  }
0x38: {  	s10 =	sld [smem:$0x3FBB]  }
0x39: {  	_ = 	snop;
	(pc) =	sbr.ind lr, $3  }
0x3a: {  	_ = 	snop  }
0x3b: {  	_ = 	snop  }
0x3c: {  	p2 =	seq.s32 s10, $0x1;
	s10 =	sld [smem:$0x3FBA]  }
0x3d: {  	_ =	shalt  }
0x3e: {  	_ =	shalt  }
0x3f: {  	_ =	shalt  }
0x40: {  	_ =	shalt  }
0x41: {  	_ =	shalt  }
0x42: {  	_ =	shalt  }
0x43: {  	_ =	shalt  }
0x44: {  	_ =	shalt  }
0x45: {  	_ =	shalt  }
0x46: {  	_ =	shalt  }
0x47: {  	_ =	shalt  }
0x48: {  	_ =	shalt  }
0x49: {  	_ =	shalt  }
0x4a: {  	_ =	shalt  }
0x4b: {  	_ =	shalt  }
0x4c: {  	_ =	shalt  }
0x4d: {  	_ =	shalt  }
0x4e: {  	_ =	shalt  }
0x4f: {  	_ =	shalt  }
0x50: {  	_ =	shalt  }
0x51: {  	_ =	shalt  }
0x52: {  	_ =	shalt  }
0x53: {  	_ =	shalt  }
0x54: {  	_ =	shalt  }
0x55: {  	_ =	shalt  }
0x56: {  	_ =	shalt  }
0x57: {  	_ =	shalt  }
0x58: {  	_ =	shalt  }
0x59: {  	_ =	shalt  }
0x5a: {  	_ =	shalt  }
0x5b: {  	_ =	shalt  }
0x5c: {  	_ =	shalt  }
0x5d: {  	_ =	shalt  }
0x5e: {  	_ =	shalt  }
0x5f: {  	_ =	shalt  }
0x60: {  	_ =	shalt  }
0x61: {  	_ =	shalt  }
0x62: {  	_ =	shalt  }
0x63: {  	_ =	shalt  }
0x64: {  	_ =	shalt  }
0x65: {  	_ =	shalt  }
0x66: {  	_ =	shalt  }
0x67: {  	_ =	shalt  }
0x68: {  	_ =	shalt  }
0x69: {  	_ =	shalt  }
0x6a: {  	_ =	shalt  }
0x6b: {  	_ =	shalt  }
0x6c: {  	_ =	shalt  }
0x6d: {  	_ =	shalt  }
0x6e: {  	_ =	shalt  }
0x6f: {  	_ =	shalt  }
0x70: {  	_ =	shalt  }
0x71: {  	_ =	shalt  }
0x72: {  	_ =	shalt  }
0x73: {  	_ =	shalt  }
0x74: {  	_ =	shalt  }
0x75: {  	_ =	shalt  }
0x76: {  	_ =	shalt  }
0x77: {  	_ =	shalt  }
0x78: {  	_ =	shalt  }
0x79: {  	_ =	shalt  }
0x7a: {  	_ =	shalt  }
0x7b: {  	_ =	shalt  }
0x7c: {  	_ =	shalt  }
0x7d: {  	_ =	shalt  }
0x7e: {  	_ =	shalt  }
0x7f: {  	_ =	shalt  }
0x80: {  	_ =	shalt  }
0x81: {  	_ =	shalt  }
0x82: {  	_ =	shalt  }
0x83: {  	_ =	shalt  }
0x84: {  	_ =	shalt  }
0x85: {  	_ =	shalt  }
0x86: {  	_ =	shalt  }
0x87: {  	_ =	shalt  }
.Lfunc_end0:
.L_simem_size_0:
called_computation_lowered:
.L_overlay_start_0:
0x88: {  	s2 =	sld [smem:$0x3FD9]  }
0x89: {  	s3 =	sld [smem:$0x3FFE];
	_ =	sdelay $0x1  }
0x8a: {  	s1 =	srdreg.scid  }
0x8b: {  	s0 =	sand.u32 $0x1, s1  }
0x8c: {  	s17 =	sshll.u32 s0, $0xA;
	s2 =	sadd.s32 s3, s2  }
0x8d: {  	s2 =	sadd.s32 s2, s17  }
0x8e: {  	[smem:$0x3FC6] =	sst s2  }
0x8f: {  	_ = 	snop  }
0x90: {  	s2 =	sld [smem:$0x3FD0];
	(tm) =	ssettm $0x1  }
0x91: {  	s18 =	sld [smem:$0x3FFB];
	_ =	sdelay $0x3  }
0x92: {  	_ =	strace s18  }
0x93: {  	s3 =	sld [smem:$0x3FFC];
	_ =	sdelay $0x3  }
0x94: {  	_ =	strace s3  }
0x95: {  	s3 =	sld [smem:$0x3FFD];
	_ =	sdelay $0x3  }
0x96: {  	_ =	strace s3  }
0x97: {  	_ =	strace $0x8FFFFFFF  }
0x98: {  	s19 =	sld [smem:$0x3FDB];
	_ =	sdelay $0x1  }
0x99: {  	s4 =	simm.s32 $_scs_section_size  }
0x9a: {  	s5 =	simm.s32 $_size__tile_overlayer_lowered;
	s6 =	simm.s32 $_tile_overlayer_lowered  }
0x9b: {  	s22 =	simm.s32 $0x1BFF;
	s21 =	sshll.u32 s6, $0x1;
	s3 =	sadd.s32 s4, s19  }
0x9c: {  	s7 =	simm.s32 $0x0;
	s20 =	sshll.u32 s5, $0x1;
	s5 =	sadd.s32 s21, s3  }
0x9d: {  	[timem:s7], [sflag:s22] =	dma.local [hbm:s5], s20  }
0x9e: {  	_ =	swait.ge [sflag:s22], s20  }
0x9f: {  	s4 =	ssub.s32 $0x0, s20;
	[sflag:s22] =	ssyncset.done $0x0  }
0xa0: {  	[sflag:s22] =	ssyncadd.s32 s4;
	_ =	sdelay $0x1  }
0xa1: {  	s23 =	simm.s32 $0x1B8B  }
0xa2: {  	_ =	swait.ge [sflag:s23], $0x1  }
0xa3: {  	[sflag:s23] =	ssyncset.done $0x0  }
0xa4: {  	s25 =	simm.s32 $0x1B8E;
	s24 =	sld [smem:$0x3FFE];
	[sflag:s23] =	ssyncadd.s32 $0xFFFFFFFF  }
0xa5: {  	s26 =	simm.s32 $execute0_lowered;
	[smem:$0x3FD2] =	sst s25  }
0xa6: {  	s5 =	sshll.u32 s26, $0x1;
	_ =	strace $0x80000046;
	[dreg:$0x1] =	wrdreg $0xFFFFFFFF  }
0xa7: {  	s28 =	simm.s32 $_size_execute0_lowered;
	s3 =	sadd.s32 s3, s5;
	[dreg:$0x0] =	wrdreg $0x0  }
0xa8: {  	s5 =	sshll.u32 s28, $0x1;
	[dreg:$0x2] =	wrdreg s3  }
0xa9: {  	[dreg:$0x3] =	wrdreg s5  }
0xaa: {  	[dreg:$0x4] =	wrdreg $0xC0  }
0xab: {  	_ =	task [dreg:s7], $0x5FFFF  }
0xac: {  	[dreg:$0x1] =	wrdreg $0xFFFFFFFF  }
0xad: {  	[dreg:$0x0] =	wrdreg $0x60  }
0xae: {  	[dreg:$0x2] =	wrdreg s24  }
0xaf: {  	[dreg:$0x3] =	wrdreg s2  }
0xb0: {  	[dreg:$0x4] =	wrdreg $0x9  }
0xb1: {  	_ =	task.clear_ibuf [dreg:s7], $0x5FFFF;
	_ =	strace $0x90000046  }
0xb2: {  	s29 =	simm.s32 $0x9;
	_ =	strace $0x80000048  }
0xb3: {  	_ =	swait.ge [sflag:s29], $0x1  }
0xb4: {  	[sflag:s29] =	ssyncadd.s32 $0xFFFFFFFF  }
0xb5: {  	_ =	strace $0x90000048  }
0xb6: {  	_ =	sfence  }
0xb7: {  	s30 =	sld [smem:$0x0];
	_ =	sdelay $0x2  }
0xb8: {  	s31 =	sshll.u32 s1, $0xD;
	s1 =	sshrl.u32 s1, $0x2  }
0xb9: {  	s3 =	sand.u32 $0x4000, s31;
	s1 =	sadd.s32 s1, s30  }
0xba: {  	s0 =	sor.u32 s3, s0;
	s1 =	sshll.u32 s1, $0x11  }
0xbb: {  	s0 =	sor.u32 s1, s0  }
0xbc: {  	s0 =	sadd.s32 $0x8F2B, s0  }
0xbd: {  	[sflag:s0] =	ssyncadd.remote.s32 $0x1  }
0xbe: {  	_ =	sfence.sel $0xFFFF  }
0xbf: {  	[dreg:$0x0] =	wrdreg $0xFFFFFFFF;
	(pc) =	sbr.abs _section_cstart, $3  }
0xc0: {  	[dreg:$0x1] =	wrdreg $0xFFFFFFFF  }
0xc1: {  	_ =	task.clear_ibuf [dreg:s7], $0x2FFFF;
	_ =	strace $0x9FFFFFFF  }
0xc2: {  	(tm) =	ssettm $0x7FFFFFFF  }
0xc3: {  	_ =	shalt  }
tec
execute0_lowered:
.L_overlay_start_1:
0x0: {  	(tag) =	ssettag $0x1  }
0x1: {  	s1 =	srdreg.scid;
	s3 =	rddreg [dreg:$0x0]  }
0x2: {  	s0 =	stileid.u32;
	s5 =	rddreg [dreg:$0x1]  }
0x3: {  	s2 =	simm.s32 $0x0;
	s9 =	simm.s32 $0x6800;
	s10 =	simm.s32 $0x68  }
0x4: {  	s11 =	simm.s32 $0x8100;
	s12 =	simm.s32 $0x1;
	s13 =	simm.s32 $0x2  }
0x5: {  	s14 =	simm.s32 $0x9A00;
	s4 =	sand.u32 $0x1, s1;
	s1 =	rddreg [dreg:$0x2]  }
0x6: {  	s15 =	simm.s32 $0x0;
	s31 =	sshll.u32 s0, $0x1;
	[smem:$0x7FF] =	sst s2  }
.Ltmp0:
0x7: {  	s6 =	sor.u32 s4, s31;
	s4 =	ssub.s32 $0x2, s4;
	(pc) =	sbr.rel .LBB2_1-.Ltmp0, $4  }
0x8: {  	s7 =	smul.u32 $0xD00, s6;
	s8 =	sshrl.u32 s4, $0x1;
	s6 =	sshll.u32 s6, $0xC  }
0x9: {  	_ =	strace $0x80000047;
	s8 =	ssub.s32 s4, s8;
	s5 =	sadd.s32 s5, s6  }
0xa: {  	s7 =	sadd.s32 s7, s3;
	s3 =	sadd.s32 $0xF42A00, s3;
	s6 =	smax.u32 s8, $0x1  }
0xb: {  	s8 =	simm.s32 $0x64;
	s4 =	sadd.s32 $0x600, s7;
	s7 =	simm.s32 $0x3  }
.LBB2_4:
0xc: {  	s15 =	sadd.s32 $0x1, s15  }
0xd: {  	p0 =	sne.s32 s15, s6  }
.Ltmp1:
0xe: {  	_ = 	snop;
	(pc) =	sbr.rel @!p0 .LBB2_5-.Ltmp1, $4  }
0xf: {  	[hbm4b:s5+s2] =	stream.linear.scatter [tilespmem:s14], [sflag:$0x3], $0x8000, $0x38;
	[tilespmem:$0x11A00] =	vst v63  }
0x10: {  	_ =	swait.ge [sflag:s7], $0x8000  }
0x11: {  	[sflag:s7] =	ssyncset.done $0x0  }
0x12: {  	[sflag:s7] =	ssyncadd.s32 $0xFFFF8000  }
.LBB2_1:
0x13: {  	[tilespmem:s2], [sflag:$0x3] =	stream.linear.gather [hbm4b:s4+s2], $0x6800, $0x38;
	[tilespmem:$0x11A00] =	vst v63  }
0x14: {  	_ =	swait.ge [sflag:s7], $0x6800  }
0x15: {  	[sflag:s7] =	ssyncset.done $0x0  }
0x16: {  	[sflag:s7] =	ssyncadd.s32 $0xFFFF9800  }
0x17: {  	[tilespmem:s9], [sflag:$0x1] =	stream.indirect.gather [hbm4b:s3+s8], $0x40, s2, s8, $0xb8;
	[tilespmem:$0x11A00] =	vst v63  }
0x18: {  	s16 =	simm.s32 $0xFFFE6340;
	s17 =	simm.s32 $0x9A80  }
0x19: {  	[tilespmem:s11], [sflag:$0x2] =	stream.indirect.gather [hbm4b:s3+s8], $0x40, s10, s8, $0xb8;
	[tilespmem:$0x11A00] =	vst v63  }
.LBB2_2:
0x1a: {  	_ =	swait.ge [sflag:s12], $0x1900  }
0x1b: {  	[sflag:s12] =	ssyncset.done $0x0  }
0x1c: {  	[sflag:s12] =	ssyncadd.s32 $0xFFFFE700  }
0x1d: {  	v56 =	vld [tilespmem:$0x6BF0];
	_ =	sdelay $0x4  }
0x1e: {  	[tilespmem:$0x1F5D0] =	vst v56;
	v56 =	vld [tilespmem:$0x6C10];
	_ =	sdelay $0x4  }
0x1f: {  	[tilespmem:$0x1F5E0] =	vst v56;
	v56 =	vld [tilespmem:$0x6C20];
	_ =	sdelay $0x4  }
0x20: {  	[tilespmem:$0x1F5F0] =	vst v56;
	v56 =	vld [tilespmem:$0x6C30];
	_ =	sdelay $0x4  }
0x21: {  	[tilespmem:$0x1F610] =	vst v56;
	v56 =	vld [tilespmem:$0x6C40];
	_ =	sdelay $0x4  }
0x22: {  	[tilespmem:$0x1F600] =	vst v56;
	v56 =	vld [tilespmem:$0x6C50];
	_ =	sdelay $0x4  }
0x23: {  	[tilespmem:$0x1F620] =	vst v56;
	v56 =	vld [tilespmem:$0x6C60];
	_ =	sdelay $0x4  }
0x24: {  	[tilespmem:$0x1F630] =	vst v56;
	v56 =	vld [tilespmem:$0x6C70];
	_ =	sdelay $0x4  }
0x25: {  	[tilespmem:$0x1F650] =	vst v56;
	v56 =	vld [tilespmem:$0x6C80];
	_ =	sdelay $0x4  }
0x26: {  	[tilespmem:$0x1F640] =	vst v56;
	v56 =	vld [tilespmem:$0x6C90];
	_ =	sdelay $0x4  }
0x27: {  	[tilespmem:$0x1F660] =	vst v56;
	v56 =	vld [tilespmem:$0x6CA0];
	_ =	sdelay $0x4  }
0x28: {  	[tilespmem:$0x1F670] =	vst v56;
	v56 =	vld [tilespmem:$0x6CB0];
	_ =	sdelay $0x4  }
0x29: {  	[tilespmem:$0x1F690] =	vst v56;
	v56 =	vld [tilespmem:$0x6CC0];
	_ =	sdelay $0x4  }
0x2a: {  	[tilespmem:$0x1F680] =	vst v56;
	v56 =	vld [tilespmem:$0x6CD0];
	_ =	sdelay $0x4  }
0x2b: {  	[tilespmem:$0x1F6A0] =	vst v56;
	v56 =	vld [tilespmem:$0x6CE0];
	_ =	sdelay $0x4  }
0x2c: {  	[tilespmem:$0x1F6B0] =	vst v56;
	v56 =	vld [tilespmem:$0x6CF0];
	_ =	sdelay $0x4  }
0x2d: {  	[tilespmem:$0x1F6D0] =	vst v56;
	v56 =	vld [tilespmem:$0x6D00];
	_ =	sdelay $0x4  }
0x2e: {  	[tilespmem:$0x1F6C0] =	vst v56;
	v56 =	vld [tilespmem:$0x6D10];
	_ =	sdelay $0x4  }
0x2f: {  	[tilespmem:$0x1F6E0] =	vst v56;
	v56 =	vld [tilespmem:$0x6D20];
	_ =	sdelay $0x4  }
0x30: {  	[tilespmem:$0x1F6F0] =	vst v56;
	v56 =	vld [tilespmem:$0x6D30];
	_ =	sdelay $0x4  }
0x31: {  	[tilespmem:$0x1F710] =	vst v56;
	v56 =	vld [tilespmem:$0x6D40];
	_ =	sdelay $0x4  }
0x32: {  	[tilespmem:$0x1F700] =	vst v56;
	v56 =	vld [tilespmem:$0x6D50];
	_ =	sdelay $0x4  }
0x33: {  	[tilespmem:$0x1F720] =	vst v56;
	v56 =	vld [tilespmem:$0x6D60];
	_ =	sdelay $0x4  }
0x34: {  	[tilespmem:$0x1F730] =	vst v56;
	v56 =	vld [tilespmem:$0x6D70];
	_ =	sdelay $0x3  }
0x35: {  	v3 =	vld [tilespmem:$0x6800]  }
0x36: {  	[tilespmem:$0x1F750] =	vst v56;
	v56 =	vld [tilespmem:$0x6D80]  }
0x37: {  	v4 =	vld [tilespmem:$0x6810]  }
0x38: {  	v5 =	vld [tilespmem:$0x6820]  }
0x39: {  	v16 =	vld [tilespmem:$0x6830]  }
0x3a: {  	v17 =	vld [tilespmem:$0x6840]  }
0x3b: {  	[tilespmem:$0x1F740] =	vst v56;
	v56 =	vld [tilespmem:$0x6D90]  }
0x3c: {  	v20 =	vld [tilespmem:$0x6850]  }
0x3d: {  	v21 =	vld [tilespmem:$0x6860]  }
0x3e: {  	v32 =	vld [tilespmem:$0x6870]  }
0x3f: {  	v33 =	vld [tilespmem:$0x6880]  }
0x40: {  	[tilespmem:$0x1F760] =	vst v56;
	v56 =	vld [tilespmem:$0x6DA0]  }
0x41: {  	v36 =	vld [tilespmem:$0x6890]  }
0x42: {  	v37 =	vld [tilespmem:$0x68A0]  }
0x43: {  	v48 =	vld [tilespmem:$0x68B0]  }
0x44: {  	v49 =	vld [tilespmem:$0x68C0]  }
0x45: {  	[tilespmem:$0x1F770] =	vst v56;
	v56 =	vld [tilespmem:$0x6DB0]  }
0x46: {  	v52 =	vld [tilespmem:$0x68D0]  }
0x47: {  	v53 =	vld [tilespmem:$0x68E0]  }
0x48: {  	v62 =	vld [tilespmem:$0x68F0]  }
0x49: {  	v63 =	vld [tilespmem:$0x6900]  }
0x4a: {  	[tilespmem:$0x1F790] =	vst v56;
	v56 =	vld [tilespmem:$0x6DC0]  }
0x4b: {  	v0 =	vld [tilespmem:$0x6910]  }
0x4c: {  	v2 =	vld [tilespmem:$0x6920]  }
0x4d: {  	v9 =	vld [tilespmem:$0x6930]  }
0x4e: {  	v1 =	vld [tilespmem:$0x6940]  }
0x4f: {  	[tilespmem:$0x1F780] =	vst v56;
	v56 =	vld [tilespmem:$0x6DD0]  }
0x50: {  	v6 =	vld [tilespmem:$0x6950]  }
0x51: {  	v8 =	vld [tilespmem:$0x6960]  }
0x52: {  	v13 =	vld [tilespmem:$0x6970]  }
0x53: {  	v7 =	vld [tilespmem:$0x6980]  }
0x54: {  	[tilespmem:$0x1F7A0] =	vst v56;
	v56 =	vld [tilespmem:$0x6DE0]  }
0x55: {  	v10 =	vld [tilespmem:$0x6990]  }
0x56: {  	v12 =	vld [tilespmem:$0x69A0]  }
0x57: {  	v19 =	vld [tilespmem:$0x69B0]  }
0x58: {  	v11 =	vld [tilespmem:$0x69C0]  }
0x59: {  	[tilespmem:$0x1F7B0] =	vst v56;
	v56 =	vld [tilespmem:$0x6DF0]  }
0x5a: {  	v14 =	vld [tilespmem:$0x69D0]  }
0x5b: {  	v18 =	vld [tilespmem:$0x69E0]  }
0x5c: {  	v25 =	vld [tilespmem:$0x69F0]  }
0x5d: {  	v15 =	vld [tilespmem:$0x6A00]  }
0x5e: {  	[tilespmem:$0x1F7D0] =	vst v56;
	v56 =	vld [tilespmem:$0x6E00]  }
0x5f: {  	v22 =	vld [tilespmem:$0x6A10]  }
0x60: {  	v24 =	vld [tilespmem:$0x6A20]  }
0x61: {  	v29 =	vld [tilespmem:$0x6A30]  }
0x62: {  	v23 =	vld [tilespmem:$0x6A40]  }
0x63: {  	[tilespmem:$0x1F7C0] =	vst v56;
	v56 =	vld [tilespmem:$0x6E10]  }
0x64: {  	v26 =	vld [tilespmem:$0x6A50]  }
0x65: {  	v28 =	vld [tilespmem:$0x6A60]  }
0x66: {  	v35 =	vld [tilespmem:$0x6A70]  }
0x67: {  	v27 =	vld [tilespmem:$0x6A80]  }
0x68: {  	[tilespmem:$0x1F7E0] =	vst v56;
	v56 =	vld [tilespmem:$0x6E20]  }
0x69: {  	v30 =	vld [tilespmem:$0x6A90]  }
0x6a: {  	v34 =	vld [tilespmem:$0x6AA0]  }
0x6b: {  	v41 =	vld [tilespmem:$0x6AB0]  }
0x6c: {  	v31 =	vld [tilespmem:$0x6AC0]  }
0x6d: {  	[tilespmem:$0x1F7F0] =	vst v56;
	v56 =	vld [tilespmem:$0x6E30]  }
0x6e: {  	v38 =	vld [tilespmem:$0x6AD0]  }
0x6f: {  	v40 =	vld [tilespmem:$0x6AE0]  }
0x70: {  	v45 =	vld [tilespmem:$0x6AF0]  }
0x71: {  	v39 =	vld [tilespmem:$0x6B00]  }
0x72: {  	[tilespmem:$0x1F810] =	vst v56;
	v56 =	vld [tilespmem:$0x6E40]  }
0x73: {  	v42 =	vld [tilespmem:$0x6B10]  }
0x74: {  	v44 =	vld [tilespmem:$0x6B20]  }
0x75: {  	v51 =	vld [tilespmem:$0x6B30]  }
0x76: {  	v43 =	vld [tilespmem:$0x6B40]  }
0x77: {  	[tilespmem:$0x1F800] =	vst v56;
	v56 =	vld [tilespmem:$0x6E50]  }
0x78: {  	v46 =	vld [tilespmem:$0x6B50]  }
0x79: {  	v50 =	vld [tilespmem:$0x6B60]  }
0x7a: {  	v60 =	vld [tilespmem:$0x6B70]  }
0x7b: {  	v47 =	vld [tilespmem:$0x6B80]  }
0x7c: {  	[tilespmem:$0x1F820] =	vst v56;
	v56 =	vld [tilespmem:$0x6E60]  }
0x7d: {  	v54 =	vld [tilespmem:$0x6B90]  }
0x7e: {  	v61 =	vld [tilespmem:$0x6BA0]  }
0x7f: {  	v55 =	vld [tilespmem:$0x6BB0]  }
0x80: {  	v58 =	vld [tilespmem:$0x6BD0]  }
0x81: {  	[tilespmem:$0x1F830] =	vst v56;
	v56 =	vld [tilespmem:$0x6E70]  }
0x82: {  	v57 =	vld [tilespmem:$0x6BE0]  }
0x83: {  	v59 =	vld [tilespmem:$0x6C00]  }
0x84: {  	[tilespmem:$0x1F5C0] =	vst v55;
	v55 =	vld [tilespmem:$0x6BC0]  }
0x85: {  	v17 =	vadd.f32 v17, v3;
	v3 =	vld [tilespmem:$0x6E90]  }
0x86: {  	[tilespmem:$0x1F840] =	vst v56;
	v56 =	vld [tilespmem:$0x6E80]  }
0x87: {  	v20 =	vadd.f32 v20, v4;
	v4 =	vld [tilespmem:$0x6EA0]  }
0x88: {  	v21 =	vadd.f32 v21, v5;
	v17 =	vadd.f32 v33, v17;
	v5 =	vld [tilespmem:$0x6EB0]  }
0x89: {  	v32 =	vadd.f32 v32, v16;
	v20 =	vadd.f32 v36, v20;
	v16 =	vld [tilespmem:$0x6EC0]  }
0x8a: {  	v21 =	vadd.f32 v37, v21;
	v33 =	vadd.f32 v49, v17;
	v17 =	vld [tilespmem:$0x6ED0]  }
0x8b: {  	v32 =	vadd.f32 v48, v32;
	v36 =	vadd.f32 v52, v20;
	v20 =	vld [tilespmem:$0x6EE0]  }
0x8c: {  	v37 =	vadd.f32 v53, v21;
	v33 =	vadd.f32 v63, v33;
	v21 =	vld [tilespmem:$0x6EF0]  }
0x8d: {  	v48 =	vadd.f32 v62, v32;
	v32 =	vld [tilespmem:$0x6F00]  }
0x8e: {  	v1 =	vadd.f32 v1, v33;
	v33 =	vld [tilespmem:$0x6F10]  }
0x8f: {  	v0 =	vadd.f32 v0, v36;
	v36 =	vld [tilespmem:$0x6F20]  }
0x90: {  	v2 =	vadd.f32 v2, v37;
	v9 =	vadd.f32 v9, v48;
	v37 =	vld [tilespmem:$0x6F30]  }
0x91: {  	v1 =	vadd.f32 v7, v1;
	v48 =	vld [tilespmem:$0x6F40]  }
0x92: {  	v0 =	vadd.f32 v6, v0;
	v53 =	vadd.f32 v13, v9;
	v49 =	vld [tilespmem:$0x6F50]  }
0x93: {  	v1 =	vadd.f32 v11, v1;
	v52 =	vld [tilespmem:$0x6F60]  }
0x94: {  	v0 =	vadd.f32 v10, v0;
	v6 =	vadd.f32 v19, v53;
	v53 =	vld [tilespmem:$0x6F70]  }
0x95: {  	v1 =	vadd.f32 v15, v1;
	v7 =	vld [tilespmem:$0x6F80]  }
0x96: {  	v2 =	vadd.f32 v8, v2;
	v0 =	vadd.f32 v14, v0;
	v8 =	vld [tilespmem:$0x6F90]  }
0x97: {  	v1 =	vadd.f32 v23, v1;
	v9 =	vld [tilespmem:$0x6FA0]  }
0x98: {  	v0 =	vadd.f32 v22, v0;
	v10 =	vld [tilespmem:$0x6FB0]  }
0x99: {  	v1 =	vadd.f32 v27, v1;
	v11 =	vld [tilespmem:$0x6FC0]  }
0x9a: {  	v2 =	vadd.f32 v12, v2;
	v0 =	vadd.f32 v26, v0;
	v12 =	vld [tilespmem:$0x6FD0]  }
0x9b: {  	v1 =	vadd.f32 v31, v1;
	v13 =	vld [tilespmem:$0x6FE0]  }
0x9c: {  	v2 =	vadd.f32 v18, v2;
	v0 =	vadd.f32 v30, v0;
	v14 =	vld [tilespmem:$0x6FF0]  }
0x9d: {  	v6 =	vadd.f32 v25, v6;
	v1 =	vadd.f32 v39, v1;
	v15 =	vld [tilespmem:$0x7000]  }
0x9e: {  	v2 =	vadd.f32 v24, v2;
	v0 =	vadd.f32 v38, v0;
	v18 =	vld [tilespmem:$0x7010]  }
0x9f: {  	v6 =	vadd.f32 v29, v6;
	v1 =	vadd.f32 v43, v1;
	v19 =	vld [tilespmem:$0x7020]  }
0xa0: {  	v2 =	vadd.f32 v28, v2;
	v0 =	vadd.f32 v42, v0;
	v22 =	vld [tilespmem:$0x7030]  }
0xa1: {  	v6 =	vadd.f32 v35, v6;
	v1 =	vadd.f32 v47, v1;
	v23 =	vld [tilespmem:$0x7040]  }
0xa2: {  	v2 =	vadd.f32 v34, v2;
	v0 =	vadd.f32 v46, v0;
	v24 =	vld [tilespmem:$0x7050]  }
0xa3: {  	v6 =	vadd.f32 v41, v6;
	v1 =	vadd.f32 v55, v1;
	v55 =	vld [tilespmem:$0x1F5C0]  }
0xa4: {  	v2 =	vadd.f32 v40, v2;
	v0 =	vadd.f32 v54, v0;
	v25 =	vld [tilespmem:$0x7060]  }
0xa5: {  	v6 =	vadd.f32 v45, v6;
	v26 =	vld [tilespmem:$0x7070]  }
0xa6: {  	v2 =	vadd.f32 v44, v2;
	v0 =	vadd.f32 v58, v0;
	v58 =	vld [tilespmem:$0x1F5D0]  }
0xa7: {  	v6 =	vadd.f32 v51, v6;
	v1 =	vadd.f32 v59, v1;
	v59 =	vld [tilespmem:$0x1F5E0]  }
0xa8: {  	v2 =	vadd.f32 v50, v2;
	v27 =	vld [tilespmem:$0x7080]  }
0xa9: {  	v6 =	vadd.f32 v60, v6;
	v60 =	vld [tilespmem:$0x1F5F0]  }
0xaa: {  	v2 =	vadd.f32 v61, v2;
	v61 =	vld [tilespmem:$0x1F600]  }
0xab: {  	v28 =	vld [tilespmem:$0x7090]  }
0xac: {  	v62 =	vld [tilespmem:$0x1F610]  }
0xad: {  	v63 =	vld [tilespmem:$0x1F620]  }
0xae: {  	v29 =	vld [tilespmem:$0x70A0]  }
0xaf: {  	v34 =	vld [tilespmem:$0x1F630]  }
0xb0: {  	v35 =	vld [tilespmem:$0x1F640]  }
0xb1: {  	v30 =	vld [tilespmem:$0x70B0]  }
0xb2: {  	v38 =	vld [tilespmem:$0x1F650]  }
0xb3: {  	v39 =	vld [tilespmem:$0x1F660]  }
0xb4: {  	v31 =	vld [tilespmem:$0x70C0]  }
0xb5: {  	v40 =	vld [tilespmem:$0x1F670]  }
0xb6: {  	v41 =	vld [tilespmem:$0x1F680]  }
0xb7: {  	v42 =	vld [tilespmem:$0x1F690]  }
0xb8: {  	v43 =	vld [tilespmem:$0x1F6A0]  }
0xb9: {  	v44 =	vld [tilespmem:$0x1F6B0]  }
0xba: {  	v45 =	vld [tilespmem:$0x1F6C0]  }
0xbb: {  	v46 =	vld [tilespmem:$0x1F6D0]  }
0xbc: {  	v47 =	vld [tilespmem:$0x1F6E0]  }
0xbd: {  	v50 =	vld [tilespmem:$0x1F6F0]  }
0xbe: {  	v51 =	vld [tilespmem:$0x1F700]  }
0xbf: {  	v54 =	vld [tilespmem:$0x1F710]  }
0xc0: {  	v2 =	vadd.f32 v57, v2;
	v57 =	vld [tilespmem:$0x1F730]  }
0xc1: {  	v6 =	vadd.f32 v55, v6;
	v55 =	vld [tilespmem:$0x1F720]  }
0xc2: {  	v0 =	vadd.f32 v59, v0;
	v59 =	vld [tilespmem:$0x1F750]  }
0xc3: {  	v2 =	vadd.f32 v60, v2;
	v60 =	vld [tilespmem:$0x1F760]  }
0xc4: {  	v1 =	vadd.f32 v61, v1;
	v61 =	vld [tilespmem:$0x1F770]  }
0xc5: {  	v2 =	vadd.f32 v34, v2;
	v34 =	vld [tilespmem:$0x70D0]  }
0xc6: {  	v1 =	vadd.f32 v35, v1;
	v35 =	vld [tilespmem:$0x70E0]  }
0xc7: {  	v6 =	vadd.f32 v58, v6;
	v0 =	vadd.f32 v63, v0;
	v58 =	vld [tilespmem:$0x1F740]  }
0xc8: {  	v63 =	vld [tilespmem:$0x1F790]  }
0xc9: {  	v0 =	vadd.f32 v39, v0;
	v39 =	vld [tilespmem:$0x7100]  }
0xca: {  	v2 =	vadd.f32 v40, v2;
	v40 =	vld [tilespmem:$0x7110]  }
0xcb: {  	v6 =	vadd.f32 v62, v6;
	v1 =	vadd.f32 v41, v1;
	v41 =	vld [tilespmem:$0x7120]  }
0xcc: {  	v62 =	vld [tilespmem:$0x1F780]  }
0xcd: {  	v6 =	vadd.f32 v38, v6;
	v38 =	vld [tilespmem:$0x70F0]  }
0xce: {  	v0 =	vadd.f32 v43, v0;
	v43 =	vld [tilespmem:$0x7140]  }
0xcf: {  	v2 =	vadd.f32 v44, v2;
	v44 =	vld [tilespmem:$0x7150]  }
0xd0: {  	v1 =	vadd.f32 v45, v1;
	v45 =	vld [tilespmem:$0x7160]  }
0xd1: {  	v6 =	vadd.f32 v42, v6;
	v42 =	vld [tilespmem:$0x7130]  }
0xd2: {  	v2 =	vadd.f32 v50, v2;
	v50 =	vld [tilespmem:$0x1F7A0]  }
0xd3: {  	v0 =	vadd.f32 v47, v0;
	v1 =	vadd.f32 v51, v1;
	v51 =	vld [tilespmem:$0x1F7B0]  }
0xd4: {  	v47 =	vld [tilespmem:$0x7180]  }
0xd5: {  	v0 =	vadd.f32 v55, v0;
	v55 =	vld [tilespmem:$0x1F7D0]  }
0xd6: {  	v6 =	vadd.f32 v46, v6;
	v2 =	vadd.f32 v57, v2;
	v57 =	vld [tilespmem:$0x1F7E0]  }
0xd7: {  	v1 =	vadd.f32 v58, v1;
	v58 =	vld [tilespmem:$0x1F7F0]  }
0xd8: {  	v6 =	vadd.f32 v54, v6;
	v54 =	vld [tilespmem:$0x1F7C0]  }
0xd9: {  	v0 =	vadd.f32 v60, v0;
	v60 =	vld [tilespmem:$0x1F810]  }
0xda: {  	v2 =	vadd.f32 v61, v2;
	v61 =	vld [tilespmem:$0x1F820];
	v6 =	vadd.f32 v59, v6  }
0xdb: {  	v1 =	vadd.f32 v62, v1;
	v62 =	vld [tilespmem:$0x1F830];
	v0 =	vadd.f32 v50, v0  }
0xdc: {  	v2 =	vadd.f32 v51, v2;
	v59 =	vld [tilespmem:$0x1F800];
	v6 =	vadd.f32 v63, v6  }
0xdd: {  	v0 =	vadd.f32 v57, v0;
	v63 =	vld [tilespmem:$0x1F840]  }
0xde: {  	v46 =	vld [tilespmem:$0x7170];
	v2 =	vadd.f32 v58, v2;
	v6 =	vadd.f32 v55, v6  }
0xdf: {  	v50 =	vld [tilespmem:$0x7190];
	v1 =	vadd.f32 v54, v1;
	v0 =	vadd.f32 v61, v0  }
0xe0: {  	v51 =	vld [tilespmem:$0x71A0];
	v2 =	vadd.f32 v62, v2;
	v6 =	vadd.f32 v60, v6  }
0xe1: {  	v57 =	vld [tilespmem:$0x7290];
	v1 =	vadd.f32 v59, v1;
	v0 =	vadd.f32 v3, v0  }
0xe2: {  	v58 =	vld [tilespmem:$0x72A0];
	v2 =	vadd.f32 v4, v2;
	v6 =	vadd.f32 v63, v6  }
0xe3: {  	v54 =	vld [tilespmem:$0x71B0];
	v1 =	vadd.f32 v56, v1;
	v0 =	vadd.f32 v17, v0  }
0xe4: {  	v55 =	vld [tilespmem:$0x7270];
	v2 =	vadd.f32 v20, v2;
	v5 =	vadd.f32 v5, v6  }
0xe5: {  	v61 =	vld [tilespmem:$0x72D0];
	v1 =	vadd.f32 v16, v1;
	v0 =	vadd.f32 v33, v0  }
0xe6: {  	v62 =	vld [tilespmem:$0x72E0];
	v2 =	vadd.f32 v36, v2;
	v5 =	vadd.f32 v21, v5  }
0xe7: {  	v59 =	vld [tilespmem:$0x72B0];
	v1 =	vadd.f32 v32, v1;
	v0 =	vadd.f32 v49, v0  }
0xe8: {  	v3 =	vld [tilespmem:$0x71C0];
	v2 =	vadd.f32 v52, v2;
	v5 =	vadd.f32 v37, v5  }
0xe9: {  	v4 =	vld [tilespmem:$0x71D0];
	v1 =	vadd.f32 v48, v1;
	v0 =	vadd.f32 v8, v0  }
0xea: {  	v60 =	vld [tilespmem:$0x72C0];
	v2 =	vadd.f32 v9, v2;
	v5 =	vadd.f32 v53, v5  }
0xeb: {  	v56 =	vld [tilespmem:$0x7280];
	v1 =	vadd.f32 v7, v1;
	v0 =	vadd.f32 v12, v0  }
0xec: {  	v17 =	vld [tilespmem:$0x7200];
	v2 =	vadd.f32 v13, v2;
	v5 =	vadd.f32 v10, v5  }
0xed: {  	v20 =	vld [tilespmem:$0x7210];
	v1 =	vadd.f32 v11, v1;
	v0 =	vadd.f32 v18, v0  }
0xee: {  	v63 =	vld [tilespmem:$0x72F0];
	v2 =	vadd.f32 v19, v2;
	v5 =	vadd.f32 v14, v5  }
0xef: {  	v16 =	vld [tilespmem:$0x71F0];
	v1 =	vadd.f32 v15, v1;
	v0 =	vadd.f32 v24, v0  }
0xf0: {  	v6 =	vld [tilespmem:$0x71E0];
	v2 =	vadd.f32 v25, v2;
	v5 =	vadd.f32 v22, v5  }
0xf1: {  	v33 =	vld [tilespmem:$0x7310];
	v1 =	vadd.f32 v23, v1;
	v0 =	vadd.f32 v28, v0  }
0xf2: {  	v36 =	vld [tilespmem:$0x7340];
	v2 =	vadd.f32 v29, v2;
	v5 =	vadd.f32 v26, v5  }
0xf3: {  	v32 =	vld [tilespmem:$0x7300];
	v1 =	vadd.f32 v27, v1;
	v0 =	vadd.f32 v34, v0  }
0xf4: {  	v21 =	vld [tilespmem:$0x7220];
	v2 =	vadd.f32 v35, v2;
	v5 =	vadd.f32 v30, v5  }
0xf5: {  	v49 =	vld [tilespmem:$0x7240];
	v1 =	vadd.f32 v31, v1;
	v0 =	vadd.f32 v40, v0  }
0xf6: {  	v52 =	vld [tilespmem:$0x7250];
	v2 =	vadd.f32 v41, v2;
	v5 =	vadd.f32 v38, v5  }
0xf7: {  	v48 =	vld [tilespmem:$0x7230];
	v1 =	vadd.f32 v39, v1;
	v0 =	vadd.f32 v44, v0  }
0xf8: {  	v37 =	vld [tilespmem:$0x7350];
	v2 =	vadd.f32 v45, v2;
	v5 =	vadd.f32 v42, v5  }
0xf9: {  	v53 =	vld [tilespmem:$0x7260];
	v1 =	vadd.f32 v43, v1;
	v0 =	vadd.f32 v50, v0  }
0xfa: {  	v34 =	vld [tilespmem:$0x7320];
	v2 =	vadd.f32 v51, v2;
	v5 =	vadd.f32 v46, v5  }
0xfb: {  	v35 =	vld [tilespmem:$0x7330];
	v1 =	vadd.f32 v47, v1;
	v0 =	vadd.f32 v4, v0  }
0xfc: {  	v40 =	vld [tilespmem:$0x7380];
	v2 =	vadd.f32 v6, v2;
	v5 =	vadd.f32 v54, v5  }
0xfd: {  	v41 =	vld [tilespmem:$0x7390];
	v1 =	vadd.f32 v3, v1;
	v0 =	vadd.f32 v20, v0  }
0xfe: {  	v39 =	vld [tilespmem:$0x7370];
	v2 =	vadd.f32 v21, v2;
	v5 =	vadd.f32 v16, v5  }
0xff: {  	v38 =	vld [tilespmem:$0x7360];
	v1 =	vadd.f32 v17, v1;
	v0 =	vadd.f32 v52, v0  }
0x100: {  	v44 =	vld [tilespmem:$0x73C0];
	v2 =	vadd.f32 v53, v2;
	v5 =	vadd.f32 v48, v5  }
0x101: {  	v45 =	vld [tilespmem:$0x73D0];
	v1 =	vadd.f32 v49, v1;
	v0 =	vadd.f32 v57, v0  }
0x102: {  	v43 =	vld [tilespmem:$0x73B0];
	v2 =	vadd.f32 v58, v2;
	v5 =	vadd.f32 v55, v5  }
0x103: {  	v42 =	vld [tilespmem:$0x73A0];
	v1 =	vadd.f32 v56, v1;
	v0 =	vadd.f32 v61, v0  }
0x104: {  	v50 =	vld [tilespmem:$0x7420];
	v2 =	vadd.f32 v62, v2;
	v5 =	vadd.f32 v59, v5  }
0x105: {  	v51 =	vld [tilespmem:$0x7430];
	v1 =	vadd.f32 v60, v1;
	v0 =	vadd.f32 v33, v0  }
0x106: {  	v47 =	vld [tilespmem:$0x73F0];
	v2 =	vadd.f32 v34, v2;
	v5 =	vadd.f32 v63, v5  }
0x107: {  	v46 =	vld [tilespmem:$0x73E0];
	v1 =	vadd.f32 v32, v1;
	v0 =	vadd.f32 v37, v0  }
0x108: {  	v49 =	vld [tilespmem:$0x7410];
	v2 =	vadd.f32 v38, v2;
	v5 =	vadd.f32 v35, v5  }
0x109: {  	v53 =	vld [tilespmem:$0x7450];
	v1 =	vadd.f32 v36, v1;
	v0 =	vadd.f32 v41, v0  }
0x10a: {  	v48 =	vld [tilespmem:$0x7400];
	v2 =	vadd.f32 v42, v2;
	v5 =	vadd.f32 v39, v5  }
0x10b: {  	v54 =	vld [tilespmem:$0x7460];
	v1 =	vadd.f32 v40, v1;
	v0 =	vadd.f32 v45, v0  }
0x10c: {  	v52 =	vld [tilespmem:$0x7440];
	v2 =	vadd.f32 v46, v2;
	v5 =	vadd.f32 v43, v5  }
0x10d: {  	v55 =	vld [tilespmem:$0x7470];
	v1 =	vadd.f32 v44, v1;
	v0 =	vadd.f32 v49, v0  }
0x10e: {  	v2 =	vadd.f32 v50, v2;
	v5 =	vadd.f32 v47, v5  }
0x10f: {  	v1 =	vadd.f32 v48, v1;
	v0 =	vadd.f32 v53, v0  }
0x110: {  	v2 =	vadd.f32 v54, v2;
	v56 =	vadd.f32 v51, v5  }
0x111: {  	v1 =	vadd.f32 v52, v1;
	v0 =	vmul.f32 $1.999999960e-02, v0  }
0x112: {  	v57 =	vmul.f32 $1.999999960e-02, v2;
	v3 =	vadd.f32 v55, v56  }
0x113: {  	v1 =	vmul.f32 $1.999999960e-02, v1;
	[tilespmem:s17+$0xFFFFFF90] =	vst v0  }
0x114: {  	[tilespmem:s17+$0xFFFFFFA0] =	vst v57;
	v58 =	vmul.f32 $1.999999960e-02, v3  }
0x115: {  	[tilespmem:s17+$0xFFFFFF80] =	vst v1  }
0x116: {  	[tilespmem:s17+$0xFFFFFFB0] =	vst v58  }
0x117: {  	v56 =	vld [tilespmem:$0x7870];
	_ =	sdelay $0x4  }
0x118: {  	[tilespmem:$0x1F860] =	vst v56;
	v56 =	vld [tilespmem:$0x7890];
	_ =	sdelay $0x4  }
0x119: {  	[tilespmem:$0x1F870] =	vst v56;
	v56 =	vld [tilespmem:$0x78A0];
	_ =	sdelay $0x1  }
0x11a: {  	v3 =	vld [tilespmem:$0x7480]  }
0x11b: {  	v4 =	vld [tilespmem:$0x7490]  }
0x11c: {  	v5 =	vld [tilespmem:$0x74A0]  }
0x11d: {  	[tilespmem:$0x1F880] =	vst v56;
	v56 =	vld [tilespmem:$0x78B0]  }
0x11e: {  	v16 =	vld [tilespmem:$0x74B0]  }
0x11f: {  	v17 =	vld [tilespmem:$0x74C0]  }
0x120: {  	v20 =	vld [tilespmem:$0x74D0]  }
0x121: {  	v21 =	vld [tilespmem:$0x74E0]  }
0x122: {  	[tilespmem:$0x1F8A0] =	vst v56;
	v56 =	vld [tilespmem:$0x78C0]  }
0x123: {  	v32 =	vld [tilespmem:$0x74F0]  }
0x124: {  	v33 =	vld [tilespmem:$0x7500]  }
0x125: {  	v36 =	vld [tilespmem:$0x7510]  }
0x126: {  	v37 =	vld [tilespmem:$0x7520]  }
0x127: {  	[tilespmem:$0x1F890] =	vst v56;
	v56 =	vld [tilespmem:$0x78D0]  }
0x128: {  	v48 =	vld [tilespmem:$0x7530]  }
0x129: {  	v49 =	vld [tilespmem:$0x7540]  }
0x12a: {  	v52 =	vld [tilespmem:$0x7550]  }
0x12b: {  	v53 =	vld [tilespmem:$0x7560]  }
0x12c: {  	[tilespmem:$0x1F8B0] =	vst v56;
	v56 =	vld [tilespmem:$0x78E0]  }
0x12d: {  	v62 =	vld [tilespmem:$0x7570]  }
0x12e: {  	v63 =	vld [tilespmem:$0x7580]  }
0x12f: {  	v0 =	vld [tilespmem:$0x7590]  }
0x130: {  	v2 =	vld [tilespmem:$0x75A0]  }
0x131: {  	[tilespmem:$0x1F8C0] =	vst v56;
	v56 =	vld [tilespmem:$0x78F0]  }
0x132: {  	v9 =	vld [tilespmem:$0x75B0]  }
0x133: {  	v1 =	vld [tilespmem:$0x75C0]  }
0x134: {  	v6 =	vld [tilespmem:$0x75D0]  }
0x135: {  	v8 =	vld [tilespmem:$0x75E0]  }
0x136: {  	[tilespmem:$0x1F8E0] =	vst v56;
	v56 =	vld [tilespmem:$0x7900]  }
0x137: {  	v13 =	vld [tilespmem:$0x75F0]  }
0x138: {  	v7 =	vld [tilespmem:$0x7600]  }
0x139: {  	v10 =	vld [tilespmem:$0x7610]  }
0x13a: {  	v12 =	vld [tilespmem:$0x7620]  }
0x13b: {  	[tilespmem:$0x1F8D0] =	vst v56;
	v56 =	vld [tilespmem:$0x7910]  }
0x13c: {  	v19 =	vld [tilespmem:$0x7630]  }
0x13d: {  	v11 =	vld [tilespmem:$0x7640]  }
0x13e: {  	v14 =	vld [tilespmem:$0x7650]  }
0x13f: {  	v18 =	vld [tilespmem:$0x7660]  }
0x140: {  	[tilespmem:$0x1F8F0] =	vst v56;
	v56 =	vld [tilespmem:$0x7920]  }
0x141: {  	v25 =	vld [tilespmem:$0x7670]  }
0x142: {  	v15 =	vld [tilespmem:$0x7680]  }
0x143: {  	v22 =	vld [tilespmem:$0x7690]  }
0x144: {  	v24 =	vld [tilespmem:$0x76A0]  }
0x145: {  	[tilespmem:$0x1F900] =	vst v56;
	v56 =	vld [tilespmem:$0x7930]  }
0x146: {  	v29 =	vld [tilespmem:$0x76B0]  }
0x147: {  	v23 =	vld [tilespmem:$0x76C0]  }
0x148: {  	v26 =	vld [tilespmem:$0x76D0]  }
0x149: {  	v28 =	vld [tilespmem:$0x76E0]  }
0x14a: {  	[tilespmem:$0x1F920] =	vst v56;
	v56 =	vld [tilespmem:$0x7940]  }
0x14b: {  	v35 =	vld [tilespmem:$0x76F0]  }
0x14c: {  	v27 =	vld [tilespmem:$0x7700]  }
0x14d: {  	v30 =	vld [tilespmem:$0x7710]  }
0x14e: {  	v34 =	vld [tilespmem:$0x7720]  }
0x14f: {  	[tilespmem:$0x1F910] =	vst v56;
	v56 =	vld [tilespmem:$0x7950]  }
0x150: {  	v41 =	vld [tilespmem:$0x7730]  }
0x151: {  	v31 =	vld [tilespmem:$0x7740]  }
0x152: {  	v38 =	vld [tilespmem:$0x7750]  }
0x153: {  	v40 =	vld [tilespmem:$0x7760]  }
0x154: {  	[tilespmem:$0x1F930] =	vst v56;
	v56 =	vld [tilespmem:$0x7960]  }
0x155: {  	v45 =	vld [tilespmem:$0x7770]  }
0x156: {  	v39 =	vld [tilespmem:$0x7780]  }
0x157: {  	v42 =	vld [tilespmem:$0x7790]  }
0x158: {  	v44 =	vld [tilespmem:$0x77A0]  }
0x159: {  	[tilespmem:$0x1F940] =	vst v56;
	v56 =	vld [tilespmem:$0x7970]  }
0x15a: {  	v51 =	vld [tilespmem:$0x77B0]  }
0x15b: {  	v43 =	vld [tilespmem:$0x77C0]  }
0x15c: {  	v46 =	vld [tilespmem:$0x77D0]  }
0x15d: {  	v50 =	vld [tilespmem:$0x77E0]  }
0x15e: {  	[tilespmem:$0x1F960] =	vst v56;
	v56 =	vld [tilespmem:$0x7980]  }
0x15f: {  	v60 =	vld [tilespmem:$0x77F0]  }
0x160: {  	v47 =	vld [tilespmem:$0x7800]  }
0x161: {  	v54 =	vld [tilespmem:$0x7810]  }
0x162: {  	v61 =	vld [tilespmem:$0x7820]  }
0x163: {  	[tilespmem:$0x1F950] =	vst v56;
	v56 =	vld [tilespmem:$0x7990]  }
0x164: {  	v59 =	vld [tilespmem:$0x7830]  }
0x165: {  	v55 =	vld [tilespmem:$0x7840]  }
0x166: {  	v58 =	vld [tilespmem:$0x7850]  }
0x167: {  	v57 =	vld [tilespmem:$0x7860]  }
0x168: {  	[tilespmem:$0x1F970] =	vst v56;
	v56 =	vld [tilespmem:$0x79A0]  }
0x169: {  	[tilespmem:$0x1F850] =	vst v59;
	v59 =	vld [tilespmem:$0x7880]  }
0x16a: {  	v17 =	vadd.f32 v17, v3;
	v3 =	vld [tilespmem:$0x7B10]  }
0x16b: {  	v20 =	vadd.f32 v20, v4;
	v4 =	vld [tilespmem:$0x7B20]  }
0x16c: {  	v21 =	vadd.f32 v21, v5;
	v5 =	vld [tilespmem:$0x7B30]  }
0x16d: {  	v17 =	vadd.f32 v33, v17;
	[tilespmem:$0x1F980] =	vst v56;
	v56 =	vld [tilespmem:$0x79B0]  }
0x16e: {  	v32 =	vadd.f32 v32, v16;
	v16 =	vld [tilespmem:$0x7B40];
	v20 =	vadd.f32 v36, v20  }
0x16f: {  	v21 =	vadd.f32 v37, v21;
	v33 =	vadd.f32 v49, v17;
	v17 =	vld [tilespmem:$0x7B50]  }
0x170: {  	v36 =	vadd.f32 v52, v20;
	v20 =	vld [tilespmem:$0x7B60]  }
0x171: {  	v32 =	vadd.f32 v48, v32;
	v37 =	vadd.f32 v53, v21;
	v21 =	vld [tilespmem:$0x7B70]  }
0x172: {  	[tilespmem:$0x1F9A0] =	vst v56;
	v56 =	vld [tilespmem:$0x79C0]  }
0x173: {  	v48 =	vadd.f32 v62, v32;
	v32 =	vld [tilespmem:$0x7B80]  }
0x174: {  	v49 =	vld [tilespmem:$0x7BD0]  }
0x175: {  	v52 =	vld [tilespmem:$0x7BE0]  }
0x176: {  	v0 =	vadd.f32 v0, v36;
	v36 =	vld [tilespmem:$0x7BA0]  }
0x177: {  	[tilespmem:$0x1F990] =	vst v56;
	v56 =	vld [tilespmem:$0x79D0]  }
0x178: {  	v33 =	vadd.f32 v63, v33;
	v2 =	vadd.f32 v2, v37;
	v37 =	vld [tilespmem:$0x7BB0]  }
0x179: {  	v9 =	vadd.f32 v9, v48;
	v48 =	vld [tilespmem:$0x7BC0]  }
0x17a: {  	v1 =	vadd.f32 v1, v33;
	v33 =	vld [tilespmem:$0x7B90]  }
0x17b: {  	v2 =	vadd.f32 v8, v2;
	v8 =	vld [tilespmem:$0x7C10]  }
0x17c: {  	[tilespmem:$0x1F9B0] =	vst v56;
	v56 =	vld [tilespmem:$0x79E0]  }
0x17d: {  	v53 =	vadd.f32 v13, v9;
	v9 =	vld [tilespmem:$0x7C20]  }
0x17e: {  	v13 =	vld [tilespmem:$0x7C60]  }
0x17f: {  	v0 =	vadd.f32 v6, v0;
	v6 =	vadd.f32 v19, v53;
	v53 =	vld [tilespmem:$0x7BF0]  }
0x180: {  	v1 =	vadd.f32 v7, v1;
	v7 =	vld [tilespmem:$0x7C00]  }
0x181: {  	[tilespmem:$0x1F9C0] =	vst v56;
	v56 =	vld [tilespmem:$0x79F0]  }
0x182: {  	v0 =	vadd.f32 v10, v0;
	v10 =	vld [tilespmem:$0x7C30]  }
0x183: {  	v2 =	vadd.f32 v12, v2;
	v12 =	vld [tilespmem:$0x7C50]  }
0x184: {  	v19 =	vld [tilespmem:$0x7CA0]  }
0x185: {  	v1 =	vadd.f32 v11, v1;
	v11 =	vld [tilespmem:$0x7C40]  }
0x186: {  	[tilespmem:$0x1F9E0] =	vst v56;
	v56 =	vld [tilespmem:$0x7A00]  }
0x187: {  	v0 =	vadd.f32 v14, v0;
	v14 =	vld [tilespmem:$0x7C70]  }
0x188: {  	v2 =	vadd.f32 v18, v2;
	v18 =	vld [tilespmem:$0x7C90]  }
0x189: {  	v6 =	vadd.f32 v25, v6;
	v25 =	vld [tilespmem:$0x7CE0]  }
0x18a: {  	v1 =	vadd.f32 v15, v1;
	v15 =	vld [tilespmem:$0x7C80]  }
0x18b: {  	[tilespmem:$0x1F9D0] =	vst v56;
	v56 =	vld [tilespmem:$0x7A10]  }
0x18c: {  	v0 =	vadd.f32 v22, v0;
	v22 =	vld [tilespmem:$0x7CB0]  }
0x18d: {  	v2 =	vadd.f32 v24, v2;
	v24 =	vld [tilespmem:$0x7CD0]  }
0x18e: {  	v6 =	vadd.f32 v29, v6;
	v29 =	vld [tilespmem:$0x7D20]  }
0x18f: {  	v1 =	vadd.f32 v23, v1;
	v2 =	vadd.f32 v28, v2;
	v23 =	vld [tilespmem:$0x7CC0]  }
0x190: {  	v0 =	vadd.f32 v26, v0;
	v6 =	vadd.f32 v35, v6;
	[tilespmem:$0x1F9F0] =	vst v56;
	v56 =	vld [tilespmem:$0x7A20]  }
0x191: {  	v26 =	vld [tilespmem:$0x7CF0];
	v1 =	vadd.f32 v27, v1;
	v2 =	vadd.f32 v34, v2  }
0x192: {  	v28 =	vld [tilespmem:$0x7D10];
	v0 =	vadd.f32 v30, v0;
	v6 =	vadd.f32 v41, v6  }
0x193: {  	v62 =	vld [tilespmem:$0x1F8A0];
	v1 =	vadd.f32 v31, v1;
	v2 =	vadd.f32 v40, v2  }
0x194: {  	v27 =	vld [tilespmem:$0x7D00];
	v0 =	vadd.f32 v38, v0;
	v6 =	vadd.f32 v45, v6  }
0x195: {  	v1 =	vadd.f32 v39, v1;
	v2 =	vadd.f32 v44, v2;
	[tilespmem:$0x1FA00] =	vst v56;
	v56 =	vld [tilespmem:$0x7A30]  }
0x196: {  	v30 =	vld [tilespmem:$0x7D30];
	v0 =	vadd.f32 v42, v0;
	v6 =	vadd.f32 v51, v6  }
0x197: {  	v31 =	vld [tilespmem:$0x7D40];
	v1 =	vadd.f32 v43, v1;
	v2 =	vadd.f32 v50, v2  }
0x198: {  	v0 =	vadd.f32 v46, v0;
	v6 =	vadd.f32 v60, v6;
	v60 =	vld [tilespmem:$0x1F880]  }
0x199: {  	v1 =	vadd.f32 v47, v1;
	v2 =	vadd.f32 v61, v2;
	v61 =	vld [tilespmem:$0x1F890]  }
0x19a: {  	[tilespmem:$0x1FA20] =	vst v56;
	v56 =	vld [tilespmem:$0x7A40]  }
0x19b: {  	v0 =	vadd.f32 v54, v0;
	v1 =	vadd.f32 v55, v1;
	v55 =	vld [tilespmem:$0x1F850]  }
0x19c: {  	v63 =	vld [tilespmem:$0x1F8B0]  }
0x19d: {  	v0 =	vadd.f32 v58, v0;
	v58 =	vld [tilespmem:$0x1F860]  }
0x19e: {  	v34 =	vld [tilespmem:$0x1F8C0]  }
0x19f: {  	v2 =	vadd.f32 v57, v2;
	[tilespmem:$0x1FA10] =	vst v56;
	v56 =	vld [tilespmem:$0x7A50]  }
0x1a0: {  	v1 =	vadd.f32 v59, v1;
	v59 =	vld [tilespmem:$0x1F870];
	v6 =	vadd.f32 v55, v6  }
0x1a1: {  	v2 =	vadd.f32 v60, v2;
	v38 =	vld [tilespmem:$0x1F8E0]  }
0x1a2: {  	v6 =	vadd.f32 v58, v6;
	v35 =	vld [tilespmem:$0x1F8D0]  }
0x1a3: {  	v2 =	vadd.f32 v34, v2;
	v34 =	vld [tilespmem:$0x7D50]  }
0x1a4: {  	v6 =	vadd.f32 v62, v6;
	[tilespmem:$0x1FA30] =	vst v56;
	v56 =	vld [tilespmem:$0x7A60]  }
0x1a5: {  	v1 =	vadd.f32 v61, v1;
	v39 =	vld [tilespmem:$0x1F8F0]  }
0x1a6: {  	v0 =	vadd.f32 v59, v0;
	v6 =	vadd.f32 v38, v6;
	v38 =	vld [tilespmem:$0x7D70]  }
0x1a7: {  	v1 =	vadd.f32 v35, v1;
	v35 =	vld [tilespmem:$0x7D60]  }
0x1a8: {  	v0 =	vadd.f32 v63, v0;
	v40 =	vld [tilespmem:$0x1F900]  }
0x1a9: {  	[tilespmem:$0x1FA40] =	vst v56;
	v56 =	vld [tilespmem:$0x7A70]  }
0x1aa: {  	v0 =	vadd.f32 v39, v0;
	v39 =	vld [tilespmem:$0x7D80]  }
0x1ab: {  	v42 =	vld [tilespmem:$0x1F920]  }
0x1ac: {  	v41 =	vld [tilespmem:$0x1F910]  }
0x1ad: {  	v2 =	vadd.f32 v40, v2;
	v40 =	vld [tilespmem:$0x7D90]  }
0x1ae: {  	[tilespmem:$0x1FA60] =	vst v56;
	v56 =	vld [tilespmem:$0x7A80]  }
0x1af: {  	v43 =	vld [tilespmem:$0x1F930]  }
0x1b0: {  	v6 =	vadd.f32 v42, v6;
	v42 =	vld [tilespmem:$0x7DB0]  }
0x1b1: {  	v1 =	vadd.f32 v41, v1;
	v41 =	vld [tilespmem:$0x7DA0]  }
0x1b2: {  	v44 =	vld [tilespmem:$0x1F940]  }
0x1b3: {  	[tilespmem:$0x1FA50] =	vst v56;
	v56 =	vld [tilespmem:$0x7A90]  }
0x1b4: {  	v0 =	vadd.f32 v43, v0;
	v43 =	vld [tilespmem:$0x7DC0]  }
0x1b5: {  	v46 =	vld [tilespmem:$0x1F960]  }
0x1b6: {  	v45 =	vld [tilespmem:$0x1F950]  }
0x1b7: {  	v2 =	vadd.f32 v44, v2;
	v44 =	vld [tilespmem:$0x7DD0]  }
0x1b8: {  	[tilespmem:$0x1FA70] =	vst v56;
	v56 =	vld [tilespmem:$0x7AA0]  }
0x1b9: {  	v47 =	vld [tilespmem:$0x1F970]  }
0x1ba: {  	v6 =	vadd.f32 v46, v6;
	v46 =	vld [tilespmem:$0x7DF0]  }
0x1bb: {  	v1 =	vadd.f32 v45, v1;
	v45 =	vld [tilespmem:$0x7DE0]  }
0x1bc: {  	v50 =	vld [tilespmem:$0x1F980]  }
0x1bd: {  	[tilespmem:$0x1FA80] =	vst v56;
	v56 =	vld [tilespmem:$0x7AB0]  }
0x1be: {  	v0 =	vadd.f32 v47, v0;
	v47 =	vld [tilespmem:$0x7E00]  }
0x1bf: {  	v54 =	vld [tilespmem:$0x1F9A0]  }
0x1c0: {  	v51 =	vld [tilespmem:$0x1F990]  }
0x1c1: {  	v55 =	vld [tilespmem:$0x1F9B0]  }
0x1c2: {  	[tilespmem:$0x1FAA0] =	vst v56;
	v56 =	vld [tilespmem:$0x7AC0]  }
0x1c3: {  	v57 =	vld [tilespmem:$0x1F9C0]  }
0x1c4: {  	v59 =	vld [tilespmem:$0x1F9E0]  }
0x1c5: {  	v58 =	vld [tilespmem:$0x1F9D0]  }
0x1c6: {  	v60 =	vld [tilespmem:$0x1F9F0]  }
0x1c7: {  	[tilespmem:$0x1FA90] =	vst v56;
	v56 =	vld [tilespmem:$0x7AD0]  }
0x1c8: {  	v61 =	vld [tilespmem:$0x1FA00]  }
0x1c9: {  	v63 =	vld [tilespmem:$0x1FA20]  }
0x1ca: {  	v62 =	vld [tilespmem:$0x1FA10]  }
0x1cb: {  	v2 =	vadd.f32 v50, v2;
	v50 =	vld [tilespmem:$0x1FA30]  }
0x1cc: {  	[tilespmem:$0x1FAB0] =	vst v56;
	v56 =	vld [tilespmem:$0x7AE0]  }
0x1cd: {  	v1 =	vadd.f32 v51, v1;
	v51 =	vld [tilespmem:$0x1FA40]  }
0x1ce: {  	v0 =	vadd.f32 v55, v0;
	v55 =	vld [tilespmem:$0x1FA60]  }
0x1cf: {  	v6 =	vadd.f32 v54, v6;
	v54 =	vld [tilespmem:$0x1FA50]  }
0x1d0: {  	v2 =	vadd.f32 v57, v2;
	v57 =	vld [tilespmem:$0x1FA70]  }
0x1d1: {  	[tilespmem:$0x1FAC0] =	vst v56;
	v56 =	vld [tilespmem:$0x7AF0]  }
0x1d2: {  	v1 =	vadd.f32 v58, v1;
	v58 =	vld [tilespmem:$0x1FA80]  }
0x1d3: {  	v0 =	vadd.f32 v60, v0;
	v60 =	vld [tilespmem:$0x1FAA0]  }
0x1d4: {  	v6 =	vadd.f32 v59, v6;
	v2 =	vadd.f32 v61, v2;
	v61 =	vld [tilespmem:$0x1FAB0]  }
0x1d5: {  	v1 =	vadd.f32 v62, v1;
	v0 =	vadd.f32 v50, v0;
	v62 =	vld [tilespmem:$0x1FAC0]  }
0x1d6: {  	v6 =	vadd.f32 v63, v6;
	v2 =	vadd.f32 v51, v2;
	v59 =	vld [tilespmem:$0x1FA90];
	[tilespmem:$0x1FAD0] =	vst v56  }
0x1d7: {  	v0 =	vadd.f32 v57, v0;
	v63 =	vld [tilespmem:$0x1FAD0]  }
0x1d8: {  	v6 =	vadd.f32 v55, v6;
	v2 =	vadd.f32 v58, v2;
	v56 =	vld [tilespmem:$0x7B00]  }
0x1d9: {  	v50 =	vld [tilespmem:$0x7E10];
	v1 =	vadd.f32 v54, v1;
	v0 =	vadd.f32 v61, v0  }
0x1da: {  	v51 =	vld [tilespmem:$0x7E20];
	v6 =	vadd.f32 v60, v6;
	v2 =	vadd.f32 v62, v2  }
0x1db: {  	v55 =	vld [tilespmem:$0x7EF0];
	v1 =	vadd.f32 v59, v1;
	v0 =	vadd.f32 v3, v0  }
0x1dc: {  	v54 =	vld [tilespmem:$0x7E30];
	v2 =	vadd.f32 v4, v2;
	v6 =	vadd.f32 v63, v6  }
0x1dd: {  	v57 =	vld [tilespmem:$0x7F10];
	v0 =	vadd.f32 v17, v0;
	v1 =	vadd.f32 v56, v1  }
0x1de: {  	v58 =	vld [tilespmem:$0x7F20];
	v2 =	vadd.f32 v20, v2;
	v5 =	vadd.f32 v5, v6  }
0x1df: {  	v60 =	vld [tilespmem:$0x7F40];
	v0 =	vadd.f32 v33, v0;
	v1 =	vadd.f32 v16, v1  }
0x1e0: {  	v59 =	vld [tilespmem:$0x7F30];
	v2 =	vadd.f32 v36, v2;
	v5 =	vadd.f32 v21, v5  }
0x1e1: {  	v61 =	vld [tilespmem:$0x7F50];
	v0 =	vadd.f32 v49, v0;
	v1 =	vadd.f32 v32, v1  }
0x1e2: {  	v3 =	vld [tilespmem:$0x7E40];
	v2 =	vadd.f32 v52, v2;
	v5 =	vadd.f32 v37, v5  }
0x1e3: {  	v17 =	vld [tilespmem:$0x7E80];
	v0 =	vadd.f32 v8, v0;
	v1 =	vadd.f32 v48, v1  }
0x1e4: {  	v62 =	vld [tilespmem:$0x7F60];
	v2 =	vadd.f32 v9, v2;
	v5 =	vadd.f32 v53, v5  }
0x1e5: {  	v33 =	vld [tilespmem:$0x7F90];
	v0 =	vadd.f32 v12, v0;
	v1 =	vadd.f32 v7, v1  }
0x1e6: {  	v4 =	vld [tilespmem:$0x7E50];
	v2 =	vadd.f32 v13, v2;
	v5 =	vadd.f32 v10, v5  }
0x1e7: {  	v49 =	vld [tilespmem:$0x7EC0];
	v0 =	vadd.f32 v18, v0;
	v1 =	vadd.f32 v11, v1  }
0x1e8: {  	v20 =	vld [tilespmem:$0x7E90];
	v2 =	vadd.f32 v19, v2;
	v5 =	vadd.f32 v14, v5  }
0x1e9: {  	v56 =	vld [tilespmem:$0x7F00];
	v0 =	vadd.f32 v24, v0;
	v1 =	vadd.f32 v15, v1  }
0x1ea: {  	v63 =	vld [tilespmem:$0x7F70];
	v2 =	vadd.f32 v25, v2;
	v5 =	vadd.f32 v22, v5  }
0x1eb: {  	v16 =	vld [tilespmem:$0x7E70];
	v0 =	vadd.f32 v28, v0;
	v1 =	vadd.f32 v23, v1  }
0x1ec: {  	v36 =	vld [tilespmem:$0x7FC0];
	v2 =	vadd.f32 v29, v2;
	v5 =	vadd.f32 v26, v5  }
0x1ed: {  	v6 =	vld [tilespmem:$0x7E60];
	v0 =	vadd.f32 v34, v0;
	v1 =	vadd.f32 v27, v1  }
0x1ee: {  	v52 =	vld [tilespmem:$0x7ED0];
	v2 =	vadd.f32 v35, v2;
	v5 =	vadd.f32 v30, v5  }
0x1ef: {  	v32 =	vld [tilespmem:$0x7F80];
	v0 =	vadd.f32 v40, v0;
	v1 =	vadd.f32 v31, v1  }
0x1f0: {  	v21 =	vld [tilespmem:$0x7EA0];
	v2 =	vadd.f32 v41, v2;
	v5 =	vadd.f32 v38, v5  }
0x1f1: {  	v48 =	vld [tilespmem:$0x7EB0];
	v0 =	vadd.f32 v44, v0;
	v1 =	vadd.f32 v39, v1  }
0x1f2: {  	v37 =	vld [tilespmem:$0x7FD0];
	v2 =	vadd.f32 v45, v2;
	v5 =	vadd.f32 v42, v5  }
0x1f3: {  	v53 =	vld [tilespmem:$0x7EE0];
	v0 =	vadd.f32 v50, v0;
	v1 =	vadd.f32 v43, v1  }
0x1f4: {  	v34 =	vld [tilespmem:$0x7FA0];
	v2 =	vadd.f32 v51, v2;
	v5 =	vadd.f32 v46, v5  }
0x1f5: {  	v40 =	vld [tilespmem:$0x8000];
	v0 =	vadd.f32 v4, v0;
	v1 =	vadd.f32 v47, v1  }
0x1f6: {  	v44 =	vld [tilespmem:$0x8040];
	v2 =	vadd.f32 v6, v2;
	v5 =	vadd.f32 v54, v5  }
0x1f7: {  	v35 =	vld [tilespmem:$0x7FB0];
	v0 =	vadd.f32 v20, v0;
	v1 =	vadd.f32 v3, v1  }
0x1f8: {  	v50 =	vld [tilespmem:$0x80A0];
	v2 =	vadd.f32 v21, v2;
	v5 =	vadd.f32 v16, v5  }
0x1f9: {  	v41 =	vld [tilespmem:$0x8010];
	v0 =	vadd.f32 v52, v0;
	v1 =	vadd.f32 v17, v1  }
0x1fa: {  	v39 =	vld [tilespmem:$0x7FF0];
	v2 =	vadd.f32 v53, v2;
	v5 =	vadd.f32 v48, v5  }
0x1fb: {  	v45 =	vld [tilespmem:$0x8050];
	v0 =	vadd.f32 v57, v0;
	v1 =	vadd.f32 v49, v1  }
0x1fc: {  	v38 =	vld [tilespmem:$0x7FE0];
	v2 =	vadd.f32 v58, v2;
	v5 =	vadd.f32 v55, v5  }
0x1fd: {  	v43 =	vld [tilespmem:$0x8030];
	v0 =	vadd.f32 v61, v0;
	v1 =	vadd.f32 v56, v1  }
0x1fe: {  	v51 =	vld [tilespmem:$0x80B0];
	v2 =	vadd.f32 v62, v2;
	v5 =	vadd.f32 v59, v5  }
0x1ff: {  	v42 =	vld [tilespmem:$0x8020];
	v0 =	vadd.f32 v33, v0;
	v1 =	vadd.f32 v60, v1  }
0x200: {  	v47 =	vld [tilespmem:$0x8070];
	v2 =	vadd.f32 v34, v2;
	v5 =	vadd.f32 v63, v5  }
0x201: {  	v46 =	vld [tilespmem:$0x8060];
	v0 =	vadd.f32 v37, v0;
	v1 =	vadd.f32 v32, v1  }
0x202: {  	v49 =	vld [tilespmem:$0x8090];
	v2 =	vadd.f32 v38, v2;
	v5 =	vadd.f32 v35, v5  }
0x203: {  	v53 =	vld [tilespmem:$0x80D0];
	v0 =	vadd.f32 v41, v0;
	v1 =	vadd.f32 v36, v1  }
0x204: {  	v48 =	vld [tilespmem:$0x8080];
	v2 =	vadd.f32 v42, v2;
	v5 =	vadd.f32 v39, v5  }
0x205: {  	v54 =	vld [tilespmem:$0x80E0];
	v0 =	vadd.f32 v45, v0;
	v1 =	vadd.f32 v40, v1  }
0x206: {  	v52 =	vld [tilespmem:$0x80C0];
	v2 =	vadd.f32 v46, v2;
	v5 =	vadd.f32 v43, v5  }
0x207: {  	v55 =	vld [tilespmem:$0x80F0];
	v0 =	vadd.f32 v49, v0;
	v1 =	vadd.f32 v44, v1  }
0x208: {  	v2 =	vadd.f32 v50, v2;
	v5 =	vadd.f32 v47, v5  }
0x209: {  	v0 =	vadd.f32 v53, v0;
	v1 =	vadd.f32 v48, v1  }
0x20a: {  	v2 =	vadd.f32 v54, v2;
	v56 =	vadd.f32 v51, v5  }
0x20b: {  	v0 =	vmul.f32 $1.999999960e-02, v0;
	v1 =	vadd.f32 v52, v1  }
0x20c: {  	v57 =	vmul.f32 $1.999999960e-02, v2;
	v3 =	vadd.f32 v55, v56  }
0x20d: {  	[tilespmem:s17+$0xFFFFFFD0] =	vst v0;
	v1 =	vmul.f32 $1.999999960e-02, v1  }
0x20e: {  	p0 =	seq.s32 s16, $0x0;
	[tilespmem:s17+$0xFFFFFFE0] =	vst v57;
	v58 =	vmul.f32 $1.999999960e-02, v3  }
0x20f: {  	s18 =	sshra.s32 @!p0 s16, $0x2;
	[tilespmem:s17+$0xFFFFFFC0] =	vst v1  }
0x210: {  	s19 =	simm.s32 @!p0 $0x64;
	s20 =	simm.s32 @!p0 $0x6800;
	s18 =	sadd.s32 @!p0 $0x6800, s18;
	[tilespmem:s17+$0xFFFFFFF0] =	vst v58  }
0x211: {  	[tilespmem:s20], [sflag:$0x1] =	stream.indirect.gather @!p0 [hbm4b:s3+s19], $0x40, s18, s19, $0xb8;
	[tilespmem:$0x11A00] =	vst v63  }
0x212: {  	_ =	swait.ge [sflag:s13], $0x1900  }
0x213: {  	[sflag:s13] =	ssyncset.done $0x0  }
0x214: {  	[sflag:s13] =	ssyncadd.s32 $0xFFFFE700  }
0x215: {  	v3 =	vld [tilespmem:$0x8100]  }
0x216: {  	v4 =	vld [tilespmem:$0x8110]  }
0x217: {  	v5 =	vld [tilespmem:$0x8120]  }
0x218: {  	v16 =	vld [tilespmem:$0x8130]  }
0x219: {  	v17 =	vld [tilespmem:$0x8140]  }
0x21a: {  	v20 =	vld [tilespmem:$0x8150]  }
0x21b: {  	v21 =	vld [tilespmem:$0x8160]  }
0x21c: {  	v32 =	vld [tilespmem:$0x8170]  }
0x21d: {  	v33 =	vld [tilespmem:$0x8180]  }
0x21e: {  	v36 =	vld [tilespmem:$0x8190]  }
0x21f: {  	v37 =	vld [tilespmem:$0x81A0]  }
0x220: {  	v48 =	vld [tilespmem:$0x81B0]  }
0x221: {  	v49 =	vld [tilespmem:$0x81C0]  }
0x222: {  	v52 =	vld [tilespmem:$0x81D0]  }
0x223: {  	v53 =	vld [tilespmem:$0x81E0]  }
0x224: {  	v62 =	vld [tilespmem:$0x81F0]  }
0x225: {  	v63 =	vld [tilespmem:$0x8200]  }
0x226: {  	v0 =	vld [tilespmem:$0x8210]  }
0x227: {  	v2 =	vld [tilespmem:$0x8220]  }
0x228: {  	v9 =	vld [tilespmem:$0x8230]  }
0x229: {  	v1 =	vld [tilespmem:$0x8240]  }
0x22a: {  	v6 =	vld [tilespmem:$0x8250]  }
0x22b: {  	v8 =	vld [tilespmem:$0x8260]  }
0x22c: {  	v13 =	vld [tilespmem:$0x8270]  }
0x22d: {  	v7 =	vld [tilespmem:$0x8280]  }
0x22e: {  	v10 =	vld [tilespmem:$0x8290]  }
0x22f: {  	v12 =	vld [tilespmem:$0x82A0]  }
0x230: {  	v19 =	vld [tilespmem:$0x82B0]  }
0x231: {  	v11 =	vld [tilespmem:$0x82C0]  }
0x232: {  	v14 =	vld [tilespmem:$0x82D0]  }
0x233: {  	v18 =	vld [tilespmem:$0x82E0]  }
0x234: {  	v25 =	vld [tilespmem:$0x82F0]  }
0x235: {  	v15 =	vld [tilespmem:$0x8300]  }
0x236: {  	v22 =	vld [tilespmem:$0x8310]  }
0x237: {  	v24 =	vld [tilespmem:$0x8320]  }
0x238: {  	v29 =	vld [tilespmem:$0x8330]  }
0x239: {  	v23 =	vld [tilespmem:$0x8340]  }
0x23a: {  	v26 =	vld [tilespmem:$0x8350]  }
0x23b: {  	v28 =	vld [tilespmem:$0x8360]  }
0x23c: {  	v35 =	vld [tilespmem:$0x8370]  }
0x23d: {  	v27 =	vld [tilespmem:$0x8380]  }
0x23e: {  	v30 =	vld [tilespmem:$0x8390]  }
0x23f: {  	v34 =	vld [tilespmem:$0x83A0]  }
0x240: {  	v41 =	vld [tilespmem:$0x83B0]  }
0x241: {  	v31 =	vld [tilespmem:$0x83C0]  }
0x242: {  	v38 =	vld [tilespmem:$0x83D0]  }
0x243: {  	v40 =	vld [tilespmem:$0x83E0]  }
0x244: {  	v56 =	vld [tilespmem:$0x84F0]  }
0x245: {  	v45 =	vld [tilespmem:$0x83F0]  }
0x246: {  	v39 =	vld [tilespmem:$0x8400]  }
0x247: {  	v42 =	vld [tilespmem:$0x8410]  }
0x248: {  	v44 =	vld [tilespmem:$0x8420]  }
0x249: {  	[tilespmem:$0x1FAF0] =	vst v56;
	v56 =	vld [tilespmem:$0x8510]  }
0x24a: {  	v51 =	vld [tilespmem:$0x8430]  }
0x24b: {  	v43 =	vld [tilespmem:$0x8440]  }
0x24c: {  	v46 =	vld [tilespmem:$0x8450]  }
0x24d: {  	v50 =	vld [tilespmem:$0x8460]  }
0x24e: {  	[tilespmem:$0x1FB00] =	vst v56;
	v56 =	vld [tilespmem:$0x8520]  }
0x24f: {  	v60 =	vld [tilespmem:$0x8470]  }
0x250: {  	v47 =	vld [tilespmem:$0x8480]  }
0x251: {  	v54 =	vld [tilespmem:$0x8490]  }
0x252: {  	v59 =	vld [tilespmem:$0x84B0]  }
0x253: {  	[tilespmem:$0x1FB10] =	vst v56;
	v56 =	vld [tilespmem:$0x8530]  }
0x254: {  	v61 =	vld [tilespmem:$0x84A0]  }
0x255: {  	v55 =	vld [tilespmem:$0x84C0]  }
0x256: {  	v58 =	vld [tilespmem:$0x84D0]  }
0x257: {  	v57 =	vld [tilespmem:$0x84E0];
	[tilespmem:$0x1FAE0] =	vst v59  }
0x258: {  	v59 =	vld [tilespmem:$0x8500];
	[tilespmem:$0x1FB30] =	vst v56  }
0x259: {  	v56 =	vld [tilespmem:$0x8540];
	_ =	sdelay $0x4  }
0x25a: {  	[tilespmem:$0x1FB20] =	vst v56;
	v56 =	vld [tilespmem:$0x8550];
	_ =	sdelay $0x4  }
0x25b: {  	[tilespmem:$0x1FB40] =	vst v56;
	v56 =	vld [tilespmem:$0x8560];
	_ =	sdelay $0x4  }
0x25c: {  	[tilespmem:$0x1FB50] =	vst v56;
	v56 =	vld [tilespmem:$0x8570];
	_ =	sdelay $0x4  }
0x25d: {  	[tilespmem:$0x1FB70] =	vst v56;
	v56 =	vld [tilespmem:$0x8580];
	_ =	sdelay $0x4  }
0x25e: {  	[tilespmem:$0x1FB60] =	vst v56;
	v56 =	vld [tilespmem:$0x8590];
	_ =	sdelay $0x4  }
0x25f: {  	[tilespmem:$0x1FB80] =	vst v56;
	v56 =	vld [tilespmem:$0x85A0];
	_ =	sdelay $0x4  }
0x260: {  	[tilespmem:$0x1FB90] =	vst v56;
	v56 =	vld [tilespmem:$0x85B0];
	_ =	sdelay $0x4  }
0x261: {  	[tilespmem:$0x1FBB0] =	vst v56;
	v56 =	vld [tilespmem:$0x85C0];
	_ =	sdelay $0x4  }
0x262: {  	[tilespmem:$0x1FBA0] =	vst v56;
	v56 =	vld [tilespmem:$0x85D0];
	_ =	sdelay $0x4  }
0x263: {  	[tilespmem:$0x1FBC0] =	vst v56;
	v56 =	vld [tilespmem:$0x85E0];
	_ =	sdelay $0x4  }
0x264: {  	[tilespmem:$0x1FBD0] =	vst v56;
	v56 =	vld [tilespmem:$0x85F0];
	_ =	sdelay $0x4  }
0x265: {  	[tilespmem:$0x1FBF0] =	vst v56;
	v56 =	vld [tilespmem:$0x8600];
	_ =	sdelay $0x4  }
0x266: {  	[tilespmem:$0x1FBE0] =	vst v56;
	v56 =	vld [tilespmem:$0x8610];
	_ =	sdelay $0x4  }
0x267: {  	[tilespmem:$0x1FC00] =	vst v56;
	v56 =	vld [tilespmem:$0x8620];
	_ =	sdelay $0x1  }
0x268: {  	v17 =	vadd.f32 v17, v3;
	v3 =	vld [tilespmem:$0x8790]  }
0x269: {  	v20 =	vadd.f32 v20, v4;
	v4 =	vld [tilespmem:$0x87A0]  }
0x26a: {  	v21 =	vadd.f32 v21, v5;
	v5 =	vld [tilespmem:$0x87B0]  }
0x26b: {  	v17 =	vadd.f32 v33, v17;
	[tilespmem:$0x1FC10] =	vst v56;
	v56 =	vld [tilespmem:$0x8630]  }
0x26c: {  	v32 =	vadd.f32 v32, v16;
	v20 =	vadd.f32 v36, v20;
	v16 =	vld [tilespmem:$0x87C0]  }
0x26d: {  	v21 =	vadd.f32 v37, v21;
	v33 =	vadd.f32 v49, v17;
	v17 =	vld [tilespmem:$0x87D0]  }
0x26e: {  	v36 =	vadd.f32 v52, v20;
	v20 =	vld [tilespmem:$0x87E0]  }
0x26f: {  	v32 =	vadd.f32 v48, v32;
	v37 =	vadd.f32 v53, v21;
	v21 =	vld [tilespmem:$0x87F0]  }
0x270: {  	v33 =	vadd.f32 v63, v33;
	[tilespmem:$0x1FC30] =	vst v56;
	v56 =	vld [tilespmem:$0x8640]  }
0x271: {  	v48 =	vadd.f32 v62, v32;
	v32 =	vld [tilespmem:$0x8800]  }
0x272: {  	v1 =	vadd.f32 v1, v33;
	v33 =	vld [tilespmem:$0x8810]  }
0x273: {  	v0 =	vadd.f32 v0, v36;
	v36 =	vld [tilespmem:$0x8820]  }
0x274: {  	v2 =	vadd.f32 v2, v37;
	v37 =	vld [tilespmem:$0x8830]  }
0x275: {  	v9 =	vadd.f32 v9, v48;
	[tilespmem:$0x1FC20] =	vst v56;
	v56 =	vld [tilespmem:$0x8650]  }
0x276: {  	v48 =	vld [tilespmem:$0x8840]  }
0x277: {  	v53 =	vadd.f32 v13, v9;
	v49 =	vld [tilespmem:$0x8850]  }
0x278: {  	v52 =	vld [tilespmem:$0x8860]  }
0x279: {  	v0 =	vadd.f32 v6, v0;
	v6 =	vadd.f32 v19, v53;
	v53 =	vld [tilespmem:$0x8870]  }
0x27a: {  	[tilespmem:$0x1FC40] =	vst v56;
	v56 =	vld [tilespmem:$0x8660]  }
0x27b: {  	v1 =	vadd.f32 v7, v1;
	v7 =	vld [tilespmem:$0x8880]  }
0x27c: {  	v2 =	vadd.f32 v8, v2;
	v8 =	vld [tilespmem:$0x8890]  }
0x27d: {  	v9 =	vld [tilespmem:$0x88A0]  }
0x27e: {  	v0 =	vadd.f32 v10, v0;
	v10 =	vld [tilespmem:$0x88B0]  }
0x27f: {  	[tilespmem:$0x1FC50] =	vst v56;
	v56 =	vld [tilespmem:$0x8670]  }
0x280: {  	v1 =	vadd.f32 v11, v1;
	v11 =	vld [tilespmem:$0x88C0]  }
0x281: {  	v2 =	vadd.f32 v12, v2;
	v12 =	vld [tilespmem:$0x88D0]  }
0x282: {  	v13 =	vld [tilespmem:$0x88E0]  }
0x283: {  	v0 =	vadd.f32 v14, v0;
	v14 =	vld [tilespmem:$0x88F0]  }
0x284: {  	[tilespmem:$0x1FC70] =	vst v56;
	v56 =	vld [tilespmem:$0x8680]  }
0x285: {  	v1 =	vadd.f32 v15, v1;
	v15 =	vld [tilespmem:$0x8900]  }
0x286: {  	v2 =	vadd.f32 v18, v2;
	v18 =	vld [tilespmem:$0x8910]  }
0x287: {  	v19 =	vld [tilespmem:$0x8920]  }
0x288: {  	v0 =	vadd.f32 v22, v0;
	v22 =	vld [tilespmem:$0x8930]  }
0x289: {  	[tilespmem:$0x1FC60] =	vst v56;
	v56 =	vld [tilespmem:$0x8690]  }
0x28a: {  	v6 =	vadd.f32 v25, v6;
	v1 =	vadd.f32 v23, v1;
	v23 =	vld [tilespmem:$0x8940]  }
0x28b: {  	v2 =	vadd.f32 v24, v2;
	v24 =	vld [tilespmem:$0x8950]  }
0x28c: {  	v6 =	vadd.f32 v29, v6;
	v25 =	vld [tilespmem:$0x8960]  }
0x28d: {  	v0 =	vadd.f32 v26, v0;
	v2 =	vadd.f32 v28, v2;
	v26 =	vld [tilespmem:$0x8970]  }
0x28e: {  	v6 =	vadd.f32 v35, v6;
	[tilespmem:$0x1FC80] =	vst v56;
	v56 =	vld [tilespmem:$0x86A0]  }
0x28f: {  	v28 =	vld [tilespmem:$0x8990];
	v1 =	vadd.f32 v27, v1;
	v2 =	vadd.f32 v34, v2  }
0x290: {  	v62 =	vld [tilespmem:$0x1FB30];
	v0 =	vadd.f32 v30, v0;
	v6 =	vadd.f32 v41, v6  }
0x291: {  	v29 =	vld [tilespmem:$0x89A0];
	v1 =	vadd.f32 v31, v1;
	v2 =	vadd.f32 v40, v2  }
0x292: {  	v27 =	vld [tilespmem:$0x8980];
	v0 =	vadd.f32 v38, v0;
	v6 =	vadd.f32 v45, v6  }
0x293: {  	v1 =	vadd.f32 v39, v1;
	v2 =	vadd.f32 v44, v2;
	[tilespmem:$0x1FC90] =	vst v56;
	v56 =	vld [tilespmem:$0x86B0]  }
0x294: {  	v30 =	vld [tilespmem:$0x89B0];
	v0 =	vadd.f32 v42, v0;
	v6 =	vadd.f32 v51, v6  }
0x295: {  	v31 =	vld [tilespmem:$0x89C0];
	v1 =	vadd.f32 v43, v1;
	v2 =	vadd.f32 v50, v2  }
0x296: {  	v0 =	vadd.f32 v46, v0;
	v6 =	vadd.f32 v60, v6;
	v60 =	vld [tilespmem:$0x1FB10]  }
0x297: {  	v1 =	vadd.f32 v47, v1;
	v2 =	vadd.f32 v61, v2;
	v61 =	vld [tilespmem:$0x1FB20]  }
0x298: {  	[tilespmem:$0x1FCB0] =	vst v56;
	v56 =	vld [tilespmem:$0x86C0]  }
0x299: {  	v0 =	vadd.f32 v54, v0;
	v1 =	vadd.f32 v55, v1;
	v55 =	vld [tilespmem:$0x1FAE0]  }
0x29a: {  	v63 =	vld [tilespmem:$0x1FB40]  }
0x29b: {  	v0 =	vadd.f32 v58, v0;
	v58 =	vld [tilespmem:$0x1FAF0]  }
0x29c: {  	v34 =	vld [tilespmem:$0x1FB50]  }
0x29d: {  	v2 =	vadd.f32 v57, v2;
	[tilespmem:$0x1FCA0] =	vst v56;
	v56 =	vld [tilespmem:$0x86D0]  }
0x29e: {  	v1 =	vadd.f32 v59, v1;
	v59 =	vld [tilespmem:$0x1FB00];
	v6 =	vadd.f32 v55, v6  }
0x29f: {  	v2 =	vadd.f32 v60, v2;
	v38 =	vld [tilespmem:$0x1FB70]  }
0x2a0: {  	v6 =	vadd.f32 v58, v6;
	v35 =	vld [tilespmem:$0x1FB60]  }
0x2a1: {  	v2 =	vadd.f32 v34, v2;
	v34 =	vld [tilespmem:$0x89D0]  }
0x2a2: {  	v6 =	vadd.f32 v62, v6;
	[tilespmem:$0x1FCC0] =	vst v56;
	v56 =	vld [tilespmem:$0x86E0]  }
0x2a3: {  	v1 =	vadd.f32 v61, v1;
	v39 =	vld [tilespmem:$0x1FB80]  }
0x2a4: {  	v0 =	vadd.f32 v59, v0;
	v6 =	vadd.f32 v38, v6;
	v38 =	vld [tilespmem:$0x89F0]  }
0x2a5: {  	v1 =	vadd.f32 v35, v1;
	v35 =	vld [tilespmem:$0x89E0]  }
0x2a6: {  	v0 =	vadd.f32 v63, v0;
	v40 =	vld [tilespmem:$0x1FB90]  }
0x2a7: {  	[tilespmem:$0x1FCD0] =	vst v56;
	v56 =	vld [tilespmem:$0x86F0]  }
0x2a8: {  	v0 =	vadd.f32 v39, v0;
	v39 =	vld [tilespmem:$0x8A00]  }
0x2a9: {  	v42 =	vld [tilespmem:$0x1FBB0]  }
0x2aa: {  	v41 =	vld [tilespmem:$0x1FBA0]  }
0x2ab: {  	v2 =	vadd.f32 v40, v2;
	v40 =	vld [tilespmem:$0x8A10]  }
0x2ac: {  	[tilespmem:$0x1FCF0] =	vst v56;
	v56 =	vld [tilespmem:$0x8700]  }
0x2ad: {  	v43 =	vld [tilespmem:$0x1FBC0]  }
0x2ae: {  	v6 =	vadd.f32 v42, v6;
	v42 =	vld [tilespmem:$0x8A30]  }
0x2af: {  	v1 =	vadd.f32 v41, v1;
	v41 =	vld [tilespmem:$0x8A20]  }
0x2b0: {  	v44 =	vld [tilespmem:$0x1FBD0]  }
0x2b1: {  	[tilespmem:$0x1FCE0] =	vst v56;
	v56 =	vld [tilespmem:$0x8710]  }
0x2b2: {  	v0 =	vadd.f32 v43, v0;
	v43 =	vld [tilespmem:$0x8A40]  }
0x2b3: {  	v46 =	vld [tilespmem:$0x1FBF0]  }
0x2b4: {  	v45 =	vld [tilespmem:$0x1FBE0]  }
0x2b5: {  	v2 =	vadd.f32 v44, v2;
	v44 =	vld [tilespmem:$0x8A50]  }
0x2b6: {  	[tilespmem:$0x1FD00] =	vst v56;
	v56 =	vld [tilespmem:$0x8720]  }
0x2b7: {  	v47 =	vld [tilespmem:$0x1FC00]  }
0x2b8: {  	v6 =	vadd.f32 v46, v6;
	v46 =	vld [tilespmem:$0x8A70]  }
0x2b9: {  	v1 =	vadd.f32 v45, v1;
	v45 =	vld [tilespmem:$0x8A60]  }
0x2ba: {  	v50 =	vld [tilespmem:$0x1FC10]  }
0x2bb: {  	[tilespmem:$0x1FD10] =	vst v56;
	v56 =	vld [tilespmem:$0x8730]  }
0x2bc: {  	v0 =	vadd.f32 v47, v0;
	v47 =	vld [tilespmem:$0x8A80]  }
0x2bd: {  	v54 =	vld [tilespmem:$0x1FC30]  }
0x2be: {  	v51 =	vld [tilespmem:$0x1FC20]  }
0x2bf: {  	v55 =	vld [tilespmem:$0x1FC40]  }
0x2c0: {  	[tilespmem:$0x1FD30] =	vst v56;
	v56 =	vld [tilespmem:$0x8740]  }
0x2c1: {  	v57 =	vld [tilespmem:$0x1FC50]  }
0x2c2: {  	v59 =	vld [tilespmem:$0x1FC70]  }
0x2c3: {  	v58 =	vld [tilespmem:$0x1FC60]  }
0x2c4: {  	v60 =	vld [tilespmem:$0x1FC80]  }
0x2c5: {  	[tilespmem:$0x1FD20] =	vst v56;
	v56 =	vld [tilespmem:$0x8750]  }
0x2c6: {  	v61 =	vld [tilespmem:$0x1FC90]  }
0x2c7: {  	v63 =	vld [tilespmem:$0x1FCB0]  }
0x2c8: {  	v62 =	vld [tilespmem:$0x1FCA0]  }
0x2c9: {  	v2 =	vadd.f32 v50, v2;
	v50 =	vld [tilespmem:$0x1FCC0]  }
0x2ca: {  	[tilespmem:$0x1FD40] =	vst v56;
	v56 =	vld [tilespmem:$0x8760]  }
0x2cb: {  	v1 =	vadd.f32 v51, v1;
	v51 =	vld [tilespmem:$0x1FCD0]  }
0x2cc: {  	v0 =	vadd.f32 v55, v0;
	v55 =	vld [tilespmem:$0x1FCF0]  }
0x2cd: {  	v6 =	vadd.f32 v54, v6;
	v54 =	vld [tilespmem:$0x1FCE0]  }
0x2ce: {  	v2 =	vadd.f32 v57, v2;
	v57 =	vld [tilespmem:$0x1FD00]  }
0x2cf: {  	[tilespmem:$0x1FD50] =	vst v56;
	v56 =	vld [tilespmem:$0x8770]  }
0x2d0: {  	v1 =	vadd.f32 v58, v1;
	v58 =	vld [tilespmem:$0x1FD10]  }
0x2d1: {  	v0 =	vadd.f32 v60, v0;
	v60 =	vld [tilespmem:$0x1FD30]  }
0x2d2: {  	v6 =	vadd.f32 v59, v6;
	v2 =	vadd.f32 v61, v2;
	v61 =	vld [tilespmem:$0x1FD40]  }
0x2d3: {  	v1 =	vadd.f32 v62, v1;
	v0 =	vadd.f32 v50, v0;
	v62 =	vld [tilespmem:$0x1FD50]  }
0x2d4: {  	v6 =	vadd.f32 v63, v6;
	v2 =	vadd.f32 v51, v2;
	v59 =	vld [tilespmem:$0x1FD20];
	[tilespmem:$0x1FD60] =	vst v56  }
0x2d5: {  	v0 =	vadd.f32 v57, v0;
	v63 =	vld [tilespmem:$0x1FD60]  }
0x2d6: {  	v6 =	vadd.f32 v55, v6;
	v2 =	vadd.f32 v58, v2;
	v56 =	vld [tilespmem:$0x8780]  }
0x2d7: {  	v50 =	vld [tilespmem:$0x8A90];
	v1 =	vadd.f32 v54, v1;
	v0 =	vadd.f32 v61, v0  }
0x2d8: {  	v51 =	vld [tilespmem:$0x8AA0];
	v6 =	vadd.f32 v60, v6;
	v2 =	vadd.f32 v62, v2  }
0x2d9: {  	v55 =	vld [tilespmem:$0x8B70];
	v1 =	vadd.f32 v59, v1;
	v0 =	vadd.f32 v3, v0  }
0x2da: {  	v54 =	vld [tilespmem:$0x8AB0];
	v2 =	vadd.f32 v4, v2;
	v6 =	vadd.f32 v63, v6  }
0x2db: {  	v57 =	vld [tilespmem:$0x8B90];
	v0 =	vadd.f32 v17, v0;
	v1 =	vadd.f32 v56, v1  }
0x2dc: {  	v58 =	vld [tilespmem:$0x8BA0];
	v2 =	vadd.f32 v20, v2;
	v5 =	vadd.f32 v5, v6  }
0x2dd: {  	v60 =	vld [tilespmem:$0x8BC0];
	v0 =	vadd.f32 v33, v0;
	v1 =	vadd.f32 v16, v1  }
0x2de: {  	v59 =	vld [tilespmem:$0x8BB0];
	v2 =	vadd.f32 v36, v2;
	v5 =	vadd.f32 v21, v5  }
0x2df: {  	v61 =	vld [tilespmem:$0x8BD0];
	v0 =	vadd.f32 v49, v0;
	v1 =	vadd.f32 v32, v1  }
0x2e0: {  	v3 =	vld [tilespmem:$0x8AC0];
	v2 =	vadd.f32 v52, v2;
	v5 =	vadd.f32 v37, v5  }
0x2e1: {  	v17 =	vld [tilespmem:$0x8B00];
	v0 =	vadd.f32 v8, v0;
	v1 =	vadd.f32 v48, v1  }
0x2e2: {  	v62 =	vld [tilespmem:$0x8BE0];
	v2 =	vadd.f32 v9, v2;
	v5 =	vadd.f32 v53, v5  }
0x2e3: {  	v33 =	vld [tilespmem:$0x8C10];
	v0 =	vadd.f32 v12, v0;
	v1 =	vadd.f32 v7, v1  }
0x2e4: {  	v4 =	vld [tilespmem:$0x8AD0];
	v2 =	vadd.f32 v13, v2;
	v5 =	vadd.f32 v10, v5  }
0x2e5: {  	v49 =	vld [tilespmem:$0x8B40];
	v0 =	vadd.f32 v18, v0;
	v1 =	vadd.f32 v11, v1  }
0x2e6: {  	v20 =	vld [tilespmem:$0x8B10];
	v2 =	vadd.f32 v19, v2;
	v5 =	vadd.f32 v14, v5  }
0x2e7: {  	v56 =	vld [tilespmem:$0x8B80];
	v0 =	vadd.f32 v24, v0;
	v1 =	vadd.f32 v15, v1  }
0x2e8: {  	v63 =	vld [tilespmem:$0x8BF0];
	v2 =	vadd.f32 v25, v2;
	v5 =	vadd.f32 v22, v5  }
0x2e9: {  	v16 =	vld [tilespmem:$0x8AF0];
	v0 =	vadd.f32 v28, v0;
	v1 =	vadd.f32 v23, v1  }
0x2ea: {  	v36 =	vld [tilespmem:$0x8C40];
	v2 =	vadd.f32 v29, v2;
	v5 =	vadd.f32 v26, v5  }
0x2eb: {  	v6 =	vld [tilespmem:$0x8AE0];
	v0 =	vadd.f32 v34, v0;
	v1 =	vadd.f32 v27, v1  }
0x2ec: {  	v52 =	vld [tilespmem:$0x8B50];
	v2 =	vadd.f32 v35, v2;
	v5 =	vadd.f32 v30, v5  }
0x2ed: {  	v32 =	vld [tilespmem:$0x8C00];
	v0 =	vadd.f32 v40, v0;
	v1 =	vadd.f32 v31, v1  }
0x2ee: {  	v21 =	vld [tilespmem:$0x8B20];
	v2 =	vadd.f32 v41, v2;
	v5 =	vadd.f32 v38, v5  }
0x2ef: {  	v48 =	vld [tilespmem:$0x8B30];
	v0 =	vadd.f32 v44, v0;
	v1 =	vadd.f32 v39, v1  }
0x2f0: {  	v37 =	vld [tilespmem:$0x8C50];
	v2 =	vadd.f32 v45, v2;
	v5 =	vadd.f32 v42, v5  }
0x2f1: {  	v53 =	vld [tilespmem:$0x8B60];
	v0 =	vadd.f32 v50, v0;
	v1 =	vadd.f32 v43, v1  }
0x2f2: {  	v34 =	vld [tilespmem:$0x8C20];
	v2 =	vadd.f32 v51, v2;
	v5 =	vadd.f32 v46, v5  }
0x2f3: {  	v40 =	vld [tilespmem:$0x8C80];
	v0 =	vadd.f32 v4, v0;
	v1 =	vadd.f32 v47, v1  }
0x2f4: {  	v44 =	vld [tilespmem:$0x8CC0];
	v2 =	vadd.f32 v6, v2;
	v5 =	vadd.f32 v54, v5  }
0x2f5: {  	v35 =	vld [tilespmem:$0x8C30];
	v0 =	vadd.f32 v20, v0;
	v1 =	vadd.f32 v3, v1  }
0x2f6: {  	v50 =	vld [tilespmem:$0x8D20];
	v2 =	vadd.f32 v21, v2;
	v5 =	vadd.f32 v16, v5  }
0x2f7: {  	v41 =	vld [tilespmem:$0x8C90];
	v0 =	vadd.f32 v52, v0;
	v1 =	vadd.f32 v17, v1  }
0x2f8: {  	v39 =	vld [tilespmem:$0x8C70];
	v2 =	vadd.f32 v53, v2;
	v5 =	vadd.f32 v48, v5  }
0x2f9: {  	v45 =	vld [tilespmem:$0x8CD0];
	v0 =	vadd.f32 v57, v0;
	v1 =	vadd.f32 v49, v1  }
0x2fa: {  	v38 =	vld [tilespmem:$0x8C60];
	v2 =	vadd.f32 v58, v2;
	v5 =	vadd.f32 v55, v5  }
0x2fb: {  	v43 =	vld [tilespmem:$0x8CB0];
	v0 =	vadd.f32 v61, v0;
	v1 =	vadd.f32 v56, v1  }
0x2fc: {  	v51 =	vld [tilespmem:$0x8D30];
	v2 =	vadd.f32 v62, v2;
	v5 =	vadd.f32 v59, v5  }
0x2fd: {  	v42 =	vld [tilespmem:$0x8CA0];
	v0 =	vadd.f32 v33, v0;
	v1 =	vadd.f32 v60, v1  }
0x2fe: {  	v47 =	vld [tilespmem:$0x8CF0];
	v2 =	vadd.f32 v34, v2;
	v5 =	vadd.f32 v63, v5  }
0x2ff: {  	v46 =	vld [tilespmem:$0x8CE0];
	v0 =	vadd.f32 v37, v0;
	v1 =	vadd.f32 v32, v1  }
0x300: {  	v49 =	vld [tilespmem:$0x8D10];
	v2 =	vadd.f32 v38, v2;
	v5 =	vadd.f32 v35, v5  }
0x301: {  	v53 =	vld [tilespmem:$0x8D50];
	v0 =	vadd.f32 v41, v0;
	v1 =	vadd.f32 v36, v1  }
0x302: {  	v48 =	vld [tilespmem:$0x8D00];
	v2 =	vadd.f32 v42, v2;
	v5 =	vadd.f32 v39, v5  }
0x303: {  	v54 =	vld [tilespmem:$0x8D60];
	v0 =	vadd.f32 v45, v0;
	v1 =	vadd.f32 v40, v1  }
0x304: {  	v52 =	vld [tilespmem:$0x8D40];
	v2 =	vadd.f32 v46, v2;
	v5 =	vadd.f32 v43, v5  }
0x305: {  	v55 =	vld [tilespmem:$0x8D70];
	v0 =	vadd.f32 v49, v0;
	v1 =	vadd.f32 v44, v1  }
0x306: {  	v2 =	vadd.f32 v50, v2;
	v5 =	vadd.f32 v47, v5  }
0x307: {  	v0 =	vadd.f32 v53, v0;
	v1 =	vadd.f32 v48, v1  }
0x308: {  	v2 =	vadd.f32 v54, v2;
	v56 =	vadd.f32 v51, v5  }
0x309: {  	v0 =	vmul.f32 $1.999999960e-02, v0;
	v1 =	vadd.f32 v52, v1  }
0x30a: {  	v57 =	vmul.f32 $1.999999960e-02, v2;
	v3 =	vadd.f32 v55, v56  }
0x30b: {  	[tilespmem:s17+$0x10] =	vst v0;
	v1 =	vmul.f32 $1.999999960e-02, v1  }
0x30c: {  	[tilespmem:s17+$0x20] =	vst v57;
	v58 =	vmul.f32 $1.999999960e-02, v3  }
0x30d: {  	[tilespmem:s17+$0x0] =	vst v1  }
0x30e: {  	[tilespmem:s17+$0x30] =	vst v58  }
0x30f: {  	v56 =	vld [tilespmem:$0x9170];
	_ =	sdelay $0x4  }
0x310: {  	[tilespmem:$0x1FD80] =	vst v56;
	v56 =	vld [tilespmem:$0x9190];
	_ =	sdelay $0x4  }
0x311: {  	[tilespmem:$0x1FD90] =	vst v56;
	v56 =	vld [tilespmem:$0x91A0];
	_ =	sdelay $0x1  }
0x312: {  	v3 =	vld [tilespmem:$0x8D80]  }
0x313: {  	v4 =	vld [tilespmem:$0x8D90]  }
0x314: {  	v5 =	vld [tilespmem:$0x8DA0]  }
0x315: {  	[tilespmem:$0x1FDA0] =	vst v56;
	v56 =	vld [tilespmem:$0x91B0]  }
0x316: {  	v16 =	vld [tilespmem:$0x8DB0]  }
0x317: {  	v17 =	vld [tilespmem:$0x8DC0]  }
0x318: {  	v20 =	vld [tilespmem:$0x8DD0]  }
0x319: {  	v21 =	vld [tilespmem:$0x8DE0]  }
0x31a: {  	[tilespmem:$0x1FDC0] =	vst v56;
	v56 =	vld [tilespmem:$0x91C0]  }
0x31b: {  	v32 =	vld [tilespmem:$0x8DF0]  }
0x31c: {  	v33 =	vld [tilespmem:$0x8E00]  }
0x31d: {  	v36 =	vld [tilespmem:$0x8E10]  }
0x31e: {  	v37 =	vld [tilespmem:$0x8E20]  }
0x31f: {  	[tilespmem:$0x1FDB0] =	vst v56;
	v56 =	vld [tilespmem:$0x91D0]  }
0x320: {  	v48 =	vld [tilespmem:$0x8E30]  }
0x321: {  	v49 =	vld [tilespmem:$0x8E40]  }
0x322: {  	v52 =	vld [tilespmem:$0x8E50]  }
0x323: {  	v53 =	vld [tilespmem:$0x8E60]  }
0x324: {  	[tilespmem:$0x1FDD0] =	vst v56;
	v56 =	vld [tilespmem:$0x91E0]  }
0x325: {  	v62 =	vld [tilespmem:$0x8E70]  }
0x326: {  	v63 =	vld [tilespmem:$0x8E80]  }
0x327: {  	v0 =	vld [tilespmem:$0x8E90]  }
0x328: {  	v2 =	vld [tilespmem:$0x8EA0]  }
0x329: {  	[tilespmem:$0x1FDE0] =	vst v56;
	v56 =	vld [tilespmem:$0x91F0]  }
0x32a: {  	v9 =	vld [tilespmem:$0x8EB0]  }
0x32b: {  	v1 =	vld [tilespmem:$0x8EC0]  }
0x32c: {  	v6 =	vld [tilespmem:$0x8ED0]  }
0x32d: {  	v8 =	vld [tilespmem:$0x8EE0]  }
0x32e: {  	[tilespmem:$0x1FE00] =	vst v56;
	v56 =	vld [tilespmem:$0x9200]  }
0x32f: {  	v13 =	vld [tilespmem:$0x8EF0]  }
0x330: {  	v7 =	vld [tilespmem:$0x8F00]  }
0x331: {  	v10 =	vld [tilespmem:$0x8F10]  }
0x332: {  	v12 =	vld [tilespmem:$0x8F20]  }
0x333: {  	[tilespmem:$0x1FDF0] =	vst v56;
	v56 =	vld [tilespmem:$0x9210]  }
0x334: {  	v19 =	vld [tilespmem:$0x8F30]  }
0x335: {  	v11 =	vld [tilespmem:$0x8F40]  }
0x336: {  	v14 =	vld [tilespmem:$0x8F50]  }
0x337: {  	v18 =	vld [tilespmem:$0x8F60]  }
0x338: {  	[tilespmem:$0x1FE10] =	vst v56;
	v56 =	vld [tilespmem:$0x9220]  }
0x339: {  	v25 =	vld [tilespmem:$0x8F70]  }
0x33a: {  	v15 =	vld [tilespmem:$0x8F80]  }
0x33b: {  	v22 =	vld [tilespmem:$0x8F90]  }
0x33c: {  	v24 =	vld [tilespmem:$0x8FA0]  }
0x33d: {  	[tilespmem:$0x1FE20] =	vst v56;
	v56 =	vld [tilespmem:$0x9230]  }
0x33e: {  	v29 =	vld [tilespmem:$0x8FB0]  }
0x33f: {  	v23 =	vld [tilespmem:$0x8FC0]  }
0x340: {  	v26 =	vld [tilespmem:$0x8FD0]  }
0x341: {  	v28 =	vld [tilespmem:$0x8FE0]  }
0x342: {  	[tilespmem:$0x1FE40] =	vst v56;
	v56 =	vld [tilespmem:$0x9240]  }
0x343: {  	v35 =	vld [tilespmem:$0x8FF0]  }
0x344: {  	v27 =	vld [tilespmem:$0x9000]  }
0x345: {  	v30 =	vld [tilespmem:$0x9010]  }
0x346: {  	v34 =	vld [tilespmem:$0x9020]  }
0x347: {  	[tilespmem:$0x1FE30] =	vst v56;
	v56 =	vld [tilespmem:$0x9250]  }
0x348: {  	v41 =	vld [tilespmem:$0x9030]  }
0x349: {  	v31 =	vld [tilespmem:$0x9040]  }
0x34a: {  	v38 =	vld [tilespmem:$0x9050]  }
0x34b: {  	v40 =	vld [tilespmem:$0x9060]  }
0x34c: {  	[tilespmem:$0x1FE50] =	vst v56;
	v56 =	vld [tilespmem:$0x9260]  }
0x34d: {  	v45 =	vld [tilespmem:$0x9070]  }
0x34e: {  	v39 =	vld [tilespmem:$0x9080]  }
0x34f: {  	v42 =	vld [tilespmem:$0x9090]  }
0x350: {  	v44 =	vld [tilespmem:$0x90A0]  }
0x351: {  	[tilespmem:$0x1FE60] =	vst v56;
	v56 =	vld [tilespmem:$0x9270]  }
0x352: {  	v51 =	vld [tilespmem:$0x90B0]  }
0x353: {  	v43 =	vld [tilespmem:$0x90C0]  }
0x354: {  	v46 =	vld [tilespmem:$0x90D0]  }
0x355: {  	v50 =	vld [tilespmem:$0x90E0]  }
0x356: {  	[tilespmem:$0x1FE80] =	vst v56;
	v56 =	vld [tilespmem:$0x9280]  }
0x357: {  	v60 =	vld [tilespmem:$0x90F0]  }
0x358: {  	v47 =	vld [tilespmem:$0x9100]  }
0x359: {  	v54 =	vld [tilespmem:$0x9110]  }
0x35a: {  	v61 =	vld [tilespmem:$0x9120]  }
0x35b: {  	[tilespmem:$0x1FE70] =	vst v56;
	v56 =	vld [tilespmem:$0x9290]  }
0x35c: {  	v59 =	vld [tilespmem:$0x9130]  }
0x35d: {  	v55 =	vld [tilespmem:$0x9140]  }
0x35e: {  	v58 =	vld [tilespmem:$0x9150]  }
0x35f: {  	v57 =	vld [tilespmem:$0x9160]  }
0x360: {  	[tilespmem:$0x1FE90] =	vst v56;
	v56 =	vld [tilespmem:$0x92A0]  }
0x361: {  	[tilespmem:$0x1FD70] =	vst v59;
	v59 =	vld [tilespmem:$0x9180]  }
0x362: {  	v17 =	vadd.f32 v17, v3;
	v3 =	vld [tilespmem:$0x9410]  }
0x363: {  	v20 =	vadd.f32 v20, v4;
	v4 =	vld [tilespmem:$0x9420]  }
0x364: {  	v21 =	vadd.f32 v21, v5;
	v5 =	vld [tilespmem:$0x9430]  }
0x365: {  	v17 =	vadd.f32 v33, v17;
	[tilespmem:$0x1FEA0] =	vst v56;
	v56 =	vld [tilespmem:$0x92B0]  }
0x366: {  	v32 =	vadd.f32 v32, v16;
	v16 =	vld [tilespmem:$0x9440];
	v20 =	vadd.f32 v36, v20  }
0x367: {  	v21 =	vadd.f32 v37, v21;
	v33 =	vadd.f32 v49, v17;
	v17 =	vld [tilespmem:$0x9450]  }
0x368: {  	v36 =	vadd.f32 v52, v20;
	v20 =	vld [tilespmem:$0x9460]  }
0x369: {  	v32 =	vadd.f32 v48, v32;
	v37 =	vadd.f32 v53, v21;
	v21 =	vld [tilespmem:$0x9470]  }
0x36a: {  	[tilespmem:$0x1FEC0] =	vst v56;
	v56 =	vld [tilespmem:$0x92C0]  }
0x36b: {  	v48 =	vadd.f32 v62, v32;
	v32 =	vld [tilespmem:$0x9480]  }
0x36c: {  	v49 =	vld [tilespmem:$0x94D0]  }
0x36d: {  	v52 =	vld [tilespmem:$0x94E0]  }
0x36e: {  	v0 =	vadd.f32 v0, v36;
	v36 =	vld [tilespmem:$0x94A0]  }
0x36f: {  	[tilespmem:$0x1FEB0] =	vst v56;
	v56 =	vld [tilespmem:$0x92D0]  }
0x370: {  	v33 =	vadd.f32 v63, v33;
	v2 =	vadd.f32 v2, v37;
	v37 =	vld [tilespmem:$0x94B0]  }
0x371: {  	v9 =	vadd.f32 v9, v48;
	v48 =	vld [tilespmem:$0x94C0]  }
0x372: {  	v1 =	vadd.f32 v1, v33;
	v33 =	vld [tilespmem:$0x9490]  }
0x373: {  	v2 =	vadd.f32 v8, v2;
	v8 =	vld [tilespmem:$0x9510]  }
0x374: {  	[tilespmem:$0x1FED0] =	vst v56;
	v56 =	vld [tilespmem:$0x92E0]  }
0x375: {  	v53 =	vadd.f32 v13, v9;
	v9 =	vld [tilespmem:$0x9520]  }
0x376: {  	v13 =	vld [tilespmem:$0x9560]  }
0x377: {  	v0 =	vadd.f32 v6, v0;
	v6 =	vadd.f32 v19, v53;
	v53 =	vld [tilespmem:$0x94F0]  }
0x378: {  	v1 =	vadd.f32 v7, v1;
	v7 =	vld [tilespmem:$0x9500]  }
0x379: {  	[tilespmem:$0x1FEE0] =	vst v56;
	v56 =	vld [tilespmem:$0x92F0]  }
0x37a: {  	v0 =	vadd.f32 v10, v0;
	v10 =	vld [tilespmem:$0x9530]  }
0x37b: {  	v2 =	vadd.f32 v12, v2;
	v12 =	vld [tilespmem:$0x9550]  }
0x37c: {  	v19 =	vld [tilespmem:$0x95A0]  }
0x37d: {  	v1 =	vadd.f32 v11, v1;
	v11 =	vld [tilespmem:$0x9540]  }
0x37e: {  	[tilespmem:$0x1FF00] =	vst v56;
	v56 =	vld [tilespmem:$0x9300]  }
0x37f: {  	v0 =	vadd.f32 v14, v0;
	v14 =	vld [tilespmem:$0x9570]  }
0x380: {  	v2 =	vadd.f32 v18, v2;
	v18 =	vld [tilespmem:$0x9590]  }
0x381: {  	v6 =	vadd.f32 v25, v6;
	v25 =	vld [tilespmem:$0x95E0]  }
0x382: {  	v1 =	vadd.f32 v15, v1;
	v15 =	vld [tilespmem:$0x9580]  }
0x383: {  	[tilespmem:$0x1FEF0] =	vst v56;
	v56 =	vld [tilespmem:$0x9310]  }
0x384: {  	v0 =	vadd.f32 v22, v0;
	v22 =	vld [tilespmem:$0x95B0]  }
0x385: {  	v2 =	vadd.f32 v24, v2;
	v24 =	vld [tilespmem:$0x95D0]  }
0x386: {  	v6 =	vadd.f32 v29, v6;
	v29 =	vld [tilespmem:$0x9620]  }
0x387: {  	v1 =	vadd.f32 v23, v1;
	v2 =	vadd.f32 v28, v2;
	v23 =	vld [tilespmem:$0x95C0]  }
0x388: {  	v0 =	vadd.f32 v26, v0;
	v6 =	vadd.f32 v35, v6;
	[tilespmem:$0x1FF10] =	vst v56;
	v56 =	vld [tilespmem:$0x9320]  }
0x389: {  	v26 =	vld [tilespmem:$0x95F0];
	v1 =	vadd.f32 v27, v1;
	v2 =	vadd.f32 v34, v2  }
0x38a: {  	v28 =	vld [tilespmem:$0x9610];
	v0 =	vadd.f32 v30, v0;
	v6 =	vadd.f32 v41, v6  }
0x38b: {  	v62 =	vld [tilespmem:$0x1FDC0];
	v1 =	vadd.f32 v31, v1;
	v2 =	vadd.f32 v40, v2  }
0x38c: {  	v27 =	vld [tilespmem:$0x9600];
	v0 =	vadd.f32 v38, v0;
	v6 =	vadd.f32 v45, v6  }
0x38d: {  	v1 =	vadd.f32 v39, v1;
	v2 =	vadd.f32 v44, v2;
	[tilespmem:$0x1FF20] =	vst v56;
	v56 =	vld [tilespmem:$0x9330]  }
0x38e: {  	v30 =	vld [tilespmem:$0x9630];
	v0 =	vadd.f32 v42, v0;
	v6 =	vadd.f32 v51, v6  }
0x38f: {  	v31 =	vld [tilespmem:$0x9640];
	v1 =	vadd.f32 v43, v1;
	v2 =	vadd.f32 v50, v2  }
0x390: {  	v0 =	vadd.f32 v46, v0;
	v6 =	vadd.f32 v60, v6;
	v60 =	vld [tilespmem:$0x1FDA0]  }
0x391: {  	v1 =	vadd.f32 v47, v1;
	v2 =	vadd.f32 v61, v2;
	v61 =	vld [tilespmem:$0x1FDB0]  }
0x392: {  	[tilespmem:$0x1FF40] =	vst v56;
	v56 =	vld [tilespmem:$0x9340]  }
0x393: {  	v0 =	vadd.f32 v54, v0;
	v1 =	vadd.f32 v55, v1;
	v55 =	vld [tilespmem:$0x1FD70]  }
0x394: {  	v63 =	vld [tilespmem:$0x1FDD0]  }
0x395: {  	v0 =	vadd.f32 v58, v0;
	v58 =	vld [tilespmem:$0x1FD80]  }
0x396: {  	v34 =	vld [tilespmem:$0x1FDE0]  }
0x397: {  	v2 =	vadd.f32 v57, v2;
	[tilespmem:$0x1FF30] =	vst v56;
	v56 =	vld [tilespmem:$0x9350]  }
0x398: {  	v1 =	vadd.f32 v59, v1;
	v59 =	vld [tilespmem:$0x1FD90];
	v6 =	vadd.f32 v55, v6  }
0x399: {  	v2 =	vadd.f32 v60, v2;
	v38 =	vld [tilespmem:$0x1FE00]  }
0x39a: {  	v6 =	vadd.f32 v58, v6;
	v35 =	vld [tilespmem:$0x1FDF0]  }
0x39b: {  	v2 =	vadd.f32 v34, v2;
	v34 =	vld [tilespmem:$0x9650]  }
0x39c: {  	v6 =	vadd.f32 v62, v6;
	[tilespmem:$0x1FF50] =	vst v56;
	v56 =	vld [tilespmem:$0x9360]  }
0x39d: {  	v1 =	vadd.f32 v61, v1;
	v39 =	vld [tilespmem:$0x1FE10]  }
0x39e: {  	v0 =	vadd.f32 v59, v0;
	v6 =	vadd.f32 v38, v6;
	v38 =	vld [tilespmem:$0x9670]  }
0x39f: {  	v1 =	vadd.f32 v35, v1;
	v35 =	vld [tilespmem:$0x9660]  }
0x3a0: {  	v0 =	vadd.f32 v63, v0;
	v40 =	vld [tilespmem:$0x1FE20]  }
0x3a1: {  	[tilespmem:$0x1FF60] =	vst v56;
	v56 =	vld [tilespmem:$0x9370]  }
0x3a2: {  	v0 =	vadd.f32 v39, v0;
	v39 =	vld [tilespmem:$0x9680]  }
0x3a3: {  	v42 =	vld [tilespmem:$0x1FE40]  }
0x3a4: {  	v41 =	vld [tilespmem:$0x1FE30]  }
0x3a5: {  	v2 =	vadd.f32 v40, v2;
	v40 =	vld [tilespmem:$0x9690]  }
0x3a6: {  	[tilespmem:$0x1FF80] =	vst v56;
	v56 =	vld [tilespmem:$0x9380]  }
0x3a7: {  	v43 =	vld [tilespmem:$0x1FE50]  }
0x3a8: {  	v6 =	vadd.f32 v42, v6;
	v42 =	vld [tilespmem:$0x96B0]  }
0x3a9: {  	v1 =	vadd.f32 v41, v1;
	v41 =	vld [tilespmem:$0x96A0]  }
0x3aa: {  	v44 =	vld [tilespmem:$0x1FE60]  }
0x3ab: {  	[tilespmem:$0x1FF70] =	vst v56;
	v56 =	vld [tilespmem:$0x9390]  }
0x3ac: {  	v0 =	vadd.f32 v43, v0;
	v43 =	vld [tilespmem:$0x96C0]  }
0x3ad: {  	v46 =	vld [tilespmem:$0x1FE80]  }
0x3ae: {  	v45 =	vld [tilespmem:$0x1FE70]  }
0x3af: {  	v2 =	vadd.f32 v44, v2;
	v44 =	vld [tilespmem:$0x96D0]  }
0x3b0: {  	[tilespmem:$0x1FF90] =	vst v56;
	v56 =	vld [tilespmem:$0x93A0]  }
0x3b1: {  	v47 =	vld [tilespmem:$0x1FE90]  }
0x3b2: {  	v6 =	vadd.f32 v46, v6;
	v46 =	vld [tilespmem:$0x96F0]  }
0x3b3: {  	v1 =	vadd.f32 v45, v1;
	v45 =	vld [tilespmem:$0x96E0]  }
0x3b4: {  	v50 =	vld [tilespmem:$0x1FEA0]  }
0x3b5: {  	[tilespmem:$0x1FFA0] =	vst v56;
	v56 =	vld [tilespmem:$0x93B0]  }
0x3b6: {  	v0 =	vadd.f32 v47, v0;
	v47 =	vld [tilespmem:$0x9700]  }
0x3b7: {  	v54 =	vld [tilespmem:$0x1FEC0]  }
0x3b8: {  	v51 =	vld [tilespmem:$0x1FEB0]  }
0x3b9: {  	v55 =	vld [tilespmem:$0x1FED0]  }
0x3ba: {  	[tilespmem:$0x1FFC0] =	vst v56;
	v56 =	vld [tilespmem:$0x93C0]  }
0x3bb: {  	v57 =	vld [tilespmem:$0x1FEE0]  }
0x3bc: {  	v59 =	vld [tilespmem:$0x1FF00]  }
0x3bd: {  	v58 =	vld [tilespmem:$0x1FEF0]  }
0x3be: {  	v60 =	vld [tilespmem:$0x1FF10]  }
0x3bf: {  	[tilespmem:$0x1FFB0] =	vst v56;
	v56 =	vld [tilespmem:$0x93D0]  }
0x3c0: {  	v61 =	vld [tilespmem:$0x1FF20]  }
0x3c1: {  	v63 =	vld [tilespmem:$0x1FF40]  }
0x3c2: {  	v62 =	vld [tilespmem:$0x1FF30]  }
0x3c3: {  	v2 =	vadd.f32 v50, v2;
	v50 =	vld [tilespmem:$0x1FF50]  }
0x3c4: {  	[tilespmem:$0x1FFD0] =	vst v56;
	v56 =	vld [tilespmem:$0x93E0]  }
0x3c5: {  	v1 =	vadd.f32 v51, v1;
	v51 =	vld [tilespmem:$0x1FF60]  }
0x3c6: {  	v0 =	vadd.f32 v55, v0;
	v55 =	vld [tilespmem:$0x1FF80]  }
0x3c7: {  	v6 =	vadd.f32 v54, v6;
	v54 =	vld [tilespmem:$0x1FF70]  }
0x3c8: {  	v2 =	vadd.f32 v57, v2;
	v57 =	vld [tilespmem:$0x1FF90]  }
0x3c9: {  	[tilespmem:$0x1FFE0] =	vst v56;
	v56 =	vld [tilespmem:$0x93F0]  }
0x3ca: {  	v1 =	vadd.f32 v58, v1;
	v58 =	vld [tilespmem:$0x1FFA0]  }
0x3cb: {  	v0 =	vadd.f32 v60, v0;
	v60 =	vld [tilespmem:$0x1FFC0]  }
0x3cc: {  	v6 =	vadd.f32 v59, v6;
	v2 =	vadd.f32 v61, v2;
	v61 =	vld [tilespmem:$0x1FFD0]  }
0x3cd: {  	v1 =	vadd.f32 v62, v1;
	v0 =	vadd.f32 v50, v0;
	v62 =	vld [tilespmem:$0x1FFE0]  }
0x3ce: {  	v6 =	vadd.f32 v63, v6;
	v2 =	vadd.f32 v51, v2;
	v59 =	vld [tilespmem:$0x1FFB0];
	[tilespmem:$0x1FFF0] =	vst v56  }
0x3cf: {  	v0 =	vadd.f32 v57, v0;
	v63 =	vld [tilespmem:$0x1FFF0]  }
0x3d0: {  	v6 =	vadd.f32 v55, v6;
	v2 =	vadd.f32 v58, v2;
	v56 =	vld [tilespmem:$0x9400]  }
0x3d1: {  	v50 =	vld [tilespmem:$0x9710];
	v1 =	vadd.f32 v54, v1;
	v0 =	vadd.f32 v61, v0  }
0x3d2: {  	v51 =	vld [tilespmem:$0x9720];
	v6 =	vadd.f32 v60, v6;
	v2 =	vadd.f32 v62, v2  }
0x3d3: {  	v55 =	vld [tilespmem:$0x97B0];
	v1 =	vadd.f32 v59, v1;
	v0 =	vadd.f32 v3, v0  }
0x3d4: {  	v54 =	vld [tilespmem:$0x9730];
	v2 =	vadd.f32 v4, v2;
	v6 =	vadd.f32 v63, v6  }
0x3d5: {  	v57 =	vld [tilespmem:$0x97D0];
	v0 =	vadd.f32 v17, v0;
	v1 =	vadd.f32 v56, v1  }
0x3d6: {  	v58 =	vld [tilespmem:$0x97E0];
	v2 =	vadd.f32 v20, v2;
	v5 =	vadd.f32 v5, v6  }
0x3d7: {  	v60 =	vld [tilespmem:$0x9800];
	v0 =	vadd.f32 v33, v0;
	v1 =	vadd.f32 v16, v1  }
0x3d8: {  	v59 =	vld [tilespmem:$0x97F0];
	v2 =	vadd.f32 v36, v2;
	v5 =	vadd.f32 v21, v5  }
0x3d9: {  	v61 =	vld [tilespmem:$0x9810];
	v0 =	vadd.f32 v49, v0;
	v1 =	vadd.f32 v32, v1  }
0x3da: {  	v3 =	vld [tilespmem:$0x9740];
	v2 =	vadd.f32 v52, v2;
	v5 =	vadd.f32 v37, v5  }
0x3db: {  	v17 =	vld [tilespmem:$0x9780];
	v0 =	vadd.f32 v8, v0;
	v1 =	vadd.f32 v48, v1  }
0x3dc: {  	v62 =	vld [tilespmem:$0x9820];
	v2 =	vadd.f32 v9, v2;
	v5 =	vadd.f32 v53, v5  }
0x3dd: {  	v33 =	vld [tilespmem:$0x9850];
	v0 =	vadd.f32 v12, v0;
	v1 =	vadd.f32 v7, v1  }
0x3de: {  	v4 =	vld [tilespmem:$0x9750];
	v2 =	vadd.f32 v13, v2;
	v5 =	vadd.f32 v10, v5  }
0x3df: {  	v49 =	vld [tilespmem:$0x97A0];
	v0 =	vadd.f32 v18, v0;
	v1 =	vadd.f32 v11, v1  }
0x3e0: {  	v56 =	vld [tilespmem:$0x97C0];
	v2 =	vadd.f32 v19, v2;
	v5 =	vadd.f32 v14, v5  }
0x3e1: {  	v63 =	vld [tilespmem:$0x9830];
	v0 =	vadd.f32 v24, v0;
	v1 =	vadd.f32 v15, v1  }
0x3e2: {  	v16 =	vld [tilespmem:$0x9770];
	v2 =	vadd.f32 v25, v2;
	v5 =	vadd.f32 v22, v5  }
0x3e3: {  	v36 =	vld [tilespmem:$0x9870];
	v0 =	vadd.f32 v28, v0;
	v1 =	vadd.f32 v23, v1  }
0x3e4: {  	v6 =	vld [tilespmem:$0x9760];
	v2 =	vadd.f32 v29, v2;
	v5 =	vadd.f32 v26, v5  }
0x3e5: {  	v32 =	vld [tilespmem:$0x9840];
	v0 =	vadd.f32 v34, v0;
	v1 =	vadd.f32 v27, v1  }
0x3e6: {  	v52 =	vld [tilespmem:$0x9970];
	v2 =	vadd.f32 v35, v2;
	v5 =	vadd.f32 v30, v5  }
0x3e7: {  	v48 =	vld [tilespmem:$0x9790];
	v0 =	vadd.f32 v40, v0;
	v1 =	vadd.f32 v31, v1  }
0x3e8: {  	v37 =	vld [tilespmem:$0x9880];
	v2 =	vadd.f32 v41, v2;
	v5 =	vadd.f32 v38, v5  }
0x3e9: {  	v53 =	vld [tilespmem:$0x9980];
	v0 =	vadd.f32 v44, v0;
	v1 =	vadd.f32 v39, v1  }
0x3ea: {  	v34 =	vld [tilespmem:$0x9860];
	v2 =	vadd.f32 v45, v2;
	v5 =	vadd.f32 v42, v5  }
0x3eb: {  	v40 =	vld [tilespmem:$0x98B0];
	v0 =	vadd.f32 v50, v0;
	v1 =	vadd.f32 v43, v1  }
0x3ec: {  	v44 =	vld [tilespmem:$0x98F0];
	v2 =	vadd.f32 v51, v2;
	v5 =	vadd.f32 v46, v5  }
0x3ed: {  	v50 =	vld [tilespmem:$0x9950];
	v0 =	vadd.f32 v4, v0;
	v1 =	vadd.f32 v47, v1  }
0x3ee: {  	v41 =	vld [tilespmem:$0x98C0];
	v2 =	vadd.f32 v6, v2;
	v5 =	vadd.f32 v54, v5  }
0x3ef: {  	v39 =	vld [tilespmem:$0x98A0];
	v0 =	vadd.f32 v48, v0;
	v1 =	vadd.f32 v3, v1  }
0x3f0: {  	v45 =	vld [tilespmem:$0x9900];
	v2 =	vadd.f32 v49, v2;
	v5 =	vadd.f32 v16, v5  }
0x3f1: {  	v38 =	vld [tilespmem:$0x9890];
	v0 =	vadd.f32 v57, v0;
	v1 =	vadd.f32 v17, v1  }
0x3f2: {  	v48 =	vld [tilespmem:$0x9930];
	v2 =	vadd.f32 v58, v2;
	v5 =	vadd.f32 v55, v5  }
0x3f3: {  	v43 =	vld [tilespmem:$0x98E0];
	v0 =	vadd.f32 v61, v0;
	v1 =	vadd.f32 v56, v1  }
0x3f4: {  	v42 =	vld [tilespmem:$0x98D0];
	v2 =	vadd.f32 v62, v2;
	v5 =	vadd.f32 v59, v5  }
0x3f5: {  	v51 =	vld [tilespmem:$0x9960];
	v0 =	vadd.f32 v33, v0;
	v1 =	vadd.f32 v60, v1  }
0x3f6: {  	v46 =	vld [tilespmem:$0x9910];
	v2 =	vadd.f32 v34, v2;
	v5 =	vadd.f32 v63, v5  }
0x3f7: {  	v47 =	vld [tilespmem:$0x9920];
	v0 =	vadd.f32 v38, v0;
	v1 =	vadd.f32 v32, v1  }
0x3f8: {  	v49 =	vld [tilespmem:$0x9940];
	v2 =	vadd.f32 v39, v2;
	v5 =	vadd.f32 v36, v5  }
0x3f9: {  	v54 =	vld [tilespmem:$0x9990];
	v0 =	vadd.f32 v42, v0;
	v1 =	vadd.f32 v37, v1  }
0x3fa: {  	v58 =	vld [tilespmem:$0x99D0];
	v2 =	vadd.f32 v43, v2;
	v5 =	vadd.f32 v40, v5  }
0x3fb: {  	v55 =	vld [tilespmem:$0x99A0];
	v0 =	vadd.f32 v46, v0;
	v1 =	vadd.f32 v41, v1  }
0x3fc: {  	v56 =	vld [tilespmem:$0x99B0];
	v2 =	vadd.f32 v47, v2;
	v5 =	vadd.f32 v44, v5  }
0x3fd: {  	v59 =	vld [tilespmem:$0x99E0];
	v0 =	vadd.f32 v50, v0;
	v1 =	vadd.f32 v45, v1  }
0x3fe: {  	v57 =	vld [tilespmem:$0x99C0];
	v2 =	vadd.f32 v51, v2;
	v5 =	vadd.f32 v48, v5  }
0x3ff: {  	v60 =	vld [tilespmem:$0x99F0];
	v0 =	vadd.f32 v54, v0;
	v1 =	vadd.f32 v49, v1  }
0x400: {  	v2 =	vadd.f32 v55, v2;
	v5 =	vadd.f32 v52, v5  }
0x401: {  	v0 =	vadd.f32 v58, v0;
	v1 =	vadd.f32 v53, v1  }
0x402: {  	v2 =	vadd.f32 v59, v2;
	v61 =	vadd.f32 v56, v5  }
0x403: {  	v0 =	vmul.f32 $1.999999960e-02, v0;
	v1 =	vadd.f32 v57, v1  }
.Ltmp2:
0x404: {  	v62 =	vmul.f32 $1.999999960e-02, v2;
	v3 =	vadd.f32 v60, v61;
	(pc) =	sbr.rel @p0 .LBB2_4-.Ltmp2, $4  }
0x405: {  	[tilespmem:s17+$0x50] =	vst v0;
	v1 =	vmul.f32 $1.999999960e-02, v1  }
0x406: {  	[tilespmem:s17+$0x60] =	vst v62;
	v63 =	vmul.f32 $1.999999960e-02, v3  }
0x407: {  	[tilespmem:s17+$0x40] =	vst v1  }
0x408: {  	[tilespmem:s17+$0x70] =	vst v63  }
.Ltmp3:
0x409: {  	(pc) =	sbr.rel .LBB2_2-.Ltmp3, $4  }
0x40a: {  	_ = 	snop  }
0x40b: {  	s18 =	sshra.s32 s16, $0x2  }
0x40c: {  	s16 =	sadd.s32 $0x340, s16;
	s17 =	sadd.s32 $0x100, s17;
	s18 =	sadd.s32 $0x6868, s18  }
0x40d: {  	[tilespmem:s11], [sflag:$0x2] =	stream.indirect.gather [hbm4b:s3+s8], $0x40, s18, s8, $0xb8;
	[tilespmem:$0x11A00] =	vst v63  }
.LBB2_5:
0x40e: {  	_ =	sfence.sel $0x180000  }
0x40f: {  	[bflag:$0x0] =	sbarrier.arrive $0xFFFF  }
0x410: {  	p0 =	sne.s32 s0, $0x0;
	_ =	strace $0x90000047  }
0x411: {  	s0 =	sadd.s32 @!p0 $0x100000, s1;
	[bflag:$0x2] =	sbarrier.arrive $0xFFFF  }
0x412: {  	[sflag:s0] =	ssyncadd.tile.s32 @!p0 $0x1;
	_ =	shalt  }
.Lfunc_end2:
_tile_overlayer_lowered:
.L_overlay_start_2:
0x413: {  	(tag) =	ssettag $0x2  }
0x414: {  	s0 =	rddreg [dreg:$0x0];
	s2 =	stileid.u32  }
0x415: {  	s1 =	rddreg [dreg:$0x1];
	p0 =	sne.s32 s2, $0x0  }
0x416: {  	s3 =	rddreg [dreg:$0x2];
	[bflag:$0x3] =	sbarrier.arrive $0xFFFF;
	s2 =	simm.s32 @!p0 $0x1C03  }
0x417: {  	[timem:s3], [sflag:s2] =	dma.local @!p0 [hbm:s0], s1  }
0x418: {  	s0 =	simm.s32 @!p0 $0x3  }
0x419: {  	_ =	swait.ge @!p0 [sflag:s0], s1  }
0x41a: {  	s1 =	ssub.s32 @!p0 $0x0, s1;
	[sflag:s0] =	ssyncset.done @!p0 $0x0  }
0x41b: {  	[sflag:s0] =	ssyncadd.s32 @!p0 s1  }
0x41c: {  	[bflag:$0x3] =	sbarrier.arrive $0xFFFF  }
0x41d: {  	_ =	shalt  }

</sc_bundles>
